<compile_context>
chip_gen: v7x
topology: tpu7x:2x2x1
jax: 0.10.2.dev20260603
libtpu: 0.0.44.dev20260713+nightly
codegen_flags: <defaults>
</compile_context>

<pallas_src>
import numpy as np
import jax
import jax.numpy as jnp
from jax import lax
from jax.experimental import pallas as pl
from jax.experimental.pallas import tpu as pltpu
from jax.experimental.pallas import tpu_sc as plsc

C = 17
DIM = 64
NVIEW = 100
QSIZE = 150
UPD = 30
MU = 0.99
TEMP = 0.1
BTEMP = 1.0

NCON = C * QSIZE + C
NCON_PAD = 2688
KEY4 = 0x40800000
LISTW = 128

def _rotl32(x, d):
    return ((x << np.uint32(d)) | (x >> np.uint32(32 - d))).astype(np.uint32)


def _threefry2x32(k0, k1, x0, x1):
    R0 = (13, 15, 26, 6)
    R1 = (17, 29, 16, 24)
    ks = [np.uint32(k0), np.uint32(k1),
          np.uint32(np.uint32(k0) ^ np.uint32(k1) ^ np.uint32(0x1BD11BDA))]
    x0 = (x0 + ks[0]).astype(np.uint32)
    x1 = (x1 + ks[1]).astype(np.uint32)
    for i, (rots, a, b) in enumerate(
            [(R0, 1, 2), (R1, 2, 0), (R0, 0, 1), (R1, 1, 2), (R0, 2, 0)]):
        for r in rots:
            x0 = (x0 + x1).astype(np.uint32)
            x1 = _rotl32(x1, r)
            x1 = (x1 ^ x0).astype(np.uint32)
        x0 = (x0 + ks[a]).astype(np.uint32)
        x1 = (x1 + ks[b] + np.uint32(i + 1)).astype(np.uint32)
    return x0, x1


def _np_uniform(seed, shape):
    n = int(np.prod(shape))
    idx = np.arange(n, dtype=np.uint64)
    c1 = (idx >> np.uint64(32)).astype(np.uint32)
    c2 = (idx & np.uint64(0xFFFFFFFF)).astype(np.uint32)
    b1, b2 = _threefry2x32(np.uint32(seed >> 32), np.uint32(seed & 0xFFFFFFFF),
                           c1, c2)
    bits = (b1 ^ b2).astype(np.uint32)
    fb = ((bits >> np.uint32(9)) | np.uint32(0x3F800000)).astype(np.uint32)
    return (fb.view(np.float32) - np.float32(1.0)).reshape(shape)


_tie_cache = {}


def _ties(B, N):
    k = (B, N)
    if k not in _tie_cache:
        tie = _np_uniform(42, (B, C, N)).transpose(1, 0, 2).reshape(-1)
        tie2 = _np_uniform(7, (C, B * NVIEW))
        _tie_cache[k] = (np.ascontiguousarray(tie), tie2)
    return _tie_cache[k]


def _normalize(x, axis=-1, eps=1e-12):
    return x / jnp.maximum(jnp.linalg.norm(x, axis=axis, keepdims=True), eps)



def _sc_topk(yh_flat, y_flat, tie_flat, B, N):
    nrows = B * C
    nchunk = N // 16
    mesh = plsc.VectorSubcoreMesh(core_axis_name="c", subcore_axis_name="s")

    def body(yh_hbm, y_hbm, tie_hbm, keys_out, idx_out,
             yh_v, y_v, tie_v, key_v, hist_v, klist_v, ilist_v):
        wid = lax.axis_index("s") * 2 + lax.axis_index("c")
        lanes = lax.iota(jnp.int32, 16)
        ones16 = jnp.ones((16,), jnp.int32)
        zeros16 = jnp.zeros((16,), jnp.int32)
        neg16 = jnp.full((16,), -1, jnp.int32)

        def zero_hist():
            @plsc.parallel_loop(0, 257, unroll=8)
            def _z(i):
                hist_v[pl.ds(i * 16, 16)] = zeros16

        def scan_digits(need):
            @plsc.parallel_loop(0, 256, unroll=8,
                                carry=(jnp.int32(0), jnp.int32(0), jnp.bool_(False)))
            def _s(dd, carry):
                acc, dsel, found = carry
                d = 255 - dd
                s = jnp.sum(hist_v[pl.ds(d * 16, 16)])
                hit = jnp.logical_and(jnp.logical_not(found), acc + s >= need)
                dsel = jnp.where(hit, d, dsel)
                found = jnp.logical_or(found, hit)
                acc = jnp.where(found, acc, acc + s)
                return acc, dsel, found
            acc, dsel, _ = _s
            return dsel, need - acc

        def do_row(r):
            b = r % B
            c = r // B
            pltpu.sync_copy(yh_hbm.at[pl.ds(b * N, N)], yh_v)
            pltpu.sync_copy(y_hbm.at[pl.ds(b * N, N)], y_v)
            pltpu.sync_copy(tie_hbm.at[pl.ds(r * N, N)], tie_v)

            zero_hist()

            @plsc.parallel_loop(0, nchunk, unroll=4)
            def _build(i):
                sl = pl.ds(i * 16, 16)
                yh16 = yh_v[sl]
                y16 = y_v[sl]
                t16 = tie_v[sl]
                m = yh16 == c
                h = jnp.logical_and(m, y16 != c)
                cat = (jnp.where(m, jnp.float32(4.0), jnp.float32(0.0)) +
                       jnp.where(h, jnp.float32(1.0), jnp.float32(0.0)))
                key = plsc.bitcast(cat + t16, jnp.int32)
                key_v[sl] = key
                d = lax.shift_right_logical(key, 24)
                plsc.addupdate_scatter(hist_v, [d * 16 + lanes], ones16)

            dsel, need = scan_digits(jnp.int32(NVIEW))
            prefix = dsel
            for shift in (16, 8, 0):
                zero_hist()

                @plsc.parallel_loop(0, nchunk, unroll=4)
                def _hb(i, shift=shift, pref=prefix):
                    sl = pl.ds(i * 16, 16)
                    key = key_v[sl]
                    d = lax.shift_right_logical(key, shift) & 255
                    sel = lax.shift_right_logical(key, shift + 8) == pref
                    d = jnp.where(sel, d, jnp.int32(256))
                    plsc.addupdate_scatter(hist_v, [d * 16 + lanes], ones16)
                dsel, need = scan_digits(need)
                prefix = jnp.left_shift(prefix, 8) | dsel

            t = prefix

            @plsc.parallel_loop(0, LISTW // 16, unroll=8)
            def _initl(i):
                klist_v[pl.ds(i * 16, 16)] = neg16
                ilist_v[pl.ds(i * 16, 16)] = zeros16

            @plsc.parallel_loop(0, nchunk, unroll=4,
                                carry=(jnp.int32(0), need))
            def _comp(i, carry):
                pos, eleft = carry
                sl = pl.ds(i * 16, 16)
                key = key_v[sl]
                idx = i * 16 + lanes
                gt = key > t
                eq = key == t
                eqi = eq.astype(jnp.int32)
                excl = plsc.cumsum(eqi) - eqi
                sel = jnp.logical_or(gt, jnp.logical_and(eq, excl < eleft))
                cnt = jnp.sum(sel.astype(jnp.int32))
                ecnt = jnp.minimum(jnp.sum(eqi), eleft)
                plsc.store_compressed(klist_v.at[pl.ds(pos, 16)], key, mask=sel)
                plsc.store_compressed(ilist_v.at[pl.ds(pos, 16)], idx, mask=sel)
                return pos + cnt, eleft - ecnt

            pltpu.sync_copy(klist_v, keys_out.at[pl.ds(r * LISTW, LISTW)])
            pltpu.sync_copy(ilist_v, idx_out.at[pl.ds(r * LISTW, LISTW)])

        def row_loop(it, _):
            r = wid + 32 * it
            @pl.when(r < nrows)
            def _():
                do_row(r)
            return 0
        lax.fori_loop(0, (nrows + 31) // 32, row_loop, 0)

    f = pl.kernel(
        body,
        mesh=mesh,
        compiler_params=pltpu.CompilerParams(needs_layout_passes=False),
        out_type=[jax.ShapeDtypeStruct((nrows * LISTW,), jnp.int32),
                  jax.ShapeDtypeStruct((nrows * LISTW,), jnp.int32)],
        scratch_types=[
            pltpu.VMEM((N,), jnp.int32),
            pltpu.VMEM((N,), jnp.int32),
            pltpu.VMEM((N,), jnp.float32),
            pltpu.VMEM((N,), jnp.int32),
            pltpu.VMEM((257 * 16,), jnp.int32),
            pltpu.VMEM((LISTW,), jnp.int32),
            pltpu.VMEM((LISTW,), jnp.int32),
        ],
    )
    keys, idx = f(yh_flat, y_flat, tie_flat)
    return keys.reshape(nrows, LISTW), idx.reshape(nrows, LISTW)



def _bitonic_desc(key, idx):
    lane = lax.broadcasted_iota(jnp.int32, key.shape, 1)
    n = key.shape[1]
    stages = []
    k = 2
    while k <= n:
        stages.append(k)
        k *= 2
    for k in stages:
        j = k // 2
        while j >= 1:
            is_left = (lane & j) == 0
            pkey = jnp.where(is_left, jnp.roll(key, -j, axis=1),
                             jnp.roll(key, j, axis=1))
            pidx = jnp.where(is_left, jnp.roll(idx, -j, axis=1),
                             jnp.roll(idx, j, axis=1))
            other_better = jnp.logical_or(
                pkey > key, jnp.logical_and(pkey == key, pidx < idx))
            desire_max = (lane & k) == 0
            take = (desire_max == is_left) == other_better
            key = jnp.where(take, pkey, key)
            idx = jnp.where(take, pidx, idx)
            j //= 2
    return key, idx


def _sort_body(key_ref, idx_ref, kout_ref, iout_ref):
    key, idx = _bitonic_desc(key_ref[...], idx_ref[...])
    kout_ref[...] = key
    iout_ref[...] = idx


def _sort_pairs(keys, idx):
    return pl.pallas_call(
        _sort_body,
        out_shape=[jax.ShapeDtypeStruct(keys.shape, jnp.int32),
                   jax.ShapeDtypeStruct(keys.shape, jnp.int32)],
    )(keys, idx)



RB = 400


def _loss_pallas(anch, contrastT, valid, bnv):
    na = anch.shape[0]
    nblk = na // RB

    def body(anch_ref, ct_ref, valid_ref, out_ref, wsum_ref):
        i = pl.program_id(0)
        araw = anch_ref[...]
        nrm = jnp.sqrt(jnp.sum(araw * araw, axis=1, keepdims=True))
        a = araw / jnp.maximum(nrm, jnp.float32(1e-12))
        vrow = valid_ref[0, 0, :]
        wsum_ref[0, 0, :] = jnp.sum(a * vrow[:, None], axis=0)
        logits = jax.lax.dot_general(
            a, ct_ref[...], (((1,), (0,)), ((), ())),
            preferred_element_type=jnp.float32,
            precision=jax.lax.Precision.HIGHEST) * (1.0 / TEMP)
        col = jax.lax.broadcasted_iota(jnp.int32, (RB, NCON_PAD), 1)
        col_ok = col < NCON
        clab = jnp.where(col < C * QSIZE, col // QSIZE, col - C * QSIZE)
        row = jax.lax.broadcasted_iota(jnp.int32, (RB, NCON_PAD), 0)
        alab = (i * RB + row) // bnv
        pos = (alab == clab) & col_ok
        lm = jnp.where(col_ok, logits, jnp.float32(-1e30))
        m = jnp.max(lm, axis=1, keepdims=True)
        sh = lm - m
        ex = jnp.where(col_ok, jnp.exp(sh), 0.0)
        lse = jnp.log(jnp.sum(ex, axis=1, keepdims=True))
        lp = sh - lse
        s_pos = jnp.sum(jnp.where(pos, lp, 0.0), axis=1)
        per = (-(TEMP / BTEMP) / (QSIZE + 1.0)) * s_pos
        blk = jnp.sum(per * vrow)

        @pl.when(i == 0)
        def _():
            out_ref[...] = jnp.zeros((1, 1), jnp.float32)

        out_ref[...] += blk[None, None]

    valid3 = valid.reshape(nblk, 1, RB)
    out, wsum_part = pl.pallas_call(
        body,
        grid=(nblk,),
        in_specs=[
            pl.BlockSpec((RB, DIM), lambda i: (i, 0)),
            pl.BlockSpec((DIM, NCON_PAD), lambda i: (0, 0)),
            pl.BlockSpec((1, 1, RB), lambda i: (i, 0, 0)),
        ],
        out_specs=[pl.BlockSpec((1, 1), lambda i: (0, 0)),
                   pl.BlockSpec((1, 1, DIM), lambda i: (i, 0, 0))],
        out_shape=[jax.ShapeDtypeStruct((1, 1), jnp.float32),
                   jax.ShapeDtypeStruct((nblk, 1, DIM), jnp.float32)],
    )(anch, contrastT, valid3)
    return out[0, 0], wsum_part.reshape(nblk, DIM)



def kernel(feats, y_hat, y, point_queue, cluster_center, point_queue_ptr):
    B, N, _ = feats.shape
    bnv = B * NVIEW
    tie_flat, tie2 = _ties(B, N)

    keys_u, idx_u = _sc_topk(y_hat.reshape(-1), y.reshape(-1),
                             jnp.asarray(tie_flat), B, N)
    keys_s, idx_s = _sort_pairs(keys_u, idx_u)
    idx_cb = idx_s[:, :NVIEW].reshape(C, B, NVIEW)
    valid = (keys_s[:, :NVIEW] >= KEY4).reshape(C, B, NVIEW)

    boff = (jnp.arange(B, dtype=jnp.int32) * N)[None, :, None]
    flat_idx = (idx_cb + boff).reshape(-1)
    anch_c = feats.reshape(B * N, DIM)[flat_idx].reshape(C, bnv, DIM)
    val_c = valid.reshape(C, bnv).astype(jnp.float32)

    q_flat = point_queue.reshape(C * QSIZE, DIM)
    contrast = jnp.concatenate([q_flat, cluster_center], axis=0)
    contrastT = jnp.zeros((DIM, NCON_PAD), jnp.float32).at[:, :NCON].set(contrast.T)

    wloss, wsum_part = _loss_pallas(anch_c.reshape(-1, DIM), contrastT,
                                    val_c.reshape(-1), bnv)
    loss = wloss / jnp.maximum(jnp.sum(val_c), 1.0)

    NQ = 1024
    CPAD = 24
    score2 = val_c * 2.0 + jnp.asarray(tie2)
    qkeys = jnp.full((CPAD, NQ), -1, jnp.int32)
    qkeys = qkeys.at[:C, :bnv].set(score2.view(jnp.int32))
    qidx = jnp.broadcast_to(jnp.arange(NQ, dtype=jnp.int32)[None, :], (CPAD, NQ))
    _, qidx_s = _sort_pairs(qkeys, qidx)
    idx2 = qidx_s[:C, :UPD]
    upd = jnp.take_along_axis(anch_c, idx2[:, :, None], axis=1)
    upd = _normalize(upd, axis=2)
    ptr = point_queue_ptr.astype(jnp.int32)
    pos_idx = (ptr[:, None] + jnp.arange(UPD)[None, :]) % QSIZE
    c_rows = jnp.broadcast_to(jnp.arange(C)[:, None], (C, UPD))
    new_queue = point_queue.at[c_rows, pos_idx].set(upd)
    new_ptr = (ptr + UPD) % QSIZE

    wsum = wsum_part.reshape(C, bnv // RB, DIM).sum(axis=1)
    cnt = jnp.maximum(jnp.sum(val_c, axis=1, keepdims=True), 1.0)
    new_center = _normalize(wsum / cnt, axis=1)
    center = _normalize(MU * cluster_center + (1.0 - MU) * new_center, axis=1)
    return (loss, new_queue, center, new_ptr)

# --- scband reference (transcript-rebuilt; emitter-appended) ---
"""Pipeline reference for scband-native-contrast-loss-class-24876450578882 (READ-ONLY COPY).

The authoritative reference and input builder live on the scoring server;
editing this copy changes nothing except your own understanding.
"""

import jax, jax.numpy as jnp
import numpy as np

C = 17
DIM = 64
NVIEW = 100
QSIZE = 150
UPD = 30
MU = 0.99
TEMP = 0.1
BTEMP = 1.0


def _normalize(x, axis=-1, eps=1e-12):
    return x / jnp.maximum(jnp.linalg.norm(x, axis=axis, keepdims=True), eps)


def setup_inputs(seed: int = 0):
    key = jax.random.key(seed)
    k1, k2, k3, k4, k5 = jax.random.split(key, 5)
    B, N = 8, 16384
    feats = jax.random.normal(k1, (B, N, DIM), dtype=jnp.float32)
    y_hat = jax.random.randint(k2, (B, N), 0, C)
    y = jax.random.randint(k3, (B, N), 0, C)
    point_queue = _normalize(jax.random.normal(k4, (C, QSIZE, DIM), dtype=jnp.float32), axis=2)
    cluster_center = _normalize(jax.random.normal(k5, (C, DIM), dtype=jnp.float32), axis=1)
    point_queue_ptr = jnp.zeros((C,), dtype=jnp.int32)
    return {"feats": feats, "y_hat": y_hat, "y": y, "point_queue": point_queue,
            "cluster_center": cluster_center, "point_queue_ptr": point_queue_ptr}


def reference(feats, y_hat, y, point_queue, cluster_center, point_queue_ptr):
    B, N, _ = feats.shape
    cls = jnp.arange(C)
    # ---- anchor sampling (deterministic analogue of randperm hard/easy split) ----
    mask = (y_hat[:, None, :] == cls[None, :, None])            # [B,C,N]
    hard = mask & (y[:, None, :] != cls[None, :, None])         # misclassified pixels first
    tie = jax.random.uniform(jax.random.key(42), (B, C, N))
    score = mask.astype(jnp.float32) * 4.0 + hard.astype(jnp.float32) + tie
    _, idx = jax.lax.top_k(score, NVIEW)                        # [B,C,NVIEW]
    b_idx = jnp.arange(B)[:, None, None]
    X_sel = feats[b_idx, idx]                                   # gather [B,C,NVIEW,DIM]
    valid = (y_hat[b_idx, idx] == cls[None, :, None])           # [B,C,NVIEW]

    anchor = _normalize(X_sel.reshape(-1, DIM))
    anchor_lab = jnp.broadcast_to(cls[None, :, None], (B, C, NVIEW)).reshape(-1)
    anchor_valid = valid.reshape(-1).astype(jnp.float32)

    # ---- negatives from memory (queue + cluster centers), detached as in torch ----
    q_flat = jax.lax.stop_gradient(point_queue).reshape(C * QSIZE, DIM)
    q_lab = jnp.repeat(cls, QSIZE)
    centers = jax.lax.stop_gradient(cluster_center)
    contrast = jnp.concatenate([q_flat, centers], axis=0)
    contrast_lab = jnp.concatenate([q_lab, cls], axis=0)

    logits = anchor @ contrast.T / TEMP
    logits = logits - jax.lax.stop_gradient(jnp.max(logits, axis=1, keepdims=True))
    pos = (anchor_lab[:, None] == contrast_lab[None, :]).astype(jnp.float32)
    log_prob = logits - jnp.log(jnp.sum(jnp.exp(logits), axis=1, keepdims=True))
    mean_log_prob_pos = jnp.sum(pos * log_prob, axis=1) / jnp.maximum(jnp.sum(pos, axis=1), 1.0)
    per_anchor = -(TEMP / BTEMP) * mean_log_prob_pos
    loss = jnp.sum(per_anchor * anchor_valid) / jnp.maximum(jnp.sum(anchor_valid), 1.0)

    # ---- queue update: scatter-overwrite UPD normalized pixels per class at ptr ----
    anch_c = jnp.transpose(X_sel, (1, 0, 2, 3)).reshape(C, B * NVIEW, DIM)
    val_c = jnp.transpose(valid, (1, 0, 2)).reshape(C, B * NVIEW).astype(jnp.float32)
    tie2 = jax.random.uniform(jax.random.key(7), (C, B * NVIEW))
    _, idx2 = jax.lax.top_k(val_c * 2.0 + tie2, UPD)            # [C,UPD]
    upd = jnp.take_along_axis(anch_c, idx2[:, :, None], axis=1)  # [C,UPD,DIM]
    upd = jax.lax.stop_gradient(_normalize(upd, axis=2))
    ptr = point_queue_ptr.astype(jnp.int32)
    pos_idx = (ptr[:, None] + jnp.arange(UPD)[None, :]) % QSIZE  # [C,UPD]
    c_rows = jnp.broadcast_to(cls[:, None], (C, UPD))
    new_queue = point_queue.at[c_rows, pos_idx].set(upd)
    new_ptr = (ptr + UPD) % QSIZE

    # ---- cluster-center EMA update ----
    anch_n = _normalize(anch_c, axis=2)
    wsum = jnp.sum(anch_n * val_c[:, :, None], axis=1)
    cnt = jnp.maximum(jnp.sum(val_c, axis=1, keepdims=True), 1.0)
    new_center = _normalize(wsum / cnt, axis=1)
    center = jax.lax.stop_gradient(_normalize(MU * cluster_center + (1.0 - MU) * new_center, axis=1))
    return (loss, new_queue, center, new_ptr)

if __name__ == "__main__":
    import jax
    _d = setup_inputs()
    print(jax.jit(kernel)(*tuple(_d.values())))

</pallas_src>

<mosaic_0001>
#map = affine_map<(d0, d1) -> (0)>
module attributes {stable_mosaic.version = 14 : i64} {
  func.func @body(%arg0: i32, %arg1: i32, %arg2: memref<131072xi32, #tpu.memory_space<hbm>>, %arg3: memref<131072xi32, #tpu.memory_space<hbm>>, %arg4: memref<2228224xf32, #tpu.memory_space<hbm>>, %arg5: memref<17408xi32, #tpu.memory_space<hbm>>, %arg6: memref<17408xi32, #tpu.memory_space<hbm>>, %arg7: memref<16384xi32, #tpu.memory_space<vmem>>, %arg8: memref<16384xi32, #tpu.memory_space<vmem>>, %arg9: memref<16384xf32, #tpu.memory_space<vmem>>, %arg10: memref<16384xi32, #tpu.memory_space<vmem>>, %arg11: memref<4112xi32, #tpu.memory_space<vmem>>, %arg12: memref<128xi32, #tpu.memory_space<vmem>>, %arg13: memref<128xi32, #tpu.memory_space<vmem>>) attributes {dimension_semantics = [#tpu.dimension_semantics<core_parallel>, #tpu.dimension_semantics<subcore_parallel>], iteration_bounds = array<i64: 2, 16>, scalar_prefetch = 0 : i64, scratch_operands = 7 : i64, tpu.core_type = #tpu.core_type<sc_vector_subcore>, window_params = [{transform_indices = #map}, {transform_indices = #map}, {transform_indices = #map}, {transform_indices = #map}, {transform_indices = #map}]} {
    %mul3A = arith.constant 2 : i32
    %mul3A_0 = arith.muli %arg1, %mul3A : i32
    %add3A = arith.addi %mul3A_0, %arg0 : i32
    %iota3A = tpu.iota {dimensions = array<i32: 0>} : vector<16xi32>
    %broadcast_in_dim3A = arith.constant 1 : i32
    %broadcast_in_dim3A_1 = vector.broadcast %broadcast_in_dim3A : i32 to vector<16xi32>
    %broadcast_in_dim3A_2 = arith.constant 0 : i32
    %broadcast_in_dim3A_3 = vector.broadcast %broadcast_in_dim3A_2 : i32 to vector<16xi32>
    %broadcast_in_dim3A_4 = arith.constant -1 : i32
    %broadcast_in_dim3A_5 = vector.broadcast %broadcast_in_dim3A_4 : i32 to vector<16xi32>
    %scan3A = arith.constant 0 : i32
    %scan3A_6 = arith.constant 0 : i32
    %scan3A_7 = arith.constant 5 : i32
    %scan3A_8 = arith.addi %scan3A_6, %scan3A_7 : i32
    %scan3A_9 = arith.constant 1 : i32
    %scan3A_10 = scf.for %scan3A_12 = %scan3A_6 to %scan3A_8 step %scan3A_9 iter_args(%scan3A_13 = %scan3A) -> (i32)  : i32 {
      %mul3A_14 = arith.constant 32 : i32
      %mul3A_15 = arith.muli %mul3A_14, %scan3A_12 : i32
      %add3A_16 = arith.addi %add3A, %mul3A_15 : i32
      %lt3A = arith.constant 136 : i32
      %lt3A_17 = arith.cmpi slt, %add3A_16, %lt3A : i32
      %convert_element_type3A = arith.extui %lt3A_17 : i1 to i32
      %cond3A = arith.constant 0 : i32
      %cond3A_18 = arith.cmpi ne, %convert_element_type3A, %cond3A : i32
      scf.if %cond3A_18 {
        %jit3A = arith.constant 8 : i32
        %eq3A = arith.constant 0 : i32
        %eq3A_20 = arith.cmpi eq, %jit3A, %eq3A : i32
        %jit3A_21 = arith.constant 1 : i32
        %select_n3A = arith.select %eq3A_20, %jit3A_21, %jit3A : i32
        %rem3A = arith.remsi %add3A_16, %select_n3A : i32
        %ne3A = arith.constant 0 : i32
        %ne3A_22 = arith.cmpi ne, %rem3A, %ne3A : i32
        %lt3A_23 = arith.constant 0 : i32
        %lt3A_24 = arith.cmpi slt, %rem3A, %lt3A_23 : i32
        %lt3A_25 = arith.constant 0 : i32
        %lt3A_26 = arith.cmpi slt, %select_n3A, %lt3A_25 : i32
        %ne3A_27 = arith.xori %lt3A_24, %lt3A_26 : i1
        %and3A = arith.andi %ne3A_27, %ne3A_22 : i1
        %add3A_28 = arith.addi %rem3A, %select_n3A : i32
        %select_n3A_29 = arith.select %and3A, %add3A_28, %rem3A : i32
        %jit3A_30 = arith.constant 8 : i32
        %div3A = arith.divsi %add3A_16, %jit3A_30 : i32
        %sign3A = arith.constant 0 : i32
        %sign3A_31 = arith.cmpi sgt, %add3A_16, %sign3A : i32
        %sign3A_32 = arith.extui %sign3A_31 : i1 to i32
        %sign3A_33 = arith.constant 0 : i32
        %sign3A_34 = arith.cmpi slt, %add3A_16, %sign3A_33 : i32
        %sign3A_35 = arith.extui %sign3A_34 : i1 to i32
        %sign3A_36 = arith.subi %sign3A_32, %sign3A_35 : i32
        %sign3A_37 = arith.constant 0 : i32
        %sign3A_38 = arith.cmpi sgt, %jit3A_30, %sign3A_37 : i32
        %sign3A_39 = arith.extui %sign3A_38 : i1 to i32
        %sign3A_40 = arith.constant 0 : i32
        %sign3A_41 = arith.cmpi slt, %jit3A_30, %sign3A_40 : i32
        %sign3A_42 = arith.extui %sign3A_41 : i1 to i32
        %sign3A_43 = arith.subi %sign3A_39, %sign3A_42 : i32
        %ne3A_44 = arith.cmpi ne, %sign3A_36, %sign3A_43 : i32
        %rem3A_45 = arith.remsi %add3A_16, %jit3A_30 : i32
        %ne3A_46 = arith.constant 0 : i32
        %ne3A_47 = arith.cmpi ne, %rem3A_45, %ne3A_46 : i32
        %and3A_48 = arith.andi %ne3A_44, %ne3A_47 : i1
        %sub3A = arith.constant 1 : i32
        %sub3A_49 = arith.subi %div3A, %sub3A : i32
        %select_n3A_50 = arith.select %and3A_48, %sub3A_49, %div3A : i32
        %mul3A_51 = arith.constant 16384 : i32
        %mul3A_52 = arith.muli %select_n3A_29, %mul3A_51 : i32
        "tpu.region"() ({
          %run_scoped3A = tpu.sem_alloc : memref<!tpu.dma_semaphore, #tpu.memory_space<semaphore_mem>>
          %dma_start3A = tpu.memref_slice %arg2[%mul3A_52] : memref<131072xi32, #tpu.memory_space<hbm>> -> memref<16384xi32, #tpu.memory_space<hbm>>
          %dma_start3A_133 = tpu.memref_slice %arg2[%mul3A_52] : memref<131072xi32, #tpu.memory_space<hbm>> -> memref<16384xi32, #tpu.memory_space<hbm>>
          tpu.enqueue_dma source(%dma_start3A_133 : memref<16384xi32, #tpu.memory_space<hbm>>) target(%arg7 : memref<16384xi32, #tpu.memory_space<vmem>>) target_semaphore(%run_scoped3A : memref<!tpu.dma_semaphore, #tpu.memory_space<semaphore_mem>>)
          %dma_wait3A = tpu.memref_slice %arg2[%mul3A_52] : memref<131072xi32, #tpu.memory_space<hbm>> -> memref<16384xi32, #tpu.memory_space<hbm>>
          %dma_wait3A_134 = tpu.memref_slice %arg2[%mul3A_52] : memref<131072xi32, #tpu.memory_space<hbm>> -> memref<16384xi32, #tpu.memory_space<hbm>>
          tpu.wait_dma2 semaphore(%run_scoped3A : memref<!tpu.dma_semaphore, #tpu.memory_space<semaphore_mem>>) src(%dma_wait3A_134 : memref<16384xi32, #tpu.memory_space<hbm>>) dst(%arg7 : memref<16384xi32, #tpu.memory_space<vmem>>)
          tpu.yield
        }) : () -> ()
        %mul3A_53 = arith.constant 16384 : i32
        %mul3A_54 = arith.muli %select_n3A_29, %mul3A_53 : i32
        "tpu.region"() ({
          %run_scoped3A = tpu.sem_alloc : memref<!tpu.dma_semaphore, #tpu.memory_space<semaphore_mem>>
          %dma_start3A = tpu.memref_slice %arg3[%mul3A_54] : memref<131072xi32, #tpu.memory_space<hbm>> -> memref<16384xi32, #tpu.memory_space<hbm>>
          %dma_start3A_133 = tpu.memref_slice %arg3[%mul3A_54] : memref<131072xi32, #tpu.memory_space<hbm>> -> memref<16384xi32, #tpu.memory_space<hbm>>
          tpu.enqueue_dma source(%dma_start3A_133 : memref<16384xi32, #tpu.memory_space<hbm>>) target(%arg8 : memref<16384xi32, #tpu.memory_space<vmem>>) target_semaphore(%run_scoped3A : memref<!tpu.dma_semaphore, #tpu.memory_space<semaphore_mem>>)
          %dma_wait3A = tpu.memref_slice %arg3[%mul3A_54] : memref<131072xi32, #tpu.memory_space<hbm>> -> memref<16384xi32, #tpu.memory_space<hbm>>
          %dma_wait3A_134 = tpu.memref_slice %arg3[%mul3A_54] : memref<131072xi32, #tpu.memory_space<hbm>> -> memref<16384xi32, #tpu.memory_space<hbm>>
          tpu.wait_dma2 semaphore(%run_scoped3A : memref<!tpu.dma_semaphore, #tpu.memory_space<semaphore_mem>>) src(%dma_wait3A_134 : memref<16384xi32, #tpu.memory_space<hbm>>) dst(%arg8 : memref<16384xi32, #tpu.memory_space<vmem>>)
          tpu.yield
        }) : () -> ()
        %mul3A_55 = arith.constant 16384 : i32
        %mul3A_56 = arith.muli %add3A_16, %mul3A_55 : i32
        "tpu.region"() ({
          %run_scoped3A = tpu.sem_alloc : memref<!tpu.dma_semaphore, #tpu.memory_space<semaphore_mem>>
          %dma_start3A = tpu.memref_slice %arg4[%mul3A_56] : memref<2228224xf32, #tpu.memory_space<hbm>> -> memref<16384xf32, #tpu.memory_space<hbm>>
          %dma_start3A_133 = tpu.memref_slice %arg4[%mul3A_56] : memref<2228224xf32, #tpu.memory_space<hbm>> -> memref<16384xf32, #tpu.memory_space<hbm>>
          tpu.enqueue_dma source(%dma_start3A_133 : memref<16384xf32, #tpu.memory_space<hbm>>) target(%arg9 : memref<16384xf32, #tpu.memory_space<vmem>>) target_semaphore(%run_scoped3A : memref<!tpu.dma_semaphore, #tpu.memory_space<semaphore_mem>>)
          %dma_wait3A = tpu.memref_slice %arg4[%mul3A_56] : memref<2228224xf32, #tpu.memory_space<hbm>> -> memref<16384xf32, #tpu.memory_space<hbm>>
          %dma_wait3A_134 = tpu.memref_slice %arg4[%mul3A_56] : memref<2228224xf32, #tpu.memory_space<hbm>> -> memref<16384xf32, #tpu.memory_space<hbm>>
          tpu.wait_dma2 semaphore(%run_scoped3A : memref<!tpu.dma_semaphore, #tpu.memory_space<semaphore_mem>>) src(%dma_wait3A_134 : memref<16384xf32, #tpu.memory_space<hbm>>) dst(%arg9 : memref<16384xf32, #tpu.memory_space<vmem>>)
          tpu.yield
        }) : () -> ()
        %parallel_loop3A = arith.constant 0 : i32
        %parallel_loop3A_57 = arith.constant 257 : i32
        %parallel_loop3A_58 = arith.constant 1 : i32
        scf.for %parallel_loop3A_133 = %parallel_loop3A to %parallel_loop3A_57 step %parallel_loop3A_58  : i32 {
          %parallel_loop3A_134 = arith.constant 16 : i32
          %parallel_loop3A_135 = arith.muli %parallel_loop3A_133, %parallel_loop3A_134 : i32
          %parallel_loop3A_136 = arith.index_cast %parallel_loop3A_135 : i32 to index
          %parallel_loop3A_137 = tpu.vector_load %arg11[%parallel_loop3A_136] {strides = array<i32>} : memref<4112xi32, #tpu.memory_space<vmem>>, vector<16xi32>,
          tpu.vector_store %arg11[%parallel_loop3A_136], %broadcast_in_dim3A_3 {strides = array<i32>} : memref<4112xi32, #tpu.memory_space<vmem>>, vector<16xi32>,
        } {sc.loop_unroll_factor = 8 : i64, sc.parallel_access}
        %parallel_loop3A_59 = arith.constant 0 : i32
        %parallel_loop3A_60 = arith.constant 1024 : i32
        %parallel_loop3A_61 = arith.constant 1 : i32
        scf.for %parallel_loop3A_133 = %parallel_loop3A_59 to %parallel_loop3A_60 step %parallel_loop3A_61  : i32 {
          %parallel_loop3A_134 = arith.constant 16 : i32
          %parallel_loop3A_135 = arith.muli %parallel_loop3A_133, %parallel_loop3A_134 : i32
          %parallel_loop3A_136 = arith.index_cast %parallel_loop3A_135 : i32 to index
          %parallel_loop3A_137 = tpu.vector_load %arg7[%parallel_loop3A_136] {strides = array<i32>} : memref<16384xi32, #tpu.memory_space<vmem>>, vector<16xi32>,
          %parallel_loop3A_138 = arith.index_cast %parallel_loop3A_135 : i32 to index
          %parallel_loop3A_139 = tpu.vector_load %arg8[%parallel_loop3A_138] {strides = array<i32>} : memref<16384xi32, #tpu.memory_space<vmem>>, vector<16xi32>,
          %parallel_loop3A_140 = arith.index_cast %parallel_loop3A_135 : i32 to index
          %parallel_loop3A_141 = tpu.vector_load %arg9[%parallel_loop3A_140] {strides = array<i32>} : memref<16384xf32, #tpu.memory_space<vmem>>, vector<16xf32>,
          %parallel_loop3A_142 = vector.broadcast %select_n3A_50 : i32 to vector<16xi32>
          %parallel_loop3A_143 = arith.cmpi eq, %parallel_loop3A_137, %parallel_loop3A_142 : vector<16xi32>
          %parallel_loop3A_144 = vector.broadcast %select_n3A_50 : i32 to vector<16xi32>
          %parallel_loop3A_145 = arith.cmpi ne, %parallel_loop3A_139, %parallel_loop3A_144 : vector<16xi32>
          %parallel_loop3A_146 = arith.andi %parallel_loop3A_143, %parallel_loop3A_145 : vector<16xi1>
          %parallel_loop3A_147 = arith.constant 4.000000e+00 : f32
          %parallel_loop3A_148 = arith.constant 0.000000e+00 : f32
          %parallel_loop3A_149 = vector.broadcast %parallel_loop3A_147 : f32 to vector<16xf32>
          %parallel_loop3A_150 = vector.broadcast %parallel_loop3A_148 : f32 to vector<16xf32>
          %parallel_loop3A_151 = arith.select %parallel_loop3A_143, %parallel_loop3A_149, %parallel_loop3A_150 : vector<16xi1>, vector<16xf32>
          %parallel_loop3A_152 = arith.constant 1.000000e+00 : f32
          %parallel_loop3A_153 = arith.constant 0.000000e+00 : f32
          %parallel_loop3A_154 = vector.broadcast %parallel_loop3A_152 : f32 to vector<16xf32>
          %parallel_loop3A_155 = vector.broadcast %parallel_loop3A_153 : f32 to vector<16xf32>
          %parallel_loop3A_156 = arith.select %parallel_loop3A_146, %parallel_loop3A_154, %parallel_loop3A_155 : vector<16xi1>, vector<16xf32>
          %parallel_loop3A_157 = arith.addf %parallel_loop3A_151, %parallel_loop3A_156 : vector<16xf32>
          %parallel_loop3A_158 = arith.addf %parallel_loop3A_157, %parallel_loop3A_141 : vector<16xf32>
          %parallel_loop3A_159 = vector.bitcast %parallel_loop3A_158 : vector<16xf32> to vector<16xi32>
          %parallel_loop3A_160 = arith.index_cast %parallel_loop3A_135 : i32 to index
          %parallel_loop3A_161 = tpu.vector_load %arg10[%parallel_loop3A_160] {strides = array<i32>} : memref<16384xi32, #tpu.memory_space<vmem>>, vector<16xi32>,
          tpu.vector_store %arg10[%parallel_loop3A_160], %parallel_loop3A_159 {strides = array<i32>} : memref<16384xi32, #tpu.memory_space<vmem>>, vector<16xi32>,
          %parallel_loop3A_162 = arith.constant 24 : i32
          %parallel_loop3A_163 = vector.broadcast %parallel_loop3A_162 : i32 to vector<16xi32>
          %parallel_loop3A_164 = arith.shrui %parallel_loop3A_159, %parallel_loop3A_163 : vector<16xi32>
          %parallel_loop3A_165 = arith.constant 16 : i32
          %parallel_loop3A_166 = vector.broadcast %parallel_loop3A_165 : i32 to vector<16xi32>
          %parallel_loop3A_167 = arith.muli %parallel_loop3A_164, %parallel_loop3A_166 : vector<16xi32>
          %parallel_loop3A_168 = arith.addi %parallel_loop3A_167, %iota3A : vector<16xi32>
          tpu.vector_store_idx %arg11[%parallel_loop3A_168], %broadcast_in_dim3A_1 {add = true} : memref<4112xi32, #tpu.memory_space<vmem>>[vector<16xi32>], vector<16xi32>,
        } {sc.loop_unroll_factor = 4 : i64, sc.parallel_access}
        %parallel_loop3A_62 = arith.constant 0 : i32
        %parallel_loop3A_63 = arith.constant 256 : i32
        %parallel_loop3A_64 = arith.constant 1 : i32
        %parallel_loop3A_65 = arith.constant 100 : i32
        %parallel_loop3A_66 = arith.constant 0 : i32
        %parallel_loop3A_67 = arith.constant 0 : i32
        %parallel_loop3A_68 = arith.constant false
        %parallel_loop3A_69:3 = scf.for %parallel_loop3A_133 = %parallel_loop3A_62 to %parallel_loop3A_63 step %parallel_loop3A_64 iter_args(%parallel_loop3A_134 = %parallel_loop3A_66, %parallel_loop3A_135 = %parallel_loop3A_67, %parallel_loop3A_136 = %parallel_loop3A_68) -> (i32, i32, i1)  : i32 {
          %parallel_loop3A_137 = arith.constant 255 : i32
          %parallel_loop3A_138 = arith.subi %parallel_loop3A_137, %parallel_loop3A_133 : i32
          %parallel_loop3A_139 = arith.constant 16 : i32
          %parallel_loop3A_140 = arith.muli %parallel_loop3A_138, %parallel_loop3A_139 : i32
          %parallel_loop3A_141 = arith.index_cast %parallel_loop3A_140 : i32 to index
          %parallel_loop3A_142 = tpu.vector_load %arg11[%parallel_loop3A_141] {strides = array<i32>} : memref<4112xi32, #tpu.memory_space<vmem>>, vector<16xi32>,
          %parallel_loop3A_143 = arith.constant true
          %parallel_loop3A_144 = vector.broadcast %parallel_loop3A_143 : i1 to vector<16xi1>
          %parallel_loop3A_145 = tpu.scan <sum>, %parallel_loop3A_142 masked %parallel_loop3A_144 : vector<16xi32>, vector<16xi1> -> vector<16xi32>
          %parallel_loop3A_146 = vector.extract %parallel_loop3A_145[15] : i32 from vector<16xi32>
          %parallel_loop3A_147 = arith.constant true
          %parallel_loop3A_148 = arith.xori %parallel_loop3A_136, %parallel_loop3A_147 : i1
          %parallel_loop3A_149 = arith.addi %parallel_loop3A_134, %parallel_loop3A_146 : i32
          %parallel_loop3A_150 = arith.cmpi sge, %parallel_loop3A_149, %parallel_loop3A_65 : i32
          %parallel_loop3A_151 = arith.andi %parallel_loop3A_148, %parallel_loop3A_150 : i1
          %parallel_loop3A_152 = arith.select %parallel_loop3A_151, %parallel_loop3A_138, %parallel_loop3A_135 : i32
          %parallel_loop3A_153 = arith.ori %parallel_loop3A_136, %parallel_loop3A_151 : i1
          %parallel_loop3A_154 = arith.addi %parallel_loop3A_134, %parallel_loop3A_146 : i32
          %parallel_loop3A_155 = arith.select %parallel_loop3A_153, %parallel_loop3A_134, %parallel_loop3A_154 : i32
          scf.yield %parallel_loop3A_155, %parallel_loop3A_152, %parallel_loop3A_153 : i32, i32, i1
        } {sc.loop_unroll_factor = 8 : i64, sc.parallel_access}
        %sub3A_70 = arith.constant 100 : i32
        %sub3A_71 = arith.subi %sub3A_70, %parallel_loop3A_69#0 : i32
        %parallel_loop3A_72 = arith.constant 0 : i32
        %parallel_loop3A_73 = arith.constant 257 : i32
        %parallel_loop3A_74 = arith.constant 1 : i32
        scf.for %parallel_loop3A_133 = %parallel_loop3A_72 to %parallel_loop3A_73 step %parallel_loop3A_74  : i32 {
          %parallel_loop3A_134 = arith.constant 16 : i32
          %parallel_loop3A_135 = arith.muli %parallel_loop3A_133, %parallel_loop3A_134 : i32
          %parallel_loop3A_136 = arith.index_cast %parallel_loop3A_135 : i32 to index
          %parallel_loop3A_137 = tpu.vector_load %arg11[%parallel_loop3A_136] {strides = array<i32>} : memref<4112xi32, #tpu.memory_space<vmem>>, vector<16xi32>,
          tpu.vector_store %arg11[%parallel_loop3A_136], %broadcast_in_dim3A_3 {strides = array<i32>} : memref<4112xi32, #tpu.memory_space<vmem>>, vector<16xi32>,
        } {sc.loop_unroll_factor = 8 : i64, sc.parallel_access}
        %parallel_loop3A_75 = arith.constant 0 : i32
        %parallel_loop3A_76 = arith.constant 1024 : i32
        %parallel_loop3A_77 = arith.constant 1 : i32
        scf.for %parallel_loop3A_133 = %parallel_loop3A_75 to %parallel_loop3A_76 step %parallel_loop3A_77  : i32 {
          %parallel_loop3A_134 = arith.constant 16 : i32
          %parallel_loop3A_135 = arith.muli %parallel_loop3A_133, %parallel_loop3A_134 : i32
          %parallel_loop3A_136 = arith.index_cast %parallel_loop3A_135 : i32 to index
          %parallel_loop3A_137 = tpu.vector_load %arg10[%parallel_loop3A_136] {strides = array<i32>} : memref<16384xi32, #tpu.memory_space<vmem>>, vector<16xi32>,
          %parallel_loop3A_138 = arith.constant 16 : i32
          %parallel_loop3A_139 = vector.broadcast %parallel_loop3A_138 : i32 to vector<16xi32>
          %parallel_loop3A_140 = arith.shrui %parallel_loop3A_137, %parallel_loop3A_139 : vector<16xi32>
          %parallel_loop3A_141 = arith.constant 255 : i32
          %parallel_loop3A_142 = vector.broadcast %parallel_loop3A_141 : i32 to vector<16xi32>
          %parallel_loop3A_143 = arith.andi %parallel_loop3A_140, %parallel_loop3A_142 : vector<16xi32>
          %parallel_loop3A_144 = arith.constant 24 : i32
          %parallel_loop3A_145 = vector.broadcast %parallel_loop3A_144 : i32 to vector<16xi32>
          %parallel_loop3A_146 = arith.shrui %parallel_loop3A_137, %parallel_loop3A_145 : vector<16xi32>
          %parallel_loop3A_147 = vector.broadcast %parallel_loop3A_69#1 : i32 to vector<16xi32>
          %parallel_loop3A_148 = arith.cmpi eq, %parallel_loop3A_146, %parallel_loop3A_147 : vector<16xi32>
          %parallel_loop3A_149 = arith.constant 256 : i32
          %parallel_loop3A_150 = vector.broadcast %parallel_loop3A_149 : i32 to vector<16xi32>
          %parallel_loop3A_151 = arith.select %parallel_loop3A_148, %parallel_loop3A_143, %parallel_loop3A_150 : vector<16xi1>, vector<16xi32>
          %parallel_loop3A_152 = arith.constant 16 : i32
          %parallel_loop3A_153 = vector.broadcast %parallel_loop3A_152 : i32 to vector<16xi32>
          %parallel_loop3A_154 = arith.muli %parallel_loop3A_151, %parallel_loop3A_153 : vector<16xi32>
          %parallel_loop3A_155 = arith.addi %parallel_loop3A_154, %iota3A : vector<16xi32>
          tpu.vector_store_idx %arg11[%parallel_loop3A_155], %broadcast_in_dim3A_1 {add = true} : memref<4112xi32, #tpu.memory_space<vmem>>[vector<16xi32>], vector<16xi32>,
        } {sc.loop_unroll_factor = 4 : i64, sc.parallel_access}
        %parallel_loop3A_78 = arith.constant 0 : i32
        %parallel_loop3A_79 = arith.constant 256 : i32
        %parallel_loop3A_80 = arith.constant 1 : i32
        %parallel_loop3A_81 = arith.constant 0 : i32
        %parallel_loop3A_82 = arith.constant 0 : i32
        %parallel_loop3A_83 = arith.constant false
        %parallel_loop3A_84:3 = scf.for %parallel_loop3A_133 = %parallel_loop3A_78 to %parallel_loop3A_79 step %parallel_loop3A_80 iter_args(%parallel_loop3A_134 = %parallel_loop3A_81, %parallel_loop3A_135 = %parallel_loop3A_82, %parallel_loop3A_136 = %parallel_loop3A_83) -> (i32, i32, i1)  : i32 {
          %parallel_loop3A_137 = arith.constant 255 : i32
          %parallel_loop3A_138 = arith.subi %parallel_loop3A_137, %parallel_loop3A_133 : i32
          %parallel_loop3A_139 = arith.constant 16 : i32
          %parallel_loop3A_140 = arith.muli %parallel_loop3A_138, %parallel_loop3A_139 : i32
          %parallel_loop3A_141 = arith.index_cast %parallel_loop3A_140 : i32 to index
          %parallel_loop3A_142 = tpu.vector_load %arg11[%parallel_loop3A_141] {strides = array<i32>} : memref<4112xi32, #tpu.memory_space<vmem>>, vector<16xi32>,
          %parallel_loop3A_143 = arith.constant true
          %parallel_loop3A_144 = vector.broadcast %parallel_loop3A_143 : i1 to vector<16xi1>
          %parallel_loop3A_145 = tpu.scan <sum>, %parallel_loop3A_142 masked %parallel_loop3A_144 : vector<16xi32>, vector<16xi1> -> vector<16xi32>
          %parallel_loop3A_146 = vector.extract %parallel_loop3A_145[15] : i32 from vector<16xi32>
          %parallel_loop3A_147 = arith.constant true
          %parallel_loop3A_148 = arith.xori %parallel_loop3A_136, %parallel_loop3A_147 : i1
          %parallel_loop3A_149 = arith.addi %parallel_loop3A_134, %parallel_loop3A_146 : i32
          %parallel_loop3A_150 = arith.cmpi sge, %parallel_loop3A_149, %sub3A_71 : i32
          %parallel_loop3A_151 = arith.andi %parallel_loop3A_148, %parallel_loop3A_150 : i1
          %parallel_loop3A_152 = arith.select %parallel_loop3A_151, %parallel_loop3A_138, %parallel_loop3A_135 : i32
          %parallel_loop3A_153 = arith.ori %parallel_loop3A_136, %parallel_loop3A_151 : i1
          %parallel_loop3A_154 = arith.addi %parallel_loop3A_134, %parallel_loop3A_146 : i32
          %parallel_loop3A_155 = arith.select %parallel_loop3A_153, %parallel_loop3A_134, %parallel_loop3A_154 : i32
          scf.yield %parallel_loop3A_155, %parallel_loop3A_152, %parallel_loop3A_153 : i32, i32, i1
        } {sc.loop_unroll_factor = 8 : i64, sc.parallel_access}
        %sub3A_85 = arith.subi %sub3A_71, %parallel_loop3A_84#0 : i32
        %shift_left3A = arith.constant 8 : i32
        %shift_left3A_86 = arith.shli %parallel_loop3A_69#1, %shift_left3A : i32
        %or3A = arith.ori %shift_left3A_86, %parallel_loop3A_84#1 : i32
        %parallel_loop3A_87 = arith.constant 0 : i32
        %parallel_loop3A_88 = arith.constant 257 : i32
        %parallel_loop3A_89 = arith.constant 1 : i32
        scf.for %parallel_loop3A_133 = %parallel_loop3A_87 to %parallel_loop3A_88 step %parallel_loop3A_89  : i32 {
          %parallel_loop3A_134 = arith.constant 16 : i32
          %parallel_loop3A_135 = arith.muli %parallel_loop3A_133, %parallel_loop3A_134 : i32
          %parallel_loop3A_136 = arith.index_cast %parallel_loop3A_135 : i32 to index
          %parallel_loop3A_137 = tpu.vector_load %arg11[%parallel_loop3A_136] {strides = array<i32>} : memref<4112xi32, #tpu.memory_space<vmem>>, vector<16xi32>,
          tpu.vector_store %arg11[%parallel_loop3A_136], %broadcast_in_dim3A_3 {strides = array<i32>} : memref<4112xi32, #tpu.memory_space<vmem>>, vector<16xi32>,
        } {sc.loop_unroll_factor = 8 : i64, sc.parallel_access}
        %parallel_loop3A_90 = arith.constant 0 : i32
        %parallel_loop3A_91 = arith.constant 1024 : i32
        %parallel_loop3A_92 = arith.constant 1 : i32
        scf.for %parallel_loop3A_133 = %parallel_loop3A_90 to %parallel_loop3A_91 step %parallel_loop3A_92  : i32 {
          %parallel_loop3A_134 = arith.constant 16 : i32
          %parallel_loop3A_135 = arith.muli %parallel_loop3A_133, %parallel_loop3A_134 : i32
          %parallel_loop3A_136 = arith.index_cast %parallel_loop3A_135 : i32 to index
          %parallel_loop3A_137 = tpu.vector_load %arg10[%parallel_loop3A_136] {strides = array<i32>} : memref<16384xi32, #tpu.memory_space<vmem>>, vector<16xi32>,
          %parallel_loop3A_138 = arith.constant 8 : i32
          %parallel_loop3A_139 = vector.broadcast %parallel_loop3A_138 : i32 to vector<16xi32>
          %parallel_loop3A_140 = arith.shrui %parallel_loop3A_137, %parallel_loop3A_139 : vector<16xi32>
          %parallel_loop3A_141 = arith.constant 255 : i32
          %parallel_loop3A_142 = vector.broadcast %parallel_loop3A_141 : i32 to vector<16xi32>
          %parallel_loop3A_143 = arith.andi %parallel_loop3A_140, %parallel_loop3A_142 : vector<16xi32>
          %parallel_loop3A_144 = arith.constant 16 : i32
          %parallel_loop3A_145 = vector.broadcast %parallel_loop3A_144 : i32 to vector<16xi32>
          %parallel_loop3A_146 = arith.shrui %parallel_loop3A_137, %parallel_loop3A_145 : vector<16xi32>
          %parallel_loop3A_147 = vector.broadcast %or3A : i32 to vector<16xi32>
          %parallel_loop3A_148 = arith.cmpi eq, %parallel_loop3A_146, %parallel_loop3A_147 : vector<16xi32>
          %parallel_loop3A_149 = arith.constant 256 : i32
          %parallel_loop3A_150 = vector.broadcast %parallel_loop3A_149 : i32 to vector<16xi32>
          %parallel_loop3A_151 = arith.select %parallel_loop3A_148, %parallel_loop3A_143, %parallel_loop3A_150 : vector<16xi1>, vector<16xi32>
          %parallel_loop3A_152 = arith.constant 16 : i32
          %parallel_loop3A_153 = vector.broadcast %parallel_loop3A_152 : i32 to vector<16xi32>
          %parallel_loop3A_154 = arith.muli %parallel_loop3A_151, %parallel_loop3A_153 : vector<16xi32>
          %parallel_loop3A_155 = arith.addi %parallel_loop3A_154, %iota3A : vector<16xi32>
          tpu.vector_store_idx %arg11[%parallel_loop3A_155], %broadcast_in_dim3A_1 {add = true} : memref<4112xi32, #tpu.memory_space<vmem>>[vector<16xi32>], vector<16xi32>,
        } {sc.loop_unroll_factor = 4 : i64, sc.parallel_access}
        %parallel_loop3A_93 = arith.constant 0 : i32
        %parallel_loop3A_94 = arith.constant 256 : i32
        %parallel_loop3A_95 = arith.constant 1 : i32
        %parallel_loop3A_96 = arith.constant 0 : i32
        %parallel_loop3A_97 = arith.constant 0 : i32
        %parallel_loop3A_98 = arith.constant false
        %parallel_loop3A_99:3 = scf.for %parallel_loop3A_133 = %parallel_loop3A_93 to %parallel_loop3A_94 step %parallel_loop3A_95 iter_args(%parallel_loop3A_134 = %parallel_loop3A_96, %parallel_loop3A_135 = %parallel_loop3A_97, %parallel_loop3A_136 = %parallel_loop3A_98) -> (i32, i32, i1)  : i32 {
          %parallel_loop3A_137 = arith.constant 255 : i32
          %parallel_loop3A_138 = arith.subi %parallel_loop3A_137, %parallel_loop3A_133 : i32
          %parallel_loop3A_139 = arith.constant 16 : i32
          %parallel_loop3A_140 = arith.muli %parallel_loop3A_138, %parallel_loop3A_139 : i32
          %parallel_loop3A_141 = arith.index_cast %parallel_loop3A_140 : i32 to index
          %parallel_loop3A_142 = tpu.vector_load %arg11[%parallel_loop3A_141] {strides = array<i32>} : memref<4112xi32, #tpu.memory_space<vmem>>, vector<16xi32>,
          %parallel_loop3A_143 = arith.constant true
          %parallel_loop3A_144 = vector.broadcast %parallel_loop3A_143 : i1 to vector<16xi1>
          %parallel_loop3A_145 = tpu.scan <sum>, %parallel_loop3A_142 masked %parallel_loop3A_144 : vector<16xi32>, vector<16xi1> -> vector<16xi32>
          %parallel_loop3A_146 = vector.extract %parallel_loop3A_145[15] : i32 from vector<16xi32>
          %parallel_loop3A_147 = arith.constant true
          %parallel_loop3A_148 = arith.xori %parallel_loop3A_136, %parallel_loop3A_147 : i1
          %parallel_loop3A_149 = arith.addi %parallel_loop3A_134, %parallel_loop3A_146 : i32
          %parallel_loop3A_150 = arith.cmpi sge, %parallel_loop3A_149, %sub3A_85 : i32
          %parallel_loop3A_151 = arith.andi %parallel_loop3A_148, %parallel_loop3A_150 : i1
          %parallel_loop3A_152 = arith.select %parallel_loop3A_151, %parallel_loop3A_138, %parallel_loop3A_135 : i32
          %parallel_loop3A_153 = arith.ori %parallel_loop3A_136, %parallel_loop3A_151 : i1
          %parallel_loop3A_154 = arith.addi %parallel_loop3A_134, %parallel_loop3A_146 : i32
          %parallel_loop3A_155 = arith.select %parallel_loop3A_153, %parallel_loop3A_134, %parallel_loop3A_154 : i32
          scf.yield %parallel_loop3A_155, %parallel_loop3A_152, %parallel_loop3A_153 : i32, i32, i1
        } {sc.loop_unroll_factor = 8 : i64, sc.parallel_access}
        %sub3A_100 = arith.subi %sub3A_85, %parallel_loop3A_99#0 : i32
        %shift_left3A_101 = arith.constant 8 : i32
        %shift_left3A_102 = arith.shli %or3A, %shift_left3A_101 : i32
        %or3A_103 = arith.ori %shift_left3A_102, %parallel_loop3A_99#1 : i32
        %parallel_loop3A_104 = arith.constant 0 : i32
        %parallel_loop3A_105 = arith.constant 257 : i32
        %parallel_loop3A_106 = arith.constant 1 : i32
        scf.for %parallel_loop3A_133 = %parallel_loop3A_104 to %parallel_loop3A_105 step %parallel_loop3A_106  : i32 {
          %parallel_loop3A_134 = arith.constant 16 : i32
          %parallel_loop3A_135 = arith.muli %parallel_loop3A_133, %parallel_loop3A_134 : i32
          %parallel_loop3A_136 = arith.index_cast %parallel_loop3A_135 : i32 to index
          %parallel_loop3A_137 = tpu.vector_load %arg11[%parallel_loop3A_136] {strides = array<i32>} : memref<4112xi32, #tpu.memory_space<vmem>>, vector<16xi32>,
          tpu.vector_store %arg11[%parallel_loop3A_136], %broadcast_in_dim3A_3 {strides = array<i32>} : memref<4112xi32, #tpu.memory_space<vmem>>, vector<16xi32>,
        } {sc.loop_unroll_factor = 8 : i64, sc.parallel_access}
        %parallel_loop3A_107 = arith.constant 0 : i32
        %parallel_loop3A_108 = arith.constant 1024 : i32
        %parallel_loop3A_109 = arith.constant 1 : i32
        scf.for %parallel_loop3A_133 = %parallel_loop3A_107 to %parallel_loop3A_108 step %parallel_loop3A_109  : i32 {
          %parallel_loop3A_134 = arith.constant 16 : i32
          %parallel_loop3A_135 = arith.muli %parallel_loop3A_133, %parallel_loop3A_134 : i32
          %parallel_loop3A_136 = arith.index_cast %parallel_loop3A_135 : i32 to index
          %parallel_loop3A_137 = tpu.vector_load %arg10[%parallel_loop3A_136] {strides = array<i32>} : memref<16384xi32, #tpu.memory_space<vmem>>, vector<16xi32>,
          %parallel_loop3A_138 = arith.constant 0 : i32
          %parallel_loop3A_139 = vector.broadcast %parallel_loop3A_138 : i32 to vector<16xi32>
          %parallel_loop3A_140 = arith.shrui %parallel_loop3A_137, %parallel_loop3A_139 : vector<16xi32>
          %parallel_loop3A_141 = arith.constant 255 : i32
          %parallel_loop3A_142 = vector.broadcast %parallel_loop3A_141 : i32 to vector<16xi32>
          %parallel_loop3A_143 = arith.andi %parallel_loop3A_140, %parallel_loop3A_142 : vector<16xi32>
          %parallel_loop3A_144 = arith.constant 8 : i32
          %parallel_loop3A_145 = vector.broadcast %parallel_loop3A_144 : i32 to vector<16xi32>
          %parallel_loop3A_146 = arith.shrui %parallel_loop3A_137, %parallel_loop3A_145 : vector<16xi32>
          %parallel_loop3A_147 = vector.broadcast %or3A_103 : i32 to vector<16xi32>
          %parallel_loop3A_148 = arith.cmpi eq, %parallel_loop3A_146, %parallel_loop3A_147 : vector<16xi32>
          %parallel_loop3A_149 = arith.constant 256 : i32
          %parallel_loop3A_150 = vector.broadcast %parallel_loop3A_149 : i32 to vector<16xi32>
          %parallel_loop3A_151 = arith.select %parallel_loop3A_148, %parallel_loop3A_143, %parallel_loop3A_150 : vector<16xi1>, vector<16xi32>
          %parallel_loop3A_152 = arith.constant 16 : i32
          %parallel_loop3A_153 = vector.broadcast %parallel_loop3A_152 : i32 to vector<16xi32>
          %parallel_loop3A_154 = arith.muli %parallel_loop3A_151, %parallel_loop3A_153 : vector<16xi32>
          %parallel_loop3A_155 = arith.addi %parallel_loop3A_154, %iota3A : vector<16xi32>
          tpu.vector_store_idx %arg11[%parallel_loop3A_155], %broadcast_in_dim3A_1 {add = true} : memref<4112xi32, #tpu.memory_space<vmem>>[vector<16xi32>], vector<16xi32>,
        } {sc.loop_unroll_factor = 4 : i64, sc.parallel_access}
        %parallel_loop3A_110 = arith.constant 0 : i32
        %parallel_loop3A_111 = arith.constant 256 : i32
        %parallel_loop3A_112 = arith.constant 1 : i32
        %parallel_loop3A_113 = arith.constant 0 : i32
        %parallel_loop3A_114 = arith.constant 0 : i32
        %parallel_loop3A_115 = arith.constant false
        %parallel_loop3A_116:3 = scf.for %parallel_loop3A_133 = %parallel_loop3A_110 to %parallel_loop3A_111 step %parallel_loop3A_112 iter_args(%parallel_loop3A_134 = %parallel_loop3A_113, %parallel_loop3A_135 = %parallel_loop3A_114, %parallel_loop3A_136 = %parallel_loop3A_115) -> (i32, i32, i1)  : i32 {
          %parallel_loop3A_137 = arith.constant 255 : i32
          %parallel_loop3A_138 = arith.subi %parallel_loop3A_137, %parallel_loop3A_133 : i32
          %parallel_loop3A_139 = arith.constant 16 : i32
          %parallel_loop3A_140 = arith.muli %parallel_loop3A_138, %parallel_loop3A_139 : i32
          %parallel_loop3A_141 = arith.index_cast %parallel_loop3A_140 : i32 to index
          %parallel_loop3A_142 = tpu.vector_load %arg11[%parallel_loop3A_141] {strides = array<i32>} : memref<4112xi32, #tpu.memory_space<vmem>>, vector<16xi32>,
          %parallel_loop3A_143 = arith.constant true
          %parallel_loop3A_144 = vector.broadcast %parallel_loop3A_143 : i1 to vector<16xi1>
          %parallel_loop3A_145 = tpu.scan <sum>, %parallel_loop3A_142 masked %parallel_loop3A_144 : vector<16xi32>, vector<16xi1> -> vector<16xi32>
          %parallel_loop3A_146 = vector.extract %parallel_loop3A_145[15] : i32 from vector<16xi32>
          %parallel_loop3A_147 = arith.constant true
          %parallel_loop3A_148 = arith.xori %parallel_loop3A_136, %parallel_loop3A_147 : i1
          %parallel_loop3A_149 = arith.addi %parallel_loop3A_134, %parallel_loop3A_146 : i32
          %parallel_loop3A_150 = arith.cmpi sge, %parallel_loop3A_149, %sub3A_100 : i32
          %parallel_loop3A_151 = arith.andi %parallel_loop3A_148, %parallel_loop3A_150 : i1
          %parallel_loop3A_152 = arith.select %parallel_loop3A_151, %parallel_loop3A_138, %parallel_loop3A_135 : i32
          %parallel_loop3A_153 = arith.ori %parallel_loop3A_136, %parallel_loop3A_151 : i1
          %parallel_loop3A_154 = arith.addi %parallel_loop3A_134, %parallel_loop3A_146 : i32
          %parallel_loop3A_155 = arith.select %parallel_loop3A_153, %parallel_loop3A_134, %parallel_loop3A_154 : i32
          scf.yield %parallel_loop3A_155, %parallel_loop3A_152, %parallel_loop3A_153 : i32, i32, i1
        } {sc.loop_unroll_factor = 8 : i64, sc.parallel_access}
        %sub3A_117 = arith.subi %sub3A_100, %parallel_loop3A_116#0 : i32
        %shift_left3A_118 = arith.constant 8 : i32
        %shift_left3A_119 = arith.shli %or3A_103, %shift_left3A_118 : i32
        %or3A_120 = arith.ori %shift_left3A_119, %parallel_loop3A_116#1 : i32
        %parallel_loop3A_121 = arith.constant 0 : i32
        %parallel_loop3A_122 = arith.constant 8 : i32
        %parallel_loop3A_123 = arith.constant 1 : i32
        scf.for %parallel_loop3A_133 = %parallel_loop3A_121 to %parallel_loop3A_122 step %parallel_loop3A_123  : i32 {
          %parallel_loop3A_134 = arith.constant 16 : i32
          %parallel_loop3A_135 = arith.muli %parallel_loop3A_133, %parallel_loop3A_134 : i32
          %parallel_loop3A_136 = arith.index_cast %parallel_loop3A_135 : i32 to index
          %parallel_loop3A_137 = tpu.vector_load %arg12[%parallel_loop3A_136] {strides = array<i32>} : memref<128xi32, #tpu.memory_space<vmem>>, vector<16xi32>,
          tpu.vector_store %arg12[%parallel_loop3A_136], %broadcast_in_dim3A_5 {strides = array<i32>} : memref<128xi32, #tpu.memory_space<vmem>>, vector<16xi32>,
          %parallel_loop3A_138 = arith.constant 16 : i32
          %parallel_loop3A_139 = arith.muli %parallel_loop3A_133, %parallel_loop3A_138 : i32
          %parallel_loop3A_140 = arith.index_cast %parallel_loop3A_139 : i32 to index
          %parallel_loop3A_141 = tpu.vector_load %arg13[%parallel_loop3A_140] {strides = array<i32>} : memref<128xi32, #tpu.memory_space<vmem>>, vector<16xi32>,
          tpu.vector_store %arg13[%parallel_loop3A_140], %broadcast_in_dim3A_3 {strides = array<i32>} : memref<128xi32, #tpu.memory_space<vmem>>, vector<16xi32>,
        } {sc.loop_unroll_factor = 8 : i64, sc.parallel_access}
        %parallel_loop3A_124 = arith.constant 0 : i32
        %parallel_loop3A_125 = arith.constant 1024 : i32
        %parallel_loop3A_126 = arith.constant 1 : i32
        %parallel_loop3A_127 = arith.constant 0 : i32
        %parallel_loop3A_128:2 = scf.for %parallel_loop3A_133 = %parallel_loop3A_124 to %parallel_loop3A_125 step %parallel_loop3A_126 iter_args(%parallel_loop3A_134 = %parallel_loop3A_127, %parallel_loop3A_135 = %sub3A_117) -> (i32, i32)  : i32 {
          %parallel_loop3A_136 = arith.constant 16 : i32
          %parallel_loop3A_137 = arith.muli %parallel_loop3A_133, %parallel_loop3A_136 : i32
          %parallel_loop3A_138 = arith.index_cast %parallel_loop3A_137 : i32 to index
          %parallel_loop3A_139 = tpu.vector_load %arg10[%parallel_loop3A_138] {strides = array<i32>} : memref<16384xi32, #tpu.memory_space<vmem>>, vector<16xi32>,
          %parallel_loop3A_140 = arith.constant 16 : i32
          %parallel_loop3A_141 = arith.muli %parallel_loop3A_133, %parallel_loop3A_140 : i32
          %parallel_loop3A_142 = vector.broadcast %parallel_loop3A_141 : i32 to vector<16xi32>
          %parallel_loop3A_143 = arith.addi %parallel_loop3A_142, %iota3A : vector<16xi32>
          %parallel_loop3A_144 = vector.broadcast %or3A_120 : i32 to vector<16xi32>
          %parallel_loop3A_145 = arith.cmpi sgt, %parallel_loop3A_139, %parallel_loop3A_144 : vector<16xi32>
          %parallel_loop3A_146 = vector.broadcast %or3A_120 : i32 to vector<16xi32>
          %parallel_loop3A_147 = arith.cmpi eq, %parallel_loop3A_139, %parallel_loop3A_146 : vector<16xi32>
          %parallel_loop3A_148 = arith.extui %parallel_loop3A_147 : vector<16xi1> to vector<16xi32>
          %parallel_loop3A_149 = arith.constant true
          %parallel_loop3A_150 = vector.broadcast %parallel_loop3A_149 : i1 to vector<16xi1>
          %parallel_loop3A_151 = tpu.scan <sum>, %parallel_loop3A_148 masked %parallel_loop3A_150 : vector<16xi32>, vector<16xi1> -> vector<16xi32>
          %parallel_loop3A_152 = arith.subi %parallel_loop3A_151, %parallel_loop3A_148 : vector<16xi32>
          %parallel_loop3A_153 = vector.broadcast %parallel_loop3A_135 : i32 to vector<16xi32>
          %parallel_loop3A_154 = arith.cmpi slt, %parallel_loop3A_152, %parallel_loop3A_153 : vector<16xi32>
          %parallel_loop3A_155 = arith.andi %parallel_loop3A_147, %parallel_loop3A_154 : vector<16xi1>
          %parallel_loop3A_156 = arith.ori %parallel_loop3A_145, %parallel_loop3A_155 : vector<16xi1>
          %parallel_loop3A_157 = arith.extui %parallel_loop3A_156 : vector<16xi1> to vector<16xi32>
          %parallel_loop3A_158 = arith.constant true
          %parallel_loop3A_159 = vector.broadcast %parallel_loop3A_158 : i1 to vector<16xi1>
          %parallel_loop3A_160 = tpu.scan <sum>, %parallel_loop3A_157 masked %parallel_loop3A_159 : vector<16xi32>, vector<16xi1> -> vector<16xi32>
          %parallel_loop3A_161 = vector.extract %parallel_loop3A_160[15] : i32 from vector<16xi32>
          %parallel_loop3A_162 = arith.constant true
          %parallel_loop3A_163 = vector.broadcast %parallel_loop3A_162 : i1 to vector<16xi1>
          %parallel_loop3A_164 = tpu.scan <sum>, %parallel_loop3A_148 masked %parallel_loop3A_163 : vector<16xi32>, vector<16xi1> -> vector<16xi32>
          %parallel_loop3A_165 = vector.extract %parallel_loop3A_164[15] : i32 from vector<16xi32>
          %parallel_loop3A_166 = arith.minsi %parallel_loop3A_165, %parallel_loop3A_135 : i32
          %parallel_loop3A_167 = arith.index_cast %parallel_loop3A_134 : i32 to index
          %parallel_loop3A_168 = tpu.vector_load %arg12[%parallel_loop3A_167] masked %parallel_loop3A_156 {strides = array<i32>} : memref<128xi32, #tpu.memory_space<vmem>>, vector<16xi32>, vector<16xi1>
          tpu.vector_store %arg12[%parallel_loop3A_167], %parallel_loop3A_139 masked %parallel_loop3A_156 {strides = array<i32>} : memref<128xi32, #tpu.memory_space<vmem>>, vector<16xi32>, vector<16xi1>
          %parallel_loop3A_169 = arith.index_cast %parallel_loop3A_134 : i32 to index
          %parallel_loop3A_170 = tpu.vector_load %arg13[%parallel_loop3A_169] masked %parallel_loop3A_156 {strides = array<i32>} : memref<128xi32, #tpu.memory_space<vmem>>, vector<16xi32>, vector<16xi1>
          tpu.vector_store %arg13[%parallel_loop3A_169], %parallel_loop3A_143 masked %parallel_loop3A_156 {strides = array<i32>} : memref<128xi32, #tpu.memory_space<vmem>>, vector<16xi32>, vector<16xi1>
          %parallel_loop3A_171 = arith.addi %parallel_loop3A_134, %parallel_loop3A_161 : i32
          %parallel_loop3A_172 = arith.subi %parallel_loop3A_135, %parallel_loop3A_166 : i32
          scf.yield %parallel_loop3A_171, %parallel_loop3A_172 : i32, i32
        } {sc.loop_unroll_factor = 4 : i64, sc.parallel_access}
        %mul3A_129 = arith.constant 128 : i32
        %mul3A_130 = arith.muli %add3A_16, %mul3A_129 : i32
        "tpu.region"() ({
          %run_scoped3A = tpu.sem_alloc : memref<!tpu.dma_semaphore, #tpu.memory_space<semaphore_mem>>
          %dma_start3A = tpu.memref_slice %arg5[%mul3A_130] : memref<17408xi32, #tpu.memory_space<hbm>> -> memref<128xi32, #tpu.memory_space<hbm>>
          %dma_start3A_133 = tpu.memref_slice %arg5[%mul3A_130] : memref<17408xi32, #tpu.memory_space<hbm>> -> memref<128xi32, #tpu.memory_space<hbm>>
          tpu.enqueue_dma source(%arg12 : memref<128xi32, #tpu.memory_space<vmem>>) target(%dma_start3A_133 : memref<128xi32, #tpu.memory_space<hbm>>) target_semaphore(%run_scoped3A : memref<!tpu.dma_semaphore, #tpu.memory_space<semaphore_mem>>)
          %dma_wait3A = tpu.memref_slice %arg5[%mul3A_130] : memref<17408xi32, #tpu.memory_space<hbm>> -> memref<128xi32, #tpu.memory_space<hbm>>
          %dma_wait3A_134 = tpu.memref_slice %arg5[%mul3A_130] : memref<17408xi32, #tpu.memory_space<hbm>> -> memref<128xi32, #tpu.memory_space<hbm>>
          tpu.wait_dma2 semaphore(%run_scoped3A : memref<!tpu.dma_semaphore, #tpu.memory_space<semaphore_mem>>) src(%arg12 : memref<128xi32, #tpu.memory_space<vmem>>) dst(%dma_wait3A_134 : memref<128xi32, #tpu.memory_space<hbm>>)
          tpu.yield
        }) : () -> ()
        %mul3A_131 = arith.constant 128 : i32
        %mul3A_132 = arith.muli %add3A_16, %mul3A_131 : i32
        "tpu.region"() ({
          %run_scoped3A = tpu.sem_alloc : memref<!tpu.dma_semaphore, #tpu.memory_space<semaphore_mem>>
          %dma_start3A = tpu.memref_slice %arg6[%mul3A_132] : memref<17408xi32, #tpu.memory_space<hbm>> -> memref<128xi32, #tpu.memory_space<hbm>>
          %dma_start3A_133 = tpu.memref_slice %arg6[%mul3A_132] : memref<17408xi32, #tpu.memory_space<hbm>> -> memref<128xi32, #tpu.memory_space<hbm>>
          tpu.enqueue_dma source(%arg13 : memref<128xi32, #tpu.memory_space<vmem>>) target(%dma_start3A_133 : memref<128xi32, #tpu.memory_space<hbm>>) target_semaphore(%run_scoped3A : memref<!tpu.dma_semaphore, #tpu.memory_space<semaphore_mem>>)
          %dma_wait3A = tpu.memref_slice %arg6[%mul3A_132] : memref<17408xi32, #tpu.memory_space<hbm>> -> memref<128xi32, #tpu.memory_space<hbm>>
          %dma_wait3A_134 = tpu.memref_slice %arg6[%mul3A_132] : memref<17408xi32, #tpu.memory_space<hbm>> -> memref<128xi32, #tpu.memory_space<hbm>>
          tpu.wait_dma2 semaphore(%run_scoped3A : memref<!tpu.dma_semaphore, #tpu.memory_space<semaphore_mem>>) src(%arg13 : memref<128xi32, #tpu.memory_space<vmem>>) dst(%dma_wait3A_134 : memref<128xi32, #tpu.memory_space<hbm>>)
          tpu.yield
        }) : () -> ()
      } else {
      }
      %scan3A_19 = arith.constant 0 : i32
      scf.yield %scan3A_19 : i32
    }
    %scan3A_11 = arith.constant 5 : i32
    return
  }
}

module attributes {stable_mosaic.version = 14 : i64} {
  func.func @_sort_body(%arg0: memref<136x128xi32, #tpu.memory_space<vmem>>, %arg1: memref<136x128xi32, #tpu.memory_space<vmem>>, %arg2: memref<136x128xi32, #tpu.memory_space<vmem>>, %arg3: memref<136x128xi32, #tpu.memory_space<vmem>>) attributes {dimension_semantics = [], scalar_prefetch = 0 : i64, scratch_operands = 0 : i64, tpu.core_type = #tpu.core_type<tc>} {
    %get3A = arith.constant 0 : index
    %get3A_0 = arith.constant 0 : index
    %get3A_1 = vector.load %arg0[%get3A, %get3A_0] : memref<136x128xi32, #tpu.memory_space<vmem>>, vector<136x128xi32>
    %get3A_2 = arith.constant 0 : index
    %get3A_3 = arith.constant 0 : index
    %get3A_4 = vector.load %arg1[%get3A_2, %get3A_3] : memref<136x128xi32, #tpu.memory_space<vmem>>, vector<136x128xi32>
    %iota3A = tpu.iota {dimensions = array<i32: 1>} : vector<136x128xi32>
    %and3A = arith.constant 1 : i32
    %and3A_5 = vector.broadcast %and3A : i32 to vector<136x128xi32>
    %and3A_6 = arith.andi %iota3A, %and3A_5 : vector<136x128xi32>
    %eq3A = arith.constant 0 : i32
    %eq3A_7 = vector.broadcast %eq3A : i32 to vector<136x128xi32>
    %eq3A_8 = arith.cmpi eq, %and3A_6, %eq3A_7 : vector<136x128xi32>
    %slice3A = vector.extract_strided_slice %get3A_1 {offsets = [0, 1], sizes = [136, 127], strides = [1, 1]} : vector<136x128xi32> to vector<136x127xi32>
    %slice3A_9 = vector.extract_strided_slice %get3A_1 {offsets = [0, 0], sizes = [136, 1], strides = [1, 1]} : vector<136x128xi32> to vector<136x1xi32>
    %concatenate3A = tpu.concatenate %slice3A, %slice3A_9 in 1 : vector<136x127xi32>, vector<136x1xi32> -> vector<136x128xi32>
    %slice3A_10 = vector.extract_strided_slice %get3A_1 {offsets = [0, 127], sizes = [136, 1], strides = [1, 1]} : vector<136x128xi32> to vector<136x1xi32>
    %slice3A_11 = vector.extract_strided_slice %get3A_1 {offsets = [0, 0], sizes = [136, 127], strides = [1, 1]} : vector<136x128xi32> to vector<136x127xi32>
    %concatenate3A_12 = tpu.concatenate %slice3A_10, %slice3A_11 in 1 : vector<136x1xi32>, vector<136x127xi32> -> vector<136x128xi32>
    %select_n3A = arith.select %eq3A_8, %concatenate3A, %concatenate3A_12 : vector<136x128xi1>, vector<136x128xi32>
    %slice3A_13 = vector.extract_strided_slice %get3A_4 {offsets = [0, 1], sizes = [136, 127], strides = [1, 1]} : vector<136x128xi32> to vector<136x127xi32>
    %slice3A_14 = vector.extract_strided_slice %get3A_4 {offsets = [0, 0], sizes = [136, 1], strides = [1, 1]} : vector<136x128xi32> to vector<136x1xi32>
    %concatenate3A_15 = tpu.concatenate %slice3A_13, %slice3A_14 in 1 : vector<136x127xi32>, vector<136x1xi32> -> vector<136x128xi32>
    %slice3A_16 = vector.extract_strided_slice %get3A_4 {offsets = [0, 127], sizes = [136, 1], strides = [1, 1]} : vector<136x128xi32> to vector<136x1xi32>
    %slice3A_17 = vector.extract_strided_slice %get3A_4 {offsets = [0, 0], sizes = [136, 127], strides = [1, 1]} : vector<136x128xi32> to vector<136x127xi32>
    %concatenate3A_18 = tpu.concatenate %slice3A_16, %slice3A_17 in 1 : vector<136x1xi32>, vector<136x127xi32> -> vector<136x128xi32>
    %select_n3A_19 = arith.select %eq3A_8, %concatenate3A_15, %concatenate3A_18 : vector<136x128xi1>, vector<136x128xi32>
    %gt3A = arith.cmpi sgt, %select_n3A, %get3A_1 : vector<136x128xi32>
    %eq3A_20 = arith.cmpi eq, %select_n3A, %get3A_1 : vector<136x128xi32>
    %lt3A = arith.cmpi slt, %select_n3A_19, %get3A_4 : vector<136x128xi32>
    %and3A_21 = arith.andi %eq3A_20, %lt3A : vector<136x128xi1>
    %or3A = arith.ori %gt3A, %and3A_21 : vector<136x128xi1>
    %and3A_22 = arith.constant 2 : i32
    %and3A_23 = vector.broadcast %and3A_22 : i32 to vector<136x128xi32>
    %and3A_24 = arith.andi %iota3A, %and3A_23 : vector<136x128xi32>
    %eq3A_25 = arith.constant 0 : i32
    %eq3A_26 = vector.broadcast %eq3A_25 : i32 to vector<136x128xi32>
    %eq3A_27 = arith.cmpi eq, %and3A_24, %eq3A_26 : vector<136x128xi32>
    %eq3A_28 = arith.xori %eq3A_27, %eq3A_8 : vector<136x128xi1>
    %eq3A_29 = arith.constant dense<true> : vector<136x128xi1>
    %eq3A_30 = arith.xori %eq3A_28, %eq3A_29 : vector<136x128xi1>
    %eq3A_31 = arith.xori %eq3A_30, %or3A : vector<136x128xi1>
    %eq3A_32 = arith.constant dense<true> : vector<136x128xi1>
    %eq3A_33 = arith.xori %eq3A_31, %eq3A_32 : vector<136x128xi1>
    %select_n3A_34 = arith.select %eq3A_33, %select_n3A, %get3A_1 : vector<136x128xi1>, vector<136x128xi32>
    %select_n3A_35 = arith.select %eq3A_33, %select_n3A_19, %get3A_4 : vector<136x128xi1>, vector<136x128xi32>
    %and3A_36 = arith.constant 2 : i32
    %and3A_37 = vector.broadcast %and3A_36 : i32 to vector<136x128xi32>
    %and3A_38 = arith.andi %iota3A, %and3A_37 : vector<136x128xi32>
    %eq3A_39 = arith.constant 0 : i32
    %eq3A_40 = vector.broadcast %eq3A_39 : i32 to vector<136x128xi32>
    %eq3A_41 = arith.cmpi eq, %and3A_38, %eq3A_40 : vector<136x128xi32>
    %slice3A_42 = vector.extract_strided_slice %select_n3A_34 {offsets = [0, 2], sizes = [136, 126], strides = [1, 1]} : vector<136x128xi32> to vector<136x126xi32>
    %slice3A_43 = vector.extract_strided_slice %select_n3A_34 {offsets = [0, 0], sizes = [136, 2], strides = [1, 1]} : vector<136x128xi32> to vector<136x2xi32>
    %concatenate3A_44 = tpu.concatenate %slice3A_42, %slice3A_43 in 1 : vector<136x126xi32>, vector<136x2xi32> -> vector<136x128xi32>
    %slice3A_45 = vector.extract_strided_slice %select_n3A_34 {offsets = [0, 126], sizes = [136, 2], strides = [1, 1]} : vector<136x128xi32> to vector<136x2xi32>
    %slice3A_46 = vector.extract_strided_slice %select_n3A_34 {offsets = [0, 0], sizes = [136, 126], strides = [1, 1]} : vector<136x128xi32> to vector<136x126xi32>
    %concatenate3A_47 = tpu.concatenate %slice3A_45, %slice3A_46 in 1 : vector<136x2xi32>, vector<136x126xi32> -> vector<136x128xi32>
    %select_n3A_48 = arith.select %eq3A_41, %concatenate3A_44, %concatenate3A_47 : vector<136x128xi1>, vector<136x128xi32>
    %slice3A_49 = vector.extract_strided_slice %select_n3A_35 {offsets = [0, 2], sizes = [136, 126], strides = [1, 1]} : vector<136x128xi32> to vector<136x126xi32>
    %slice3A_50 = vector.extract_strided_slice %select_n3A_35 {offsets = [0, 0], sizes = [136, 2], strides = [1, 1]} : vector<136x128xi32> to vector<136x2xi32>
    %concatenate3A_51 = tpu.concatenate %slice3A_49, %slice3A_50 in 1 : vector<136x126xi32>, vector<136x2xi32> -> vector<136x128xi32>
    %slice3A_52 = vector.extract_strided_slice %select_n3A_35 {offsets = [0, 126], sizes = [136, 2], strides = [1, 1]} : vector<136x128xi32> to vector<136x2xi32>
    %slice3A_53 = vector.extract_strided_slice %select_n3A_35 {offsets = [0, 0], sizes = [136, 126], strides = [1, 1]} : vector<136x128xi32> to vector<136x126xi32>
    %concatenate3A_54 = tpu.concatenate %slice3A_52, %slice3A_53 in 1 : vector<136x2xi32>, vector<136x126xi32> -> vector<136x128xi32>
    %select_n3A_55 = arith.select %eq3A_41, %concatenate3A_51, %concatenate3A_54 : vector<136x128xi1>, vector<136x128xi32>
    %gt3A_56 = arith.cmpi sgt, %select_n3A_48, %select_n3A_34 : vector<136x128xi32>
    %eq3A_57 = arith.cmpi eq, %select_n3A_48, %select_n3A_34 : vector<136x128xi32>
    %lt3A_58 = arith.cmpi slt, %select_n3A_55, %select_n3A_35 : vector<136x128xi32>
    %and3A_59 = arith.andi %eq3A_57, %lt3A_58 : vector<136x128xi1>
    %or3A_60 = arith.ori %gt3A_56, %and3A_59 : vector<136x128xi1>
    %and3A_61 = arith.constant 4 : i32
    %and3A_62 = vector.broadcast %and3A_61 : i32 to vector<136x128xi32>
    %and3A_63 = arith.andi %iota3A, %and3A_62 : vector<136x128xi32>
    %eq3A_64 = arith.constant 0 : i32
    %eq3A_65 = vector.broadcast %eq3A_64 : i32 to vector<136x128xi32>
    %eq3A_66 = arith.cmpi eq, %and3A_63, %eq3A_65 : vector<136x128xi32>
    %eq3A_67 = arith.xori %eq3A_66, %eq3A_41 : vector<136x128xi1>
    %eq3A_68 = arith.constant dense<true> : vector<136x128xi1>
    %eq3A_69 = arith.xori %eq3A_67, %eq3A_68 : vector<136x128xi1>
    %eq3A_70 = arith.xori %eq3A_69, %or3A_60 : vector<136x128xi1>
    %eq3A_71 = arith.constant dense<true> : vector<136x128xi1>
    %eq3A_72 = arith.xori %eq3A_70, %eq3A_71 : vector<136x128xi1>
    %select_n3A_73 = arith.select %eq3A_72, %select_n3A_48, %select_n3A_34 : vector<136x128xi1>, vector<136x128xi32>
    %select_n3A_74 = arith.select %eq3A_72, %select_n3A_55, %select_n3A_35 : vector<136x128xi1>, vector<136x128xi32>
    %and3A_75 = arith.constant 1 : i32
    %and3A_76 = vector.broadcast %and3A_75 : i32 to vector<136x128xi32>
    %and3A_77 = arith.andi %iota3A, %and3A_76 : vector<136x128xi32>
    %eq3A_78 = arith.constant 0 : i32
    %eq3A_79 = vector.broadcast %eq3A_78 : i32 to vector<136x128xi32>
    %eq3A_80 = arith.cmpi eq, %and3A_77, %eq3A_79 : vector<136x128xi32>
    %slice3A_81 = vector.extract_strided_slice %select_n3A_73 {offsets = [0, 1], sizes = [136, 127], strides = [1, 1]} : vector<136x128xi32> to vector<136x127xi32>
    %slice3A_82 = vector.extract_strided_slice %select_n3A_73 {offsets = [0, 0], sizes = [136, 1], strides = [1, 1]} : vector<136x128xi32> to vector<136x1xi32>
    %concatenate3A_83 = tpu.concatenate %slice3A_81, %slice3A_82 in 1 : vector<136x127xi32>, vector<136x1xi32> -> vector<136x128xi32>
    %slice3A_84 = vector.extract_strided_slice %select_n3A_73 {offsets = [0, 127], sizes = [136, 1], strides = [1, 1]} : vector<136x128xi32> to vector<136x1xi32>
    %slice3A_85 = vector.extract_strided_slice %select_n3A_73 {offsets = [0, 0], sizes = [136, 127], strides = [1, 1]} : vector<136x128xi32> to vector<136x127xi32>
    %concatenate3A_86 = tpu.concatenate %slice3A_84, %slice3A_85 in 1 : vector<136x1xi32>, vector<136x127xi32> -> vector<136x128xi32>
    %select_n3A_87 = arith.select %eq3A_80, %concatenate3A_83, %concatenate3A_86 : vector<136x128xi1>, vector<136x128xi32>
    %slice3A_88 = vector.extract_strided_slice %select_n3A_74 {offsets = [0, 1], sizes = [136, 127], strides = [1, 1]} : vector<136x128xi32> to vector<136x127xi32>
    %slice3A_89 = vector.extract_strided_slice %select_n3A_74 {offsets = [0, 0], sizes = [136, 1], strides = [1, 1]} : vector<136x128xi32> to vector<136x1xi32>
    %concatenate3A_90 = tpu.concatenate %slice3A_88, %slice3A_89 in 1 : vector<136x127xi32>, vector<136x1xi32> -> vector<136x128xi32>
    %slice3A_91 = vector.extract_strided_slice %select_n3A_74 {offsets = [0, 127], sizes = [136, 1], strides = [1, 1]} : vector<136x128xi32> to vector<136x1xi32>
    %slice3A_92 = vector.extract_strided_slice %select_n3A_74 {offsets = [0, 0], sizes = [136, 127], strides = [1, 1]} : vector<136x128xi32> to vector<136x127xi32>
    %concatenate3A_93 = tpu.concatenate %slice3A_91, %slice3A_92 in 1 : vector<136x1xi32>, vector<136x127xi32> -> vector<136x128xi32>
    %select_n3A_94 = arith.select %eq3A_80, %concatenate3A_90, %concatenate3A_93 : vector<136x128xi1>, vector<136x128xi32>
    %gt3A_95 = arith.cmpi sgt, %select_n3A_87, %select_n3A_73 : vector<136x128xi32>
    %eq3A_96 = arith.cmpi eq, %select_n3A_87, %select_n3A_73 : vector<136x128xi32>
    %lt3A_97 = arith.cmpi slt, %select_n3A_94, %select_n3A_74 : vector<136x128xi32>
    %and3A_98 = arith.andi %eq3A_96, %lt3A_97 : vector<136x128xi1>
    %or3A_99 = arith.ori %gt3A_95, %and3A_98 : vector<136x128xi1>
    %and3A_100 = arith.constant 4 : i32
    %and3A_101 = vector.broadcast %and3A_100 : i32 to vector<136x128xi32>
    %and3A_102 = arith.andi %iota3A, %and3A_101 : vector<136x128xi32>
    %eq3A_103 = arith.constant 0 : i32
    %eq3A_104 = vector.broadcast %eq3A_103 : i32 to vector<136x128xi32>
    %eq3A_105 = arith.cmpi eq, %and3A_102, %eq3A_104 : vector<136x128xi32>
    %eq3A_106 = arith.xori %eq3A_105, %eq3A_80 : vector<136x128xi1>
    %eq3A_107 = arith.constant dense<true> : vector<136x128xi1>
    %eq3A_108 = arith.xori %eq3A_106, %eq3A_107 : vector<136x128xi1>
    %eq3A_109 = arith.xori %eq3A_108, %or3A_99 : vector<136x128xi1>
    %eq3A_110 = arith.constant dense<true> : vector<136x128xi1>
    %eq3A_111 = arith.xori %eq3A_109, %eq3A_110 : vector<136x128xi1>
    %select_n3A_112 = arith.select %eq3A_111, %select_n3A_87, %select_n3A_73 : vector<136x128xi1>, vector<136x128xi32>
    %select_n3A_113 = arith.select %eq3A_111, %select_n3A_94, %select_n3A_74 : vector<136x128xi1>, vector<136x128xi32>
    %and3A_114 = arith.constant 4 : i32
    %and3A_115 = vector.broadcast %and3A_114 : i32 to vector<136x128xi32>
    %and3A_116 = arith.andi %iota3A, %and3A_115 : vector<136x128xi32>
    %eq3A_117 = arith.constant 0 : i32
    %eq3A_118 = vector.broadcast %eq3A_117 : i32 to vector<136x128xi32>
    %eq3A_119 = arith.cmpi eq, %and3A_116, %eq3A_118 : vector<136x128xi32>
    %slice3A_120 = vector.extract_strided_slice %select_n3A_112 {offsets = [0, 4], sizes = [136, 124], strides = [1, 1]} : vector<136x128xi32> to vector<136x124xi32>
    %slice3A_121 = vector.extract_strided_slice %select_n3A_112 {offsets = [0, 0], sizes = [136, 4], strides = [1, 1]} : vector<136x128xi32> to vector<136x4xi32>
    %concatenate3A_122 = tpu.concatenate %slice3A_120, %slice3A_121 in 1 : vector<136x124xi32>, vector<136x4xi32> -> vector<136x128xi32>
    %slice3A_123 = vector.extract_strided_slice %select_n3A_112 {offsets = [0, 124], sizes = [136, 4], strides = [1, 1]} : vector<136x128xi32> to vector<136x4xi32>
    %slice3A_124 = vector.extract_strided_slice %select_n3A_112 {offsets = [0, 0], sizes = [136, 124], strides = [1, 1]} : vector<136x128xi32> to vector<136x124xi32>
    %concatenate3A_125 = tpu.concatenate %slice3A_123, %slice3A_124 in 1 : vector<136x4xi32>, vector<136x124xi32> -> vector<136x128xi32>
    %select_n3A_126 = arith.select %eq3A_119, %concatenate3A_122, %concatenate3A_125 : vector<136x128xi1>, vector<136x128xi32>
    %slice3A_127 = vector.extract_strided_slice %select_n3A_113 {offsets = [0, 4], sizes = [136, 124], strides = [1, 1]} : vector<136x128xi32> to vector<136x124xi32>
    %slice3A_128 = vector.extract_strided_slice %select_n3A_113 {offsets = [0, 0], sizes = [136, 4], strides = [1, 1]} : vector<136x128xi32> to vector<136x4xi32>
    %concatenate3A_129 = tpu.concatenate %slice3A_127, %slice3A_128 in 1 : vector<136x124xi32>, vector<136x4xi32> -> vector<136x128xi32>
    %slice3A_130 = vector.extract_strided_slice %select_n3A_113 {offsets = [0, 124], sizes = [136, 4], strides = [1, 1]} : vector<136x128xi32> to vector<136x4xi32>
    %slice3A_131 = vector.extract_strided_slice %select_n3A_113 {offsets = [0, 0], sizes = [136, 124], strides = [1, 1]} : vector<136x128xi32> to vector<136x124xi32>
    %concatenate3A_132 = tpu.concatenate %slice3A_130, %slice3A_131 in 1 : vector<136x4xi32>, vector<136x124xi32> -> vector<136x128xi32>
    %select_n3A_133 = arith.select %eq3A_119, %concatenate3A_129, %concatenate3A_132 : vector<136x128xi1>, vector<136x128xi32>
    %gt3A_134 = arith.cmpi sgt, %select_n3A_126, %select_n3A_112 : vector<136x128xi32>
    %eq3A_135 = arith.cmpi eq, %select_n3A_126, %select_n3A_112 : vector<136x128xi32>
    %lt3A_136 = arith.cmpi slt, %select_n3A_133, %select_n3A_113 : vector<136x128xi32>
    %and3A_137 = arith.andi %eq3A_135, %lt3A_136 : vector<136x128xi1>
    %or3A_138 = arith.ori %gt3A_134, %and3A_137 : vector<136x128xi1>
    %and3A_139 = arith.constant 8 : i32
    %and3A_140 = vector.broadcast %and3A_139 : i32 to vector<136x128xi32>
    %and3A_141 = arith.andi %iota3A, %and3A_140 : vector<136x128xi32>
    %eq3A_142 = arith.constant 0 : i32
    %eq3A_143 = vector.broadcast %eq3A_142 : i32 to vector<136x128xi32>
    %eq3A_144 = arith.cmpi eq, %and3A_141, %eq3A_143 : vector<136x128xi32>
    %eq3A_145 = arith.xori %eq3A_144, %eq3A_119 : vector<136x128xi1>
    %eq3A_146 = arith.constant dense<true> : vector<136x128xi1>
    %eq3A_147 = arith.xori %eq3A_145, %eq3A_146 : vector<136x128xi1>
    %eq3A_148 = arith.xori %eq3A_147, %or3A_138 : vector<136x128xi1>
    %eq3A_149 = arith.constant dense<true> : vector<136x128xi1>
    %eq3A_150 = arith.xori %eq3A_148, %eq3A_149 : vector<136x128xi1>
    %select_n3A_151 = arith.select %eq3A_150, %select_n3A_126, %select_n3A_112 : vector<136x128xi1>, vector<136x128xi32>
    %select_n3A_152 = arith.select %eq3A_150, %select_n3A_133, %select_n3A_113 : vector<136x128xi1>, vector<136x128xi32>
    %and3A_153 = arith.constant 2 : i32
    %and3A_154 = vector.broadcast %and3A_153 : i32 to vector<136x128xi32>
    %and3A_155 = arith.andi %iota3A, %and3A_154 : vector<136x128xi32>
    %eq3A_156 = arith.constant 0 : i32
    %eq3A_157 = vector.broadcast %eq3A_156 : i32 to vector<136x128xi32>
    %eq3A_158 = arith.cmpi eq, %and3A_155, %eq3A_157 : vector<136x128xi32>
    %slice3A_159 = vector.extract_strided_slice %select_n3A_151 {offsets = [0, 2], sizes = [136, 126], strides = [1, 1]} : vector<136x128xi32> to vector<136x126xi32>
    %slice3A_160 = vector.extract_strided_slice %select_n3A_151 {offsets = [0, 0], sizes = [136, 2], strides = [1, 1]} : vector<136x128xi32> to vector<136x2xi32>
    %concatenate3A_161 = tpu.concatenate %slice3A_159, %slice3A_160 in 1 : vector<136x126xi32>, vector<136x2xi32> -> vector<136x128xi32>
    %slice3A_162 = vector.extract_strided_slice %select_n3A_151 {offsets = [0, 126], sizes = [136, 2], strides = [1, 1]} : vector<136x128xi32> to vector<136x2xi32>
    %slice3A_163 = vector.extract_strided_slice %select_n3A_151 {offsets = [0, 0], sizes = [136, 126], strides = [1, 1]} : vector<136x128xi32> to vector<136x126xi32>
    %concatenate3A_164 = tpu.concatenate %slice3A_162, %slice3A_163 in 1 : vector<136x2xi32>, vector<136x126xi32> -> vector<136x128xi32>
    %select_n3A_165 = arith.select %eq3A_158, %concatenate3A_161, %concatenate3A_164 : vector<136x128xi1>, vector<136x128xi32>
    %slice3A_166 = vector.extract_strided_slice %select_n3A_152 {offsets = [0, 2], sizes = [136, 126], strides = [1, 1]} : vector<136x128xi32> to vector<136x126xi32>
    %slice3A_167 = vector.extract_strided_slice %select_n3A_152 {offsets = [0, 0], sizes = [136, 2], strides = [1, 1]} : vector<136x128xi32> to vector<136x2xi32>
    %concatenate3A_168 = tpu.concatenate %slice3A_166, %slice3A_167 in 1 : vector<136x126xi32>, vector<136x2xi32> -> vector<136x128xi32>
    %slice3A_169 = vector.extract_strided_slice %select_n3A_152 {offsets = [0, 126], sizes = [136, 2], strides = [1, 1]} : vector<136x128xi32> to vector<136x2xi32>
    %slice3A_170 = vector.extract_strided_slice %select_n3A_152 {offsets = [0, 0], sizes = [136, 126], strides = [1, 1]} : vector<136x128xi32> to vector<136x126xi32>
    %concatenate3A_171 = tpu.concatenate %slice3A_169, %slice3A_170 in 1 : vector<136x2xi32>, vector<136x126xi32> -> vector<136x128xi32>
    %select_n3A_172 = arith.select %eq3A_158, %concatenate3A_168, %concatenate3A_171 : vector<136x128xi1>, vector<136x128xi32>
    %gt3A_173 = arith.cmpi sgt, %select_n3A_165, %select_n3A_151 : vector<136x128xi32>
    %eq3A_174 = arith.cmpi eq, %select_n3A_165, %select_n3A_151 : vector<136x128xi32>
    %lt3A_175 = arith.cmpi slt, %select_n3A_172, %select_n3A_152 : vector<136x128xi32>
    %and3A_176 = arith.andi %eq3A_174, %lt3A_175 : vector<136x128xi1>
    %or3A_177 = arith.ori %gt3A_173, %and3A_176 : vector<136x128xi1>
    %and3A_178 = arith.constant 8 : i32
    %and3A_179 = vector.broadcast %and3A_178 : i32 to vector<136x128xi32>
    %and3A_180 = arith.andi %iota3A, %and3A_179 : vector<136x128xi32>
    %eq3A_181 = arith.constant 0 : i32
    %eq3A_182 = vector.broadcast %eq3A_181 : i32 to vector<136x128xi32>
    %eq3A_183 = arith.cmpi eq, %and3A_180, %eq3A_182 : vector<136x128xi32>
    %eq3A_184 = arith.xori %eq3A_183, %eq3A_158 : vector<136x128xi1>
    %eq3A_185 = arith.constant dense<true> : vector<136x128xi1>
    %eq3A_186 = arith.xori %eq3A_184, %eq3A_185 : vector<136x128xi1>
    %eq3A_187 = arith.xori %eq3A_186, %or3A_177 : vector<136x128xi1>
    %eq3A_188 = arith.constant dense<true> : vector<136x128xi1>
    %eq3A_189 = arith.xori %eq3A_187, %eq3A_188 : vector<136x128xi1>
    %select_n3A_190 = arith.select %eq3A_189, %select_n3A_165, %select_n3A_151 : vector<136x128xi1>, vector<136x128xi32>
    %select_n3A_191 = arith.select %eq3A_189, %select_n3A_172, %select_n3A_152 : vector<136x128xi1>, vector<136x128xi32>
    %and3A_192 = arith.constant 1 : i32
    %and3A_193 = vector.broadcast %and3A_192 : i32 to vector<136x128xi32>
    %and3A_194 = arith.andi %iota3A, %and3A_193 : vector<136x128xi32>
    %eq3A_195 = arith.constant 0 : i32
    %eq3A_196 = vector.broadcast %eq3A_195 : i32 to vector<136x128xi32>
    %eq3A_197 = arith.cmpi eq, %and3A_194, %eq3A_196 : vector<136x128xi32>
    %slice3A_198 = vector.extract_strided_slice %select_n3A_190 {offsets = [0, 1], sizes = [136, 127], strides = [1, 1]} : vector<136x128xi32> to vector<136x127xi32>
    %slice3A_199 = vector.extract_strided_slice %select_n3A_190 {offsets = [0, 0], sizes = [136, 1], strides = [1, 1]} : vector<136x128xi32> to vector<136x1xi32>
    %concatenate3A_200 = tpu.concatenate %slice3A_198, %slice3A_199 in 1 : vector<136x127xi32>, vector<136x1xi32> -> vector<136x128xi32>
    %slice3A_201 = vector.extract_strided_slice %select_n3A_190 {offsets = [0, 127], sizes = [136, 1], strides = [1, 1]} : vector<136x128xi32> to vector<136x1xi32>
    %slice3A_202 = vector.extract_strided_slice %select_n3A_190 {offsets = [0, 0], sizes = [136, 127], strides = [1, 1]} : vector<136x128xi32> to vector<136x127xi32>
    %concatenate3A_203 = tpu.concatenate %slice3A_201, %slice3A_202 in 1 : vector<136x1xi32>, vector<136x127xi32> -> vector<136x128xi32>
    %select_n3A_204 = arith.select %eq3A_197, %concatenate3A_200, %concatenate3A_203 : vector<136x128xi1>, vector<136x128xi32>
    %slice3A_205 = vector.extract_strided_slice %select_n3A_191 {offsets = [0, 1], sizes = [136, 127], strides = [1, 1]} : vector<136x128xi32> to vector<136x127xi32>
    %slice3A_206 = vector.extract_strided_slice %select_n3A_191 {offsets = [0, 0], sizes = [136, 1], strides = [1, 1]} : vector<136x128xi32> to vector<136x1xi32>
    %concatenate3A_207 = tpu.concatenate %slice3A_205, %slice3A_206 in 1 : vector<136x127xi32>, vector<136x1xi32> -> vector<136x128xi32>
    %slice3A_208 = vector.extract_strided_slice %select_n3A_191 {offsets = [0, 127], sizes = [136, 1], strides = [1, 1]} : vector<136x128xi32> to vector<136x1xi32>
    %slice3A_209 = vector.extract_strided_slice %select_n3A_191 {offsets = [0, 0], sizes = [136, 127], strides = [1, 1]} : vector<136x128xi32> to vector<136x127xi32>
    %concatenate3A_210 = tpu.concatenate %slice3A_208, %slice3A_209 in 1 : vector<136x1xi32>, vector<136x127xi32> -> vector<136x128xi32>
    %select_n3A_211 = arith.select %eq3A_197, %concatenate3A_207, %concatenate3A_210 : vector<136x128xi1>, vector<136x128xi32>
    %gt3A_212 = arith.cmpi sgt, %select_n3A_204, %select_n3A_190 : vector<136x128xi32>
    %eq3A_213 = arith.cmpi eq, %select_n3A_204, %select_n3A_190 : vector<136x128xi32>
    %lt3A_214 = arith.cmpi slt, %select_n3A_211, %select_n3A_191 : vector<136x128xi32>
    %and3A_215 = arith.andi %eq3A_213, %lt3A_214 : vector<136x128xi1>
    %or3A_216 = arith.ori %gt3A_212, %and3A_215 : vector<136x128xi1>
    %and3A_217 = arith.constant 8 : i32
    %and3A_218 = vector.broadcast %and3A_217 : i32 to vector<136x128xi32>
    %and3A_219 = arith.andi %iota3A, %and3A_218 : vector<136x128xi32>
    %eq3A_220 = arith.constant 0 : i32
    %eq3A_221 = vector.broadcast %eq3A_220 : i32 to vector<136x128xi32>
    %eq3A_222 = arith.cmpi eq, %and3A_219, %eq3A_221 : vector<136x128xi32>
    %eq3A_223 = arith.xori %eq3A_222, %eq3A_197 : vector<136x128xi1>
    %eq3A_224 = arith.constant dense<true> : vector<136x128xi1>
    %eq3A_225 = arith.xori %eq3A_223, %eq3A_224 : vector<136x128xi1>
    %eq3A_226 = arith.xori %eq3A_225, %or3A_216 : vector<136x128xi1>
    %eq3A_227 = arith.constant dense<true> : vector<136x128xi1>
    %eq3A_228 = arith.xori %eq3A_226, %eq3A_227 : vector<136x128xi1>
    %select_n3A_229 = arith.select %eq3A_228, %select_n3A_204, %select_n3A_190 : vector<136x128xi1>, vector<136x128xi32>
    %select_n3A_230 = arith.select %eq3A_228, %select_n3A_211, %select_n3A_191 : vector<136x128xi1>, vector<136x128xi32>
    %and3A_231 = arith.constant 8 : i32
    %and3A_232 = vector.broadcast %and3A_231 : i32 to vector<136x128xi32>
    %and3A_233 = arith.andi %iota3A, %and3A_232 : vector<136x128xi32>
    %eq3A_234 = arith.constant 0 : i32
    %eq3A_235 = vector.broadcast %eq3A_234 : i32 to vector<136x128xi32>
    %eq3A_236 = arith.cmpi eq, %and3A_233, %eq3A_235 : vector<136x128xi32>
    %slice3A_237 = vector.extract_strided_slice %select_n3A_229 {offsets = [0, 8], sizes = [136, 120], strides = [1, 1]} : vector<136x128xi32> to vector<136x120xi32>
    %slice3A_238 = vector.extract_strided_slice %select_n3A_229 {offsets = [0, 0], sizes = [136, 8], strides = [1, 1]} : vector<136x128xi32> to vector<136x8xi32>
    %concatenate3A_239 = tpu.concatenate %slice3A_237, %slice3A_238 in 1 : vector<136x120xi32>, vector<136x8xi32> -> vector<136x128xi32>
    %slice3A_240 = vector.extract_strided_slice %select_n3A_229 {offsets = [0, 120], sizes = [136, 8], strides = [1, 1]} : vector<136x128xi32> to vector<136x8xi32>
    %slice3A_241 = vector.extract_strided_slice %select_n3A_229 {offsets = [0, 0], sizes = [136, 120], strides = [1, 1]} : vector<136x128xi32> to vector<136x120xi32>
    %concatenate3A_242 = tpu.concatenate %slice3A_240, %slice3A_241 in 1 : vector<136x8xi32>, vector<136x120xi32> -> vector<136x128xi32>
    %select_n3A_243 = arith.select %eq3A_236, %concatenate3A_239, %concatenate3A_242 : vector<136x128xi1>, vector<136x128xi32>
    %slice3A_244 = vector.extract_strided_slice %select_n3A_230 {offsets = [0, 8], sizes = [136, 120], strides = [1, 1]} : vector<136x128xi32> to vector<136x120xi32>
    %slice3A_245 = vector.extract_strided_slice %select_n3A_230 {offsets = [0, 0], sizes = [136, 8], strides = [1, 1]} : vector<136x128xi32> to vector<136x8xi32>
    %concatenate3A_246 = tpu.concatenate %slice3A_244, %slice3A_245 in 1 : vector<136x120xi32>, vector<136x8xi32> -> vector<136x128xi32>
    %slice3A_247 = vector.extract_strided_slice %select_n3A_230 {offsets = [0, 120], sizes = [136, 8], strides = [1, 1]} : vector<136x128xi32> to vector<136x8xi32>
    %slice3A_248 = vector.extract_strided_slice %select_n3A_230 {offsets = [0, 0], sizes = [136, 120], strides = [1, 1]} : vector<136x128xi32> to vector<136x120xi32>
    %concatenate3A_249 = tpu.concatenate %slice3A_247, %slice3A_248 in 1 : vector<136x8xi32>, vector<136x120xi32> -> vector<136x128xi32>
    %select_n3A_250 = arith.select %eq3A_236, %concatenate3A_246, %concatenate3A_249 : vector<136x128xi1>, vector<136x128xi32>
    %gt3A_251 = arith.cmpi sgt, %select_n3A_243, %select_n3A_229 : vector<136x128xi32>
    %eq3A_252 = arith.cmpi eq, %select_n3A_243, %select_n3A_229 : vector<136x128xi32>
    %lt3A_253 = arith.cmpi slt, %select_n3A_250, %select_n3A_230 : vector<136x128xi32>
    %and3A_254 = arith.andi %eq3A_252, %lt3A_253 : vector<136x128xi1>
    %or3A_255 = arith.ori %gt3A_251, %and3A_254 : vector<136x128xi1>
    %and3A_256 = arith.constant 16 : i32
    %and3A_257 = vector.broadcast %and3A_256 : i32 to vector<136x128xi32>
    %and3A_258 = arith.andi %iota3A, %and3A_257 : vector<136x128xi32>
    %eq3A_259 = arith.constant 0 : i32
    %eq3A_260 = vector.broadcast %eq3A_259 : i32 to vector<136x128xi32>
    %eq3A_261 = arith.cmpi eq, %and3A_258, %eq3A_260 : vector<136x128xi32>
    %eq3A_262 = arith.xori %eq3A_261, %eq3A_236 : vector<136x128xi1>
    %eq3A_263 = arith.constant dense<true> : vector<136x128xi1>
    %eq3A_264 = arith.xori %eq3A_262, %eq3A_263 : vector<136x128xi1>
    %eq3A_265 = arith.xori %eq3A_264, %or3A_255 : vector<136x128xi1>
    %eq3A_266 = arith.constant dense<true> : vector<136x128xi1>
    %eq3A_267 = arith.xori %eq3A_265, %eq3A_266 : vector<136x128xi1>
    %select_n3A_268 = arith.select %eq3A_267, %select_n3A_243, %select_n3A_229 : vector<136x128xi1>, vector<136x128xi32>
    %select_n3A_269 = arith.select %eq3A_267, %select_n3A_250, %select_n3A_230 : vector<136x128xi1>, vector<136x128xi32>
    %and3A_270 = arith.constant 4 : i32
    %and3A_271 = vector.broadcast %and3A_270 : i32 to vector<136x128xi32>
    %and3A_272 = arith.andi %iota3A, %and3A_271 : vector<136x128xi32>
    %eq3A_273 = arith.constant 0 : i32
    %eq3A_274 = vector.broadcast %eq3A_273 : i32 to vector<136x128xi32>
    %eq3A_275 = arith.cmpi eq, %and3A_272, %eq3A_274 : vector<136x128xi32>
    %slice3A_276 = vector.extract_strided_slice %select_n3A_268 {offsets = [0, 4], sizes = [136, 124], strides = [1, 1]} : vector<136x128xi32> to vector<136x124xi32>
    %slice3A_277 = vector.extract_strided_slice %select_n3A_268 {offsets = [0, 0], sizes = [136, 4], strides = [1, 1]} : vector<136x128xi32> to vector<136x4xi32>
    %concatenate3A_278 = tpu.concatenate %slice3A_276, %slice3A_277 in 1 : vector<136x124xi32>, vector<136x4xi32> -> vector<136x128xi32>
    %slice3A_279 = vector.extract_strided_slice %select_n3A_268 {offsets = [0, 124], sizes = [136, 4], strides = [1, 1]} : vector<136x128xi32> to vector<136x4xi32>
    %slice3A_280 = vector.extract_strided_slice %select_n3A_268 {offsets = [0, 0], sizes = [136, 124], strides = [1, 1]} : vector<136x128xi32> to vector<136x124xi32>
    %concatenate3A_281 = tpu.concatenate %slice3A_279, %slice3A_280 in 1 : vector<136x4xi32>, vector<136x124xi32> -> vector<136x128xi32>
    %select_n3A_282 = arith.select %eq3A_275, %concatenate3A_278, %concatenate3A_281 : vector<136x128xi1>, vector<136x128xi32>
    %slice3A_283 = vector.extract_strided_slice %select_n3A_269 {offsets = [0, 4], sizes = [136, 124], strides = [1, 1]} : vector<136x128xi32> to vector<136x124xi32>
    %slice3A_284 = vector.extract_strided_slice %select_n3A_269 {offsets = [0, 0], sizes = [136, 4], strides = [1, 1]} : vector<136x128xi32> to vector<136x4xi32>
    %concatenate3A_285 = tpu.concatenate %slice3A_283, %slice3A_284 in 1 : vector<136x124xi32>, vector<136x4xi32> -> vector<136x128xi32>
    %slice3A_286 = vector.extract_strided_slice %select_n3A_269 {offsets = [0, 124], sizes = [136, 4], strides = [1, 1]} : vector<136x128xi32> to vector<136x4xi32>
    %slice3A_287 = vector.extract_strided_slice %select_n3A_269 {offsets = [0, 0], sizes = [136, 124], strides = [1, 1]} : vector<136x128xi32> to vector<136x124xi32>
    %concatenate3A_288 = tpu.concatenate %slice3A_286, %slice3A_287 in 1 : vector<136x4xi32>, vector<136x124xi32> -> vector<136x128xi32>
    %select_n3A_289 = arith.select %eq3A_275, %concatenate3A_285, %concatenate3A_288 : vector<136x128xi1>, vector<136x128xi32>
    %gt3A_290 = arith.cmpi sgt, %select_n3A_282, %select_n3A_268 : vector<136x128xi32>
    %eq3A_291 = arith.cmpi eq, %select_n3A_282, %select_n3A_268 : vector<136x128xi32>
    %lt3A_292 = arith.cmpi slt, %select_n3A_289, %select_n3A_269 : vector<136x128xi32>
    %and3A_293 = arith.andi %eq3A_291, %lt3A_292 : vector<136x128xi1>
    %or3A_294 = arith.ori %gt3A_290, %and3A_293 : vector<136x128xi1>
    %and3A_295 = arith.constant 16 : i32
    %and3A_296 = vector.broadcast %and3A_295 : i32 to vector<136x128xi32>
    %and3A_297 = arith.andi %iota3A, %and3A_296 : vector<136x128xi32>
    %eq3A_298 = arith.constant 0 : i32
    %eq3A_299 = vector.broadcast %eq3A_298 : i32 to vector<136x128xi32>
    %eq3A_300 = arith.cmpi eq, %and3A_297, %eq3A_299 : vector<136x128xi32>
    %eq3A_301 = arith.xori %eq3A_300, %eq3A_275 : vector<136x128xi1>
    %eq3A_302 = arith.constant dense<true> : vector<136x128xi1>
    %eq3A_303 = arith.xori %eq3A_301, %eq3A_302 : vector<136x128xi1>
    %eq3A_304 = arith.xori %eq3A_303, %or3A_294 : vector<136x128xi1>
    %eq3A_305 = arith.constant dense<true> : vector<136x128xi1>
    %eq3A_306 = arith.xori %eq3A_304, %eq3A_305 : vector<136x128xi1>
    %select_n3A_307 = arith.select %eq3A_306, %select_n3A_282, %select_n3A_268 : vector<136x128xi1>, vector<136x128xi32>
    %select_n3A_308 = arith.select %eq3A_306, %select_n3A_289, %select_n3A_269 : vector<136x128xi1>, vector<136x128xi32>
    %and3A_309 = arith.constant 2 : i32
    %and3A_310 = vector.broadcast %and3A_309 : i32 to vector<136x128xi32>
    %and3A_311 = arith.andi %iota3A, %and3A_310 : vector<136x128xi32>
    %eq3A_312 = arith.constant 0 : i32
    %eq3A_313 = vector.broadcast %eq3A_312 : i32 to vector<136x128xi32>
    %eq3A_314 = arith.cmpi eq, %and3A_311, %eq3A_313 : vector<136x128xi32>
    %slice3A_315 = vector.extract_strided_slice %select_n3A_307 {offsets = [0, 2], sizes = [136, 126], strides = [1, 1]} : vector<136x128xi32> to vector<136x126xi32>
    %slice3A_316 = vector.extract_strided_slice %select_n3A_307 {offsets = [0, 0], sizes = [136, 2], strides = [1, 1]} : vector<136x128xi32> to vector<136x2xi32>
    %concatenate3A_317 = tpu.concatenate %slice3A_315, %slice3A_316 in 1 : vector<136x126xi32>, vector<136x2xi32> -> vector<136x128xi32>
    %slice3A_318 = vector.extract_strided_slice %select_n3A_307 {offsets = [0, 126], sizes = [136, 2], strides = [1, 1]} : vector<136x128xi32> to vector<136x2xi32>
    %slice3A_319 = vector.extract_strided_slice %select_n3A_307 {offsets = [0, 0], sizes = [136, 126], strides = [1, 1]} : vector<136x128xi32> to vector<136x126xi32>
    %concatenate3A_320 = tpu.concatenate %slice3A_318, %slice3A_319 in 1 : vector<136x2xi32>, vector<136x126xi32> -> vector<136x128xi32>
    %select_n3A_321 = arith.select %eq3A_314, %concatenate3A_317, %concatenate3A_320 : vector<136x128xi1>, vector<136x128xi32>
    %slice3A_322 = vector.extract_strided_slice %select_n3A_308 {offsets = [0, 2], sizes = [136, 126], strides = [1, 1]} : vector<136x128xi32> to vector<136x126xi32>
    %slice3A_323 = vector.extract_strided_slice %select_n3A_308 {offsets = [0, 0], sizes = [136, 2], strides = [1, 1]} : vector<136x128xi32> to vector<136x2xi32>
    %concatenate3A_324 = tpu.concatenate %slice3A_322, %slice3A_323 in 1 : vector<136x126xi32>, vector<136x2xi32> -> vector<136x128xi32>
    %slice3A_325 = vector.extract_strided_slice %select_n3A_308 {offsets = [0, 126], sizes = [136, 2], strides = [1, 1]} : vector<136x128xi32> to vector<136x2xi32>
    %slice3A_326 = vector.extract_strided_slice %select_n3A_308 {offsets = [0, 0], sizes = [136, 126], strides = [1, 1]} : vector<136x128xi32> to vector<136x126xi32>
    %concatenate3A_327 = tpu.concatenate %slice3A_325, %slice3A_326 in 1 : vector<136x2xi32>, vector<136x126xi32> -> vector<136x128xi32>
    %select_n3A_328 = arith.select %eq3A_314, %concatenate3A_324, %concatenate3A_327 : vector<136x128xi1>, vector<136x128xi32>
    %gt3A_329 = arith.cmpi sgt, %select_n3A_321, %select_n3A_307 : vector<136x128xi32>
    %eq3A_330 = arith.cmpi eq, %select_n3A_321, %select_n3A_307 : vector<136x128xi32>
    %lt3A_331 = arith.cmpi slt, %select_n3A_328, %select_n3A_308 : vector<136x128xi32>
    %and3A_332 = arith.andi %eq3A_330, %lt3A_331 : vector<136x128xi1>
    %or3A_333 = arith.ori %gt3A_329, %and3A_332 : vector<136x128xi1>
    %and3A_334 = arith.constant 16 : i32
    %and3A_335 = vector.broadcast %and3A_334 : i32 to vector<136x128xi32>
    %and3A_336 = arith.andi %iota3A, %and3A_335 : vector<136x128xi32>
    %eq3A_337 = arith.constant 0 : i32
    %eq3A_338 = vector.broadcast %eq3A_337 : i32 to vector<136x128xi32>
    %eq3A_339 = arith.cmpi eq, %and3A_336, %eq3A_338 : vector<136x128xi32>
    %eq3A_340 = arith.xori %eq3A_339, %eq3A_314 : vector<136x128xi1>
    %eq3A_341 = arith.constant dense<true> : vector<136x128xi1>
    %eq3A_342 = arith.xori %eq3A_340, %eq3A_341 : vector<136x128xi1>
    %eq3A_343 = arith.xori %eq3A_342, %or3A_333 : vector<136x128xi1>
    %eq3A_344 = arith.constant dense<true> : vector<136x128xi1>
    %eq3A_345 = arith.xori %eq3A_343, %eq3A_344 : vector<136x128xi1>
    %select_n3A_346 = arith.select %eq3A_345, %select_n3A_321, %select_n3A_307 : vector<136x128xi1>, vector<136x128xi32>
    %select_n3A_347 = arith.select %eq3A_345, %select_n3A_328, %select_n3A_308 : vector<136x128xi1>, vector<136x128xi32>
    %and3A_348 = arith.constant 1 : i32
    %and3A_349 = vector.broadcast %and3A_348 : i32 to vector<136x128xi32>
    %and3A_350 = arith.andi %iota3A, %and3A_349 : vector<136x128xi32>
    %eq3A_351 = arith.constant 0 : i32
    %eq3A_352 = vector.broadcast %eq3A_351 : i32 to vector<136x128xi32>
    %eq3A_353 = arith.cmpi eq, %and3A_350, %eq3A_352 : vector<136x128xi32>
    %slice3A_354 = vector.extract_strided_slice %select_n3A_346 {offsets = [0, 1], sizes = [136, 127], strides = [1, 1]} : vector<136x128xi32> to vector<136x127xi32>
    %slice3A_355 = vector.extract_strided_slice %select_n3A_346 {offsets = [0, 0], sizes = [136, 1], strides = [1, 1]} : vector<136x128xi32> to vector<136x1xi32>
    %concatenate3A_356 = tpu.concatenate %slice3A_354, %slice3A_355 in 1 : vector<136x127xi32>, vector<136x1xi32> -> vector<136x128xi32>
    %slice3A_357 = vector.extract_strided_slice %select_n3A_346 {offsets = [0, 127], sizes = [136, 1], strides = [1, 1]} : vector<136x128xi32> to vector<136x1xi32>
    %slice3A_358 = vector.extract_strided_slice %select_n3A_346 {offsets = [0, 0], sizes = [136, 127], strides = [1, 1]} : vector<136x128xi32> to vector<136x127xi32>
    %concatenate3A_359 = tpu.concatenate %slice3A_357, %slice3A_358 in 1 : vector<136x1xi32>, vector<136x127xi32> -> vector<136x128xi32>
    %select_n3A_360 = arith.select %eq3A_353, %concatenate3A_356, %concatenate3A_359 : vector<136x128xi1>, vector<136x128xi32>
    %slice3A_361 = vector.extract_strided_slice %select_n3A_347 {offsets = [0, 1], sizes = [136, 127], strides = [1, 1]} : vector<136x128xi32> to vector<136x127xi32>
    %slice3A_362 = vector.extract_strided_slice %select_n3A_347 {offsets = [0, 0], sizes = [136, 1], strides = [1, 1]} : vector<136x128xi32> to vector<136x1xi32>
    %concatenate3A_363 = tpu.concatenate %slice3A_361, %slice3A_362 in 1 : vector<136x127xi32>, vector<136x1xi32> -> vector<136x128xi32>
    %slice3A_364 = vector.extract_strided_slice %select_n3A_347 {offsets = [0, 127], sizes = [136, 1], strides = [1, 1]} : vector<136x128xi32> to vector<136x1xi32>
    %slice3A_365 = vector.extract_strided_slice %select_n3A_347 {offsets = [0, 0], sizes = [136, 127], strides = [1, 1]} : vector<136x128xi32> to vector<136x127xi32>
    %concatenate3A_366 = tpu.concatenate %slice3A_364, %slice3A_365 in 1 : vector<136x1xi32>, vector<136x127xi32> -> vector<136x128xi32>
    %select_n3A_367 = arith.select %eq3A_353, %concatenate3A_363, %concatenate3A_366 : vector<136x128xi1>, vector<136x128xi32>
    %gt3A_368 = arith.cmpi sgt, %select_n3A_360, %select_n3A_346 : vector<136x128xi32>
    %eq3A_369 = arith.cmpi eq, %select_n3A_360, %select_n3A_346 : vector<136x128xi32>
    %lt3A_370 = arith.cmpi slt, %select_n3A_367, %select_n3A_347 : vector<136x128xi32>
    %and3A_371 = arith.andi %eq3A_369, %lt3A_370 : vector<136x128xi1>
    %or3A_372 = arith.ori %gt3A_368, %and3A_371 : vector<136x128xi1>
    %and3A_373 = arith.constant 16 : i32
    %and3A_374 = vector.broadcast %and3A_373 : i32 to vector<136x128xi32>
    %and3A_375 = arith.andi %iota3A, %and3A_374 : vector<136x128xi32>
    %eq3A_376 = arith.constant 0 : i32
    %eq3A_377 = vector.broadcast %eq3A_376 : i32 to vector<136x128xi32>
    %eq3A_378 = arith.cmpi eq, %and3A_375, %eq3A_377 : vector<136x128xi32>
    %eq3A_379 = arith.xori %eq3A_378, %eq3A_353 : vector<136x128xi1>
    %eq3A_380 = arith.constant dense<true> : vector<136x128xi1>
    %eq3A_381 = arith.xori %eq3A_379, %eq3A_380 : vector<136x128xi1>
    %eq3A_382 = arith.xori %eq3A_381, %or3A_372 : vector<136x128xi1>
    %eq3A_383 = arith.constant dense<true> : vector<136x128xi1>
    %eq3A_384 = arith.xori %eq3A_382, %eq3A_383 : vector<136x128xi1>
    %select_n3A_385 = arith.select %eq3A_384, %select_n3A_360, %select_n3A_346 : vector<136x128xi1>, vector<136x128xi32>
    %select_n3A_386 = arith.select %eq3A_384, %select_n3A_367, %select_n3A_347 : vector<136x128xi1>, vector<136x128xi32>
    %and3A_387 = arith.constant 16 : i32
    %and3A_388 = vector.broadcast %and3A_387 : i32 to vector<136x128xi32>
    %and3A_389 = arith.andi %iota3A, %and3A_388 : vector<136x128xi32>
    %eq3A_390 = arith.constant 0 : i32
    %eq3A_391 = vector.broadcast %eq3A_390 : i32 to vector<136x128xi32>
    %eq3A_392 = arith.cmpi eq, %and3A_389, %eq3A_391 : vector<136x128xi32>
    %slice3A_393 = vector.extract_strided_slice %select_n3A_385 {offsets = [0, 16], sizes = [136, 112], strides = [1, 1]} : vector<136x128xi32> to vector<136x112xi32>
    %slice3A_394 = vector.extract_strided_slice %select_n3A_385 {offsets = [0, 0], sizes = [136, 16], strides = [1, 1]} : vector<136x128xi32> to vector<136x16xi32>
    %concatenate3A_395 = tpu.concatenate %slice3A_393, %slice3A_394 in 1 : vector<136x112xi32>, vector<136x16xi32> -> vector<136x128xi32>
    %slice3A_396 = vector.extract_strided_slice %select_n3A_385 {offsets = [0, 112], sizes = [136, 16], strides = [1, 1]} : vector<136x128xi32> to vector<136x16xi32>
    %slice3A_397 = vector.extract_strided_slice %select_n3A_385 {offsets = [0, 0], sizes = [136, 112], strides = [1, 1]} : vector<136x128xi32> to vector<136x112xi32>
    %concatenate3A_398 = tpu.concatenate %slice3A_396, %slice3A_397 in 1 : vector<136x16xi32>, vector<136x112xi32> -> vector<136x128xi32>
    %select_n3A_399 = arith.select %eq3A_392, %concatenate3A_395, %concatenate3A_398 : vector<136x128xi1>, vector<136x128xi32>
    %slice3A_400 = vector.extract_strided_slice %select_n3A_386 {offsets = [0, 16], sizes = [136, 112], strides = [1, 1]} : vector<136x128xi32> to vector<136x112xi32>
    %slice3A_401 = vector.extract_strided_slice %select_n3A_386 {offsets = [0, 0], sizes = [136, 16], strides = [1, 1]} : vector<136x128xi32> to vector<136x16xi32>
    %concatenate3A_402 = tpu.concatenate %slice3A_400, %slice3A_401 in 1 : vector<136x112xi32>, vector<136x16xi32> -> vector<136x128xi32>
    %slice3A_403 = vector.extract_strided_slice %select_n3A_386 {offsets = [0, 112], sizes = [136, 16], strides = [1, 1]} : vector<136x128xi32> to vector<136x16xi32>
    %slice3A_404 = vector.extract_strided_slice %select_n3A_386 {offsets = [0, 0], sizes = [136, 112], strides = [1, 1]} : vector<136x128xi32> to vector<136x112xi32>
    %concatenate3A_405 = tpu.concatenate %slice3A_403, %slice3A_404 in 1 : vector<136x16xi32>, vector<136x112xi32> -> vector<136x128xi32>
    %select_n3A_406 = arith.select %eq3A_392, %concatenate3A_402, %concatenate3A_405 : vector<136x128xi1>, vector<136x128xi32>
    %gt3A_407 = arith.cmpi sgt, %select_n3A_399, %select_n3A_385 : vector<136x128xi32>
    %eq3A_408 = arith.cmpi eq, %select_n3A_399, %select_n3A_385 : vector<136x128xi32>
    %lt3A_409 = arith.cmpi slt, %select_n3A_406, %select_n3A_386 : vector<136x128xi32>
    %and3A_410 = arith.andi %eq3A_408, %lt3A_409 : vector<136x128xi1>
    %or3A_411 = arith.ori %gt3A_407, %and3A_410 : vector<136x128xi1>
    %and3A_412 = arith.constant 32 : i32
    %and3A_413 = vector.broadcast %and3A_412 : i32 to vector<136x128xi32>
    %and3A_414 = arith.andi %iota3A, %and3A_413 : vector<136x128xi32>
    %eq3A_415 = arith.constant 0 : i32
    %eq3A_416 = vector.broadcast %eq3A_415 : i32 to vector<136x128xi32>
    %eq3A_417 = arith.cmpi eq, %and3A_414, %eq3A_416 : vector<136x128xi32>
    %eq3A_418 = arith.xori %eq3A_417, %eq3A_392 : vector<136x128xi1>
    %eq3A_419 = arith.constant dense<true> : vector<136x128xi1>
    %eq3A_420 = arith.xori %eq3A_418, %eq3A_419 : vector<136x128xi1>
    %eq3A_421 = arith.xori %eq3A_420, %or3A_411 : vector<136x128xi1>
    %eq3A_422 = arith.constant dense<true> : vector<136x128xi1>
    %eq3A_423 = arith.xori %eq3A_421, %eq3A_422 : vector<136x128xi1>
    %select_n3A_424 = arith.select %eq3A_423, %select_n3A_399, %select_n3A_385 : vector<136x128xi1>, vector<136x128xi32>
    %select_n3A_425 = arith.select %eq3A_423, %select_n3A_406, %select_n3A_386 : vector<136x128xi1>, vector<136x128xi32>
    %and3A_426 = arith.constant 8 : i32
    %and3A_427 = vector.broadcast %and3A_426 : i32 to vector<136x128xi32>
    %and3A_428 = arith.andi %iota3A, %and3A_427 : vector<136x128xi32>
    %eq3A_429 = arith.constant 0 : i32
    %eq3A_430 = vector.broadcast %eq3A_429 : i32 to vector<136x128xi32>
    %eq3A_431 = arith.cmpi eq, %and3A_428, %eq3A_430 : vector<136x128xi32>
    %slice3A_432 = vector.extract_strided_slice %select_n3A_424 {offsets = [0, 8], sizes = [136, 120], strides = [1, 1]} : vector<136x128xi32> to vector<136x120xi32>
    %slice3A_433 = vector.extract_strided_slice %select_n3A_424 {offsets = [0, 0], sizes = [136, 8], strides = [1, 1]} : vector<136x128xi32> to vector<136x8xi32>
    %concatenate3A_434 = tpu.concatenate %slice3A_432, %slice3A_433 in 1 : vector<136x120xi32>, vector<136x8xi32> -> vector<136x128xi32>
    %slice3A_435 = vector.extract_strided_slice %select_n3A_424 {offsets = [0, 120], sizes = [136, 8], strides = [1, 1]} : vector<136x128xi32> to vector<136x8xi32>
    %slice3A_436 = vector.extract_strided_slice %select_n3A_424 {offsets = [0, 0], sizes = [136, 120], strides = [1, 1]} : vector<136x128xi32> to vector<136x120xi32>
    %concatenate3A_437 = tpu.concatenate %slice3A_435, %slice3A_436 in 1 : vector<136x8xi32>, vector<136x120xi32> -> vector<136x128xi32>
    %select_n3A_438 = arith.select %eq3A_431, %concatenate3A_434, %concatenate3A_437 : vector<136x128xi1>, vector<136x128xi32>
    %slice3A_439 = vector.extract_strided_slice %select_n3A_425 {offsets = [0, 8], sizes = [136, 120], strides = [1, 1]} : vector<136x128xi32> to vector<136x120xi32>
    %slice3A_440 = vector.extract_strided_slice %select_n3A_425 {offsets = [0, 0], sizes = [136, 8], strides = [1, 1]} : vector<136x128xi32> to vector<136x8xi32>
    %concatenate3A_441 = tpu.concatenate %slice3A_439, %slice3A_440 in 1 : vector<136x120xi32>, vector<136x8xi32> -> vector<136x128xi32>
    %slice3A_442 = vector.extract_strided_slice %select_n3A_425 {offsets = [0, 120], sizes = [136, 8], strides = [1, 1]} : vector<136x128xi32> to vector<136x8xi32>
    %slice3A_443 = vector.extract_strided_slice %select_n3A_425 {offsets = [0, 0], sizes = [136, 120], strides = [1, 1]} : vector<136x128xi32> to vector<136x120xi32>
    %concatenate3A_444 = tpu.concatenate %slice3A_442, %slice3A_443 in 1 : vector<136x8xi32>, vector<136x120xi32> -> vector<136x128xi32>
    %select_n3A_445 = arith.select %eq3A_431, %concatenate3A_441, %concatenate3A_444 : vector<136x128xi1>, vector<136x128xi32>
    %gt3A_446 = arith.cmpi sgt, %select_n3A_438, %select_n3A_424 : vector<136x128xi32>
    %eq3A_447 = arith.cmpi eq, %select_n3A_438, %select_n3A_424 : vector<136x128xi32>
    %lt3A_448 = arith.cmpi slt, %select_n3A_445, %select_n3A_425 : vector<136x128xi32>
    %and3A_449 = arith.andi %eq3A_447, %lt3A_448 : vector<136x128xi1>
    %or3A_450 = arith.ori %gt3A_446, %and3A_449 : vector<136x128xi1>
    %and3A_451 = arith.constant 32 : i32
    %and3A_452 = vector.broadcast %and3A_451 : i32 to vector<136x128xi32>
    %and3A_453 = arith.andi %iota3A, %and3A_452 : vector<136x128xi32>
    %eq3A_454 = arith.constant 0 : i32
    %eq3A_455 = vector.broadcast %eq3A_454 : i32 to vector<136x128xi32>
    %eq3A_456 = arith.cmpi eq, %and3A_453, %eq3A_455 : vector<136x128xi32>
    %eq3A_457 = arith.xori %eq3A_456, %eq3A_431 : vector<136x128xi1>
    %eq3A_458 = arith.constant dense<true> : vector<136x128xi1>
    %eq3A_459 = arith.xori %eq3A_457, %eq3A_458 : vector<136x128xi1>
    %eq3A_460 = arith.xori %eq3A_459, %or3A_450 : vector<136x128xi1>
    %eq3A_461 = arith.constant dense<true> : vector<136x128xi1>
    %eq3A_462 = arith.xori %eq3A_460, %eq3A_461 : vector<136x128xi1>
    %select_n3A_463 = arith.select %eq3A_462, %select_n3A_438, %select_n3A_424 : vector<136x128xi1>, vector<136x128xi32>
    %select_n3A_464 = arith.select %eq3A_462, %select_n3A_445, %select_n3A_425 : vector<136x128xi1>, vector<136x128xi32>
    %and3A_465 = arith.constant 4 : i32
    %and3A_466 = vector.broadcast %and3A_465 : i32 to vector<136x128xi32>
    %and3A_467 = arith.andi %iota3A, %and3A_466 : vector<136x128xi32>
    %eq3A_468 = arith.constant 0 : i32
    %eq3A_469 = vector.broadcast %eq3A_468 : i32 to vector<136x128xi32>
    %eq3A_470 = arith.cmpi eq, %and3A_467, %eq3A_469 : vector<136x128xi32>
    %slice3A_471 = vector.extract_strided_slice %select_n3A_463 {offsets = [0, 4], sizes = [136, 124], strides = [1, 1]} : vector<136x128xi32> to vector<136x124xi32>
    %slice3A_472 = vector.extract_strided_slice %select_n3A_463 {offsets = [0, 0], sizes = [136, 4], strides = [1, 1]} : vector<136x128xi32> to vector<136x4xi32>
    %concatenate3A_473 = tpu.concatenate %slice3A_471, %slice3A_472 in 1 : vector<136x124xi32>, vector<136x4xi32> -> vector<136x128xi32>
    %slice3A_474 = vector.extract_strided_slice %select_n3A_463 {offsets = [0, 124], sizes = [136, 4], strides = [1, 1]} : vector<136x128xi32> to vector<136x4xi32>
    %slice3A_475 = vector.extract_strided_slice %select_n3A_463 {offsets = [0, 0], sizes = [136, 124], strides = [1, 1]} : vector<136x128xi32> to vector<136x124xi32>
    %concatenate3A_476 = tpu.concatenate %slice3A_474, %slice3A_475 in 1 : vector<136x4xi32>, vector<136x124xi32> -> vector<136x128xi32>
    %select_n3A_477 = arith.select %eq3A_470, %concatenate3A_473, %concatenate3A_476 : vector<136x128xi1>, vector<136x128xi32>
    %slice3A_478 = vector.extract_strided_slice %select_n3A_464 {offsets = [0, 4], sizes = [136, 124], strides = [1, 1]} : vector<136x128xi32> to vector<136x124xi32>
    %slice3A_479 = vector.extract_strided_slice %select_n3A_464 {offsets = [0, 0], sizes = [136, 4], strides = [1, 1]} : vector<136x128xi32> to vector<136x4xi32>
    %concatenate3A_480 = tpu.concatenate %slice3A_478, %slice3A_479 in 1 : vector<136x124xi32>, vector<136x4xi32> -> vector<136x128xi32>
    %slice3A_481 = vector.extract_strided_slice %select_n3A_464 {offsets = [0, 124], sizes = [136, 4], strides = [1, 1]} : vector<136x128xi32> to vector<136x4xi32>
    %slice3A_482 = vector.extract_strided_slice %select_n3A_464 {offsets = [0, 0], sizes = [136, 124], strides = [1, 1]} : vector<136x128xi32> to vector<136x124xi32>
    %concatenate3A_483 = tpu.concatenate %slice3A_481, %slice3A_482 in 1 : vector<136x4xi32>, vector<136x124xi32> -> vector<136x128xi32>
    %select_n3A_484 = arith.select %eq3A_470, %concatenate3A_480, %concatenate3A_483 : vector<136x128xi1>, vector<136x128xi32>
    %gt3A_485 = arith.cmpi sgt, %select_n3A_477, %select_n3A_463 : vector<136x128xi32>
    %eq3A_486 = arith.cmpi eq, %select_n3A_477, %select_n3A_463 : vector<136x128xi32>
    %lt3A_487 = arith.cmpi slt, %select_n3A_484, %select_n3A_464 : vector<136x128xi32>
    %and3A_488 = arith.andi %eq3A_486, %lt3A_487 : vector<136x128xi1>
    %or3A_489 = arith.ori %gt3A_485, %and3A_488 : vector<136x128xi1>
    %and3A_490 = arith.constant 32 : i32
    %and3A_491 = vector.broadcast %and3A_490 : i32 to vector<136x128xi32>
    %and3A_492 = arith.andi %iota3A, %and3A_491 : vector<136x128xi32>
    %eq3A_493 = arith.constant 0 : i32
    %eq3A_494 = vector.broadcast %eq3A_493 : i32 to vector<136x128xi32>
    %eq3A_495 = arith.cmpi eq, %and3A_492, %eq3A_494 : vector<136x128xi32>
    %eq3A_496 = arith.xori %eq3A_495, %eq3A_470 : vector<136x128xi1>
    %eq3A_497 = arith.constant dense<true> : vector<136x128xi1>
    %eq3A_498 = arith.xori %eq3A_496, %eq3A_497 : vector<136x128xi1>
    %eq3A_499 = arith.xori %eq3A_498, %or3A_489 : vector<136x128xi1>
    %eq3A_500 = arith.constant dense<true> : vector<136x128xi1>
    %eq3A_501 = arith.xori %eq3A_499, %eq3A_500 : vector<136x128xi1>
    %select_n3A_502 = arith.select %eq3A_501, %select_n3A_477, %select_n3A_463 : vector<136x128xi1>, vector<136x128xi32>
    %select_n3A_503 = arith.select %eq3A_501, %select_n3A_484, %select_n3A_464 : vector<136x128xi1>, vector<136x128xi32>
    %and3A_504 = arith.constant 2 : i32
    %and3A_505 = vector.broadcast %and3A_504 : i32 to vector<136x128xi32>
    %and3A_506 = arith.andi %iota3A, %and3A_505 : vector<136x128xi32>
    %eq3A_507 = arith.constant 0 : i32
    %eq3A_508 = vector.broadcast %eq3A_507 : i32 to vector<136x128xi32>
    %eq3A_509 = arith.cmpi eq, %and3A_506, %eq3A_508 : vector<136x128xi32>
    %slice3A_510 = vector.extract_strided_slice %select_n3A_502 {offsets = [0, 2], sizes = [136, 126], strides = [1, 1]} : vector<136x128xi32> to vector<136x126xi32>
    %slice3A_511 = vector.extract_strided_slice %select_n3A_502 {offsets = [0, 0], sizes = [136, 2], strides = [1, 1]} : vector<136x128xi32> to vector<136x2xi32>
    %concatenate3A_512 = tpu.concatenate %slice3A_510, %slice3A_511 in 1 : vector<136x126xi32>, vector<136x2xi32> -> vector<136x128xi32>
    %slice3A_513 = vector.extract_strided_slice %select_n3A_502 {offsets = [0, 126], sizes = [136, 2], strides = [1, 1]} : vector<136x128xi32> to vector<136x2xi32>
    %slice3A_514 = vector.extract_strided_slice %select_n3A_502 {offsets = [0, 0], sizes = [136, 126], strides = [1, 1]} : vector<136x128xi32> to vector<136x126xi32>
    %concatenate3A_515 = tpu.concatenate %slice3A_513, %slice3A_514 in 1 : vector<136x2xi32>, vector<136x126xi32> -> vector<136x128xi32>
    %select_n3A_516 = arith.select %eq3A_509, %concatenate3A_512, %concatenate3A_515 : vector<136x128xi1>, vector<136x128xi32>
    %slice3A_517 = vector.extract_strided_slice %select_n3A_503 {offsets = [0, 2], sizes = [136, 126], strides = [1, 1]} : vector<136x128xi32> to vector<136x126xi32>
    %slice3A_518 = vector.extract_strided_slice %select_n3A_503 {offsets = [0, 0], sizes = [136, 2], strides = [1, 1]} : vector<136x128xi32> to vector<136x2xi32>
    %concatenate3A_519 = tpu.concatenate %slice3A_517, %slice3A_518 in 1 : vector<136x126xi32>, vector<136x2xi32> -> vector<136x128xi32>
    %slice3A_520 = vector.extract_strided_slice %select_n3A_503 {offsets = [0, 126], sizes = [136, 2], strides = [1, 1]} : vector<136x128xi32> to vector<136x2xi32>
    %slice3A_521 = vector.extract_strided_slice %select_n3A_503 {offsets = [0, 0], sizes = [136, 126], strides = [1, 1]} : vector<136x128xi32> to vector<136x126xi32>
    %concatenate3A_522 = tpu.concatenate %slice3A_520, %slice3A_521 in 1 : vector<136x2xi32>, vector<136x126xi32> -> vector<136x128xi32>
    %select_n3A_523 = arith.select %eq3A_509, %concatenate3A_519, %concatenate3A_522 : vector<136x128xi1>, vector<136x128xi32>
    %gt3A_524 = arith.cmpi sgt, %select_n3A_516, %select_n3A_502 : vector<136x128xi32>
    %eq3A_525 = arith.cmpi eq, %select_n3A_516, %select_n3A_502 : vector<136x128xi32>
    %lt3A_526 = arith.cmpi slt, %select_n3A_523, %select_n3A_503 : vector<136x128xi32>
    %and3A_527 = arith.andi %eq3A_525, %lt3A_526 : vector<136x128xi1>
    %or3A_528 = arith.ori %gt3A_524, %and3A_527 : vector<136x128xi1>
    %and3A_529 = arith.constant 32 : i32
    %and3A_530 = vector.broadcast %and3A_529 : i32 to vector<136x128xi32>
    %and3A_531 = arith.andi %iota3A, %and3A_530 : vector<136x128xi32>
    %eq3A_532 = arith.constant 0 : i32
    %eq3A_533 = vector.broadcast %eq3A_532 : i32 to vector<136x128xi32>
    %eq3A_534 = arith.cmpi eq, %and3A_531, %eq3A_533 : vector<136x128xi32>
    %eq3A_535 = arith.xori %eq3A_534, %eq3A_509 : vector<136x128xi1>
    %eq3A_536 = arith.constant dense<true> : vector<136x128xi1>
    %eq3A_537 = arith.xori %eq3A_535, %eq3A_536 : vector<136x128xi1>
    %eq3A_538 = arith.xori %eq3A_537, %or3A_528 : vector<136x128xi1>
    %eq3A_539 = arith.constant dense<true> : vector<136x128xi1>
    %eq3A_540 = arith.xori %eq3A_538, %eq3A_539 : vector<136x128xi1>
    %select_n3A_541 = arith.select %eq3A_540, %select_n3A_516, %select_n3A_502 : vector<136x128xi1>, vector<136x128xi32>
    %select_n3A_542 = arith.select %eq3A_540, %select_n3A_523, %select_n3A_503 : vector<136x128xi1>, vector<136x128xi32>
    %and3A_543 = arith.constant 1 : i32
    %and3A_544 = vector.broadcast %and3A_543 : i32 to vector<136x128xi32>
    %and3A_545 = arith.andi %iota3A, %and3A_544 : vector<136x128xi32>
    %eq3A_546 = arith.constant 0 : i32
    %eq3A_547 = vector.broadcast %eq3A_546 : i32 to vector<136x128xi32>
    %eq3A_548 = arith.cmpi eq, %and3A_545, %eq3A_547 : vector<136x128xi32>
    %slice3A_549 = vector.extract_strided_slice %select_n3A_541 {offsets = [0, 1], sizes = [136, 127], strides = [1, 1]} : vector<136x128xi32> to vector<136x127xi32>
    %slice3A_550 = vector.extract_strided_slice %select_n3A_541 {offsets = [0, 0], sizes = [136, 1], strides = [1, 1]} : vector<136x128xi32> to vector<136x1xi32>
    %concatenate3A_551 = tpu.concatenate %slice3A_549, %slice3A_550 in 1 : vector<136x127xi32>, vector<136x1xi32> -> vector<136x128xi32>
    %slice3A_552 = vector.extract_strided_slice %select_n3A_541 {offsets = [0, 127], sizes = [136, 1], strides = [1, 1]} : vector<136x128xi32> to vector<136x1xi32>
    %slice3A_553 = vector.extract_strided_slice %select_n3A_541 {offsets = [0, 0], sizes = [136, 127], strides = [1, 1]} : vector<136x128xi32> to vector<136x127xi32>
    %concatenate3A_554 = tpu.concatenate %slice3A_552, %slice3A_553 in 1 : vector<136x1xi32>, vector<136x127xi32> -> vector<136x128xi32>
    %select_n3A_555 = arith.select %eq3A_548, %concatenate3A_551, %concatenate3A_554 : vector<136x128xi1>, vector<136x128xi32>
    %slice3A_556 = vector.extract_strided_slice %select_n3A_542 {offsets = [0, 1], sizes = [136, 127], strides = [1, 1]} : vector<136x128xi32> to vector<136x127xi32>
    %slice3A_557 = vector.extract_strided_slice %select_n3A_542 {offsets = [0, 0], sizes = [136, 1], strides = [1, 1]} : vector<136x128xi32> to vector<136x1xi32>
    %concatenate3A_558 = tpu.concatenate %slice3A_556, %slice3A_557 in 1 : vector<136x127xi32>, vector<136x1xi32> -> vector<136x128xi32>
    %slice3A_559 = vector.extract_strided_slice %select_n3A_542 {offsets = [0, 127], sizes = [136, 1], strides = [1, 1]} : vector<136x128xi32> to vector<136x1xi32>
    %slice3A_560 = vector.extract_strided_slice %select_n3A_542 {offsets = [0, 0], sizes = [136, 127], strides = [1, 1]} : vector<136x128xi32> to vector<136x127xi32>
    %concatenate3A_561 = tpu.concatenate %slice3A_559, %slice3A_560 in 1 : vector<136x1xi32>, vector<136x127xi32> -> vector<136x128xi32>
    %select_n3A_562 = arith.select %eq3A_548, %concatenate3A_558, %concatenate3A_561 : vector<136x128xi1>, vector<136x128xi32>
    %gt3A_563 = arith.cmpi sgt, %select_n3A_555, %select_n3A_541 : vector<136x128xi32>
    %eq3A_564 = arith.cmpi eq, %select_n3A_555, %select_n3A_541 : vector<136x128xi32>
    %lt3A_565 = arith.cmpi slt, %select_n3A_562, %select_n3A_542 : vector<136x128xi32>
    %and3A_566 = arith.andi %eq3A_564, %lt3A_565 : vector<136x128xi1>
    %or3A_567 = arith.ori %gt3A_563, %and3A_566 : vector<136x128xi1>
    %and3A_568 = arith.constant 32 : i32
    %and3A_569 = vector.broadcast %and3A_568 : i32 to vector<136x128xi32>
    %and3A_570 = arith.andi %iota3A, %and3A_569 : vector<136x128xi32>
    %eq3A_571 = arith.constant 0 : i32
    %eq3A_572 = vector.broadcast %eq3A_571 : i32 to vector<136x128xi32>
    %eq3A_573 = arith.cmpi eq, %and3A_570, %eq3A_572 : vector<136x128xi32>
    %eq3A_574 = arith.xori %eq3A_573, %eq3A_548 : vector<136x128xi1>
    %eq3A_575 = arith.constant dense<true> : vector<136x128xi1>
    %eq3A_576 = arith.xori %eq3A_574, %eq3A_575 : vector<136x128xi1>
    %eq3A_577 = arith.xori %eq3A_576, %or3A_567 : vector<136x128xi1>
    %eq3A_578 = arith.constant dense<true> : vector<136x128xi1>
    %eq3A_579 = arith.xori %eq3A_577, %eq3A_578 : vector<136x128xi1>
    %select_n3A_580 = arith.select %eq3A_579, %select_n3A_555, %select_n3A_541 : vector<136x128xi1>, vector<136x128xi32>
    %select_n3A_581 = arith.select %eq3A_579, %select_n3A_562, %select_n3A_542 : vector<136x128xi1>, vector<136x128xi32>
    %and3A_582 = arith.constant 32 : i32
    %and3A_583 = vector.broadcast %and3A_582 : i32 to vector<136x128xi32>
    %and3A_584 = arith.andi %iota3A, %and3A_583 : vector<136x128xi32>
    %eq3A_585 = arith.constant 0 : i32
    %eq3A_586 = vector.broadcast %eq3A_585 : i32 to vector<136x128xi32>
    %eq3A_587 = arith.cmpi eq, %and3A_584, %eq3A_586 : vector<136x128xi32>
    %slice3A_588 = vector.extract_strided_slice %select_n3A_580 {offsets = [0, 32], sizes = [136, 96], strides = [1, 1]} : vector<136x128xi32> to vector<136x96xi32>
    %slice3A_589 = vector.extract_strided_slice %select_n3A_580 {offsets = [0, 0], sizes = [136, 32], strides = [1, 1]} : vector<136x128xi32> to vector<136x32xi32>
    %concatenate3A_590 = tpu.concatenate %slice3A_588, %slice3A_589 in 1 : vector<136x96xi32>, vector<136x32xi32> -> vector<136x128xi32>
    %slice3A_591 = vector.extract_strided_slice %select_n3A_580 {offsets = [0, 96], sizes = [136, 32], strides = [1, 1]} : vector<136x128xi32> to vector<136x32xi32>
    %slice3A_592 = vector.extract_strided_slice %select_n3A_580 {offsets = [0, 0], sizes = [136, 96], strides = [1, 1]} : vector<136x128xi32> to vector<136x96xi32>
    %concatenate3A_593 = tpu.concatenate %slice3A_591, %slice3A_592 in 1 : vector<136x32xi32>, vector<136x96xi32> -> vector<136x128xi32>
    %select_n3A_594 = arith.select %eq3A_587, %concatenate3A_590, %concatenate3A_593 : vector<136x128xi1>, vector<136x128xi32>
    %slice3A_595 = vector.extract_strided_slice %select_n3A_581 {offsets = [0, 32], sizes = [136, 96], strides = [1, 1]} : vector<136x128xi32> to vector<136x96xi32>
    %slice3A_596 = vector.extract_strided_slice %select_n3A_581 {offsets = [0, 0], sizes = [136, 32], strides = [1, 1]} : vector<136x128xi32> to vector<136x32xi32>
    %concatenate3A_597 = tpu.concatenate %slice3A_595, %slice3A_596 in 1 : vector<136x96xi32>, vector<136x32xi32> -> vector<136x128xi32>
    %slice3A_598 = vector.extract_strided_slice %select_n3A_581 {offsets = [0, 96], sizes = [136, 32], strides = [1, 1]} : vector<136x128xi32> to vector<136x32xi32>
    %slice3A_599 = vector.extract_strided_slice %select_n3A_581 {offsets = [0, 0], sizes = [136, 96], strides = [1, 1]} : vector<136x128xi32> to vector<136x96xi32>
    %concatenate3A_600 = tpu.concatenate %slice3A_598, %slice3A_599 in 1 : vector<136x32xi32>, vector<136x96xi32> -> vector<136x128xi32>
    %select_n3A_601 = arith.select %eq3A_587, %concatenate3A_597, %concatenate3A_600 : vector<136x128xi1>, vector<136x128xi32>
    %gt3A_602 = arith.cmpi sgt, %select_n3A_594, %select_n3A_580 : vector<136x128xi32>
    %eq3A_603 = arith.cmpi eq, %select_n3A_594, %select_n3A_580 : vector<136x128xi32>
    %lt3A_604 = arith.cmpi slt, %select_n3A_601, %select_n3A_581 : vector<136x128xi32>
    %and3A_605 = arith.andi %eq3A_603, %lt3A_604 : vector<136x128xi1>
    %or3A_606 = arith.ori %gt3A_602, %and3A_605 : vector<136x128xi1>
    %and3A_607 = arith.constant 64 : i32
    %and3A_608 = vector.broadcast %and3A_607 : i32 to vector<136x128xi32>
    %and3A_609 = arith.andi %iota3A, %and3A_608 : vector<136x128xi32>
    %eq3A_610 = arith.constant 0 : i32
    %eq3A_611 = vector.broadcast %eq3A_610 : i32 to vector<136x128xi32>
    %eq3A_612 = arith.cmpi eq, %and3A_609, %eq3A_611 : vector<136x128xi32>
    %eq3A_613 = arith.xori %eq3A_612, %eq3A_587 : vector<136x128xi1>
    %eq3A_614 = arith.constant dense<true> : vector<136x128xi1>
    %eq3A_615 = arith.xori %eq3A_613, %eq3A_614 : vector<136x128xi1>
    %eq3A_616 = arith.xori %eq3A_615, %or3A_606 : vector<136x128xi1>
    %eq3A_617 = arith.constant dense<true> : vector<136x128xi1>
    %eq3A_618 = arith.xori %eq3A_616, %eq3A_617 : vector<136x128xi1>
    %select_n3A_619 = arith.select %eq3A_618, %select_n3A_594, %select_n3A_580 : vector<136x128xi1>, vector<136x128xi32>
    %select_n3A_620 = arith.select %eq3A_618, %select_n3A_601, %select_n3A_581 : vector<136x128xi1>, vector<136x128xi32>
    %and3A_621 = arith.constant 16 : i32
    %and3A_622 = vector.broadcast %and3A_621 : i32 to vector<136x128xi32>
    %and3A_623 = arith.andi %iota3A, %and3A_622 : vector<136x128xi32>
    %eq3A_624 = arith.constant 0 : i32
    %eq3A_625 = vector.broadcast %eq3A_624 : i32 to vector<136x128xi32>
    %eq3A_626 = arith.cmpi eq, %and3A_623, %eq3A_625 : vector<136x128xi32>
    %slice3A_627 = vector.extract_strided_slice %select_n3A_619 {offsets = [0, 16], sizes = [136, 112], strides = [1, 1]} : vector<136x128xi32> to vector<136x112xi32>
    %slice3A_628 = vector.extract_strided_slice %select_n3A_619 {offsets = [0, 0], sizes = [136, 16], strides = [1, 1]} : vector<136x128xi32> to vector<136x16xi32>
    %concatenate3A_629 = tpu.concatenate %slice3A_627, %slice3A_628 in 1 : vector<136x112xi32>, vector<136x16xi32> -> vector<136x128xi32>
    %slice3A_630 = vector.extract_strided_slice %select_n3A_619 {offsets = [0, 112], sizes = [136, 16], strides = [1, 1]} : vector<136x128xi32> to vector<136x16xi32>
    %slice3A_631 = vector.extract_strided_slice %select_n3A_619 {offsets = [0, 0], sizes = [136, 112], strides = [1, 1]} : vector<136x128xi32> to vector<136x112xi32>
    %concatenate3A_632 = tpu.concatenate %slice3A_630, %slice3A_631 in 1 : vector<136x16xi32>, vector<136x112xi32> -> vector<136x128xi32>
    %select_n3A_633 = arith.select %eq3A_626, %concatenate3A_629, %concatenate3A_632 : vector<136x128xi1>, vector<136x128xi32>
    %slice3A_634 = vector.extract_strided_slice %select_n3A_620 {offsets = [0, 16], sizes = [136, 112], strides = [1, 1]} : vector<136x128xi32> to vector<136x112xi32>
    %slice3A_635 = vector.extract_strided_slice %select_n3A_620 {offsets = [0, 0], sizes = [136, 16], strides = [1, 1]} : vector<136x128xi32> to vector<136x16xi32>
    %concatenate3A_636 = tpu.concatenate %slice3A_634, %slice3A_635 in 1 : vector<136x112xi32>, vector<136x16xi32> -> vector<136x128xi32>
    %slice3A_637 = vector.extract_strided_slice %select_n3A_620 {offsets = [0, 112], sizes = [136, 16], strides = [1, 1]} : vector<136x128xi32> to vector<136x16xi32>
    %slice3A_638 = vector.extract_strided_slice %select_n3A_620 {offsets = [0, 0], sizes = [136, 112], strides = [1, 1]} : vector<136x128xi32> to vector<136x112xi32>
    %concatenate3A_639 = tpu.concatenate %slice3A_637, %slice3A_638 in 1 : vector<136x16xi32>, vector<136x112xi32> -> vector<136x128xi32>
    %select_n3A_640 = arith.select %eq3A_626, %concatenate3A_636, %concatenate3A_639 : vector<136x128xi1>, vector<136x128xi32>
    %gt3A_641 = arith.cmpi sgt, %select_n3A_633, %select_n3A_619 : vector<136x128xi32>
    %eq3A_642 = arith.cmpi eq, %select_n3A_633, %select_n3A_619 : vector<136x128xi32>
    %lt3A_643 = arith.cmpi slt, %select_n3A_640, %select_n3A_620 : vector<136x128xi32>
    %and3A_644 = arith.andi %eq3A_642, %lt3A_643 : vector<136x128xi1>
    %or3A_645 = arith.ori %gt3A_641, %and3A_644 : vector<136x128xi1>
    %and3A_646 = arith.constant 64 : i32
    %and3A_647 = vector.broadcast %and3A_646 : i32 to vector<136x128xi32>
    %and3A_648 = arith.andi %iota3A, %and3A_647 : vector<136x128xi32>
    %eq3A_649 = arith.constant 0 : i32
    %eq3A_650 = vector.broadcast %eq3A_649 : i32 to vector<136x128xi32>
    %eq3A_651 = arith.cmpi eq, %and3A_648, %eq3A_650 : vector<136x128xi32>
    %eq3A_652 = arith.xori %eq3A_651, %eq3A_626 : vector<136x128xi1>
    %eq3A_653 = arith.constant dense<true> : vector<136x128xi1>
    %eq3A_654 = arith.xori %eq3A_652, %eq3A_653 : vector<136x128xi1>
    %eq3A_655 = arith.xori %eq3A_654, %or3A_645 : vector<136x128xi1>
    %eq3A_656 = arith.constant dense<true> : vector<136x128xi1>
    %eq3A_657 = arith.xori %eq3A_655, %eq3A_656 : vector<136x128xi1>
    %select_n3A_658 = arith.select %eq3A_657, %select_n3A_633, %select_n3A_619 : vector<136x128xi1>, vector<136x128xi32>
    %select_n3A_659 = arith.select %eq3A_657, %select_n3A_640, %select_n3A_620 : vector<136x128xi1>, vector<136x128xi32>
    %and3A_660 = arith.constant 8 : i32
    %and3A_661 = vector.broadcast %and3A_660 : i32 to vector<136x128xi32>
    %and3A_662 = arith.andi %iota3A, %and3A_661 : vector<136x128xi32>
    %eq3A_663 = arith.constant 0 : i32
    %eq3A_664 = vector.broadcast %eq3A_663 : i32 to vector<136x128xi32>
    %eq3A_665 = arith.cmpi eq, %and3A_662, %eq3A_664 : vector<136x128xi32>
    %slice3A_666 = vector.extract_strided_slice %select_n3A_658 {offsets = [0, 8], sizes = [136, 120], strides = [1, 1]} : vector<136x128xi32> to vector<136x120xi32>
    %slice3A_667 = vector.extract_strided_slice %select_n3A_658 {offsets = [0, 0], sizes = [136, 8], strides = [1, 1]} : vector<136x128xi32> to vector<136x8xi32>
    %concatenate3A_668 = tpu.concatenate %slice3A_666, %slice3A_667 in 1 : vector<136x120xi32>, vector<136x8xi32> -> vector<136x128xi32>
    %slice3A_669 = vector.extract_strided_slice %select_n3A_658 {offsets = [0, 120], sizes = [136, 8], strides = [1, 1]} : vector<136x128xi32> to vector<136x8xi32>
    %slice3A_670 = vector.extract_strided_slice %select_n3A_658 {offsets = [0, 0], sizes = [136, 120], strides = [1, 1]} : vector<136x128xi32> to vector<136x120xi32>
    %concatenate3A_671 = tpu.concatenate %slice3A_669, %slice3A_670 in 1 : vector<136x8xi32>, vector<136x120xi32> -> vector<136x128xi32>
    %select_n3A_672 = arith.select %eq3A_665, %concatenate3A_668, %concatenate3A_671 : vector<136x128xi1>, vector<136x128xi32>
    %slice3A_673 = vector.extract_strided_slice %select_n3A_659 {offsets = [0, 8], sizes = [136, 120], strides = [1, 1]} : vector<136x128xi32> to vector<136x120xi32>
    %slice3A_674 = vector.extract_strided_slice %select_n3A_659 {offsets = [0, 0], sizes = [136, 8], strides = [1, 1]} : vector<136x128xi32> to vector<136x8xi32>
    %concatenate3A_675 = tpu.concatenate %slice3A_673, %slice3A_674 in 1 : vector<136x120xi32>, vector<136x8xi32> -> vector<136x128xi32>
    %slice3A_676 = vector.extract_strided_slice %select_n3A_659 {offsets = [0, 120], sizes = [136, 8], strides = [1, 1]} : vector<136x128xi32> to vector<136x8xi32>
    %slice3A_677 = vector.extract_strided_slice %select_n3A_659 {offsets = [0, 0], sizes = [136, 120], strides = [1, 1]} : vector<136x128xi32> to vector<136x120xi32>
    %concatenate3A_678 = tpu.concatenate %slice3A_676, %slice3A_677 in 1 : vector<136x8xi32>, vector<136x120xi32> -> vector<136x128xi32>
    %select_n3A_679 = arith.select %eq3A_665, %concatenate3A_675, %concatenate3A_678 : vector<136x128xi1>, vector<136x128xi32>
    %gt3A_680 = arith.cmpi sgt, %select_n3A_672, %select_n3A_658 : vector<136x128xi32>
    %eq3A_681 = arith.cmpi eq, %select_n3A_672, %select_n3A_658 : vector<136x128xi32>
    %lt3A_682 = arith.cmpi slt, %select_n3A_679, %select_n3A_659 : vector<136x128xi32>
    %and3A_683 = arith.andi %eq3A_681, %lt3A_682 : vector<136x128xi1>
    %or3A_684 = arith.ori %gt3A_680, %and3A_683 : vector<136x128xi1>
    %and3A_685 = arith.constant 64 : i32
    %and3A_686 = vector.broadcast %and3A_685 : i32 to vector<136x128xi32>
    %and3A_687 = arith.andi %iota3A, %and3A_686 : vector<136x128xi32>
    %eq3A_688 = arith.constant 0 : i32
    %eq3A_689 = vector.broadcast %eq3A_688 : i32 to vector<136x128xi32>
    %eq3A_690 = arith.cmpi eq, %and3A_687, %eq3A_689 : vector<136x128xi32>
    %eq3A_691 = arith.xori %eq3A_690, %eq3A_665 : vector<136x128xi1>
    %eq3A_692 = arith.constant dense<true> : vector<136x128xi1>
    %eq3A_693 = arith.xori %eq3A_691, %eq3A_692 : vector<136x128xi1>
    %eq3A_694 = arith.xori %eq3A_693, %or3A_684 : vector<136x128xi1>
    %eq3A_695 = arith.constant dense<true> : vector<136x128xi1>
    %eq3A_696 = arith.xori %eq3A_694, %eq3A_695 : vector<136x128xi1>
    %select_n3A_697 = arith.select %eq3A_696, %select_n3A_672, %select_n3A_658 : vector<136x128xi1>, vector<136x128xi32>
    %select_n3A_698 = arith.select %eq3A_696, %select_n3A_679, %select_n3A_659 : vector<136x128xi1>, vector<136x128xi32>
    %and3A_699 = arith.constant 4 : i32
    %and3A_700 = vector.broadcast %and3A_699 : i32 to vector<136x128xi32>
    %and3A_701 = arith.andi %iota3A, %and3A_700 : vector<136x128xi32>
    %eq3A_702 = arith.constant 0 : i32
    %eq3A_703 = vector.broadcast %eq3A_702 : i32 to vector<136x128xi32>
    %eq3A_704 = arith.cmpi eq, %and3A_701, %eq3A_703 : vector<136x128xi32>
    %slice3A_705 = vector.extract_strided_slice %select_n3A_697 {offsets = [0, 4], sizes = [136, 124], strides = [1, 1]} : vector<136x128xi32> to vector<136x124xi32>
    %slice3A_706 = vector.extract_strided_slice %select_n3A_697 {offsets = [0, 0], sizes = [136, 4], strides = [1, 1]} : vector<136x128xi32> to vector<136x4xi32>
    %concatenate3A_707 = tpu.concatenate %slice3A_705, %slice3A_706 in 1 : vector<136x124xi32>, vector<136x4xi32> -> vector<136x128xi32>
    %slice3A_708 = vector.extract_strided_slice %select_n3A_697 {offsets = [0, 124], sizes = [136, 4], strides = [1, 1]} : vector<136x128xi32> to vector<136x4xi32>
    %slice3A_709 = vector.extract_strided_slice %select_n3A_697 {offsets = [0, 0], sizes = [136, 124], strides = [1, 1]} : vector<136x128xi32> to vector<136x124xi32>
    %concatenate3A_710 = tpu.concatenate %slice3A_708, %slice3A_709 in 1 : vector<136x4xi32>, vector<136x124xi32> -> vector<136x128xi32>
    %select_n3A_711 = arith.select %eq3A_704, %concatenate3A_707, %concatenate3A_710 : vector<136x128xi1>, vector<136x128xi32>
    %slice3A_712 = vector.extract_strided_slice %select_n3A_698 {offsets = [0, 4], sizes = [136, 124], strides = [1, 1]} : vector<136x128xi32> to vector<136x124xi32>
    %slice3A_713 = vector.extract_strided_slice %select_n3A_698 {offsets = [0, 0], sizes = [136, 4], strides = [1, 1]} : vector<136x128xi32> to vector<136x4xi32>
    %concatenate3A_714 = tpu.concatenate %slice3A_712, %slice3A_713 in 1 : vector<136x124xi32>, vector<136x4xi32> -> vector<136x128xi32>
    %slice3A_715 = vector.extract_strided_slice %select_n3A_698 {offsets = [0, 124], sizes = [136, 4], strides = [1, 1]} : vector<136x128xi32> to vector<136x4xi32>
    %slice3A_716 = vector.extract_strided_slice %select_n3A_698 {offsets = [0, 0], sizes = [136, 124], strides = [1, 1]} : vector<136x128xi32> to vector<136x124xi32>
    %concatenate3A_717 = tpu.concatenate %slice3A_715, %slice3A_716 in 1 : vector<136x4xi32>, vector<136x124xi32> -> vector<136x128xi32>
    %select_n3A_718 = arith.select %eq3A_704, %concatenate3A_714, %concatenate3A_717 : vector<136x128xi1>, vector<136x128xi32>
    %gt3A_719 = arith.cmpi sgt, %select_n3A_711, %select_n3A_697 : vector<136x128xi32>
    %eq3A_720 = arith.cmpi eq, %select_n3A_711, %select_n3A_697 : vector<136x128xi32>
    %lt3A_721 = arith.cmpi slt, %select_n3A_718, %select_n3A_698 : vector<136x128xi32>
    %and3A_722 = arith.andi %eq3A_720, %lt3A_721 : vector<136x128xi1>
    %or3A_723 = arith.ori %gt3A_719, %and3A_722 : vector<136x128xi1>
    %and3A_724 = arith.constant 64 : i32
    %and3A_725 = vector.broadcast %and3A_724 : i32 to vector<136x128xi32>
    %and3A_726 = arith.andi %iota3A, %and3A_725 : vector<136x128xi32>
    %eq3A_727 = arith.constant 0 : i32
    %eq3A_728 = vector.broadcast %eq3A_727 : i32 to vector<136x128xi32>
    %eq3A_729 = arith.cmpi eq, %and3A_726, %eq3A_728 : vector<136x128xi32>
    %eq3A_730 = arith.xori %eq3A_729, %eq3A_704 : vector<136x128xi1>
    %eq3A_731 = arith.constant dense<true> : vector<136x128xi1>
    %eq3A_732 = arith.xori %eq3A_730, %eq3A_731 : vector<136x128xi1>
    %eq3A_733 = arith.xori %eq3A_732, %or3A_723 : vector<136x128xi1>
    %eq3A_734 = arith.constant dense<true> : vector<136x128xi1>
    %eq3A_735 = arith.xori %eq3A_733, %eq3A_734 : vector<136x128xi1>
    %select_n3A_736 = arith.select %eq3A_735, %select_n3A_711, %select_n3A_697 : vector<136x128xi1>, vector<136x128xi32>
    %select_n3A_737 = arith.select %eq3A_735, %select_n3A_718, %select_n3A_698 : vector<136x128xi1>, vector<136x128xi32>
    %and3A_738 = arith.constant 2 : i32
    %and3A_739 = vector.broadcast %and3A_738 : i32 to vector<136x128xi32>
    %and3A_740 = arith.andi %iota3A, %and3A_739 : vector<136x128xi32>
    %eq3A_741 = arith.constant 0 : i32
    %eq3A_742 = vector.broadcast %eq3A_741 : i32 to vector<136x128xi32>
    %eq3A_743 = arith.cmpi eq, %and3A_740, %eq3A_742 : vector<136x128xi32>
    %slice3A_744 = vector.extract_strided_slice %select_n3A_736 {offsets = [0, 2], sizes = [136, 126], strides = [1, 1]} : vector<136x128xi32> to vector<136x126xi32>
    %slice3A_745 = vector.extract_strided_slice %select_n3A_736 {offsets = [0, 0], sizes = [136, 2], strides = [1, 1]} : vector<136x128xi32> to vector<136x2xi32>
    %concatenate3A_746 = tpu.concatenate %slice3A_744, %slice3A_745 in 1 : vector<136x126xi32>, vector<136x2xi32> -> vector<136x128xi32>
    %slice3A_747 = vector.extract_strided_slice %select_n3A_736 {offsets = [0, 126], sizes = [136, 2], strides = [1, 1]} : vector<136x128xi32> to vector<136x2xi32>
    %slice3A_748 = vector.extract_strided_slice %select_n3A_736 {offsets = [0, 0], sizes = [136, 126], strides = [1, 1]} : vector<136x128xi32> to vector<136x126xi32>
    %concatenate3A_749 = tpu.concatenate %slice3A_747, %slice3A_748 in 1 : vector<136x2xi32>, vector<136x126xi32> -> vector<136x128xi32>
    %select_n3A_750 = arith.select %eq3A_743, %concatenate3A_746, %concatenate3A_749 : vector<136x128xi1>, vector<136x128xi32>
    %slice3A_751 = vector.extract_strided_slice %select_n3A_737 {offsets = [0, 2], sizes = [136, 126], strides = [1, 1]} : vector<136x128xi32> to vector<136x126xi32>
    %slice3A_752 = vector.extract_strided_slice %select_n3A_737 {offsets = [0, 0], sizes = [136, 2], strides = [1, 1]} : vector<136x128xi32> to vector<136x2xi32>
    %concatenate3A_753 = tpu.concatenate %slice3A_751, %slice3A_752 in 1 : vector<136x126xi32>, vector<136x2xi32> -> vector<136x128xi32>
    %slice3A_754 = vector.extract_strided_slice %select_n3A_737 {offsets = [0, 126], sizes = [136, 2], strides = [1, 1]} : vector<136x128xi32> to vector<136x2xi32>
    %slice3A_755 = vector.extract_strided_slice %select_n3A_737 {offsets = [0, 0], sizes = [136, 126], strides = [1, 1]} : vector<136x128xi32> to vector<136x126xi32>
    %concatenate3A_756 = tpu.concatenate %slice3A_754, %slice3A_755 in 1 : vector<136x2xi32>, vector<136x126xi32> -> vector<136x128xi32>
    %select_n3A_757 = arith.select %eq3A_743, %concatenate3A_753, %concatenate3A_756 : vector<136x128xi1>, vector<136x128xi32>
    %gt3A_758 = arith.cmpi sgt, %select_n3A_750, %select_n3A_736 : vector<136x128xi32>
    %eq3A_759 = arith.cmpi eq, %select_n3A_750, %select_n3A_736 : vector<136x128xi32>
    %lt3A_760 = arith.cmpi slt, %select_n3A_757, %select_n3A_737 : vector<136x128xi32>
    %and3A_761 = arith.andi %eq3A_759, %lt3A_760 : vector<136x128xi1>
    %or3A_762 = arith.ori %gt3A_758, %and3A_761 : vector<136x128xi1>
    %and3A_763 = arith.constant 64 : i32
    %and3A_764 = vector.broadcast %and3A_763 : i32 to vector<136x128xi32>
    %and3A_765 = arith.andi %iota3A, %and3A_764 : vector<136x128xi32>
    %eq3A_766 = arith.constant 0 : i32
    %eq3A_767 = vector.broadcast %eq3A_766 : i32 to vector<136x128xi32>
    %eq3A_768 = arith.cmpi eq, %and3A_765, %eq3A_767 : vector<136x128xi32>
    %eq3A_769 = arith.xori %eq3A_768, %eq3A_743 : vector<136x128xi1>
    %eq3A_770 = arith.constant dense<true> : vector<136x128xi1>
    %eq3A_771 = arith.xori %eq3A_769, %eq3A_770 : vector<136x128xi1>
    %eq3A_772 = arith.xori %eq3A_771, %or3A_762 : vector<136x128xi1>
    %eq3A_773 = arith.constant dense<true> : vector<136x128xi1>
    %eq3A_774 = arith.xori %eq3A_772, %eq3A_773 : vector<136x128xi1>
    %select_n3A_775 = arith.select %eq3A_774, %select_n3A_750, %select_n3A_736 : vector<136x128xi1>, vector<136x128xi32>
    %select_n3A_776 = arith.select %eq3A_774, %select_n3A_757, %select_n3A_737 : vector<136x128xi1>, vector<136x128xi32>
    %and3A_777 = arith.constant 1 : i32
    %and3A_778 = vector.broadcast %and3A_777 : i32 to vector<136x128xi32>
    %and3A_779 = arith.andi %iota3A, %and3A_778 : vector<136x128xi32>
    %eq3A_780 = arith.constant 0 : i32
    %eq3A_781 = vector.broadcast %eq3A_780 : i32 to vector<136x128xi32>
    %eq3A_782 = arith.cmpi eq, %and3A_779, %eq3A_781 : vector<136x128xi32>
    %slice3A_783 = vector.extract_strided_slice %select_n3A_775 {offsets = [0, 1], sizes = [136, 127], strides = [1, 1]} : vector<136x128xi32> to vector<136x127xi32>
    %slice3A_784 = vector.extract_strided_slice %select_n3A_775 {offsets = [0, 0], sizes = [136, 1], strides = [1, 1]} : vector<136x128xi32> to vector<136x1xi32>
    %concatenate3A_785 = tpu.concatenate %slice3A_783, %slice3A_784 in 1 : vector<136x127xi32>, vector<136x1xi32> -> vector<136x128xi32>
    %slice3A_786 = vector.extract_strided_slice %select_n3A_775 {offsets = [0, 127], sizes = [136, 1], strides = [1, 1]} : vector<136x128xi32> to vector<136x1xi32>
    %slice3A_787 = vector.extract_strided_slice %select_n3A_775 {offsets = [0, 0], sizes = [136, 127], strides = [1, 1]} : vector<136x128xi32> to vector<136x127xi32>
    %concatenate3A_788 = tpu.concatenate %slice3A_786, %slice3A_787 in 1 : vector<136x1xi32>, vector<136x127xi32> -> vector<136x128xi32>
    %select_n3A_789 = arith.select %eq3A_782, %concatenate3A_785, %concatenate3A_788 : vector<136x128xi1>, vector<136x128xi32>
    %slice3A_790 = vector.extract_strided_slice %select_n3A_776 {offsets = [0, 1], sizes = [136, 127], strides = [1, 1]} : vector<136x128xi32> to vector<136x127xi32>
    %slice3A_791 = vector.extract_strided_slice %select_n3A_776 {offsets = [0, 0], sizes = [136, 1], strides = [1, 1]} : vector<136x128xi32> to vector<136x1xi32>
    %concatenate3A_792 = tpu.concatenate %slice3A_790, %slice3A_791 in 1 : vector<136x127xi32>, vector<136x1xi32> -> vector<136x128xi32>
    %slice3A_793 = vector.extract_strided_slice %select_n3A_776 {offsets = [0, 127], sizes = [136, 1], strides = [1, 1]} : vector<136x128xi32> to vector<136x1xi32>
    %slice3A_794 = vector.extract_strided_slice %select_n3A_776 {offsets = [0, 0], sizes = [136, 127], strides = [1, 1]} : vector<136x128xi32> to vector<136x127xi32>
    %concatenate3A_795 = tpu.concatenate %slice3A_793, %slice3A_794 in 1 : vector<136x1xi32>, vector<136x127xi32> -> vector<136x128xi32>
    %select_n3A_796 = arith.select %eq3A_782, %concatenate3A_792, %concatenate3A_795 : vector<136x128xi1>, vector<136x128xi32>
    %gt3A_797 = arith.cmpi sgt, %select_n3A_789, %select_n3A_775 : vector<136x128xi32>
    %eq3A_798 = arith.cmpi eq, %select_n3A_789, %select_n3A_775 : vector<136x128xi32>
    %lt3A_799 = arith.cmpi slt, %select_n3A_796, %select_n3A_776 : vector<136x128xi32>
    %and3A_800 = arith.andi %eq3A_798, %lt3A_799 : vector<136x128xi1>
    %or3A_801 = arith.ori %gt3A_797, %and3A_800 : vector<136x128xi1>
    %and3A_802 = arith.constant 64 : i32
    %and3A_803 = vector.broadcast %and3A_802 : i32 to vector<136x128xi32>
    %and3A_804 = arith.andi %iota3A, %and3A_803 : vector<136x128xi32>
    %eq3A_805 = arith.constant 0 : i32
    %eq3A_806 = vector.broadcast %eq3A_805 : i32 to vector<136x128xi32>
    %eq3A_807 = arith.cmpi eq, %and3A_804, %eq3A_806 : vector<136x128xi32>
    %eq3A_808 = arith.xori %eq3A_807, %eq3A_782 : vector<136x128xi1>
    %eq3A_809 = arith.constant dense<true> : vector<136x128xi1>
    %eq3A_810 = arith.xori %eq3A_808, %eq3A_809 : vector<136x128xi1>
    %eq3A_811 = arith.xori %eq3A_810, %or3A_801 : vector<136x128xi1>
    %eq3A_812 = arith.constant dense<true> : vector<136x128xi1>
    %eq3A_813 = arith.xori %eq3A_811, %eq3A_812 : vector<136x128xi1>
    %select_n3A_814 = arith.select %eq3A_813, %select_n3A_789, %select_n3A_775 : vector<136x128xi1>, vector<136x128xi32>
    %select_n3A_815 = arith.select %eq3A_813, %select_n3A_796, %select_n3A_776 : vector<136x128xi1>, vector<136x128xi32>
    %and3A_816 = arith.constant 64 : i32
    %and3A_817 = vector.broadcast %and3A_816 : i32 to vector<136x128xi32>
    %and3A_818 = arith.andi %iota3A, %and3A_817 : vector<136x128xi32>
    %eq3A_819 = arith.constant 0 : i32
    %eq3A_820 = vector.broadcast %eq3A_819 : i32 to vector<136x128xi32>
    %eq3A_821 = arith.cmpi eq, %and3A_818, %eq3A_820 : vector<136x128xi32>
    %slice3A_822 = vector.extract_strided_slice %select_n3A_814 {offsets = [0, 64], sizes = [136, 64], strides = [1, 1]} : vector<136x128xi32> to vector<136x64xi32>
    %slice3A_823 = vector.extract_strided_slice %select_n3A_814 {offsets = [0, 0], sizes = [136, 64], strides = [1, 1]} : vector<136x128xi32> to vector<136x64xi32>
    %concatenate3A_824 = tpu.concatenate %slice3A_822, %slice3A_823 in 1 : vector<136x64xi32>, vector<136x64xi32> -> vector<136x128xi32>
    %slice3A_825 = vector.extract_strided_slice %select_n3A_814 {offsets = [0, 64], sizes = [136, 64], strides = [1, 1]} : vector<136x128xi32> to vector<136x64xi32>
    %slice3A_826 = vector.extract_strided_slice %select_n3A_814 {offsets = [0, 0], sizes = [136, 64], strides = [1, 1]} : vector<136x128xi32> to vector<136x64xi32>
    %concatenate3A_827 = tpu.concatenate %slice3A_825, %slice3A_826 in 1 : vector<136x64xi32>, vector<136x64xi32> -> vector<136x128xi32>
    %select_n3A_828 = arith.select %eq3A_821, %concatenate3A_824, %concatenate3A_827 : vector<136x128xi1>, vector<136x128xi32>
    %slice3A_829 = vector.extract_strided_slice %select_n3A_815 {offsets = [0, 64], sizes = [136, 64], strides = [1, 1]} : vector<136x128xi32> to vector<136x64xi32>
    %slice3A_830 = vector.extract_strided_slice %select_n3A_815 {offsets = [0, 0], sizes = [136, 64], strides = [1, 1]} : vector<136x128xi32> to vector<136x64xi32>
    %concatenate3A_831 = tpu.concatenate %slice3A_829, %slice3A_830 in 1 : vector<136x64xi32>, vector<136x64xi32> -> vector<136x128xi32>
    %slice3A_832 = vector.extract_strided_slice %select_n3A_815 {offsets = [0, 64], sizes = [136, 64], strides = [1, 1]} : vector<136x128xi32> to vector<136x64xi32>
    %slice3A_833 = vector.extract_strided_slice %select_n3A_815 {offsets = [0, 0], sizes = [136, 64], strides = [1, 1]} : vector<136x128xi32> to vector<136x64xi32>
    %concatenate3A_834 = tpu.concatenate %slice3A_832, %slice3A_833 in 1 : vector<136x64xi32>, vector<136x64xi32> -> vector<136x128xi32>
    %select_n3A_835 = arith.select %eq3A_821, %concatenate3A_831, %concatenate3A_834 : vector<136x128xi1>, vector<136x128xi32>
    %gt3A_836 = arith.cmpi sgt, %select_n3A_828, %select_n3A_814 : vector<136x128xi32>
    %eq3A_837 = arith.cmpi eq, %select_n3A_828, %select_n3A_814 : vector<136x128xi32>
    %lt3A_838 = arith.cmpi slt, %select_n3A_835, %select_n3A_815 : vector<136x128xi32>
    %and3A_839 = arith.andi %eq3A_837, %lt3A_838 : vector<136x128xi1>
    %or3A_840 = arith.ori %gt3A_836, %and3A_839 : vector<136x128xi1>
    %and3A_841 = arith.constant 128 : i32
    %and3A_842 = vector.broadcast %and3A_841 : i32 to vector<136x128xi32>
    %and3A_843 = arith.andi %iota3A, %and3A_842 : vector<136x128xi32>
    %eq3A_844 = arith.constant 0 : i32
    %eq3A_845 = vector.broadcast %eq3A_844 : i32 to vector<136x128xi32>
    %eq3A_846 = arith.cmpi eq, %and3A_843, %eq3A_845 : vector<136x128xi32>
    %eq3A_847 = arith.xori %eq3A_846, %eq3A_821 : vector<136x128xi1>
    %eq3A_848 = arith.constant dense<true> : vector<136x128xi1>
    %eq3A_849 = arith.xori %eq3A_847, %eq3A_848 : vector<136x128xi1>
    %eq3A_850 = arith.xori %eq3A_849, %or3A_840 : vector<136x128xi1>
    %eq3A_851 = arith.constant dense<true> : vector<136x128xi1>
    %eq3A_852 = arith.xori %eq3A_850, %eq3A_851 : vector<136x128xi1>
    %select_n3A_853 = arith.select %eq3A_852, %select_n3A_828, %select_n3A_814 : vector<136x128xi1>, vector<136x128xi32>
    %select_n3A_854 = arith.select %eq3A_852, %select_n3A_835, %select_n3A_815 : vector<136x128xi1>, vector<136x128xi32>
    %and3A_855 = arith.constant 32 : i32
    %and3A_856 = vector.broadcast %and3A_855 : i32 to vector<136x128xi32>
    %and3A_857 = arith.andi %iota3A, %and3A_856 : vector<136x128xi32>
    %eq3A_858 = arith.constant 0 : i32
    %eq3A_859 = vector.broadcast %eq3A_858 : i32 to vector<136x128xi32>
    %eq3A_860 = arith.cmpi eq, %and3A_857, %eq3A_859 : vector<136x128xi32>
    %slice3A_861 = vector.extract_strided_slice %select_n3A_853 {offsets = [0, 32], sizes = [136, 96], strides = [1, 1]} : vector<136x128xi32> to vector<136x96xi32>
    %slice3A_862 = vector.extract_strided_slice %select_n3A_853 {offsets = [0, 0], sizes = [136, 32], strides = [1, 1]} : vector<136x128xi32> to vector<136x32xi32>
    %concatenate3A_863 = tpu.concatenate %slice3A_861, %slice3A_862 in 1 : vector<136x96xi32>, vector<136x32xi32> -> vector<136x128xi32>
    %slice3A_864 = vector.extract_strided_slice %select_n3A_853 {offsets = [0, 96], sizes = [136, 32], strides = [1, 1]} : vector<136x128xi32> to vector<136x32xi32>
    %slice3A_865 = vector.extract_strided_slice %select_n3A_853 {offsets = [0, 0], sizes = [136, 96], strides = [1, 1]} : vector<136x128xi32> to vector<136x96xi32>
    %concatenate3A_866 = tpu.concatenate %slice3A_864, %slice3A_865 in 1 : vector<136x32xi32>, vector<136x96xi32> -> vector<136x128xi32>
    %select_n3A_867 = arith.select %eq3A_860, %concatenate3A_863, %concatenate3A_866 : vector<136x128xi1>, vector<136x128xi32>
    %slice3A_868 = vector.extract_strided_slice %select_n3A_854 {offsets = [0, 32], sizes = [136, 96], strides = [1, 1]} : vector<136x128xi32> to vector<136x96xi32>
    %slice3A_869 = vector.extract_strided_slice %select_n3A_854 {offsets = [0, 0], sizes = [136, 32], strides = [1, 1]} : vector<136x128xi32> to vector<136x32xi32>
    %concatenate3A_870 = tpu.concatenate %slice3A_868, %slice3A_869 in 1 : vector<136x96xi32>, vector<136x32xi32> -> vector<136x128xi32>
    %slice3A_871 = vector.extract_strided_slice %select_n3A_854 {offsets = [0, 96], sizes = [136, 32], strides = [1, 1]} : vector<136x128xi32> to vector<136x32xi32>
    %slice3A_872 = vector.extract_strided_slice %select_n3A_854 {offsets = [0, 0], sizes = [136, 96], strides = [1, 1]} : vector<136x128xi32> to vector<136x96xi32>
    %concatenate3A_873 = tpu.concatenate %slice3A_871, %slice3A_872 in 1 : vector<136x32xi32>, vector<136x96xi32> -> vector<136x128xi32>
    %select_n3A_874 = arith.select %eq3A_860, %concatenate3A_870, %concatenate3A_873 : vector<136x128xi1>, vector<136x128xi32>
    %gt3A_875 = arith.cmpi sgt, %select_n3A_867, %select_n3A_853 : vector<136x128xi32>
    %eq3A_876 = arith.cmpi eq, %select_n3A_867, %select_n3A_853 : vector<136x128xi32>
    %lt3A_877 = arith.cmpi slt, %select_n3A_874, %select_n3A_854 : vector<136x128xi32>
    %and3A_878 = arith.andi %eq3A_876, %lt3A_877 : vector<136x128xi1>
    %or3A_879 = arith.ori %gt3A_875, %and3A_878 : vector<136x128xi1>
    %and3A_880 = arith.constant 128 : i32
    %and3A_881 = vector.broadcast %and3A_880 : i32 to vector<136x128xi32>
    %and3A_882 = arith.andi %iota3A, %and3A_881 : vector<136x128xi32>
    %eq3A_883 = arith.constant 0 : i32
    %eq3A_884 = vector.broadcast %eq3A_883 : i32 to vector<136x128xi32>
    %eq3A_885 = arith.cmpi eq, %and3A_882, %eq3A_884 : vector<136x128xi32>
    %eq3A_886 = arith.xori %eq3A_885, %eq3A_860 : vector<136x128xi1>
    %eq3A_887 = arith.constant dense<true> : vector<136x128xi1>
    %eq3A_888 = arith.xori %eq3A_886, %eq3A_887 : vector<136x128xi1>
    %eq3A_889 = arith.xori %eq3A_888, %or3A_879 : vector<136x128xi1>
    %eq3A_890 = arith.constant dense<true> : vector<136x128xi1>
    %eq3A_891 = arith.xori %eq3A_889, %eq3A_890 : vector<136x128xi1>
    %select_n3A_892 = arith.select %eq3A_891, %select_n3A_867, %select_n3A_853 : vector<136x128xi1>, vector<136x128xi32>
    %select_n3A_893 = arith.select %eq3A_891, %select_n3A_874, %select_n3A_854 : vector<136x128xi1>, vector<136x128xi32>
    %and3A_894 = arith.constant 16 : i32
    %and3A_895 = vector.broadcast %and3A_894 : i32 to vector<136x128xi32>
    %and3A_896 = arith.andi %iota3A, %and3A_895 : vector<136x128xi32>
    %eq3A_897 = arith.constant 0 : i32
    %eq3A_898 = vector.broadcast %eq3A_897 : i32 to vector<136x128xi32>
    %eq3A_899 = arith.cmpi eq, %and3A_896, %eq3A_898 : vector<136x128xi32>
    %slice3A_900 = vector.extract_strided_slice %select_n3A_892 {offsets = [0, 16], sizes = [136, 112], strides = [1, 1]} : vector<136x128xi32> to vector<136x112xi32>
    %slice3A_901 = vector.extract_strided_slice %select_n3A_892 {offsets = [0, 0], sizes = [136, 16], strides = [1, 1]} : vector<136x128xi32> to vector<136x16xi32>
    %concatenate3A_902 = tpu.concatenate %slice3A_900, %slice3A_901 in 1 : vector<136x112xi32>, vector<136x16xi32> -> vector<136x128xi32>
    %slice3A_903 = vector.extract_strided_slice %select_n3A_892 {offsets = [0, 112], sizes = [136, 16], strides = [1, 1]} : vector<136x128xi32> to vector<136x16xi32>
    %slice3A_904 = vector.extract_strided_slice %select_n3A_892 {offsets = [0, 0], sizes = [136, 112], strides = [1, 1]} : vector<136x128xi32> to vector<136x112xi32>
    %concatenate3A_905 = tpu.concatenate %slice3A_903, %slice3A_904 in 1 : vector<136x16xi32>, vector<136x112xi32> -> vector<136x128xi32>
    %select_n3A_906 = arith.select %eq3A_899, %concatenate3A_902, %concatenate3A_905 : vector<136x128xi1>, vector<136x128xi32>
    %slice3A_907 = vector.extract_strided_slice %select_n3A_893 {offsets = [0, 16], sizes = [136, 112], strides = [1, 1]} : vector<136x128xi32> to vector<136x112xi32>
    %slice3A_908 = vector.extract_strided_slice %select_n3A_893 {offsets = [0, 0], sizes = [136, 16], strides = [1, 1]} : vector<136x128xi32> to vector<136x16xi32>
    %concatenate3A_909 = tpu.concatenate %slice3A_907, %slice3A_908 in 1 : vector<136x112xi32>, vector<136x16xi32> -> vector<136x128xi32>
    %slice3A_910 = vector.extract_strided_slice %select_n3A_893 {offsets = [0, 112], sizes = [136, 16], strides = [1, 1]} : vector<136x128xi32> to vector<136x16xi32>
    %slice3A_911 = vector.extract_strided_slice %select_n3A_893 {offsets = [0, 0], sizes = [136, 112], strides = [1, 1]} : vector<136x128xi32> to vector<136x112xi32>
    %concatenate3A_912 = tpu.concatenate %slice3A_910, %slice3A_911 in 1 : vector<136x16xi32>, vector<136x112xi32> -> vector<136x128xi32>
    %select_n3A_913 = arith.select %eq3A_899, %concatenate3A_909, %concatenate3A_912 : vector<136x128xi1>, vector<136x128xi32>
    %gt3A_914 = arith.cmpi sgt, %select_n3A_906, %select_n3A_892 : vector<136x128xi32>
    %eq3A_915 = arith.cmpi eq, %select_n3A_906, %select_n3A_892 : vector<136x128xi32>
    %lt3A_916 = arith.cmpi slt, %select_n3A_913, %select_n3A_893 : vector<136x128xi32>
    %and3A_917 = arith.andi %eq3A_915, %lt3A_916 : vector<136x128xi1>
    %or3A_918 = arith.ori %gt3A_914, %and3A_917 : vector<136x128xi1>
    %and3A_919 = arith.constant 128 : i32
    %and3A_920 = vector.broadcast %and3A_919 : i32 to vector<136x128xi32>
    %and3A_921 = arith.andi %iota3A, %and3A_920 : vector<136x128xi32>
    %eq3A_922 = arith.constant 0 : i32
    %eq3A_923 = vector.broadcast %eq3A_922 : i32 to vector<136x128xi32>
    %eq3A_924 = arith.cmpi eq, %and3A_921, %eq3A_923 : vector<136x128xi32>
    %eq3A_925 = arith.xori %eq3A_924, %eq3A_899 : vector<136x128xi1>
    %eq3A_926 = arith.constant dense<true> : vector<136x128xi1>
    %eq3A_927 = arith.xori %eq3A_925, %eq3A_926 : vector<136x128xi1>
    %eq3A_928 = arith.xori %eq3A_927, %or3A_918 : vector<136x128xi1>
    %eq3A_929 = arith.constant dense<true> : vector<136x128xi1>
    %eq3A_930 = arith.xori %eq3A_928, %eq3A_929 : vector<136x128xi1>
    %select_n3A_931 = arith.select %eq3A_930, %select_n3A_906, %select_n3A_892 : vector<136x128xi1>, vector<136x128xi32>
    %select_n3A_932 = arith.select %eq3A_930, %select_n3A_913, %select_n3A_893 : vector<136x128xi1>, vector<136x128xi32>
    %and3A_933 = arith.constant 8 : i32
    %and3A_934 = vector.broadcast %and3A_933 : i32 to vector<136x128xi32>
    %and3A_935 = arith.andi %iota3A, %and3A_934 : vector<136x128xi32>
    %eq3A_936 = arith.constant 0 : i32
    %eq3A_937 = vector.broadcast %eq3A_936 : i32 to vector<136x128xi32>
    %eq3A_938 = arith.cmpi eq, %and3A_935, %eq3A_937 : vector<136x128xi32>
    %slice3A_939 = vector.extract_strided_slice %select_n3A_931 {offsets = [0, 8], sizes = [136, 120], strides = [1, 1]} : vector<136x128xi32> to vector<136x120xi32>
    %slice3A_940 = vector.extract_strided_slice %select_n3A_931 {offsets = [0, 0], sizes = [136, 8], strides = [1, 1]} : vector<136x128xi32> to vector<136x8xi32>
    %concatenate3A_941 = tpu.concatenate %slice3A_939, %slice3A_940 in 1 : vector<136x120xi32>, vector<136x8xi32> -> vector<136x128xi32>
    %slice3A_942 = vector.extract_strided_slice %select_n3A_931 {offsets = [0, 120], sizes = [136, 8], strides = [1, 1]} : vector<136x128xi32> to vector<136x8xi32>
    %slice3A_943 = vector.extract_strided_slice %select_n3A_931 {offsets = [0, 0], sizes = [136, 120], strides = [1, 1]} : vector<136x128xi32> to vector<136x120xi32>
    %concatenate3A_944 = tpu.concatenate %slice3A_942, %slice3A_943 in 1 : vector<136x8xi32>, vector<136x120xi32> -> vector<136x128xi32>
    %select_n3A_945 = arith.select %eq3A_938, %concatenate3A_941, %concatenate3A_944 : vector<136x128xi1>, vector<136x128xi32>
    %slice3A_946 = vector.extract_strided_slice %select_n3A_932 {offsets = [0, 8], sizes = [136, 120], strides = [1, 1]} : vector<136x128xi32> to vector<136x120xi32>
    %slice3A_947 = vector.extract_strided_slice %select_n3A_932 {offsets = [0, 0], sizes = [136, 8], strides = [1, 1]} : vector<136x128xi32> to vector<136x8xi32>
    %concatenate3A_948 = tpu.concatenate %slice3A_946, %slice3A_947 in 1 : vector<136x120xi32>, vector<136x8xi32> -> vector<136x128xi32>
    %slice3A_949 = vector.extract_strided_slice %select_n3A_932 {offsets = [0, 120], sizes = [136, 8], strides = [1, 1]} : vector<136x128xi32> to vector<136x8xi32>
    %slice3A_950 = vector.extract_strided_slice %select_n3A_932 {offsets = [0, 0], sizes = [136, 120], strides = [1, 1]} : vector<136x128xi32> to vector<136x120xi32>
    %concatenate3A_951 = tpu.concatenate %slice3A_949, %slice3A_950 in 1 : vector<136x8xi32>, vector<136x120xi32> -> vector<136x128xi32>
    %select_n3A_952 = arith.select %eq3A_938, %concatenate3A_948, %concatenate3A_951 : vector<136x128xi1>, vector<136x128xi32>
    %gt3A_953 = arith.cmpi sgt, %select_n3A_945, %select_n3A_931 : vector<136x128xi32>
    %eq3A_954 = arith.cmpi eq, %select_n3A_945, %select_n3A_931 : vector<136x128xi32>
    %lt3A_955 = arith.cmpi slt, %select_n3A_952, %select_n3A_932 : vector<136x128xi32>
    %and3A_956 = arith.andi %eq3A_954, %lt3A_955 : vector<136x128xi1>
    %or3A_957 = arith.ori %gt3A_953, %and3A_956 : vector<136x128xi1>
    %and3A_958 = arith.constant 128 : i32
    %and3A_959 = vector.broadcast %and3A_958 : i32 to vector<136x128xi32>
    %and3A_960 = arith.andi %iota3A, %and3A_959 : vector<136x128xi32>
    %eq3A_961 = arith.constant 0 : i32
    %eq3A_962 = vector.broadcast %eq3A_961 : i32 to vector<136x128xi32>
    %eq3A_963 = arith.cmpi eq, %and3A_960, %eq3A_962 : vector<136x128xi32>
    %eq3A_964 = arith.xori %eq3A_963, %eq3A_938 : vector<136x128xi1>
    %eq3A_965 = arith.constant dense<true> : vector<136x128xi1>
    %eq3A_966 = arith.xori %eq3A_964, %eq3A_965 : vector<136x128xi1>
    %eq3A_967 = arith.xori %eq3A_966, %or3A_957 : vector<136x128xi1>
    %eq3A_968 = arith.constant dense<true> : vector<136x128xi1>
    %eq3A_969 = arith.xori %eq3A_967, %eq3A_968 : vector<136x128xi1>
    %select_n3A_970 = arith.select %eq3A_969, %select_n3A_945, %select_n3A_931 : vector<136x128xi1>, vector<136x128xi32>
    %select_n3A_971 = arith.select %eq3A_969, %select_n3A_952, %select_n3A_932 : vector<136x128xi1>, vector<136x128xi32>
    %and3A_972 = arith.constant 4 : i32
    %and3A_973 = vector.broadcast %and3A_972 : i32 to vector<136x128xi32>
    %and3A_974 = arith.andi %iota3A, %and3A_973 : vector<136x128xi32>
    %eq3A_975 = arith.constant 0 : i32
    %eq3A_976 = vector.broadcast %eq3A_975 : i32 to vector<136x128xi32>
    %eq3A_977 = arith.cmpi eq, %and3A_974, %eq3A_976 : vector<136x128xi32>
    %slice3A_978 = vector.extract_strided_slice %select_n3A_970 {offsets = [0, 4], sizes = [136, 124], strides = [1, 1]} : vector<136x128xi32> to vector<136x124xi32>
    %slice3A_979 = vector.extract_strided_slice %select_n3A_970 {offsets = [0, 0], sizes = [136, 4], strides = [1, 1]} : vector<136x128xi32> to vector<136x4xi32>
    %concatenate3A_980 = tpu.concatenate %slice3A_978, %slice3A_979 in 1 : vector<136x124xi32>, vector<136x4xi32> -> vector<136x128xi32>
    %slice3A_981 = vector.extract_strided_slice %select_n3A_970 {offsets = [0, 124], sizes = [136, 4], strides = [1, 1]} : vector<136x128xi32> to vector<136x4xi32>
    %slice3A_982 = vector.extract_strided_slice %select_n3A_970 {offsets = [0, 0], sizes = [136, 124], strides = [1, 1]} : vector<136x128xi32> to vector<136x124xi32>
    %concatenate3A_983 = tpu.concatenate %slice3A_981, %slice3A_982 in 1 : vector<136x4xi32>, vector<136x124xi32> -> vector<136x128xi32>
    %select_n3A_984 = arith.select %eq3A_977, %concatenate3A_980, %concatenate3A_983 : vector<136x128xi1>, vector<136x128xi32>
    %slice3A_985 = vector.extract_strided_slice %select_n3A_971 {offsets = [0, 4], sizes = [136, 124], strides = [1, 1]} : vector<136x128xi32> to vector<136x124xi32>
    %slice3A_986 = vector.extract_strided_slice %select_n3A_971 {offsets = [0, 0], sizes = [136, 4], strides = [1, 1]} : vector<136x128xi32> to vector<136x4xi32>
    %concatenate3A_987 = tpu.concatenate %slice3A_985, %slice3A_986 in 1 : vector<136x124xi32>, vector<136x4xi32> -> vector<136x128xi32>
    %slice3A_988 = vector.extract_strided_slice %select_n3A_971 {offsets = [0, 124], sizes = [136, 4], strides = [1, 1]} : vector<136x128xi32> to vector<136x4xi32>
    %slice3A_989 = vector.extract_strided_slice %select_n3A_971 {offsets = [0, 0], sizes = [136, 124], strides = [1, 1]} : vector<136x128xi32> to vector<136x124xi32>
    %concatenate3A_990 = tpu.concatenate %slice3A_988, %slice3A_989 in 1 : vector<136x4xi32>, vector<136x124xi32> -> vector<136x128xi32>
    %select_n3A_991 = arith.select %eq3A_977, %concatenate3A_987, %concatenate3A_990 : vector<136x128xi1>, vector<136x128xi32>
    %gt3A_992 = arith.cmpi sgt, %select_n3A_984, %select_n3A_970 : vector<136x128xi32>
    %eq3A_993 = arith.cmpi eq, %select_n3A_984, %select_n3A_970 : vector<136x128xi32>
    %lt3A_994 = arith.cmpi slt, %select_n3A_991, %select_n3A_971 : vector<136x128xi32>
    %and3A_995 = arith.andi %eq3A_993, %lt3A_994 : vector<136x128xi1>
    %or3A_996 = arith.ori %gt3A_992, %and3A_995 : vector<136x128xi1>
    %and3A_997 = arith.constant 128 : i32
    %and3A_998 = vector.broadcast %and3A_997 : i32 to vector<136x128xi32>
    %and3A_999 = arith.andi %iota3A, %and3A_998 : vector<136x128xi32>
    %eq3A_1000 = arith.constant 0 : i32
    %eq3A_1001 = vector.broadcast %eq3A_1000 : i32 to vector<136x128xi32>
    %eq3A_1002 = arith.cmpi eq, %and3A_999, %eq3A_1001 : vector<136x128xi32>
    %eq3A_1003 = arith.xori %eq3A_1002, %eq3A_977 : vector<136x128xi1>
    %eq3A_1004 = arith.constant dense<true> : vector<136x128xi1>
    %eq3A_1005 = arith.xori %eq3A_1003, %eq3A_1004 : vector<136x128xi1>
    %eq3A_1006 = arith.xori %eq3A_1005, %or3A_996 : vector<136x128xi1>
    %eq3A_1007 = arith.constant dense<true> : vector<136x128xi1>
    %eq3A_1008 = arith.xori %eq3A_1006, %eq3A_1007 : vector<136x128xi1>
    %select_n3A_1009 = arith.select %eq3A_1008, %select_n3A_984, %select_n3A_970 : vector<136x128xi1>, vector<136x128xi32>
    %select_n3A_1010 = arith.select %eq3A_1008, %select_n3A_991, %select_n3A_971 : vector<136x128xi1>, vector<136x128xi32>
    %and3A_1011 = arith.constant 2 : i32
    %and3A_1012 = vector.broadcast %and3A_1011 : i32 to vector<136x128xi32>
    %and3A_1013 = arith.andi %iota3A, %and3A_1012 : vector<136x128xi32>
    %eq3A_1014 = arith.constant 0 : i32
    %eq3A_1015 = vector.broadcast %eq3A_1014 : i32 to vector<136x128xi32>
    %eq3A_1016 = arith.cmpi eq, %and3A_1013, %eq3A_1015 : vector<136x128xi32>
    %slice3A_1017 = vector.extract_strided_slice %select_n3A_1009 {offsets = [0, 2], sizes = [136, 126], strides = [1, 1]} : vector<136x128xi32> to vector<136x126xi32>
    %slice3A_1018 = vector.extract_strided_slice %select_n3A_1009 {offsets = [0, 0], sizes = [136, 2], strides = [1, 1]} : vector<136x128xi32> to vector<136x2xi32>
    %concatenate3A_1019 = tpu.concatenate %slice3A_1017, %slice3A_1018 in 1 : vector<136x126xi32>, vector<136x2xi32> -> vector<136x128xi32>
    %slice3A_1020 = vector.extract_strided_slice %select_n3A_1009 {offsets = [0, 126], sizes = [136, 2], strides = [1, 1]} : vector<136x128xi32> to vector<136x2xi32>
    %slice3A_1021 = vector.extract_strided_slice %select_n3A_1009 {offsets = [0, 0], sizes = [136, 126], strides = [1, 1]} : vector<136x128xi32> to vector<136x126xi32>
    %concatenate3A_1022 = tpu.concatenate %slice3A_1020, %slice3A_1021 in 1 : vector<136x2xi32>, vector<136x126xi32> -> vector<136x128xi32>
    %select_n3A_1023 = arith.select %eq3A_1016, %concatenate3A_1019, %concatenate3A_1022 : vector<136x128xi1>, vector<136x128xi32>
    %slice3A_1024 = vector.extract_strided_slice %select_n3A_1010 {offsets = [0, 2], sizes = [136, 126], strides = [1, 1]} : vector<136x128xi32> to vector<136x126xi32>
    %slice3A_1025 = vector.extract_strided_slice %select_n3A_1010 {offsets = [0, 0], sizes = [136, 2], strides = [1, 1]} : vector<136x128xi32> to vector<136x2xi32>
    %concatenate3A_1026 = tpu.concatenate %slice3A_1024, %slice3A_1025 in 1 : vector<136x126xi32>, vector<136x2xi32> -> vector<136x128xi32>
    %slice3A_1027 = vector.extract_strided_slice %select_n3A_1010 {offsets = [0, 126], sizes = [136, 2], strides = [1, 1]} : vector<136x128xi32> to vector<136x2xi32>
    %slice3A_1028 = vector.extract_strided_slice %select_n3A_1010 {offsets = [0, 0], sizes = [136, 126], strides = [1, 1]} : vector<136x128xi32> to vector<136x126xi32>
    %concatenate3A_1029 = tpu.concatenate %slice3A_1027, %slice3A_1028 in 1 : vector<136x2xi32>, vector<136x126xi32> -> vector<136x128xi32>
    %select_n3A_1030 = arith.select %eq3A_1016, %concatenate3A_1026, %concatenate3A_1029 : vector<136x128xi1>, vector<136x128xi32>
    %gt3A_1031 = arith.cmpi sgt, %select_n3A_1023, %select_n3A_1009 : vector<136x128xi32>
    %eq3A_1032 = arith.cmpi eq, %select_n3A_1023, %select_n3A_1009 : vector<136x128xi32>
    %lt3A_1033 = arith.cmpi slt, %select_n3A_1030, %select_n3A_1010 : vector<136x128xi32>
    %and3A_1034 = arith.andi %eq3A_1032, %lt3A_1033 : vector<136x128xi1>
    %or3A_1035 = arith.ori %gt3A_1031, %and3A_1034 : vector<136x128xi1>
    %and3A_1036 = arith.constant 128 : i32
    %and3A_1037 = vector.broadcast %and3A_1036 : i32 to vector<136x128xi32>
    %and3A_1038 = arith.andi %iota3A, %and3A_1037 : vector<136x128xi32>
    %eq3A_1039 = arith.constant 0 : i32
    %eq3A_1040 = vector.broadcast %eq3A_1039 : i32 to vector<136x128xi32>
    %eq3A_1041 = arith.cmpi eq, %and3A_1038, %eq3A_1040 : vector<136x128xi32>
    %eq3A_1042 = arith.xori %eq3A_1041, %eq3A_1016 : vector<136x128xi1>
    %eq3A_1043 = arith.constant dense<true> : vector<136x128xi1>
    %eq3A_1044 = arith.xori %eq3A_1042, %eq3A_1043 : vector<136x128xi1>
    %eq3A_1045 = arith.xori %eq3A_1044, %or3A_1035 : vector<136x128xi1>
    %eq3A_1046 = arith.constant dense<true> : vector<136x128xi1>
    %eq3A_1047 = arith.xori %eq3A_1045, %eq3A_1046 : vector<136x128xi1>
    %select_n3A_1048 = arith.select %eq3A_1047, %select_n3A_1023, %select_n3A_1009 : vector<136x128xi1>, vector<136x128xi32>
    %select_n3A_1049 = arith.select %eq3A_1047, %select_n3A_1030, %select_n3A_1010 : vector<136x128xi1>, vector<136x128xi32>
    %and3A_1050 = arith.constant 1 : i32
    %and3A_1051 = vector.broadcast %and3A_1050 : i32 to vector<136x128xi32>
    %and3A_1052 = arith.andi %iota3A, %and3A_1051 : vector<136x128xi32>
    %eq3A_1053 = arith.constant 0 : i32
    %eq3A_1054 = vector.broadcast %eq3A_1053 : i32 to vector<136x128xi32>
    %eq3A_1055 = arith.cmpi eq, %and3A_1052, %eq3A_1054 : vector<136x128xi32>
    %slice3A_1056 = vector.extract_strided_slice %select_n3A_1048 {offsets = [0, 1], sizes = [136, 127], strides = [1, 1]} : vector<136x128xi32> to vector<136x127xi32>
    %slice3A_1057 = vector.extract_strided_slice %select_n3A_1048 {offsets = [0, 0], sizes = [136, 1], strides = [1, 1]} : vector<136x128xi32> to vector<136x1xi32>
    %concatenate3A_1058 = tpu.concatenate %slice3A_1056, %slice3A_1057 in 1 : vector<136x127xi32>, vector<136x1xi32> -> vector<136x128xi32>
    %slice3A_1059 = vector.extract_strided_slice %select_n3A_1048 {offsets = [0, 127], sizes = [136, 1], strides = [1, 1]} : vector<136x128xi32> to vector<136x1xi32>
    %slice3A_1060 = vector.extract_strided_slice %select_n3A_1048 {offsets = [0, 0], sizes = [136, 127], strides = [1, 1]} : vector<136x128xi32> to vector<136x127xi32>
    %concatenate3A_1061 = tpu.concatenate %slice3A_1059, %slice3A_1060 in 1 : vector<136x1xi32>, vector<136x127xi32> -> vector<136x128xi32>
    %select_n3A_1062 = arith.select %eq3A_1055, %concatenate3A_1058, %concatenate3A_1061 : vector<136x128xi1>, vector<136x128xi32>
    %slice3A_1063 = vector.extract_strided_slice %select_n3A_1049 {offsets = [0, 1], sizes = [136, 127], strides = [1, 1]} : vector<136x128xi32> to vector<136x127xi32>
    %slice3A_1064 = vector.extract_strided_slice %select_n3A_1049 {offsets = [0, 0], sizes = [136, 1], strides = [1, 1]} : vector<136x128xi32> to vector<136x1xi32>
    %concatenate3A_1065 = tpu.concatenate %slice3A_1063, %slice3A_1064 in 1 : vector<136x127xi32>, vector<136x1xi32> -> vector<136x128xi32>
    %slice3A_1066 = vector.extract_strided_slice %select_n3A_1049 {offsets = [0, 127], sizes = [136, 1], strides = [1, 1]} : vector<136x128xi32> to vector<136x1xi32>
    %slice3A_1067 = vector.extract_strided_slice %select_n3A_1049 {offsets = [0, 0], sizes = [136, 127], strides = [1, 1]} : vector<136x128xi32> to vector<136x127xi32>
    %concatenate3A_1068 = tpu.concatenate %slice3A_1066, %slice3A_1067 in 1 : vector<136x1xi32>, vector<136x127xi32> -> vector<136x128xi32>
    %select_n3A_1069 = arith.select %eq3A_1055, %concatenate3A_1065, %concatenate3A_1068 : vector<136x128xi1>, vector<136x128xi32>
    %gt3A_1070 = arith.cmpi sgt, %select_n3A_1062, %select_n3A_1048 : vector<136x128xi32>
    %eq3A_1071 = arith.cmpi eq, %select_n3A_1062, %select_n3A_1048 : vector<136x128xi32>
    %lt3A_1072 = arith.cmpi slt, %select_n3A_1069, %select_n3A_1049 : vector<136x128xi32>
    %and3A_1073 = arith.andi %eq3A_1071, %lt3A_1072 : vector<136x128xi1>
    %or3A_1074 = arith.ori %gt3A_1070, %and3A_1073 : vector<136x128xi1>
    %and3A_1075 = arith.constant 128 : i32
    %and3A_1076 = vector.broadcast %and3A_1075 : i32 to vector<136x128xi32>
    %and3A_1077 = arith.andi %iota3A, %and3A_1076 : vector<136x128xi32>
    %eq3A_1078 = arith.constant 0 : i32
    %eq3A_1079 = vector.broadcast %eq3A_1078 : i32 to vector<136x128xi32>
    %eq3A_1080 = arith.cmpi eq, %and3A_1077, %eq3A_1079 : vector<136x128xi32>
    %eq3A_1081 = arith.xori %eq3A_1080, %eq3A_1055 : vector<136x128xi1>
    %eq3A_1082 = arith.constant dense<true> : vector<136x128xi1>
    %eq3A_1083 = arith.xori %eq3A_1081, %eq3A_1082 : vector<136x128xi1>
    %eq3A_1084 = arith.xori %eq3A_1083, %or3A_1074 : vector<136x128xi1>
    %eq3A_1085 = arith.constant dense<true> : vector<136x128xi1>
    %eq3A_1086 = arith.xori %eq3A_1084, %eq3A_1085 : vector<136x128xi1>
    %select_n3A_1087 = arith.select %eq3A_1086, %select_n3A_1062, %select_n3A_1048 : vector<136x128xi1>, vector<136x128xi32>
    %select_n3A_1088 = arith.select %eq3A_1086, %select_n3A_1069, %select_n3A_1049 : vector<136x128xi1>, vector<136x128xi32>
    %swap3A = arith.constant 0 : index
    %swap3A_1089 = arith.constant 0 : index
    %swap3A_1090 = vector.load %arg2[%swap3A, %swap3A_1089] : memref<136x128xi32, #tpu.memory_space<vmem>>, vector<136x128xi32>
    tpu.vector_store %arg2[%swap3A, %swap3A_1089], %select_n3A_1087 {strides = array<i32>} : memref<136x128xi32, #tpu.memory_space<vmem>>, vector<136x128xi32>,
    %swap3A_1091 = arith.constant 0 : index
    %swap3A_1092 = arith.constant 0 : index
    %swap3A_1093 = vector.load %arg3[%swap3A_1091, %swap3A_1092] : memref<136x128xi32, #tpu.memory_space<vmem>>, vector<136x128xi32>
    tpu.vector_store %arg3[%swap3A_1091, %swap3A_1092], %select_n3A_1088 {strides = array<i32>} : memref<136x128xi32, #tpu.memory_space<vmem>>, vector<136x128xi32>,
    return
  }
}

module attributes {stable_mosaic.version = 14 : i64} {
  func.func @_sort_body(%arg0: memref<24x1024xi32, #tpu.memory_space<vmem>>, %arg1: memref<24x1024xi32, #tpu.memory_space<vmem>>, %arg2: memref<24x1024xi32, #tpu.memory_space<vmem>>, %arg3: memref<24x1024xi32, #tpu.memory_space<vmem>>) attributes {dimension_semantics = [], scalar_prefetch = 0 : i64, scratch_operands = 0 : i64, tpu.core_type = #tpu.core_type<tc>} {
    %get3A = arith.constant 0 : index
    %get3A_0 = arith.constant 0 : index
    %get3A_1 = vector.load %arg0[%get3A, %get3A_0] : memref<24x1024xi32, #tpu.memory_space<vmem>>, vector<24x1024xi32>
    %get3A_2 = arith.constant 0 : index
    %get3A_3 = arith.constant 0 : index
    %get3A_4 = vector.load %arg1[%get3A_2, %get3A_3] : memref<24x1024xi32, #tpu.memory_space<vmem>>, vector<24x1024xi32>
    %iota3A = tpu.iota {dimensions = array<i32: 1>} : vector<24x1024xi32>
    %and3A = arith.constant 1 : i32
    %and3A_5 = vector.broadcast %and3A : i32 to vector<24x1024xi32>
    %and3A_6 = arith.andi %iota3A, %and3A_5 : vector<24x1024xi32>
    %eq3A = arith.constant 0 : i32
    %eq3A_7 = vector.broadcast %eq3A : i32 to vector<24x1024xi32>
    %eq3A_8 = arith.cmpi eq, %and3A_6, %eq3A_7 : vector<24x1024xi32>
    %slice3A = vector.extract_strided_slice %get3A_1 {offsets = [0, 1], sizes = [24, 1023], strides = [1, 1]} : vector<24x1024xi32> to vector<24x1023xi32>
    %slice3A_9 = vector.extract_strided_slice %get3A_1 {offsets = [0, 0], sizes = [24, 1], strides = [1, 1]} : vector<24x1024xi32> to vector<24x1xi32>
    %concatenate3A = tpu.concatenate %slice3A, %slice3A_9 in 1 : vector<24x1023xi32>, vector<24x1xi32> -> vector<24x1024xi32>
    %slice3A_10 = vector.extract_strided_slice %get3A_1 {offsets = [0, 1023], sizes = [24, 1], strides = [1, 1]} : vector<24x1024xi32> to vector<24x1xi32>
    %slice3A_11 = vector.extract_strided_slice %get3A_1 {offsets = [0, 0], sizes = [24, 1023], strides = [1, 1]} : vector<24x1024xi32> to vector<24x1023xi32>
    %concatenate3A_12 = tpu.concatenate %slice3A_10, %slice3A_11 in 1 : vector<24x1xi32>, vector<24x1023xi32> -> vector<24x1024xi32>
    %select_n3A = arith.select %eq3A_8, %concatenate3A, %concatenate3A_12 : vector<24x1024xi1>, vector<24x1024xi32>
    %slice3A_13 = vector.extract_strided_slice %get3A_4 {offsets = [0, 1], sizes = [24, 1023], strides = [1, 1]} : vector<24x1024xi32> to vector<24x1023xi32>
    %slice3A_14 = vector.extract_strided_slice %get3A_4 {offsets = [0, 0], sizes = [24, 1], strides = [1, 1]} : vector<24x1024xi32> to vector<24x1xi32>
    %concatenate3A_15 = tpu.concatenate %slice3A_13, %slice3A_14 in 1 : vector<24x1023xi32>, vector<24x1xi32> -> vector<24x1024xi32>
    %slice3A_16 = vector.extract_strided_slice %get3A_4 {offsets = [0, 1023], sizes = [24, 1], strides = [1, 1]} : vector<24x1024xi32> to vector<24x1xi32>
    %slice3A_17 = vector.extract_strided_slice %get3A_4 {offsets = [0, 0], sizes = [24, 1023], strides = [1, 1]} : vector<24x1024xi32> to vector<24x1023xi32>
    %concatenate3A_18 = tpu.concatenate %slice3A_16, %slice3A_17 in 1 : vector<24x1xi32>, vector<24x1023xi32> -> vector<24x1024xi32>
    %select_n3A_19 = arith.select %eq3A_8, %concatenate3A_15, %concatenate3A_18 : vector<24x1024xi1>, vector<24x1024xi32>
    %gt3A = arith.cmpi sgt, %select_n3A, %get3A_1 : vector<24x1024xi32>
    %eq3A_20 = arith.cmpi eq, %select_n3A, %get3A_1 : vector<24x1024xi32>
    %lt3A = arith.cmpi slt, %select_n3A_19, %get3A_4 : vector<24x1024xi32>
    %and3A_21 = arith.andi %eq3A_20, %lt3A : vector<24x1024xi1>
    %or3A = arith.ori %gt3A, %and3A_21 : vector<24x1024xi1>
    %and3A_22 = arith.constant 2 : i32
    %and3A_23 = vector.broadcast %and3A_22 : i32 to vector<24x1024xi32>
    %and3A_24 = arith.andi %iota3A, %and3A_23 : vector<24x1024xi32>
    %eq3A_25 = arith.constant 0 : i32
    %eq3A_26 = vector.broadcast %eq3A_25 : i32 to vector<24x1024xi32>
    %eq3A_27 = arith.cmpi eq, %and3A_24, %eq3A_26 : vector<24x1024xi32>
    %eq3A_28 = arith.xori %eq3A_27, %eq3A_8 : vector<24x1024xi1>
    %eq3A_29 = arith.constant dense<true> : vector<24x1024xi1>
    %eq3A_30 = arith.xori %eq3A_28, %eq3A_29 : vector<24x1024xi1>
    %eq3A_31 = arith.xori %eq3A_30, %or3A : vector<24x1024xi1>
    %eq3A_32 = arith.constant dense<true> : vector<24x1024xi1>
    %eq3A_33 = arith.xori %eq3A_31, %eq3A_32 : vector<24x1024xi1>
    %select_n3A_34 = arith.select %eq3A_33, %select_n3A, %get3A_1 : vector<24x1024xi1>, vector<24x1024xi32>
    %select_n3A_35 = arith.select %eq3A_33, %select_n3A_19, %get3A_4 : vector<24x1024xi1>, vector<24x1024xi32>
    %and3A_36 = arith.constant 2 : i32
    %and3A_37 = vector.broadcast %and3A_36 : i32 to vector<24x1024xi32>
    %and3A_38 = arith.andi %iota3A, %and3A_37 : vector<24x1024xi32>
    %eq3A_39 = arith.constant 0 : i32
    %eq3A_40 = vector.broadcast %eq3A_39 : i32 to vector<24x1024xi32>
    %eq3A_41 = arith.cmpi eq, %and3A_38, %eq3A_40 : vector<24x1024xi32>
    %slice3A_42 = vector.extract_strided_slice %select_n3A_34 {offsets = [0, 2], sizes = [24, 1022], strides = [1, 1]} : vector<24x1024xi32> to vector<24x1022xi32>
    %slice3A_43 = vector.extract_strided_slice %select_n3A_34 {offsets = [0, 0], sizes = [24, 2], strides = [1, 1]} : vector<24x1024xi32> to vector<24x2xi32>
    %concatenate3A_44 = tpu.concatenate %slice3A_42, %slice3A_43 in 1 : vector<24x1022xi32>, vector<24x2xi32> -> vector<24x1024xi32>
    %slice3A_45 = vector.extract_strided_slice %select_n3A_34 {offsets = [0, 1022], sizes = [24, 2], strides = [1, 1]} : vector<24x1024xi32> to vector<24x2xi32>
    %slice3A_46 = vector.extract_strided_slice %select_n3A_34 {offsets = [0, 0], sizes = [24, 1022], strides = [1, 1]} : vector<24x1024xi32> to vector<24x1022xi32>
    %concatenate3A_47 = tpu.concatenate %slice3A_45, %slice3A_46 in 1 : vector<24x2xi32>, vector<24x1022xi32> -> vector<24x1024xi32>
    %select_n3A_48 = arith.select %eq3A_41, %concatenate3A_44, %concatenate3A_47 : vector<24x1024xi1>, vector<24x1024xi32>
    %slice3A_49 = vector.extract_strided_slice %select_n3A_35 {offsets = [0, 2], sizes = [24, 1022], strides = [1, 1]} : vector<24x1024xi32> to vector<24x1022xi32>
    %slice3A_50 = vector.extract_strided_slice %select_n3A_35 {offsets = [0, 0], sizes = [24, 2], strides = [1, 1]} : vector<24x1024xi32> to vector<24x2xi32>
    %concatenate3A_51 = tpu.concatenate %slice3A_49, %slice3A_50 in 1 : vector<24x1022xi32>, vector<24x2xi32> -> vector<24x1024xi32>
    %slice3A_52 = vector.extract_strided_slice %select_n3A_35 {offsets = [0, 1022], sizes = [24, 2], strides = [1, 1]} : vector<24x1024xi32> to vector<24x2xi32>
    %slice3A_53 = vector.extract_strided_slice %select_n3A_35 {offsets = [0, 0], sizes = [24, 1022], strides = [1, 1]} : vector<24x1024xi32> to vector<24x1022xi32>
    %concatenate3A_54 = tpu.concatenate %slice3A_52, %slice3A_53 in 1 : vector<24x2xi32>, vector<24x1022xi32> -> vector<24x1024xi32>
    %select_n3A_55 = arith.select %eq3A_41, %concatenate3A_51, %concatenate3A_54 : vector<24x1024xi1>, vector<24x1024xi32>
    %gt3A_56 = arith.cmpi sgt, %select_n3A_48, %select_n3A_34 : vector<24x1024xi32>
    %eq3A_57 = arith.cmpi eq, %select_n3A_48, %select_n3A_34 : vector<24x1024xi32>
    %lt3A_58 = arith.cmpi slt, %select_n3A_55, %select_n3A_35 : vector<24x1024xi32>
    %and3A_59 = arith.andi %eq3A_57, %lt3A_58 : vector<24x1024xi1>
    %or3A_60 = arith.ori %gt3A_56, %and3A_59 : vector<24x1024xi1>
    %and3A_61 = arith.constant 4 : i32
    %and3A_62 = vector.broadcast %and3A_61 : i32 to vector<24x1024xi32>
    %and3A_63 = arith.andi %iota3A, %and3A_62 : vector<24x1024xi32>
    %eq3A_64 = arith.constant 0 : i32
    %eq3A_65 = vector.broadcast %eq3A_64 : i32 to vector<24x1024xi32>
    %eq3A_66 = arith.cmpi eq, %and3A_63, %eq3A_65 : vector<24x1024xi32>
    %eq3A_67 = arith.xori %eq3A_66, %eq3A_41 : vector<24x1024xi1>
    %eq3A_68 = arith.constant dense<true> : vector<24x1024xi1>
    %eq3A_69 = arith.xori %eq3A_67, %eq3A_68 : vector<24x1024xi1>
    %eq3A_70 = arith.xori %eq3A_69, %or3A_60 : vector<24x1024xi1>
    %eq3A_71 = arith.constant dense<true> : vector<24x1024xi1>
    %eq3A_72 = arith.xori %eq3A_70, %eq3A_71 : vector<24x1024xi1>
    %select_n3A_73 = arith.select %eq3A_72, %select_n3A_48, %select_n3A_34 : vector<24x1024xi1>, vector<24x1024xi32>
    %select_n3A_74 = arith.select %eq3A_72, %select_n3A_55, %select_n3A_35 : vector<24x1024xi1>, vector<24x1024xi32>
    %and3A_75 = arith.constant 1 : i32
    %and3A_76 = vector.broadcast %and3A_75 : i32 to vector<24x1024xi32>
    %and3A_77 = arith.andi %iota3A, %and3A_76 : vector<24x1024xi32>
    %eq3A_78 = arith.constant 0 : i32
    %eq3A_79 = vector.broadcast %eq3A_78 : i32 to vector<24x1024xi32>
    %eq3A_80 = arith.cmpi eq, %and3A_77, %eq3A_79 : vector<24x1024xi32>
    %slice3A_81 = vector.extract_strided_slice %select_n3A_73 {offsets = [0, 1], sizes = [24, 1023], strides = [1, 1]} : vector<24x1024xi32> to vector<24x1023xi32>
    %slice3A_82 = vector.extract_strided_slice %select_n3A_73 {offsets = [0, 0], sizes = [24, 1], strides = [1, 1]} : vector<24x1024xi32> to vector<24x1xi32>
    %concatenate3A_83 = tpu.concatenate %slice3A_81, %slice3A_82 in 1 : vector<24x1023xi32>, vector<24x1xi32> -> vector<24x1024xi32>
    %slice3A_84 = vector.extract_strided_slice %select_n3A_73 {offsets = [0, 1023], sizes = [24, 1], strides = [1, 1]} : vector<24x1024xi32> to vector<24x1xi32>
    %slice3A_85 = vector.extract_strided_slice %select_n3A_73 {offsets = [0, 0], sizes = [24, 1023], strides = [1, 1]} : vector<24x1024xi32> to vector<24x1023xi32>
    %concatenate3A_86 = tpu.concatenate %slice3A_84, %slice3A_85 in 1 : vector<24x1xi32>, vector<24x1023xi32> -> vector<24x1024xi32>
    %select_n3A_87 = arith.select %eq3A_80, %concatenate3A_83, %concatenate3A_86 : vector<24x1024xi1>, vector<24x1024xi32>
    %slice3A_88 = vector.extract_strided_slice %select_n3A_74 {offsets = [0, 1], sizes = [24, 1023], strides = [1, 1]} : vector<24x1024xi32> to vector<24x1023xi32>
    %slice3A_89 = vector.extract_strided_slice %select_n3A_74 {offsets = [0, 0], sizes = [24, 1], strides = [1, 1]} : vector<24x1024xi32> to vector<24x1xi32>
    %concatenate3A_90 = tpu.concatenate %slice3A_88, %slice3A_89 in 1 : vector<24x1023xi32>, vector<24x1xi32> -> vector<24x1024xi32>
    %slice3A_91 = vector.extract_strided_slice %select_n3A_74 {offsets = [0, 1023], sizes = [24, 1], strides = [1, 1]} : vector<24x1024xi32> to vector<24x1xi32>
    %slice3A_92 = vector.extract_strided_slice %select_n3A_74 {offsets = [0, 0], sizes = [24, 1023], strides = [1, 1]} : vector<24x1024xi32> to vector<24x1023xi32>
    %concatenate3A_93 = tpu.concatenate %slice3A_91, %slice3A_92 in 1 : vector<24x1xi32>, vector<24x1023xi32> -> vector<24x1024xi32>
    %select_n3A_94 = arith.select %eq3A_80, %concatenate3A_90, %concatenate3A_93 : vector<24x1024xi1>, vector<24x1024xi32>
    %gt3A_95 = arith.cmpi sgt, %select_n3A_87, %select_n3A_73 : vector<24x1024xi32>
    %eq3A_96 = arith.cmpi eq, %select_n3A_87, %select_n3A_73 : vector<24x1024xi32>
    %lt3A_97 = arith.cmpi slt, %select_n3A_94, %select_n3A_74 : vector<24x1024xi32>
    %and3A_98 = arith.andi %eq3A_96, %lt3A_97 : vector<24x1024xi1>
    %or3A_99 = arith.ori %gt3A_95, %and3A_98 : vector<24x1024xi1>
    %and3A_100 = arith.constant 4 : i32
    %and3A_101 = vector.broadcast %and3A_100 : i32 to vector<24x1024xi32>
    %and3A_102 = arith.andi %iota3A, %and3A_101 : vector<24x1024xi32>
    %eq3A_103 = arith.constant 0 : i32
    %eq3A_104 = vector.broadcast %eq3A_103 : i32 to vector<24x1024xi32>
    %eq3A_105 = arith.cmpi eq, %and3A_102, %eq3A_104 : vector<24x1024xi32>
    %eq3A_106 = arith.xori %eq3A_105, %eq3A_80 : vector<24x1024xi1>
    %eq3A_107 = arith.constant dense<true> : vector<24x1024xi1>
    %eq3A_108 = arith.xori %eq3A_106, %eq3A_107 : vector<24x1024xi1>
    %eq3A_109 = arith.xori %eq3A_108, %or3A_99 : vector<24x1024xi1>
    %eq3A_110 = arith.constant dense<true> : vector<24x1024xi1>
    %eq3A_111 = arith.xori %eq3A_109, %eq3A_110 : vector<24x1024xi1>
    %select_n3A_112 = arith.select %eq3A_111, %select_n3A_87, %select_n3A_73 : vector<24x1024xi1>, vector<24x1024xi32>
    %select_n3A_113 = arith.select %eq3A_111, %select_n3A_94, %select_n3A_74 : vector<24x1024xi1>, vector<24x1024xi32>
    %and3A_114 = arith.constant 4 : i32
    %and3A_115 = vector.broadcast %and3A_114 : i32 to vector<24x1024xi32>
    %and3A_116 = arith.andi %iota3A, %and3A_115 : vector<24x1024xi32>
    %eq3A_117 = arith.constant 0 : i32
    %eq3A_118 = vector.broadcast %eq3A_117 : i32 to vector<24x1024xi32>
    %eq3A_119 = arith.cmpi eq, %and3A_116, %eq3A_118 : vector<24x1024xi32>
    %slice3A_120 = vector.extract_strided_slice %select_n3A_112 {offsets = [0, 4], sizes = [24, 1020], strides = [1, 1]} : vector<24x1024xi32> to vector<24x1020xi32>
    %slice3A_121 = vector.extract_strided_slice %select_n3A_112 {offsets = [0, 0], sizes = [24, 4], strides = [1, 1]} : vector<24x1024xi32> to vector<24x4xi32>
    %concatenate3A_122 = tpu.concatenate %slice3A_120, %slice3A_121 in 1 : vector<24x1020xi32>, vector<24x4xi32> -> vector<24x1024xi32>
    %slice3A_123 = vector.extract_strided_slice %select_n3A_112 {offsets = [0, 1020], sizes = [24, 4], strides = [1, 1]} : vector<24x1024xi32> to vector<24x4xi32>
    %slice3A_124 = vector.extract_strided_slice %select_n3A_112 {offsets = [0, 0], sizes = [24, 1020], strides = [1, 1]} : vector<24x1024xi32> to vector<24x1020xi32>
    %concatenate3A_125 = tpu.concatenate %slice3A_123, %slice3A_124 in 1 : vector<24x4xi32>, vector<24x1020xi32> -> vector<24x1024xi32>
    %select_n3A_126 = arith.select %eq3A_119, %concatenate3A_122, %concatenate3A_125 : vector<24x1024xi1>, vector<24x1024xi32>
    %slice3A_127 = vector.extract_strided_slice %select_n3A_113 {offsets = [0, 4], sizes = [24, 1020], strides = [1, 1]} : vector<24x1024xi32> to vector<24x1020xi32>
    %slice3A_128 = vector.extract_strided_slice %select_n3A_113 {offsets = [0, 0], sizes = [24, 4], strides = [1, 1]} : vector<24x1024xi32> to vector<24x4xi32>
    %concatenate3A_129 = tpu.concatenate %slice3A_127, %slice3A_128 in 1 : vector<24x1020xi32>, vector<24x4xi32> -> vector<24x1024xi32>
    %slice3A_130 = vector.extract_strided_slice %select_n3A_113 {offsets = [0, 1020], sizes = [24, 4], strides = [1, 1]} : vector<24x1024xi32> to vector<24x4xi32>
    %slice3A_131 = vector.extract_strided_slice %select_n3A_113 {offsets = [0, 0], sizes = [24, 1020], strides = [1, 1]} : vector<24x1024xi32> to vector<24x1020xi32>
    %concatenate3A_132 = tpu.concatenate %slice3A_130, %slice3A_131 in 1 : vector<24x4xi32>, vector<24x1020xi32> -> vector<24x1024xi32>
    %select_n3A_133 = arith.select %eq3A_119, %concatenate3A_129, %concatenate3A_132 : vector<24x1024xi1>, vector<24x1024xi32>
    %gt3A_134 = arith.cmpi sgt, %select_n3A_126, %select_n3A_112 : vector<24x1024xi32>
    %eq3A_135 = arith.cmpi eq, %select_n3A_126, %select_n3A_112 : vector<24x1024xi32>
    %lt3A_136 = arith.cmpi slt, %select_n3A_133, %select_n3A_113 : vector<24x1024xi32>
    %and3A_137 = arith.andi %eq3A_135, %lt3A_136 : vector<24x1024xi1>
    %or3A_138 = arith.ori %gt3A_134, %and3A_137 : vector<24x1024xi1>
    %and3A_139 = arith.constant 8 : i32
    %and3A_140 = vector.broadcast %and3A_139 : i32 to vector<24x1024xi32>
    %and3A_141 = arith.andi %iota3A, %and3A_140 : vector<24x1024xi32>
    %eq3A_142 = arith.constant 0 : i32
    %eq3A_143 = vector.broadcast %eq3A_142 : i32 to vector<24x1024xi32>
    %eq3A_144 = arith.cmpi eq, %and3A_141, %eq3A_143 : vector<24x1024xi32>
    %eq3A_145 = arith.xori %eq3A_144, %eq3A_119 : vector<24x1024xi1>
    %eq3A_146 = arith.constant dense<true> : vector<24x1024xi1>
    %eq3A_147 = arith.xori %eq3A_145, %eq3A_146 : vector<24x1024xi1>
    %eq3A_148 = arith.xori %eq3A_147, %or3A_138 : vector<24x1024xi1>
    %eq3A_149 = arith.constant dense<true> : vector<24x1024xi1>
    %eq3A_150 = arith.xori %eq3A_148, %eq3A_149 : vector<24x1024xi1>
    %select_n3A_151 = arith.select %eq3A_150, %select_n3A_126, %select_n3A_112 : vector<24x1024xi1>, vector<24x1024xi32>
    %select_n3A_152 = arith.select %eq3A_150, %select_n3A_133, %select_n3A_113 : vector<24x1024xi1>, vector<24x1024xi32>
    %and3A_153 = arith.constant 2 : i32
    %and3A_154 = vector.broadcast %and3A_153 : i32 to vector<24x1024xi32>
    %and3A_155 = arith.andi %iota3A, %and3A_154 : vector<24x1024xi32>
    %eq3A_156 = arith.constant 0 : i32
    %eq3A_157 = vector.broadcast %eq3A_156 : i32 to vector<24x1024xi32>
    %eq3A_158 = arith.cmpi eq, %and3A_155, %eq3A_157 : vector<24x1024xi32>
    %slice3A_159 = vector.extract_strided_slice %select_n3A_151 {offsets = [0, 2], sizes = [24, 1022], strides = [1, 1]} : vector<24x1024xi32> to vector<24x1022xi32>
    %slice3A_160 = vector.extract_strided_slice %select_n3A_151 {offsets = [0, 0], sizes = [24, 2], strides = [1, 1]} : vector<24x1024xi32> to vector<24x2xi32>
    %concatenate3A_161 = tpu.concatenate %slice3A_159, %slice3A_160 in 1 : vector<24x1022xi32>, vector<24x2xi32> -> vector<24x1024xi32>
    %slice3A_162 = vector.extract_strided_slice %select_n3A_151 {offsets = [0, 1022], sizes = [24, 2], strides = [1, 1]} : vector<24x1024xi32> to vector<24x2xi32>
    %slice3A_163 = vector.extract_strided_slice %select_n3A_151 {offsets = [0, 0], sizes = [24, 1022], strides = [1, 1]} : vector<24x1024xi32> to vector<24x1022xi32>
    %concatenate3A_164 = tpu.concatenate %slice3A_162, %slice3A_163 in 1 : vector<24x2xi32>, vector<24x1022xi32> -> vector<24x1024xi32>
    %select_n3A_165 = arith.select %eq3A_158, %concatenate3A_161, %concatenate3A_164 : vector<24x1024xi1>, vector<24x1024xi32>
    %slice3A_166 = vector.extract_strided_slice %select_n3A_152 {offsets = [0, 2], sizes = [24, 1022], strides = [1, 1]} : vector<24x1024xi32> to vector<24x1022xi32>
    %slice3A_167 = vector.extract_strided_slice %select_n3A_152 {offsets = [0, 0], sizes = [24, 2], strides = [1, 1]} : vector<24x1024xi32> to vector<24x2xi32>
    %concatenate3A_168 = tpu.concatenate %slice3A_166, %slice3A_167 in 1 : vector<24x1022xi32>, vector<24x2xi32> -> vector<24x1024xi32>
    %slice3A_169 = vector.extract_strided_slice %select_n3A_152 {offsets = [0, 1022], sizes = [24, 2], strides = [1, 1]} : vector<24x1024xi32> to vector<24x2xi32>
    %slice3A_170 = vector.extract_strided_slice %select_n3A_152 {offsets = [0, 0], sizes = [24, 1022], strides = [1, 1]} : vector<24x1024xi32> to vector<24x1022xi32>
    %concatenate3A_171 = tpu.concatenate %slice3A_169, %slice3A_170 in 1 : vector<24x2xi32>, vector<24x1022xi32> -> vector<24x1024xi32>
    %select_n3A_172 = arith.select %eq3A_158, %concatenate3A_168, %concatenate3A_171 : vector<24x1024xi1>, vector<24x1024xi32>
    %gt3A_173 = arith.cmpi sgt, %select_n3A_165, %select_n3A_151 : vector<24x1024xi32>
    %eq3A_174 = arith.cmpi eq, %select_n3A_165, %select_n3A_151 : vector<24x1024xi32>
    %lt3A_175 = arith.cmpi slt, %select_n3A_172, %select_n3A_152 : vector<24x1024xi32>
    %and3A_176 = arith.andi %eq3A_174, %lt3A_175 : vector<24x1024xi1>
    %or3A_177 = arith.ori %gt3A_173, %and3A_176 : vector<24x1024xi1>
    %and3A_178 = arith.constant 8 : i32
    %and3A_179 = vector.broadcast %and3A_178 : i32 to vector<24x1024xi32>
    %and3A_180 = arith.andi %iota3A, %and3A_179 : vector<24x1024xi32>
    %eq3A_181 = arith.constant 0 : i32
    %eq3A_182 = vector.broadcast %eq3A_181 : i32 to vector<24x1024xi32>
    %eq3A_183 = arith.cmpi eq, %and3A_180, %eq3A_182 : vector<24x1024xi32>
    %eq3A_184 = arith.xori %eq3A_183, %eq3A_158 : vector<24x1024xi1>
    %eq3A_185 = arith.constant dense<true> : vector<24x1024xi1>
    %eq3A_186 = arith.xori %eq3A_184, %eq3A_185 : vector<24x1024xi1>
    %eq3A_187 = arith.xori %eq3A_186, %or3A_177 : vector<24x1024xi1>
    %eq3A_188 = arith.constant dense<true> : vector<24x1024xi1>
    %eq3A_189 = arith.xori %eq3A_187, %eq3A_188 : vector<24x1024xi1>
    %select_n3A_190 = arith.select %eq3A_189, %select_n3A_165, %select_n3A_151 : vector<24x1024xi1>, vector<24x1024xi32>
    %select_n3A_191 = arith.select %eq3A_189, %select_n3A_172, %select_n3A_152 : vector<24x1024xi1>, vector<24x1024xi32>
    %and3A_192 = arith.constant 1 : i32
    %and3A_193 = vector.broadcast %and3A_192 : i32 to vector<24x1024xi32>
    %and3A_194 = arith.andi %iota3A, %and3A_193 : vector<24x1024xi32>
    %eq3A_195 = arith.constant 0 : i32
    %eq3A_196 = vector.broadcast %eq3A_195 : i32 to vector<24x1024xi32>
    %eq3A_197 = arith.cmpi eq, %and3A_194, %eq3A_196 : vector<24x1024xi32>
    %slice3A_198 = vector.extract_strided_slice %select_n3A_190 {offsets = [0, 1], sizes = [24, 1023], strides = [1, 1]} : vector<24x1024xi32> to vector<24x1023xi32>
    %slice3A_199 = vector.extract_strided_slice %select_n3A_190 {offsets = [0, 0], sizes = [24, 1], strides = [1, 1]} : vector<24x1024xi32> to vector<24x1xi32>
    %concatenate3A_200 = tpu.concatenate %slice3A_198, %slice3A_199 in 1 : vector<24x1023xi32>, vector<24x1xi32> -> vector<24x1024xi32>
    %slice3A_201 = vector.extract_strided_slice %select_n3A_190 {offsets = [0, 1023], sizes = [24, 1], strides = [1, 1]} : vector<24x1024xi32> to vector<24x1xi32>
    %slice3A_202 = vector.extract_strided_slice %select_n3A_190 {offsets = [0, 0], sizes = [24, 1023], strides = [1, 1]} : vector<24x1024xi32> to vector<24x1023xi32>
    %concatenate3A_203 = tpu.concatenate %slice3A_201, %slice3A_202 in 1 : vector<24x1xi32>, vector<24x1023xi32> -> vector<24x1024xi32>
    %select_n3A_204 = arith.select %eq3A_197, %concatenate3A_200, %concatenate3A_203 : vector<24x1024xi1>, vector<24x1024xi32>
    %slice3A_205 = vector.extract_strided_slice %select_n3A_191 {offsets = [0, 1], sizes = [24, 1023], strides = [1, 1]} : vector<24x1024xi32> to vector<24x1023xi32>
    %slice3A_206 = vector.extract_strided_slice %select_n3A_191 {offsets = [0, 0], sizes = [24, 1], strides = [1, 1]} : vector<24x1024xi32> to vector<24x1xi32>
    %concatenate3A_207 = tpu.concatenate %slice3A_205, %slice3A_206 in 1 : vector<24x1023xi32>, vector<24x1xi32> -> vector<24x1024xi32>
    %slice3A_208 = vector.extract_strided_slice %select_n3A_191 {offsets = [0, 1023], sizes = [24, 1], strides = [1, 1]} : vector<24x1024xi32> to vector<24x1xi32>
    %slice3A_209 = vector.extract_strided_slice %select_n3A_191 {offsets = [0, 0], sizes = [24, 1023], strides = [1, 1]} : vector<24x1024xi32> to vector<24x1023xi32>
    %concatenate3A_210 = tpu.concatenate %slice3A_208, %slice3A_209 in 1 : vector<24x1xi32>, vector<24x1023xi32> -> vector<24x1024xi32>
    %select_n3A_211 = arith.select %eq3A_197, %concatenate3A_207, %concatenate3A_210 : vector<24x1024xi1>, vector<24x1024xi32>
    %gt3A_212 = arith.cmpi sgt, %select_n3A_204, %select_n3A_190 : vector<24x1024xi32>
    %eq3A_213 = arith.cmpi eq, %select_n3A_204, %select_n3A_190 : vector<24x1024xi32>
    %lt3A_214 = arith.cmpi slt, %select_n3A_211, %select_n3A_191 : vector<24x1024xi32>
    %and3A_215 = arith.andi %eq3A_213, %lt3A_214 : vector<24x1024xi1>
    %or3A_216 = arith.ori %gt3A_212, %and3A_215 : vector<24x1024xi1>
    %and3A_217 = arith.constant 8 : i32
    %and3A_218 = vector.broadcast %and3A_217 : i32 to vector<24x1024xi32>
    %and3A_219 = arith.andi %iota3A, %and3A_218 : vector<24x1024xi32>
    %eq3A_220 = arith.constant 0 : i32
    %eq3A_221 = vector.broadcast %eq3A_220 : i32 to vector<24x1024xi32>
    %eq3A_222 = arith.cmpi eq, %and3A_219, %eq3A_221 : vector<24x1024xi32>
    %eq3A_223 = arith.xori %eq3A_222, %eq3A_197 : vector<24x1024xi1>
    %eq3A_224 = arith.constant dense<true> : vector<24x1024xi1>
    %eq3A_225 = arith.xori %eq3A_223, %eq3A_224 : vector<24x1024xi1>
    %eq3A_226 = arith.xori %eq3A_225, %or3A_216 : vector<24x1024xi1>
    %eq3A_227 = arith.constant dense<true> : vector<24x1024xi1>
    %eq3A_228 = arith.xori %eq3A_226, %eq3A_227 : vector<24x1024xi1>
    %select_n3A_229 = arith.select %eq3A_228, %select_n3A_204, %select_n3A_190 : vector<24x1024xi1>, vector<24x1024xi32>
    %select_n3A_230 = arith.select %eq3A_228, %select_n3A_211, %select_n3A_191 : vector<24x1024xi1>, vector<24x1024xi32>
    %and3A_231 = arith.constant 8 : i32
    %and3A_232 = vector.broadcast %and3A_231 : i32 to vector<24x1024xi32>
    %and3A_233 = arith.andi %iota3A, %and3A_232 : vector<24x1024xi32>
    %eq3A_234 = arith.constant 0 : i32
    %eq3A_235 = vector.broadcast %eq3A_234 : i32 to vector<24x1024xi32>
    %eq3A_236 = arith.cmpi eq, %and3A_233, %eq3A_235 : vector<24x1024xi32>
    %slice3A_237 = vector.extract_strided_slice %select_n3A_229 {offsets = [0, 8], sizes = [24, 1016], strides = [1, 1]} : vector<24x1024xi32> to vector<24x1016xi32>
    %slice3A_238 = vector.extract_strided_slice %select_n3A_229 {offsets = [0, 0], sizes = [24, 8], strides = [1, 1]} : vector<24x1024xi32> to vector<24x8xi32>
    %concatenate3A_239 = tpu.concatenate %slice3A_237, %slice3A_238 in 1 : vector<24x1016xi32>, vector<24x8xi32> -> vector<24x1024xi32>
    %slice3A_240 = vector.extract_strided_slice %select_n3A_229 {offsets = [0, 1016], sizes = [24, 8], strides = [1, 1]} : vector<24x1024xi32> to vector<24x8xi32>
    %slice3A_241 = vector.extract_strided_slice %select_n3A_229 {offsets = [0, 0], sizes = [24, 1016], strides = [1, 1]} : vector<24x1024xi32> to vector<24x1016xi32>
    %concatenate3A_242 = tpu.concatenate %slice3A_240, %slice3A_241 in 1 : vector<24x8xi32>, vector<24x1016xi32> -> vector<24x1024xi32>
    %select_n3A_243 = arith.select %eq3A_236, %concatenate3A_239, %concatenate3A_242 : vector<24x1024xi1>, vector<24x1024xi32>
    %slice3A_244 = vector.extract_strided_slice %select_n3A_230 {offsets = [0, 8], sizes = [24, 1016], strides = [1, 1]} : vector<24x1024xi32> to vector<24x1016xi32>
    %slice3A_245 = vector.extract_strided_slice %select_n3A_230 {offsets = [0, 0], sizes = [24, 8], strides = [1, 1]} : vector<24x1024xi32> to vector<24x8xi32>
    %concatenate3A_246 = tpu.concatenate %slice3A_244, %slice3A_245 in 1 : vector<24x1016xi32>, vector<24x8xi32> -> vector<24x1024xi32>
    %slice3A_247 = vector.extract_strided_slice %select_n3A_230 {offsets = [0, 1016], sizes = [24, 8], strides = [1, 1]} : vector<24x1024xi32> to vector<24x8xi32>
    %slice3A_248 = vector.extract_strided_slice %select_n3A_230 {offsets = [0, 0], sizes = [24, 1016], strides = [1, 1]} : vector<24x1024xi32> to vector<24x1016xi32>
    %concatenate3A_249 = tpu.concatenate %slice3A_247, %slice3A_248 in 1 : vector<24x8xi32>, vector<24x1016xi32> -> vector<24x1024xi32>
    %select_n3A_250 = arith.select %eq3A_236, %concatenate3A_246, %concatenate3A_249 : vector<24x1024xi1>, vector<24x1024xi32>
    %gt3A_251 = arith.cmpi sgt, %select_n3A_243, %select_n3A_229 : vector<24x1024xi32>
    %eq3A_252 = arith.cmpi eq, %select_n3A_243, %select_n3A_229 : vector<24x1024xi32>
    %lt3A_253 = arith.cmpi slt, %select_n3A_250, %select_n3A_230 : vector<24x1024xi32>
    %and3A_254 = arith.andi %eq3A_252, %lt3A_253 : vector<24x1024xi1>
    %or3A_255 = arith.ori %gt3A_251, %and3A_254 : vector<24x1024xi1>
    %and3A_256 = arith.constant 16 : i32
    %and3A_257 = vector.broadcast %and3A_256 : i32 to vector<24x1024xi32>
    %and3A_258 = arith.andi %iota3A, %and3A_257 : vector<24x1024xi32>
    %eq3A_259 = arith.constant 0 : i32
    %eq3A_260 = vector.broadcast %eq3A_259 : i32 to vector<24x1024xi32>
    %eq3A_261 = arith.cmpi eq, %and3A_258, %eq3A_260 : vector<24x1024xi32>
    %eq3A_262 = arith.xori %eq3A_261, %eq3A_236 : vector<24x1024xi1>
    %eq3A_263 = arith.constant dense<true> : vector<24x1024xi1>
    %eq3A_264 = arith.xori %eq3A_262, %eq3A_263 : vector<24x1024xi1>
    %eq3A_265 = arith.xori %eq3A_264, %or3A_255 : vector<24x1024xi1>
    %eq3A_266 = arith.constant dense<true> : vector<24x1024xi1>
    %eq3A_267 = arith.xori %eq3A_265, %eq3A_266 : vector<24x1024xi1>
    %select_n3A_268 = arith.select %eq3A_267, %select_n3A_243, %select_n3A_229 : vector<24x1024xi1>, vector<24x1024xi32>
    %select_n3A_269 = arith.select %eq3A_267, %select_n3A_250, %select_n3A_230 : vector<24x1024xi1>, vector<24x1024xi32>
    %and3A_270 = arith.constant 4 : i32
    %and3A_271 = vector.broadcast %and3A_270 : i32 to vector<24x1024xi32>
    %and3A_272 = arith.andi %iota3A, %and3A_271 : vector<24x1024xi32>
    %eq3A_273 = arith.constant 0 : i32
    %eq3A_274 = vector.broadcast %eq3A_273 : i32 to vector<24x1024xi32>
    %eq3A_275 = arith.cmpi eq, %and3A_272, %eq3A_274 : vector<24x1024xi32>
    %slice3A_276 = vector.extract_strided_slice %select_n3A_268 {offsets = [0, 4], sizes = [24, 1020], strides = [1, 1]} : vector<24x1024xi32> to vector<24x1020xi32>
    %slice3A_277 = vector.extract_strided_slice %select_n3A_268 {offsets = [0, 0], sizes = [24, 4], strides = [1, 1]} : vector<24x1024xi32> to vector<24x4xi32>
    %concatenate3A_278 = tpu.concatenate %slice3A_276, %slice3A_277 in 1 : vector<24x1020xi32>, vector<24x4xi32> -> vector<24x1024xi32>
    %slice3A_279 = vector.extract_strided_slice %select_n3A_268 {offsets = [0, 1020], sizes = [24, 4], strides = [1, 1]} : vector<24x1024xi32> to vector<24x4xi32>
    %slice3A_280 = vector.extract_strided_slice %select_n3A_268 {offsets = [0, 0], sizes = [24, 1020], strides = [1, 1]} : vector<24x1024xi32> to vector<24x1020xi32>
    %concatenate3A_281 = tpu.concatenate %slice3A_279, %slice3A_280 in 1 : vector<24x4xi32>, vector<24x1020xi32> -> vector<24x1024xi32>
    %select_n3A_282 = arith.select %eq3A_275, %concatenate3A_278, %concatenate3A_281 : vector<24x1024xi1>, vector<24x1024xi32>
    %slice3A_283 = vector.extract_strided_slice %select_n3A_269 {offsets = [0, 4], sizes = [24, 1020], strides = [1, 1]} : vector<24x1024xi32> to vector<24x1020xi32>
    %slice3A_284 = vector.extract_strided_slice %select_n3A_269 {offsets = [0, 0], sizes = [24, 4], strides = [1, 1]} : vector<24x1024xi32> to vector<24x4xi32>
    %concatenate3A_285 = tpu.concatenate %slice3A_283, %slice3A_284 in 1 : vector<24x1020xi32>, vector<24x4xi32> -> vector<24x1024xi32>
    %slice3A_286 = vector.extract_strided_slice %select_n3A_269 {offsets = [0, 1020], sizes = [24, 4], strides = [1, 1]} : vector<24x1024xi32> to vector<24x4xi32>
    %slice3A_287 = vector.extract_strided_slice %select_n3A_269 {offsets = [0, 0], sizes = [24, 1020], strides = [1, 1]} : vector<24x1024xi32> to vector<24x1020xi32>
    %concatenate3A_288 = tpu.concatenate %slice3A_286, %slice3A_287 in 1 : vector<24x4xi32>, vector<24x1020xi32> -> vector<24x1024xi32>
    %select_n3A_289 = arith.select %eq3A_275, %concatenate3A_285, %concatenate3A_288 : vector<24x1024xi1>, vector<24x1024xi32>
    %gt3A_290 = arith.cmpi sgt, %select_n3A_282, %select_n3A_268 : vector<24x1024xi32>
    %eq3A_291 = arith.cmpi eq, %select_n3A_282, %select_n3A_268 : vector<24x1024xi32>
    %lt3A_292 = arith.cmpi slt, %select_n3A_289, %select_n3A_269 : vector<24x1024xi32>
    %and3A_293 = arith.andi %eq3A_291, %lt3A_292 : vector<24x1024xi1>
    %or3A_294 = arith.ori %gt3A_290, %and3A_293 : vector<24x1024xi1>
    %and3A_295 = arith.constant 16 : i32
    %and3A_296 = vector.broadcast %and3A_295 : i32 to vector<24x1024xi32>
    %and3A_297 = arith.andi %iota3A, %and3A_296 : vector<24x1024xi32>
    %eq3A_298 = arith.constant 0 : i32
    %eq3A_299 = vector.broadcast %eq3A_298 : i32 to vector<24x1024xi32>
    %eq3A_300 = arith.cmpi eq, %and3A_297, %eq3A_299 : vector<24x1024xi32>
    %eq3A_301 = arith.xori %eq3A_300, %eq3A_275 : vector<24x1024xi1>
    %eq3A_302 = arith.constant dense<true> : vector<24x1024xi1>
    %eq3A_303 = arith.xori %eq3A_301, %eq3A_302 : vector<24x1024xi1>
    %eq3A_304 = arith.xori %eq3A_303, %or3A_294 : vector<24x1024xi1>
    %eq3A_305 = arith.constant dense<true> : vector<24x1024xi1>
    %eq3A_306 = arith.xori %eq3A_304, %eq3A_305 : vector<24x1024xi1>
    %select_n3A_307 = arith.select %eq3A_306, %select_n3A_282, %select_n3A_268 : vector<24x1024xi1>, vector<24x1024xi32>
    %select_n3A_308 = arith.select %eq3A_306, %select_n3A_289, %select_n3A_269 : vector<24x1024xi1>, vector<24x1024xi32>
    %and3A_309 = arith.constant 2 : i32
    %and3A_310 = vector.broadcast %and3A_309 : i32 to vector<24x1024xi32>
    %and3A_311 = arith.andi %iota3A, %and3A_310 : vector<24x1024xi32>
    %eq3A_312 = arith.constant 0 : i32
    %eq3A_313 = vector.broadcast %eq3A_312 : i32 to vector<24x1024xi32>
    %eq3A_314 = arith.cmpi eq, %and3A_311, %eq3A_313 : vector<24x1024xi32>
    %slice3A_315 = vector.extract_strided_slice %select_n3A_307 {offsets = [0, 2], sizes = [24, 1022], strides = [1, 1]} : vector<24x1024xi32> to vector<24x1022xi32>
    %slice3A_316 = vector.extract_strided_slice %select_n3A_307 {offsets = [0, 0], sizes = [24, 2], strides = [1, 1]} : vector<24x1024xi32> to vector<24x2xi32>
    %concatenate3A_317 = tpu.concatenate %slice3A_315, %slice3A_316 in 1 : vector<24x1022xi32>, vector<24x2xi32> -> vector<24x1024xi32>
    %slice3A_318 = vector.extract_strided_slice %select_n3A_307 {offsets = [0, 1022], sizes = [24, 2], strides = [1, 1]} : vector<24x1024xi32> to vector<24x2xi32>
    %slice3A_319 = vector.extract_strided_slice %select_n3A_307 {offsets = [0, 0], sizes = [24, 1022], strides = [1, 1]} : vector<24x1024xi32> to vector<24x1022xi32>
    %concatenate3A_320 = tpu.concatenate %slice3A_318, %slice3A_319 in 1 : vector<24x2xi32>, vector<24x1022xi32> -> vector<24x1024xi32>
    %select_n3A_321 = arith.select %eq3A_314, %concatenate3A_317, %concatenate3A_320 : vector<24x1024xi1>, vector<24x1024xi32>
    %slice3A_322 = vector.extract_strided_slice %select_n3A_308 {offsets = [0, 2], sizes = [24, 1022], strides = [1, 1]} : vector<24x1024xi32> to vector<24x1022xi32>
    %slice3A_323 = vector.extract_strided_slice %select_n3A_308 {offsets = [0, 0], sizes = [24, 2], strides = [1, 1]} : vector<24x1024xi32> to vector<24x2xi32>
    %concatenate3A_324 = tpu.concatenate %slice3A_322, %slice3A_323 in 1 : vector<24x1022xi32>, vector<24x2xi32> -> vector<24x1024xi32>
    %slice3A_325 = vector.extract_strided_slice %select_n3A_308 {offsets = [0, 1022], sizes = [24, 2], strides = [1, 1]} : vector<24x1024xi32> to vector<24x2xi32>
    %slice3A_326 = vector.extract_strided_slice %select_n3A_308 {offsets = [0, 0], sizes = [24, 1022], strides = [1, 1]} : vector<24x1024xi32> to vector<24x1022xi32>
    %concatenate3A_327 = tpu.concatenate %slice3A_325, %slice3A_326 in 1 : vector<24x2xi32>, vector<24x1022xi32> -> vector<24x1024xi32>
    %select_n3A_328 = arith.select %eq3A_314, %concatenate3A_324, %concatenate3A_327 : vector<24x1024xi1>, vector<24x1024xi32>
    %gt3A_329 = arith.cmpi sgt, %select_n3A_321, %select_n3A_307 : vector<24x1024xi32>
    %eq3A_330 = arith.cmpi eq, %select_n3A_321, %select_n3A_307 : vector<24x1024xi32>
    %lt3A_331 = arith.cmpi slt, %select_n3A_328, %select_n3A_308 : vector<24x1024xi32>
    %and3A_332 = arith.andi %eq3A_330, %lt3A_331 : vector<24x1024xi1>
    %or3A_333 = arith.ori %gt3A_329, %and3A_332 : vector<24x1024xi1>
    %and3A_334 = arith.constant 16 : i32
    %and3A_335 = vector.broadcast %and3A_334 : i32 to vector<24x1024xi32>
    %and3A_336 = arith.andi %iota3A, %and3A_335 : vector<24x1024xi32>
    %eq3A_337 = arith.constant 0 : i32
    %eq3A_338 = vector.broadcast %eq3A_337 : i32 to vector<24x1024xi32>
    %eq3A_339 = arith.cmpi eq, %and3A_336, %eq3A_338 : vector<24x1024xi32>
    %eq3A_340 = arith.xori %eq3A_339, %eq3A_314 : vector<24x1024xi1>
    %eq3A_341 = arith.constant dense<true> : vector<24x1024xi1>
    %eq3A_342 = arith.xori %eq3A_340, %eq3A_341 : vector<24x1024xi1>
    %eq3A_343 = arith.xori %eq3A_342, %or3A_333 : vector<24x1024xi1>
    %eq3A_344 = arith.constant dense<true> : vector<24x1024xi1>
    %eq3A_345 = arith.xori %eq3A_343, %eq3A_344 : vector<24x1024xi1>
    %select_n3A_346 = arith.select %eq3A_345, %select_n3A_321, %select_n3A_307 : vector<24x1024xi1>, vector<24x1024xi32>
    %select_n3A_347 = arith.select %eq3A_345, %select_n3A_328, %select_n3A_308 : vector<24x1024xi1>, vector<24x1024xi32>
    %and3A_348 = arith.constant 1 : i32
    %and3A_349 = vector.broadcast %and3A_348 : i32 to vector<24x1024xi32>
    %and3A_350 = arith.andi %iota3A, %and3A_349 : vector<24x1024xi32>
    %eq3A_351 = arith.constant 0 : i32
    %eq3A_352 = vector.broadcast %eq3A_351 : i32 to vector<24x1024xi32>
    %eq3A_353 = arith.cmpi eq, %and3A_350, %eq3A_352 : vector<24x1024xi32>
    %slice3A_354 = vector.extract_strided_slice %select_n3A_346 {offsets = [0, 1], sizes = [24, 1023], strides = [1, 1]} : vector<24x1024xi32> to vector<24x1023xi32>
    %slice3A_355 = vector.extract_strided_slice %select_n3A_346 {offsets = [0, 0], sizes = [24, 1], strides = [1, 1]} : vector<24x1024xi32> to vector<24x1xi32>
    %concatenate3A_356 = tpu.concatenate %slice3A_354, %slice3A_355 in 1 : vector<24x1023xi32>, vector<24x1xi32> -> vector<24x1024xi32>
    %slice3A_357 = vector.extract_strided_slice %select_n3A_346 {offsets = [0, 1023], sizes = [24, 1], strides = [1, 1]} : vector<24x1024xi32> to vector<24x1xi32>
    %slice3A_358 = vector.extract_strided_slice %select_n3A_346 {offsets = [0, 0], sizes = [24, 1023], strides = [1, 1]} : vector<24x1024xi32> to vector<24x1023xi32>
    %concatenate3A_359 = tpu.concatenate %slice3A_357, %slice3A_358 in 1 : vector<24x1xi32>, vector<24x1023xi32> -> vector<24x1024xi32>
    %select_n3A_360 = arith.select %eq3A_353, %concatenate3A_356, %concatenate3A_359 : vector<24x1024xi1>, vector<24x1024xi32>
    %slice3A_361 = vector.extract_strided_slice %select_n3A_347 {offsets = [0, 1], sizes = [24, 1023], strides = [1, 1]} : vector<24x1024xi32> to vector<24x1023xi32>
    %slice3A_362 = vector.extract_strided_slice %select_n3A_347 {offsets = [0, 0], sizes = [24, 1], strides = [1, 1]} : vector<24x1024xi32> to vector<24x1xi32>
    %concatenate3A_363 = tpu.concatenate %slice3A_361, %slice3A_362 in 1 : vector<24x1023xi32>, vector<24x1xi32> -> vector<24x1024xi32>
    %slice3A_364 = vector.extract_strided_slice %select_n3A_347 {offsets = [0, 1023], sizes = [24, 1], strides = [1, 1]} : vector<24x1024xi32> to vector<24x1xi32>
    %slice3A_365 = vector.extract_strided_slice %select_n3A_347 {offsets = [0, 0], sizes = [24, 1023], strides = [1, 1]} : vector<24x1024xi32> to vector<24x1023xi32>
    %concatenate3A_366 = tpu.concatenate %slice3A_364, %slice3A_365 in 1 : vector<24x1xi32>, vector<24x1023xi32> -> vector<24x1024xi32>
    %select_n3A_367 = arith.select %eq3A_353, %concatenate3A_363, %concatenate3A_366 : vector<24x1024xi1>, vector<24x1024xi32>
    %gt3A_368 = arith.cmpi sgt, %select_n3A_360, %select_n3A_346 : vector<24x1024xi32>
    %eq3A_369 = arith.cmpi eq, %select_n3A_360, %select_n3A_346 : vector<24x1024xi32>
    %lt3A_370 = arith.cmpi slt, %select_n3A_367, %select_n3A_347 : vector<24x1024xi32>
    %and3A_371 = arith.andi %eq3A_369, %lt3A_370 : vector<24x1024xi1>
    %or3A_372 = arith.ori %gt3A_368, %and3A_371 : vector<24x1024xi1>
    %and3A_373 = arith.constant 16 : i32
    %and3A_374 = vector.broadcast %and3A_373 : i32 to vector<24x1024xi32>
    %and3A_375 = arith.andi %iota3A, %and3A_374 : vector<24x1024xi32>
    %eq3A_376 = arith.constant 0 : i32
    %eq3A_377 = vector.broadcast %eq3A_376 : i32 to vector<24x1024xi32>
    %eq3A_378 = arith.cmpi eq, %and3A_375, %eq3A_377 : vector<24x1024xi32>
    %eq3A_379 = arith.xori %eq3A_378, %eq3A_353 : vector<24x1024xi1>
    %eq3A_380 = arith.constant dense<true> : vector<24x1024xi1>
    %eq3A_381 = arith.xori %eq3A_379, %eq3A_380 : vector<24x1024xi1>
    %eq3A_382 = arith.xori %eq3A_381, %or3A_372 : vector<24x1024xi1>
    %eq3A_383 = arith.constant dense<true> : vector<24x1024xi1>
    %eq3A_384 = arith.xori %eq3A_382, %eq3A_383 : vector<24x1024xi1>
    %select_n3A_385 = arith.select %eq3A_384, %select_n3A_360, %select_n3A_346 : vector<24x1024xi1>, vector<24x1024xi32>
    %select_n3A_386 = arith.select %eq3A_384, %select_n3A_367, %select_n3A_347 : vector<24x1024xi1>, vector<24x1024xi32>
    %and3A_387 = arith.constant 16 : i32
    %and3A_388 = vector.broadcast %and3A_387 : i32 to vector<24x1024xi32>
    %and3A_389 = arith.andi %iota3A, %and3A_388 : vector<24x1024xi32>
    %eq3A_390 = arith.constant 0 : i32
    %eq3A_391 = vector.broadcast %eq3A_390 : i32 to vector<24x1024xi32>
    %eq3A_392 = arith.cmpi eq, %and3A_389, %eq3A_391 : vector<24x1024xi32>
    %slice3A_393 = vector.extract_strided_slice %select_n3A_385 {offsets = [0, 16], sizes = [24, 1008], strides = [1, 1]} : vector<24x1024xi32> to vector<24x1008xi32>
    %slice3A_394 = vector.extract_strided_slice %select_n3A_385 {offsets = [0, 0], sizes = [24, 16], strides = [1, 1]} : vector<24x1024xi32> to vector<24x16xi32>
    %concatenate3A_395 = tpu.concatenate %slice3A_393, %slice3A_394 in 1 : vector<24x1008xi32>, vector<24x16xi32> -> vector<24x1024xi32>
    %slice3A_396 = vector.extract_strided_slice %select_n3A_385 {offsets = [0, 1008], sizes = [24, 16], strides = [1, 1]} : vector<24x1024xi32> to vector<24x16xi32>
    %slice3A_397 = vector.extract_strided_slice %select_n3A_385 {offsets = [0, 0], sizes = [24, 1008], strides = [1, 1]} : vector<24x1024xi32> to vector<24x1008xi32>
    %concatenate3A_398 = tpu.concatenate %slice3A_396, %slice3A_397 in 1 : vector<24x16xi32>, vector<24x1008xi32> -> vector<24x1024xi32>
    %select_n3A_399 = arith.select %eq3A_392, %concatenate3A_395, %concatenate3A_398 : vector<24x1024xi1>, vector<24x1024xi32>
    %slice3A_400 = vector.extract_strided_slice %select_n3A_386 {offsets = [0, 16], sizes = [24, 1008], strides = [1, 1]} : vector<24x1024xi32> to vector<24x1008xi32>
    %slice3A_401 = vector.extract_strided_slice %select_n3A_386 {offsets = [0, 0], sizes = [24, 16], strides = [1, 1]} : vector<24x1024xi32> to vector<24x16xi32>
    %concatenate3A_402 = tpu.concatenate %slice3A_400, %slice3A_401 in 1 : vector<24x1008xi32>, vector<24x16xi32> -> vector<24x1024xi32>
    %slice3A_403 = vector.extract_strided_slice %select_n3A_386 {offsets = [0, 1008], sizes = [24, 16], strides = [1, 1]} : vector<24x1024xi32> to vector<24x16xi32>
    %slice3A_404 = vector.extract_strided_slice %select_n3A_386 {offsets = [0, 0], sizes = [24, 1008], strides = [1, 1]} : vector<24x1024xi32> to vector<24x1008xi32>
    %concatenate3A_405 = tpu.concatenate %slice3A_403, %slice3A_404 in 1 : vector<24x16xi32>, vector<24x1008xi32> -> vector<24x1024xi32>
    %select_n3A_406 = arith.select %eq3A_392, %concatenate3A_402, %concatenate3A_405 : vector<24x1024xi1>, vector<24x1024xi32>
    %gt3A_407 = arith.cmpi sgt, %select_n3A_399, %select_n3A_385 : vector<24x1024xi32>
    %eq3A_408 = arith.cmpi eq, %select_n3A_399, %select_n3A_385 : vector<24x1024xi32>
    %lt3A_409 = arith.cmpi slt, %select_n3A_406, %select_n3A_386 : vector<24x1024xi32>
    %and3A_410 = arith.andi %eq3A_408, %lt3A_409 : vector<24x1024xi1>
    %or3A_411 = arith.ori %gt3A_407, %and3A_410 : vector<24x1024xi1>
    %and3A_412 = arith.constant 32 : i32
    %and3A_413 = vector.broadcast %and3A_412 : i32 to vector<24x1024xi32>
    %and3A_414 = arith.andi %iota3A, %and3A_413 : vector<24x1024xi32>
    %eq3A_415 = arith.constant 0 : i32
    %eq3A_416 = vector.broadcast %eq3A_415 : i32 to vector<24x1024xi32>
    %eq3A_417 = arith.cmpi eq, %and3A_414, %eq3A_416 : vector<24x1024xi32>
    %eq3A_418 = arith.xori %eq3A_417, %eq3A_392 : vector<24x1024xi1>
    %eq3A_419 = arith.constant dense<true> : vector<24x1024xi1>
    %eq3A_420 = arith.xori %eq3A_418, %eq3A_419 : vector<24x1024xi1>
    %eq3A_421 = arith.xori %eq3A_420, %or3A_411 : vector<24x1024xi1>
    %eq3A_422 = arith.constant dense<true> : vector<24x1024xi1>
    %eq3A_423 = arith.xori %eq3A_421, %eq3A_422 : vector<24x1024xi1>
    %select_n3A_424 = arith.select %eq3A_423, %select_n3A_399, %select_n3A_385 : vector<24x1024xi1>, vector<24x1024xi32>
    %select_n3A_425 = arith.select %eq3A_423, %select_n3A_406, %select_n3A_386 : vector<24x1024xi1>, vector<24x1024xi32>
    %and3A_426 = arith.constant 8 : i32
    %and3A_427 = vector.broadcast %and3A_426 : i32 to vector<24x1024xi32>
    %and3A_428 = arith.andi %iota3A, %and3A_427 : vector<24x1024xi32>
    %eq3A_429 = arith.constant 0 : i32
    %eq3A_430 = vector.broadcast %eq3A_429 : i32 to vector<24x1024xi32>
    %eq3A_431 = arith.cmpi eq, %and3A_428, %eq3A_430 : vector<24x1024xi32>
    %slice3A_432 = vector.extract_strided_slice %select_n3A_424 {offsets = [0, 8], sizes = [24, 1016], strides = [1, 1]} : vector<24x1024xi32> to vector<24x1016xi32>
    %slice3A_433 = vector.extract_strided_slice %select_n3A_424 {offsets = [0, 0], sizes = [24, 8], strides = [1, 1]} : vector<24x1024xi32> to vector<24x8xi32>
    %concatenate3A_434 = tpu.concatenate %slice3A_432, %slice3A_433 in 1 : vector<24x1016xi32>, vector<24x8xi32> -> vector<24x1024xi32>
    %slice3A_435 = vector.extract_strided_slice %select_n3A_424 {offsets = [0, 1016], sizes = [24, 8], strides = [1, 1]} : vector<24x1024xi32> to vector<24x8xi32>
    %slice3A_436 = vector.extract_strided_slice %select_n3A_424 {offsets = [0, 0], sizes = [24, 1016], strides = [1, 1]} : vector<24x1024xi32> to vector<24x1016xi32>
    %concatenate3A_437 = tpu.concatenate %slice3A_435, %slice3A_436 in 1 : vector<24x8xi32>, vector<24x1016xi32> -> vector<24x1024xi32>
    %select_n3A_438 = arith.select %eq3A_431, %concatenate3A_434, %concatenate3A_437 : vector<24x1024xi1>, vector<24x1024xi32>
    %slice3A_439 = vector.extract_strided_slice %select_n3A_425 {offsets = [0, 8], sizes = [24, 1016], strides = [1, 1]} : vector<24x1024xi32> to vector<24x1016xi32>
    %slice3A_440 = vector.extract_strided_slice %select_n3A_425 {offsets = [0, 0], sizes = [24, 8], strides = [1, 1]} : vector<24x1024xi32> to vector<24x8xi32>
    %concatenate3A_441 = tpu.concatenate %slice3A_439, %slice3A_440 in 1 : vector<24x1016xi32>, vector<24x8xi32> -> vector<24x1024xi32>
    %slice3A_442 = vector.extract_strided_slice %select_n3A_425 {offsets = [0, 1016], sizes = [24, 8], strides = [1, 1]} : vector<24x1024xi32> to vector<24x8xi32>
    %slice3A_443 = vector.extract_strided_slice %select_n3A_425 {offsets = [0, 0], sizes = [24, 1016], strides = [1, 1]} : vector<24x1024xi32> to vector<24x1016xi32>
    %concatenate3A_444 = tpu.concatenate %slice3A_442, %slice3A_443 in 1 : vector<24x8xi32>, vector<24x1016xi32> -> vector<24x1024xi32>
    %select_n3A_445 = arith.select %eq3A_431, %concatenate3A_441, %concatenate3A_444 : vector<24x1024xi1>, vector<24x1024xi32>
    %gt3A_446 = arith.cmpi sgt, %select_n3A_438, %select_n3A_424 : vector<24x1024xi32>
    %eq3A_447 = arith.cmpi eq, %select_n3A_438, %select_n3A_424 : vector<24x1024xi32>
    %lt3A_448 = arith.cmpi slt, %select_n3A_445, %select_n3A_425 : vector<24x1024xi32>
    %and3A_449 = arith.andi %eq3A_447, %lt3A_448 : vector<24x1024xi1>
    %or3A_450 = arith.ori %gt3A_446, %and3A_449 : vector<24x1024xi1>
    %and3A_451 = arith.constant 32 : i32
    %and3A_452 = vector.broadcast %and3A_451 : i32 to vector<24x1024xi32>
    %and3A_453 = arith.andi %iota3A, %and3A_452 : vector<24x1024xi32>
    %eq3A_454 = arith.constant 0 : i32
    %eq3A_455 = vector.broadcast %eq3A_454 : i32 to vector<24x1024xi32>
    %eq3A_456 = arith.cmpi eq, %and3A_453, %eq3A_455 : vector<24x1024xi32>
    %eq3A_457 = arith.xori %eq3A_456, %eq3A_431 : vector<24x1024xi1>
    %eq3A_458 = arith.constant dense<true> : vector<24x1024xi1>
    %eq3A_459 = arith.xori %eq3A_457, %eq3A_458 : vector<24x1024xi1>
    %eq3A_460 = arith.xori %eq3A_459, %or3A_450 : vector<24x1024xi1>
    %eq3A_461 = arith.constant dense<true> : vector<24x1024xi1>
    %eq3A_462 = arith.xori %eq3A_460, %eq3A_461 : vector<24x1024xi1>
    %select_n3A_463 = arith.select %eq3A_462, %select_n3A_438, %select_n3A_424 : vector<24x1024xi1>, vector<24x1024xi32>
    %select_n3A_464 = arith.select %eq3A_462, %select_n3A_445, %select_n3A_425 : vector<24x1024xi1>, vector<24x1024xi32>
    %and3A_465 = arith.constant 4 : i32
    %and3A_466 = vector.broadcast %and3A_465 : i32 to vector<24x1024xi32>
    %and3A_467 = arith.andi %iota3A, %and3A_466 : vector<24x1024xi32>
    %eq3A_468 = arith.constant 0 : i32
    %eq3A_469 = vector.broadcast %eq3A_468 : i32 to vector<24x1024xi32>
    %eq3A_470 = arith.cmpi eq, %and3A_467, %eq3A_469 : vector<24x1024xi32>
    %slice3A_471 = vector.extract_strided_slice %select_n3A_463 {offsets = [0, 4], sizes = [24, 1020], strides = [1, 1]} : vector<24x1024xi32> to vector<24x1020xi32>
    %slice3A_472 = vector.extract_strided_slice %select_n3A_463 {offsets = [0, 0], sizes = [24, 4], strides = [1, 1]} : vector<24x1024xi32> to vector<24x4xi32>
    %concatenate3A_473 = tpu.concatenate %slice3A_471, %slice3A_472 in 1 : vector<24x1020xi32>, vector<24x4xi32> -> vector<24x1024xi32>
    %slice3A_474 = vector.extract_strided_slice %select_n3A_463 {offsets = [0, 1020], sizes = [24, 4], strides = [1, 1]} : vector<24x1024xi32> to vector<24x4xi32>
    %slice3A_475 = vector.extract_strided_slice %select_n3A_463 {offsets = [0, 0], sizes = [24, 1020], strides = [1, 1]} : vector<24x1024xi32> to vector<24x1020xi32>
    %concatenate3A_476 = tpu.concatenate %slice3A_474, %slice3A_475 in 1 : vector<24x4xi32>, vector<24x1020xi32> -> vector<24x1024xi32>
    %select_n3A_477 = arith.select %eq3A_470, %concatenate3A_473, %concatenate3A_476 : vector<24x1024xi1>, vector<24x1024xi32>
    %slice3A_478 = vector.extract_strided_slice %select_n3A_464 {offsets = [0, 4], sizes = [24, 1020], strides = [1, 1]} : vector<24x1024xi32> to vector<24x1020xi32>
    %slice3A_479 = vector.extract_strided_slice %select_n3A_464 {offsets = [0, 0], sizes = [24, 4], strides = [1, 1]} : vector<24x1024xi32> to vector<24x4xi32>
    %concatenate3A_480 = tpu.concatenate %slice3A_478, %slice3A_479 in 1 : vector<24x1020xi32>, vector<24x4xi32> -> vector<24x1024xi32>
    %slice3A_481 = vector.extract_strided_slice %select_n3A_464 {offsets = [0, 1020], sizes = [24, 4], strides = [1, 1]} : vector<24x1024xi32> to vector<24x4xi32>
    %slice3A_482 = vector.extract_strided_slice %select_n3A_464 {offsets = [0, 0], sizes = [24, 1020], strides = [1, 1]} : vector<24x1024xi32> to vector<24x1020xi32>
    %concatenate3A_483 = tpu.concatenate %slice3A_481, %slice3A_482 in 1 : vector<24x4xi32>, vector<24x1020xi32> -> vector<24x1024xi32>
    %select_n3A_484 = arith.select %eq3A_470, %concatenate3A_480, %concatenate3A_483 : vector<24x1024xi1>, vector<24x1024xi32>
    %gt3A_485 = arith.cmpi sgt, %select_n3A_477, %select_n3A_463 : vector<24x1024xi32>
    %eq3A_486 = arith.cmpi eq, %select_n3A_477, %select_n3A_463 : vector<24x1024xi32>
    %lt3A_487 = arith.cmpi slt, %select_n3A_484, %select_n3A_464 : vector<24x1024xi32>
    %and3A_488 = arith.andi %eq3A_486, %lt3A_487 : vector<24x1024xi1>
    %or3A_489 = arith.ori %gt3A_485, %and3A_488 : vector<24x1024xi1>
    %and3A_490 = arith.constant 32 : i32
    %and3A_491 = vector.broadcast %and3A_490 : i32 to vector<24x1024xi32>
    %and3A_492 = arith.andi %iota3A, %and3A_491 : vector<24x1024xi32>
    %eq3A_493 = arith.constant 0 : i32
    %eq3A_494 = vector.broadcast %eq3A_493 : i32 to vector<24x1024xi32>
    %eq3A_495 = arith.cmpi eq, %and3A_492, %eq3A_494 : vector<24x1024xi32>
    %eq3A_496 = arith.xori %eq3A_495, %eq3A_470 : vector<24x1024xi1>
    %eq3A_497 = arith.constant dense<true> : vector<24x1024xi1>
    %eq3A_498 = arith.xori %eq3A_496, %eq3A_497 : vector<24x1024xi1>
    %eq3A_499 = arith.xori %eq3A_498, %or3A_489 : vector<24x1024xi1>
    %eq3A_500 = arith.constant dense<true> : vector<24x1024xi1>
    %eq3A_501 = arith.xori %eq3A_499, %eq3A_500 : vector<24x1024xi1>
    %select_n3A_502 = arith.select %eq3A_501, %select_n3A_477, %select_n3A_463 : vector<24x1024xi1>, vector<24x1024xi32>
    %select_n3A_503 = arith.select %eq3A_501, %select_n3A_484, %select_n3A_464 : vector<24x1024xi1>, vector<24x1024xi32>
    %and3A_504 = arith.constant 2 : i32
    %and3A_505 = vector.broadcast %and3A_504 : i32 to vector<24x1024xi32>
    %and3A_506 = arith.andi %iota3A, %and3A_505 : vector<24x1024xi32>
    %eq3A_507 = arith.constant 0 : i32
    %eq3A_508 = vector.broadcast %eq3A_507 : i32 to vector<24x1024xi32>
    %eq3A_509 = arith.cmpi eq, %and3A_506, %eq3A_508 : vector<24x1024xi32>
    %slice3A_510 = vector.extract_strided_slice %select_n3A_502 {offsets = [0, 2], sizes = [24, 1022], strides = [1, 1]} : vector<24x1024xi32> to vector<24x1022xi32>
    %slice3A_511 = vector.extract_strided_slice %select_n3A_502 {offsets = [0, 0], sizes = [24, 2], strides = [1, 1]} : vector<24x1024xi32> to vector<24x2xi32>
    %concatenate3A_512 = tpu.concatenate %slice3A_510, %slice3A_511 in 1 : vector<24x1022xi32>, vector<24x2xi32> -> vector<24x1024xi32>
    %slice3A_513 = vector.extract_strided_slice %select_n3A_502 {offsets = [0, 1022], sizes = [24, 2], strides = [1, 1]} : vector<24x1024xi32> to vector<24x2xi32>
    %slice3A_514 = vector.extract_strided_slice %select_n3A_502 {offsets = [0, 0], sizes = [24, 1022], strides = [1, 1]} : vector<24x1024xi32> to vector<24x1022xi32>
    %concatenate3A_515 = tpu.concatenate %slice3A_513, %slice3A_514 in 1 : vector<24x2xi32>, vector<24x1022xi32> -> vector<24x1024xi32>
    %select_n3A_516 = arith.select %eq3A_509, %concatenate3A_512, %concatenate3A_515 : vector<24x1024xi1>, vector<24x1024xi32>
    %slice3A_517 = vector.extract_strided_slice %select_n3A_503 {offsets = [0, 2], sizes = [24, 1022], strides = [1, 1]} : vector<24x1024xi32> to vector<24x1022xi32>
    %slice3A_518 = vector.extract_strided_slice %select_n3A_503 {offsets = [0, 0], sizes = [24, 2], strides = [1, 1]} : vector<24x1024xi32> to vector<24x2xi32>
    %concatenate3A_519 = tpu.concatenate %slice3A_517, %slice3A_518 in 1 : vector<24x1022xi32>, vector<24x2xi32> -> vector<24x1024xi32>
    %slice3A_520 = vector.extract_strided_slice %select_n3A_503 {offsets = [0, 1022], sizes = [24, 2], strides = [1, 1]} : vector<24x1024xi32> to vector<24x2xi32>
    %slice3A_521 = vector.extract_strided_slice %select_n3A_503 {offsets = [0, 0], sizes = [24, 1022], strides = [1, 1]} : vector<24x1024xi32> to vector<24x1022xi32>
    %concatenate3A_522 = tpu.concatenate %slice3A_520, %slice3A_521 in 1 : vector<24x2xi32>, vector<24x1022xi32> -> vector<24x1024xi32>
    %select_n3A_523 = arith.select %eq3A_509, %concatenate3A_519, %concatenate3A_522 : vector<24x1024xi1>, vector<24x1024xi32>
    %gt3A_524 = arith.cmpi sgt, %select_n3A_516, %select_n3A_502 : vector<24x1024xi32>
    %eq3A_525 = arith.cmpi eq, %select_n3A_516, %select_n3A_502 : vector<24x1024xi32>
    %lt3A_526 = arith.cmpi slt, %select_n3A_523, %select_n3A_503 : vector<24x1024xi32>
    %and3A_527 = arith.andi %eq3A_525, %lt3A_526 : vector<24x1024xi1>
    %or3A_528 = arith.ori %gt3A_524, %and3A_527 : vector<24x1024xi1>
    %and3A_529 = arith.constant 32 : i32
    %and3A_530 = vector.broadcast %and3A_529 : i32 to vector<24x1024xi32>
    %and3A_531 = arith.andi %iota3A, %and3A_530 : vector<24x1024xi32>
    %eq3A_532 = arith.constant 0 : i32
    %eq3A_533 = vector.broadcast %eq3A_532 : i32 to vector<24x1024xi32>
    %eq3A_534 = arith.cmpi eq, %and3A_531, %eq3A_533 : vector<24x1024xi32>
    %eq3A_535 = arith.xori %eq3A_534, %eq3A_509 : vector<24x1024xi1>
    %eq3A_536 = arith.constant dense<true> : vector<24x1024xi1>
    %eq3A_537 = arith.xori %eq3A_535, %eq3A_536 : vector<24x1024xi1>
    %eq3A_538 = arith.xori %eq3A_537, %or3A_528 : vector<24x1024xi1>
    %eq3A_539 = arith.constant dense<true> : vector<24x1024xi1>
    %eq3A_540 = arith.xori %eq3A_538, %eq3A_539 : vector<24x1024xi1>
    %select_n3A_541 = arith.select %eq3A_540, %select_n3A_516, %select_n3A_502 : vector<24x1024xi1>, vector<24x1024xi32>
    %select_n3A_542 = arith.select %eq3A_540, %select_n3A_523, %select_n3A_503 : vector<24x1024xi1>, vector<24x1024xi32>
    %and3A_543 = arith.constant 1 : i32
    %and3A_544 = vector.broadcast %and3A_543 : i32 to vector<24x1024xi32>
    %and3A_545 = arith.andi %iota3A, %and3A_544 : vector<24x1024xi32>
    %eq3A_546 = arith.constant 0 : i32
    %eq3A_547 = vector.broadcast %eq3A_546 : i32 to vector<24x1024xi32>
    %eq3A_548 = arith.cmpi eq, %and3A_545, %eq3A_547 : vector<24x1024xi32>
    %slice3A_549 = vector.extract_strided_slice %select_n3A_541 {offsets = [0, 1], sizes = [24, 1023], strides = [1, 1]} : vector<24x1024xi32> to vector<24x1023xi32>
    %slice3A_550 = vector.extract_strided_slice %select_n3A_541 {offsets = [0, 0], sizes = [24, 1], strides = [1, 1]} : vector<24x1024xi32> to vector<24x1xi32>
    %concatenate3A_551 = tpu.concatenate %slice3A_549, %slice3A_550 in 1 : vector<24x1023xi32>, vector<24x1xi32> -> vector<24x1024xi32>
    %slice3A_552 = vector.extract_strided_slice %select_n3A_541 {offsets = [0, 1023], sizes = [24, 1], strides = [1, 1]} : vector<24x1024xi32> to vector<24x1xi32>
    %slice3A_553 = vector.extract_strided_slice %select_n3A_541 {offsets = [0, 0], sizes = [24, 1023], strides = [1, 1]} : vector<24x1024xi32> to vector<24x1023xi32>
    %concatenate3A_554 = tpu.concatenate %slice3A_552, %slice3A_553 in 1 : vector<24x1xi32>, vector<24x1023xi32> -> vector<24x1024xi32>
    %select_n3A_555 = arith.select %eq3A_548, %concatenate3A_551, %concatenate3A_554 : vector<24x1024xi1>, vector<24x1024xi32>
    %slice3A_556 = vector.extract_strided_slice %select_n3A_542 {offsets = [0, 1], sizes = [24, 1023], strides = [1, 1]} : vector<24x1024xi32> to vector<24x1023xi32>
    %slice3A_557 = vector.extract_strided_slice %select_n3A_542 {offsets = [0, 0], sizes = [24, 1], strides = [1, 1]} : vector<24x1024xi32> to vector<24x1xi32>
    %concatenate3A_558 = tpu.concatenate %slice3A_556, %slice3A_557 in 1 : vector<24x1023xi32>, vector<24x1xi32> -> vector<24x1024xi32>
    %slice3A_559 = vector.extract_strided_slice %select_n3A_542 {offsets = [0, 1023], sizes = [24, 1], strides = [1, 1]} : vector<24x1024xi32> to vector<24x1xi32>
    %slice3A_560 = vector.extract_strided_slice %select_n3A_542 {offsets = [0, 0], sizes = [24, 1023], strides = [1, 1]} : vector<24x1024xi32> to vector<24x1023xi32>
    %concatenate3A_561 = tpu.concatenate %slice3A_559, %slice3A_560 in 1 : vector<24x1xi32>, vector<24x1023xi32> -> vector<24x1024xi32>
    %select_n3A_562 = arith.select %eq3A_548, %concatenate3A_558, %concatenate3A_561 : vector<24x1024xi1>, vector<24x1024xi32>
    %gt3A_563 = arith.cmpi sgt, %select_n3A_555, %select_n3A_541 : vector<24x1024xi32>
    %eq3A_564 = arith.cmpi eq, %select_n3A_555, %select_n3A_541 : vector<24x1024xi32>
    %lt3A_565 = arith.cmpi slt, %select_n3A_562, %select_n3A_542 : vector<24x1024xi32>
    %and3A_566 = arith.andi %eq3A_564, %lt3A_565 : vector<24x1024xi1>
    %or3A_567 = arith.ori %gt3A_563, %and3A_566 : vector<24x1024xi1>
    %and3A_568 = arith.constant 32 : i32
    %and3A_569 = vector.broadcast %and3A_568 : i32 to vector<24x1024xi32>
    %and3A_570 = arith.andi %iota3A, %and3A_569 : vector<24x1024xi32>
    %eq3A_571 = arith.constant 0 : i32
    %eq3A_572 = vector.broadcast %eq3A_571 : i32 to vector<24x1024xi32>
    %eq3A_573 = arith.cmpi eq, %and3A_570, %eq3A_572 : vector<24x1024xi32>
    %eq3A_574 = arith.xori %eq3A_573, %eq3A_548 : vector<24x1024xi1>
    %eq3A_575 = arith.constant dense<true> : vector<24x1024xi1>
    %eq3A_576 = arith.xori %eq3A_574, %eq3A_575 : vector<24x1024xi1>
    %eq3A_577 = arith.xori %eq3A_576, %or3A_567 : vector<24x1024xi1>
    %eq3A_578 = arith.constant dense<true> : vector<24x1024xi1>
    %eq3A_579 = arith.xori %eq3A_577, %eq3A_578 : vector<24x1024xi1>
    %select_n3A_580 = arith.select %eq3A_579, %select_n3A_555, %select_n3A_541 : vector<24x1024xi1>, vector<24x1024xi32>
    %select_n3A_581 = arith.select %eq3A_579, %select_n3A_562, %select_n3A_542 : vector<24x1024xi1>, vector<24x1024xi32>
    %and3A_582 = arith.constant 32 : i32
    %and3A_583 = vector.broadcast %and3A_582 : i32 to vector<24x1024xi32>
    %and3A_584 = arith.andi %iota3A, %and3A_583 : vector<24x1024xi32>
    %eq3A_585 = arith.constant 0 : i32
    %eq3A_586 = vector.broadcast %eq3A_585 : i32 to vector<24x1024xi32>
    %eq3A_587 = arith.cmpi eq, %and3A_584, %eq3A_586 : vector<24x1024xi32>
    %slice3A_588 = vector.extract_strided_slice %select_n3A_580 {offsets = [0, 32], sizes = [24, 992], strides = [1, 1]} : vector<24x1024xi32> to vector<24x992xi32>
    %slice3A_589 = vector.extract_strided_slice %select_n3A_580 {offsets = [0, 0], sizes = [24, 32], strides = [1, 1]} : vector<24x1024xi32> to vector<24x32xi32>
    %concatenate3A_590 = tpu.concatenate %slice3A_588, %slice3A_589 in 1 : vector<24x992xi32>, vector<24x32xi32> -> vector<24x1024xi32>
    %slice3A_591 = vector.extract_strided_slice %select_n3A_580 {offsets = [0, 992], sizes = [24, 32], strides = [1, 1]} : vector<24x1024xi32> to vector<24x32xi32>
    %slice3A_592 = vector.extract_strided_slice %select_n3A_580 {offsets = [0, 0], sizes = [24, 992], strides = [1, 1]} : vector<24x1024xi32> to vector<24x992xi32>
    %concatenate3A_593 = tpu.concatenate %slice3A_591, %slice3A_592 in 1 : vector<24x32xi32>, vector<24x992xi32> -> vector<24x1024xi32>
    %select_n3A_594 = arith.select %eq3A_587, %concatenate3A_590, %concatenate3A_593 : vector<24x1024xi1>, vector<24x1024xi32>
    %slice3A_595 = vector.extract_strided_slice %select_n3A_581 {offsets = [0, 32], sizes = [24, 992], strides = [1, 1]} : vector<24x1024xi32> to vector<24x992xi32>
    %slice3A_596 = vector.extract_strided_slice %select_n3A_581 {offsets = [0, 0], sizes = [24, 32], strides = [1, 1]} : vector<24x1024xi32> to vector<24x32xi32>
    %concatenate3A_597 = tpu.concatenate %slice3A_595, %slice3A_596 in 1 : vector<24x992xi32>, vector<24x32xi32> -> vector<24x1024xi32>
    %slice3A_598 = vector.extract_strided_slice %select_n3A_581 {offsets = [0, 992], sizes = [24, 32], strides = [1, 1]} : vector<24x1024xi32> to vector<24x32xi32>
    %slice3A_599 = vector.extract_strided_slice %select_n3A_581 {offsets = [0, 0], sizes = [24, 992], strides = [1, 1]} : vector<24x1024xi32> to vector<24x992xi32>
    %concatenate3A_600 = tpu.concatenate %slice3A_598, %slice3A_599 in 1 : vector<24x32xi32>, vector<24x992xi32> -> vector<24x1024xi32>
    %select_n3A_601 = arith.select %eq3A_587, %concatenate3A_597, %concatenate3A_600 : vector<24x1024xi1>, vector<24x1024xi32>
    %gt3A_602 = arith.cmpi sgt, %select_n3A_594, %select_n3A_580 : vector<24x1024xi32>
    %eq3A_603 = arith.cmpi eq, %select_n3A_594, %select_n3A_580 : vector<24x1024xi32>
    %lt3A_604 = arith.cmpi slt, %select_n3A_601, %select_n3A_581 : vector<24x1024xi32>
    %and3A_605 = arith.andi %eq3A_603, %lt3A_604 : vector<24x1024xi1>
    %or3A_606 = arith.ori %gt3A_602, %and3A_605 : vector<24x1024xi1>
    %and3A_607 = arith.constant 64 : i32
    %and3A_608 = vector.broadcast %and3A_607 : i32 to vector<24x1024xi32>
    %and3A_609 = arith.andi %iota3A, %and3A_608 : vector<24x1024xi32>
    %eq3A_610 = arith.constant 0 : i32
    %eq3A_611 = vector.broadcast %eq3A_610 : i32 to vector<24x1024xi32>
    %eq3A_612 = arith.cmpi eq, %and3A_609, %eq3A_611 : vector<24x1024xi32>
    %eq3A_613 = arith.xori %eq3A_612, %eq3A_587 : vector<24x1024xi1>
    %eq3A_614 = arith.constant dense<true> : vector<24x1024xi1>
    %eq3A_615 = arith.xori %eq3A_613, %eq3A_614 : vector<24x1024xi1>
    %eq3A_616 = arith.xori %eq3A_615, %or3A_606 : vector<24x1024xi1>
    %eq3A_617 = arith.constant dense<true> : vector<24x1024xi1>
    %eq3A_618 = arith.xori %eq3A_616, %eq3A_617 : vector<24x1024xi1>
    %select_n3A_619 = arith.select %eq3A_618, %select_n3A_594, %select_n3A_580 : vector<24x1024xi1>, vector<24x1024xi32>
    %select_n3A_620 = arith.select %eq3A_618, %select_n3A_601, %select_n3A_581 : vector<24x1024xi1>, vector<24x1024xi32>
    %and3A_621 = arith.constant 16 : i32
    %and3A_622 = vector.broadcast %and3A_621 : i32 to vector<24x1024xi32>
    %and3A_623 = arith.andi %iota3A, %and3A_622 : vector<24x1024xi32>
    %eq3A_624 = arith.constant 0 : i32
    %eq3A_625 = vector.broadcast %eq3A_624 : i32 to vector<24x1024xi32>
    %eq3A_626 = arith.cmpi eq, %and3A_623, %eq3A_625 : vector<24x1024xi32>
    %slice3A_627 = vector.extract_strided_slice %select_n3A_619 {offsets = [0, 16], sizes = [24, 1008], strides = [1, 1]} : vector<24x1024xi32> to vector<24x1008xi32>
    %slice3A_628 = vector.extract_strided_slice %select_n3A_619 {offsets = [0, 0], sizes = [24, 16], strides = [1, 1]} : vector<24x1024xi32> to vector<24x16xi32>
    %concatenate3A_629 = tpu.concatenate %slice3A_627, %slice3A_628 in 1 : vector<24x1008xi32>, vector<24x16xi32> -> vector<24x1024xi32>
    %slice3A_630 = vector.extract_strided_slice %select_n3A_619 {offsets = [0, 1008], sizes = [24, 16], strides = [1, 1]} : vector<24x1024xi32> to vector<24x16xi32>
    %slice3A_631 = vector.extract_strided_slice %select_n3A_619 {offsets = [0, 0], sizes = [24, 1008], strides = [1, 1]} : vector<24x1024xi32> to vector<24x1008xi32>
    %concatenate3A_632 = tpu.concatenate %slice3A_630, %slice3A_631 in 1 : vector<24x16xi32>, vector<24x1008xi32> -> vector<24x1024xi32>
    %select_n3A_633 = arith.select %eq3A_626, %concatenate3A_629, %concatenate3A_632 : vector<24x1024xi1>, vector<24x1024xi32>
    %slice3A_634 = vector.extract_strided_slice %select_n3A_620 {offsets = [0, 16], sizes = [24, 1008], strides = [1, 1]} : vector<24x1024xi32> to vector<24x1008xi32>
    %slice3A_635 = vector.extract_strided_slice %select_n3A_620 {offsets = [0, 0], sizes = [24, 16], strides = [1, 1]} : vector<24x1024xi32> to vector<24x16xi32>
    %concatenate3A_636 = tpu.concatenate %slice3A_634, %slice3A_635 in 1 : vector<24x1008xi32>, vector<24x16xi32> -> vector<24x1024xi32>
    %slice3A_637 = vector.extract_strided_slice %select_n3A_620 {offsets = [0, 1008], sizes = [24, 16], strides = [1, 1]} : vector<24x1024xi32> to vector<24x16xi32>
    %slice3A_638 = vector.extract_strided_slice %select_n3A_620 {offsets = [0, 0], sizes = [24, 1008], strides = [1, 1]} : vector<24x1024xi32> to vector<24x1008xi32>
    %concatenate3A_639 = tpu.concatenate %slice3A_637, %slice3A_638 in 1 : vector<24x16xi32>, vector<24x1008xi32> -> vector<24x1024xi32>
    %select_n3A_640 = arith.select %eq3A_626, %concatenate3A_636, %concatenate3A_639 : vector<24x1024xi1>, vector<24x1024xi32>
    %gt3A_641 = arith.cmpi sgt, %select_n3A_633, %select_n3A_619 : vector<24x1024xi32>
    %eq3A_642 = arith.cmpi eq, %select_n3A_633, %select_n3A_619 : vector<24x1024xi32>
    %lt3A_643 = arith.cmpi slt, %select_n3A_640, %select_n3A_620 : vector<24x1024xi32>
    %and3A_644 = arith.andi %eq3A_642, %lt3A_643 : vector<24x1024xi1>
    %or3A_645 = arith.ori %gt3A_641, %and3A_644 : vector<24x1024xi1>
    %and3A_646 = arith.constant 64 : i32
    %and3A_647 = vector.broadcast %and3A_646 : i32 to vector<24x1024xi32>
    %and3A_648 = arith.andi %iota3A, %and3A_647 : vector<24x1024xi32>
    %eq3A_649 = arith.constant 0 : i32
    %eq3A_650 = vector.broadcast %eq3A_649 : i32 to vector<24x1024xi32>
    %eq3A_651 = arith.cmpi eq, %and3A_648, %eq3A_650 : vector<24x1024xi32>
    %eq3A_652 = arith.xori %eq3A_651, %eq3A_626 : vector<24x1024xi1>
    %eq3A_653 = arith.constant dense<true> : vector<24x1024xi1>
    %eq3A_654 = arith.xori %eq3A_652, %eq3A_653 : vector<24x1024xi1>
    %eq3A_655 = arith.xori %eq3A_654, %or3A_645 : vector<24x1024xi1>
    %eq3A_656 = arith.constant dense<true> : vector<24x1024xi1>
    %eq3A_657 = arith.xori %eq3A_655, %eq3A_656 : vector<24x1024xi1>
    %select_n3A_658 = arith.select %eq3A_657, %select_n3A_633, %select_n3A_619 : vector<24x1024xi1>, vector<24x1024xi32>
    %select_n3A_659 = arith.select %eq3A_657, %select_n3A_640, %select_n3A_620 : vector<24x1024xi1>, vector<24x1024xi32>
    %and3A_660 = arith.constant 8 : i32
    %and3A_661 = vector.broadcast %and3A_660 : i32 to vector<24x1024xi32>
    %and3A_662 = arith.andi %iota3A, %and3A_661 : vector<24x1024xi32>
    %eq3A_663 = arith.constant 0 : i32
    %eq3A_664 = vector.broadcast %eq3A_663 : i32 to vector<24x1024xi32>
    %eq3A_665 = arith.cmpi eq, %and3A_662, %eq3A_664 : vector<24x1024xi32>
    %slice3A_666 = vector.extract_strided_slice %select_n3A_658 {offsets = [0, 8], sizes = [24, 1016], strides = [1, 1]} : vector<24x1024xi32> to vector<24x1016xi32>
    %slice3A_667 = vector.extract_strided_slice %select_n3A_658 {offsets = [0, 0], sizes = [24, 8], strides = [1, 1]} : vector<24x1024xi32> to vector<24x8xi32>
    %concatenate3A_668 = tpu.concatenate %slice3A_666, %slice3A_667 in 1 : vector<24x1016xi32>, vector<24x8xi32> -> vector<24x1024xi32>
    %slice3A_669 = vector.extract_strided_slice %select_n3A_658 {offsets = [0, 1016], sizes = [24, 8], strides = [1, 1]} : vector<24x1024xi32> to vector<24x8xi32>
    %slice3A_670 = vector.extract_strided_slice %select_n3A_658 {offsets = [0, 0], sizes = [24, 1016], strides = [1, 1]} : vector<24x1024xi32> to vector<24x1016xi32>
    %concatenate3A_671 = tpu.concatenate %slice3A_669, %slice3A_670 in 1 : vector<24x8xi32>, vector<24x1016xi32> -> vector<24x1024xi32>
    %select_n3A_672 = arith.select %eq3A_665, %concatenate3A_668, %concatenate3A_671 : vector<24x1024xi1>, vector<24x1024xi32>
    %slice3A_673 = vector.extract_strided_slice %select_n3A_659 {offsets = [0, 8], sizes = [24, 1016], strides = [1, 1]} : vector<24x1024xi32> to vector<24x1016xi32>
    %slice3A_674 = vector.extract_strided_slice %select_n3A_659 {offsets = [0, 0], sizes = [24, 8], strides = [1, 1]} : vector<24x1024xi32> to vector<24x8xi32>
    %concatenate3A_675 = tpu.concatenate %slice3A_673, %slice3A_674 in 1 : vector<24x1016xi32>, vector<24x8xi32> -> vector<24x1024xi32>
    %slice3A_676 = vector.extract_strided_slice %select_n3A_659 {offsets = [0, 1016], sizes = [24, 8], strides = [1, 1]} : vector<24x1024xi32> to vector<24x8xi32>
    %slice3A_677 = vector.extract_strided_slice %select_n3A_659 {offsets = [0, 0], sizes = [24, 1016], strides = [1, 1]} : vector<24x1024xi32> to vector<24x1016xi32>
    %concatenate3A_678 = tpu.concatenate %slice3A_676, %slice3A_677 in 1 : vector<24x8xi32>, vector<24x1016xi32> -> vector<24x1024xi32>
    %select_n3A_679 = arith.select %eq3A_665, %concatenate3A_675, %concatenate3A_678 : vector<24x1024xi1>, vector<24x1024xi32>
    %gt3A_680 = arith.cmpi sgt, %select_n3A_672, %select_n3A_658 : vector<24x1024xi32>
    %eq3A_681 = arith.cmpi eq, %select_n3A_672, %select_n3A_658 : vector<24x1024xi32>
    %lt3A_682 = arith.cmpi slt, %select_n3A_679, %select_n3A_659 : vector<24x1024xi32>
    %and3A_683 = arith.andi %eq3A_681, %lt3A_682 : vector<24x1024xi1>
    %or3A_684 = arith.ori %gt3A_680, %and3A_683 : vector<24x1024xi1>
    %and3A_685 = arith.constant 64 : i32
    %and3A_686 = vector.broadcast %and3A_685 : i32 to vector<24x1024xi32>
    %and3A_687 = arith.andi %iota3A, %and3A_686 : vector<24x1024xi32>
    %eq3A_688 = arith.constant 0 : i32
    %eq3A_689 = vector.broadcast %eq3A_688 : i32 to vector<24x1024xi32>
    %eq3A_690 = arith.cmpi eq, %and3A_687, %eq3A_689 : vector<24x1024xi32>
    %eq3A_691 = arith.xori %eq3A_690, %eq3A_665 : vector<24x1024xi1>
    %eq3A_692 = arith.constant dense<true> : vector<24x1024xi1>
    %eq3A_693 = arith.xori %eq3A_691, %eq3A_692 : vector<24x1024xi1>
    %eq3A_694 = arith.xori %eq3A_693, %or3A_684 : vector<24x1024xi1>
    %eq3A_695 = arith.constant dense<true> : vector<24x1024xi1>
    %eq3A_696 = arith.xori %eq3A_694, %eq3A_695 : vector<24x1024xi1>
    %select_n3A_697 = arith.select %eq3A_696, %select_n3A_672, %select_n3A_658 : vector<24x1024xi1>, vector<24x1024xi32>
    %select_n3A_698 = arith.select %eq3A_696, %select_n3A_679, %select_n3A_659 : vector<24x1024xi1>, vector<24x1024xi32>
    %and3A_699 = arith.constant 4 : i32
    %and3A_700 = vector.broadcast %and3A_699 : i32 to vector<24x1024xi32>
    %and3A_701 = arith.andi %iota3A, %and3A_700 : vector<24x1024xi32>
    %eq3A_702 = arith.constant 0 : i32
    %eq3A_703 = vector.broadcast %eq3A_702 : i32 to vector<24x1024xi32>
    %eq3A_704 = arith.cmpi eq, %and3A_701, %eq3A_703 : vector<24x1024xi32>
    %slice3A_705 = vector.extract_strided_slice %select_n3A_697 {offsets = [0, 4], sizes = [24, 1020], strides = [1, 1]} : vector<24x1024xi32> to vector<24x1020xi32>
    %slice3A_706 = vector.extract_strided_slice %select_n3A_697 {offsets = [0, 0], sizes = [24, 4], strides = [1, 1]} : vector<24x1024xi32> to vector<24x4xi32>
    %concatenate3A_707 = tpu.concatenate %slice3A_705, %slice3A_706 in 1 : vector<24x1020xi32>, vector<24x4xi32> -> vector<24x1024xi32>
    %slice3A_708 = vector.extract_strided_slice %select_n3A_697 {offsets = [0, 1020], sizes = [24, 4], strides = [1, 1]} : vector<24x1024xi32> to vector<24x4xi32>
    %slice3A_709 = vector.extract_strided_slice %select_n3A_697 {offsets = [0, 0], sizes = [24, 1020], strides = [1, 1]} : vector<24x1024xi32> to vector<24x1020xi32>
    %concatenate3A_710 = tpu.concatenate %slice3A_708, %slice3A_709 in 1 : vector<24x4xi32>, vector<24x1020xi32> -> vector<24x1024xi32>
    %select_n3A_711 = arith.select %eq3A_704, %concatenate3A_707, %concatenate3A_710 : vector<24x1024xi1>, vector<24x1024xi32>
    %slice3A_712 = vector.extract_strided_slice %select_n3A_698 {offsets = [0, 4], sizes = [24, 1020], strides = [1, 1]} : vector<24x1024xi32> to vector<24x1020xi32>
    %slice3A_713 = vector.extract_strided_slice %select_n3A_698 {offsets = [0, 0], sizes = [24, 4], strides = [1, 1]} : vector<24x1024xi32> to vector<24x4xi32>
    %concatenate3A_714 = tpu.concatenate %slice3A_712, %slice3A_713 in 1 : vector<24x1020xi32>, vector<24x4xi32> -> vector<24x1024xi32>
    %slice3A_715 = vector.extract_strided_slice %select_n3A_698 {offsets = [0, 1020], sizes = [24, 4], strides = [1, 1]} : vector<24x1024xi32> to vector<24x4xi32>
    %slice3A_716 = vector.extract_strided_slice %select_n3A_698 {offsets = [0, 0], sizes = [24, 1020], strides = [1, 1]} : vector<24x1024xi32> to vector<24x1020xi32>
    %concatenate3A_717 = tpu.concatenate %slice3A_715, %slice3A_716 in 1 : vector<24x4xi32>, vector<24x1020xi32> -> vector<24x1024xi32>
    %select_n3A_718 = arith.select %eq3A_704, %concatenate3A_714, %concatenate3A_717 : vector<24x1024xi1>, vector<24x1024xi32>
    %gt3A_719 = arith.cmpi sgt, %select_n3A_711, %select_n3A_697 : vector<24x1024xi32>
    %eq3A_720 = arith.cmpi eq, %select_n3A_711, %select_n3A_697 : vector<24x1024xi32>
    %lt3A_721 = arith.cmpi slt, %select_n3A_718, %select_n3A_698 : vector<24x1024xi32>
    %and3A_722 = arith.andi %eq3A_720, %lt3A_721 : vector<24x1024xi1>
    %or3A_723 = arith.ori %gt3A_719, %and3A_722 : vector<24x1024xi1>
    %and3A_724 = arith.constant 64 : i32
    %and3A_725 = vector.broadcast %and3A_724 : i32 to vector<24x1024xi32>
    %and3A_726 = arith.andi %iota3A, %and3A_725 : vector<24x1024xi32>
    %eq3A_727 = arith.constant 0 : i32
    %eq3A_728 = vector.broadcast %eq3A_727 : i32 to vector<24x1024xi32>
    %eq3A_729 = arith.cmpi eq, %and3A_726, %eq3A_728 : vector<24x1024xi32>
    %eq3A_730 = arith.xori %eq3A_729, %eq3A_704 : vector<24x1024xi1>
    %eq3A_731 = arith.constant dense<true> : vector<24x1024xi1>
    %eq3A_732 = arith.xori %eq3A_730, %eq3A_731 : vector<24x1024xi1>
    %eq3A_733 = arith.xori %eq3A_732, %or3A_723 : vector<24x1024xi1>
    %eq3A_734 = arith.constant dense<true> : vector<24x1024xi1>
    %eq3A_735 = arith.xori %eq3A_733, %eq3A_734 : vector<24x1024xi1>
    %select_n3A_736 = arith.select %eq3A_735, %select_n3A_711, %select_n3A_697 : vector<24x1024xi1>, vector<24x1024xi32>
    %select_n3A_737 = arith.select %eq3A_735, %select_n3A_718, %select_n3A_698 : vector<24x1024xi1>, vector<24x1024xi32>
    %and3A_738 = arith.constant 2 : i32
    %and3A_739 = vector.broadcast %and3A_738 : i32 to vector<24x1024xi32>
    %and3A_740 = arith.andi %iota3A, %and3A_739 : vector<24x1024xi32>
    %eq3A_741 = arith.constant 0 : i32
    %eq3A_742 = vector.broadcast %eq3A_741 : i32 to vector<24x1024xi32>
    %eq3A_743 = arith.cmpi eq, %and3A_740, %eq3A_742 : vector<24x1024xi32>
    %slice3A_744 = vector.extract_strided_slice %select_n3A_736 {offsets = [0, 2], sizes = [24, 1022], strides = [1, 1]} : vector<24x1024xi32> to vector<24x1022xi32>
    %slice3A_745 = vector.extract_strided_slice %select_n3A_736 {offsets = [0, 0], sizes = [24, 2], strides = [1, 1]} : vector<24x1024xi32> to vector<24x2xi32>
    %concatenate3A_746 = tpu.concatenate %slice3A_744, %slice3A_745 in 1 : vector<24x1022xi32>, vector<24x2xi32> -> vector<24x1024xi32>
    %slice3A_747 = vector.extract_strided_slice %select_n3A_736 {offsets = [0, 1022], sizes = [24, 2], strides = [1, 1]} : vector<24x1024xi32> to vector<24x2xi32>
    %slice3A_748 = vector.extract_strided_slice %select_n3A_736 {offsets = [0, 0], sizes = [24, 1022], strides = [1, 1]} : vector<24x1024xi32> to vector<24x1022xi32>
    %concatenate3A_749 = tpu.concatenate %slice3A_747, %slice3A_748 in 1 : vector<24x2xi32>, vector<24x1022xi32> -> vector<24x1024xi32>
    %select_n3A_750 = arith.select %eq3A_743, %concatenate3A_746, %concatenate3A_749 : vector<24x1024xi1>, vector<24x1024xi32>
    %slice3A_751 = vector.extract_strided_slice %select_n3A_737 {offsets = [0, 2], sizes = [24, 1022], strides = [1, 1]} : vector<24x1024xi32> to vector<24x1022xi32>
    %slice3A_752 = vector.extract_strided_slice %select_n3A_737 {offsets = [0, 0], sizes = [24, 2], strides = [1, 1]} : vector<24x1024xi32> to vector<24x2xi32>
    %concatenate3A_753 = tpu.concatenate %slice3A_751, %slice3A_752 in 1 : vector<24x1022xi32>, vector<24x2xi32> -> vector<24x1024xi32>
    %slice3A_754 = vector.extract_strided_slice %select_n3A_737 {offsets = [0, 1022], sizes = [24, 2], strides = [1, 1]} : vector<24x1024xi32> to vector<24x2xi32>
    %slice3A_755 = vector.extract_strided_slice %select_n3A_737 {offsets = [0, 0], sizes = [24, 1022], strides = [1, 1]} : vector<24x1024xi32> to vector<24x1022xi32>
    %concatenate3A_756 = tpu.concatenate %slice3A_754, %slice3A_755 in 1 : vector<24x2xi32>, vector<24x1022xi32> -> vector<24x1024xi32>
    %select_n3A_757 = arith.select %eq3A_743, %concatenate3A_753, %concatenate3A_756 : vector<24x1024xi1>, vector<24x1024xi32>
    %gt3A_758 = arith.cmpi sgt, %select_n3A_750, %select_n3A_736 : vector<24x1024xi32>
    %eq3A_759 = arith.cmpi eq, %select_n3A_750, %select_n3A_736 : vector<24x1024xi32>
    %lt3A_760 = arith.cmpi slt, %select_n3A_757, %select_n3A_737 : vector<24x1024xi32>
    %and3A_761 = arith.andi %eq3A_759, %lt3A_760 : vector<24x1024xi1>
    %or3A_762 = arith.ori %gt3A_758, %and3A_761 : vector<24x1024xi1>
    %and3A_763 = arith.constant 64 : i32
    %and3A_764 = vector.broadcast %and3A_763 : i32 to vector<24x1024xi32>
    %and3A_765 = arith.andi %iota3A, %and3A_764 : vector<24x1024xi32>
    %eq3A_766 = arith.constant 0 : i32
    %eq3A_767 = vector.broadcast %eq3A_766 : i32 to vector<24x1024xi32>
    %eq3A_768 = arith.cmpi eq, %and3A_765, %eq3A_767 : vector<24x1024xi32>
    %eq3A_769 = arith.xori %eq3A_768, %eq3A_743 : vector<24x1024xi1>
    %eq3A_770 = arith.constant dense<true> : vector<24x1024xi1>
    %eq3A_771 = arith.xori %eq3A_769, %eq3A_770 : vector<24x1024xi1>
    %eq3A_772 = arith.xori %eq3A_771, %or3A_762 : vector<24x1024xi1>
    %eq3A_773 = arith.constant dense<true> : vector<24x1024xi1>
    %eq3A_774 = arith.xori %eq3A_772, %eq3A_773 : vector<24x1024xi1>
    %select_n3A_775 = arith.select %eq3A_774, %select_n3A_750, %select_n3A_736 : vector<24x1024xi1>, vector<24x1024xi32>
    %select_n3A_776 = arith.select %eq3A_774, %select_n3A_757, %select_n3A_737 : vector<24x1024xi1>, vector<24x1024xi32>
    %and3A_777 = arith.constant 1 : i32
    %and3A_778 = vector.broadcast %and3A_777 : i32 to vector<24x1024xi32>
    %and3A_779 = arith.andi %iota3A, %and3A_778 : vector<24x1024xi32>
    %eq3A_780 = arith.constant 0 : i32
    %eq3A_781 = vector.broadcast %eq3A_780 : i32 to vector<24x1024xi32>
    %eq3A_782 = arith.cmpi eq, %and3A_779, %eq3A_781 : vector<24x1024xi32>
    %slice3A_783 = vector.extract_strided_slice %select_n3A_775 {offsets = [0, 1], sizes = [24, 1023], strides = [1, 1]} : vector<24x1024xi32> to vector<24x1023xi32>
    %slice3A_784 = vector.extract_strided_slice %select_n3A_775 {offsets = [0, 0], sizes = [24, 1], strides = [1, 1]} : vector<24x1024xi32> to vector<24x1xi32>
    %concatenate3A_785 = tpu.concatenate %slice3A_783, %slice3A_784 in 1 : vector<24x1023xi32>, vector<24x1xi32> -> vector<24x1024xi32>
    %slice3A_786 = vector.extract_strided_slice %select_n3A_775 {offsets = [0, 1023], sizes = [24, 1], strides = [1, 1]} : vector<24x1024xi32> to vector<24x1xi32>
    %slice3A_787 = vector.extract_strided_slice %select_n3A_775 {offsets = [0, 0], sizes = [24, 1023], strides = [1, 1]} : vector<24x1024xi32> to vector<24x1023xi32>
    %concatenate3A_788 = tpu.concatenate %slice3A_786, %slice3A_787 in 1 : vector<24x1xi32>, vector<24x1023xi32> -> vector<24x1024xi32>
    %select_n3A_789 = arith.select %eq3A_782, %concatenate3A_785, %concatenate3A_788 : vector<24x1024xi1>, vector<24x1024xi32>
    %slice3A_790 = vector.extract_strided_slice %select_n3A_776 {offsets = [0, 1], sizes = [24, 1023], strides = [1, 1]} : vector<24x1024xi32> to vector<24x1023xi32>
    %slice3A_791 = vector.extract_strided_slice %select_n3A_776 {offsets = [0, 0], sizes = [24, 1], strides = [1, 1]} : vector<24x1024xi32> to vector<24x1xi32>
    %concatenate3A_792 = tpu.concatenate %slice3A_790, %slice3A_791 in 1 : vector<24x1023xi32>, vector<24x1xi32> -> vector<24x1024xi32>
    %slice3A_793 = vector.extract_strided_slice %select_n3A_776 {offsets = [0, 1023], sizes = [24, 1], strides = [1, 1]} : vector<24x1024xi32> to vector<24x1xi32>
    %slice3A_794 = vector.extract_strided_slice %select_n3A_776 {offsets = [0, 0], sizes = [24, 1023], strides = [1, 1]} : vector<24x1024xi32> to vector<24x1023xi32>
    %concatenate3A_795 = tpu.concatenate %slice3A_793, %slice3A_794 in 1 : vector<24x1xi32>, vector<24x1023xi32> -> vector<24x1024xi32>
    %select_n3A_796 = arith.select %eq3A_782, %concatenate3A_792, %concatenate3A_795 : vector<24x1024xi1>, vector<24x1024xi32>
    %gt3A_797 = arith.cmpi sgt, %select_n3A_789, %select_n3A_775 : vector<24x1024xi32>
    %eq3A_798 = arith.cmpi eq, %select_n3A_789, %select_n3A_775 : vector<24x1024xi32>
    %lt3A_799 = arith.cmpi slt, %select_n3A_796, %select_n3A_776 : vector<24x1024xi32>
    %and3A_800 = arith.andi %eq3A_798, %lt3A_799 : vector<24x1024xi1>
    %or3A_801 = arith.ori %gt3A_797, %and3A_800 : vector<24x1024xi1>
    %and3A_802 = arith.constant 64 : i32
    %and3A_803 = vector.broadcast %and3A_802 : i32 to vector<24x1024xi32>
    %and3A_804 = arith.andi %iota3A, %and3A_803 : vector<24x1024xi32>
    %eq3A_805 = arith.constant 0 : i32
    %eq3A_806 = vector.broadcast %eq3A_805 : i32 to vector<24x1024xi32>
    %eq3A_807 = arith.cmpi eq, %and3A_804, %eq3A_806 : vector<24x1024xi32>
    %eq3A_808 = arith.xori %eq3A_807, %eq3A_782 : vector<24x1024xi1>
    %eq3A_809 = arith.constant dense<true> : vector<24x1024xi1>
    %eq3A_810 = arith.xori %eq3A_808, %eq3A_809 : vector<24x1024xi1>
    %eq3A_811 = arith.xori %eq3A_810, %or3A_801 : vector<24x1024xi1>
    %eq3A_812 = arith.constant dense<true> : vector<24x1024xi1>
    %eq3A_813 = arith.xori %eq3A_811, %eq3A_812 : vector<24x1024xi1>
    %select_n3A_814 = arith.select %eq3A_813, %select_n3A_789, %select_n3A_775 : vector<24x1024xi1>, vector<24x1024xi32>
    %select_n3A_815 = arith.select %eq3A_813, %select_n3A_796, %select_n3A_776 : vector<24x1024xi1>, vector<24x1024xi32>
    %and3A_816 = arith.constant 64 : i32
    %and3A_817 = vector.broadcast %and3A_816 : i32 to vector<24x1024xi32>
    %and3A_818 = arith.andi %iota3A, %and3A_817 : vector<24x1024xi32>
    %eq3A_819 = arith.constant 0 : i32
    %eq3A_820 = vector.broadcast %eq3A_819 : i32 to vector<24x1024xi32>
    %eq3A_821 = arith.cmpi eq, %and3A_818, %eq3A_820 : vector<24x1024xi32>
    %slice3A_822 = vector.extract_strided_slice %select_n3A_814 {offsets = [0, 64], sizes = [24, 960], strides = [1, 1]} : vector<24x1024xi32> to vector<24x960xi32>
    %slice3A_823 = vector.extract_strided_slice %select_n3A_814 {offsets = [0, 0], sizes = [24, 64], strides = [1, 1]} : vector<24x1024xi32> to vector<24x64xi32>
    %concatenate3A_824 = tpu.concatenate %slice3A_822, %slice3A_823 in 1 : vector<24x960xi32>, vector<24x64xi32> -> vector<24x1024xi32>
    %slice3A_825 = vector.extract_strided_slice %select_n3A_814 {offsets = [0, 960], sizes = [24, 64], strides = [1, 1]} : vector<24x1024xi32> to vector<24x64xi32>
    %slice3A_826 = vector.extract_strided_slice %select_n3A_814 {offsets = [0, 0], sizes = [24, 960], strides = [1, 1]} : vector<24x1024xi32> to vector<24x960xi32>
    %concatenate3A_827 = tpu.concatenate %slice3A_825, %slice3A_826 in 1 : vector<24x64xi32>, vector<24x960xi32> -> vector<24x1024xi32>
    %select_n3A_828 = arith.select %eq3A_821, %concatenate3A_824, %concatenate3A_827 : vector<24x1024xi1>, vector<24x1024xi32>
    %slice3A_829 = vector.extract_strided_slice %select_n3A_815 {offsets = [0, 64], sizes = [24, 960], strides = [1, 1]} : vector<24x1024xi32> to vector<24x960xi32>
    %slice3A_830 = vector.extract_strided_slice %select_n3A_815 {offsets = [0, 0], sizes = [24, 64], strides = [1, 1]} : vector<24x1024xi32> to vector<24x64xi32>
    %concatenate3A_831 = tpu.concatenate %slice3A_829, %slice3A_830 in 1 : vector<24x960xi32>, vector<24x64xi32> -> vector<24x1024xi32>
    %slice3A_832 = vector.extract_strided_slice %select_n3A_815 {offsets = [0, 960], sizes = [24, 64], strides = [1, 1]} : vector<24x1024xi32> to vector<24x64xi32>
    %slice3A_833 = vector.extract_strided_slice %select_n3A_815 {offsets = [0, 0], sizes = [24, 960], strides = [1, 1]} : vector<24x1024xi32> to vector<24x960xi32>
    %concatenate3A_834 = tpu.concatenate %slice3A_832, %slice3A_833 in 1 : vector<24x64xi32>, vector<24x960xi32> -> vector<24x1024xi32>
    %select_n3A_835 = arith.select %eq3A_821, %concatenate3A_831, %concatenate3A_834 : vector<24x1024xi1>, vector<24x1024xi32>
    %gt3A_836 = arith.cmpi sgt, %select_n3A_828, %select_n3A_814 : vector<24x1024xi32>
    %eq3A_837 = arith.cmpi eq, %select_n3A_828, %select_n3A_814 : vector<24x1024xi32>
    %lt3A_838 = arith.cmpi slt, %select_n3A_835, %select_n3A_815 : vector<24x1024xi32>
    %and3A_839 = arith.andi %eq3A_837, %lt3A_838 : vector<24x1024xi1>
    %or3A_840 = arith.ori %gt3A_836, %and3A_839 : vector<24x1024xi1>
    %and3A_841 = arith.constant 128 : i32
    %and3A_842 = vector.broadcast %and3A_841 : i32 to vector<24x1024xi32>
    %and3A_843 = arith.andi %iota3A, %and3A_842 : vector<24x1024xi32>
    %eq3A_844 = arith.constant 0 : i32
    %eq3A_845 = vector.broadcast %eq3A_844 : i32 to vector<24x1024xi32>
    %eq3A_846 = arith.cmpi eq, %and3A_843, %eq3A_845 : vector<24x1024xi32>
    %eq3A_847 = arith.xori %eq3A_846, %eq3A_821 : vector<24x1024xi1>
    %eq3A_848 = arith.constant dense<true> : vector<24x1024xi1>
    %eq3A_849 = arith.xori %eq3A_847, %eq3A_848 : vector<24x1024xi1>
    %eq3A_850 = arith.xori %eq3A_849, %or3A_840 : vector<24x1024xi1>
    %eq3A_851 = arith.constant dense<true> : vector<24x1024xi1>
    %eq3A_852 = arith.xori %eq3A_850, %eq3A_851 : vector<24x1024xi1>
    %select_n3A_853 = arith.select %eq3A_852, %select_n3A_828, %select_n3A_814 : vector<24x1024xi1>, vector<24x1024xi32>
    %select_n3A_854 = arith.select %eq3A_852, %select_n3A_835, %select_n3A_815 : vector<24x1024xi1>, vector<24x1024xi32>
    %and3A_855 = arith.constant 32 : i32
    %and3A_856 = vector.broadcast %and3A_855 : i32 to vector<24x1024xi32>
    %and3A_857 = arith.andi %iota3A, %and3A_856 : vector<24x1024xi32>
    %eq3A_858 = arith.constant 0 : i32
    %eq3A_859 = vector.broadcast %eq3A_858 : i32 to vector<24x1024xi32>
    %eq3A_860 = arith.cmpi eq, %and3A_857, %eq3A_859 : vector<24x1024xi32>
    %slice3A_861 = vector.extract_strided_slice %select_n3A_853 {offsets = [0, 32], sizes = [24, 992], strides = [1, 1]} : vector<24x1024xi32> to vector<24x992xi32>
    %slice3A_862 = vector.extract_strided_slice %select_n3A_853 {offsets = [0, 0], sizes = [24, 32], strides = [1, 1]} : vector<24x1024xi32> to vector<24x32xi32>
    %concatenate3A_863 = tpu.concatenate %slice3A_861, %slice3A_862 in 1 : vector<24x992xi32>, vector<24x32xi32> -> vector<24x1024xi32>
    %slice3A_864 = vector.extract_strided_slice %select_n3A_853 {offsets = [0, 992], sizes = [24, 32], strides = [1, 1]} : vector<24x1024xi32> to vector<24x32xi32>
    %slice3A_865 = vector.extract_strided_slice %select_n3A_853 {offsets = [0, 0], sizes = [24, 992], strides = [1, 1]} : vector<24x1024xi32> to vector<24x992xi32>
    %concatenate3A_866 = tpu.concatenate %slice3A_864, %slice3A_865 in 1 : vector<24x32xi32>, vector<24x992xi32> -> vector<24x1024xi32>
    %select_n3A_867 = arith.select %eq3A_860, %concatenate3A_863, %concatenate3A_866 : vector<24x1024xi1>, vector<24x1024xi32>
    %slice3A_868 = vector.extract_strided_slice %select_n3A_854 {offsets = [0, 32], sizes = [24, 992], strides = [1, 1]} : vector<24x1024xi32> to vector<24x992xi32>
    %slice3A_869 = vector.extract_strided_slice %select_n3A_854 {offsets = [0, 0], sizes = [24, 32], strides = [1, 1]} : vector<24x1024xi32> to vector<24x32xi32>
    %concatenate3A_870 = tpu.concatenate %slice3A_868, %slice3A_869 in 1 : vector<24x992xi32>, vector<24x32xi32> -> vector<24x1024xi32>
    %slice3A_871 = vector.extract_strided_slice %select_n3A_854 {offsets = [0, 992], sizes = [24, 32], strides = [1, 1]} : vector<24x1024xi32> to vector<24x32xi32>
    %slice3A_872 = vector.extract_strided_slice %select_n3A_854 {offsets = [0, 0], sizes = [24, 992], strides = [1, 1]} : vector<24x1024xi32> to vector<24x992xi32>
    %concatenate3A_873 = tpu.concatenate %slice3A_871, %slice3A_872 in 1 : vector<24x32xi32>, vector<24x992xi32> -> vector<24x1024xi32>
    %select_n3A_874 = arith.select %eq3A_860, %concatenate3A_870, %concatenate3A_873 : vector<24x1024xi1>, vector<24x1024xi32>
    %gt3A_875 = arith.cmpi sgt, %select_n3A_867, %select_n3A_853 : vector<24x1024xi32>
    %eq3A_876 = arith.cmpi eq, %select_n3A_867, %select_n3A_853 : vector<24x1024xi32>
    %lt3A_877 = arith.cmpi slt, %select_n3A_874, %select_n3A_854 : vector<24x1024xi32>
    %and3A_878 = arith.andi %eq3A_876, %lt3A_877 : vector<24x1024xi1>
    %or3A_879 = arith.ori %gt3A_875, %and3A_878 : vector<24x1024xi1>
    %and3A_880 = arith.constant 128 : i32
    %and3A_881 = vector.broadcast %and3A_880 : i32 to vector<24x1024xi32>
    %and3A_882 = arith.andi %iota3A, %and3A_881 : vector<24x1024xi32>
    %eq3A_883 = arith.constant 0 : i32
    %eq3A_884 = vector.broadcast %eq3A_883 : i32 to vector<24x1024xi32>
    %eq3A_885 = arith.cmpi eq, %and3A_882, %eq3A_884 : vector<24x1024xi32>
    %eq3A_886 = arith.xori %eq3A_885, %eq3A_860 : vector<24x1024xi1>
    %eq3A_887 = arith.constant dense<true> : vector<24x1024xi1>
    %eq3A_888 = arith.xori %eq3A_886, %eq3A_887 : vector<24x1024xi1>
    %eq3A_889 = arith.xori %eq3A_888, %or3A_879 : vector<24x1024xi1>
    %eq3A_890 = arith.constant dense<true> : vector<24x1024xi1>
    %eq3A_891 = arith.xori %eq3A_889, %eq3A_890 : vector<24x1024xi1>
    %select_n3A_892 = arith.select %eq3A_891, %select_n3A_867, %select_n3A_853 : vector<24x1024xi1>, vector<24x1024xi32>
    %select_n3A_893 = arith.select %eq3A_891, %select_n3A_874, %select_n3A_854 : vector<24x1024xi1>, vector<24x1024xi32>
    %and3A_894 = arith.constant 16 : i32
    %and3A_895 = vector.broadcast %and3A_894 : i32 to vector<24x1024xi32>
    %and3A_896 = arith.andi %iota3A, %and3A_895 : vector<24x1024xi32>
    %eq3A_897 = arith.constant 0 : i32
    %eq3A_898 = vector.broadcast %eq3A_897 : i32 to vector<24x1024xi32>
    %eq3A_899 = arith.cmpi eq, %and3A_896, %eq3A_898 : vector<24x1024xi32>
    %slice3A_900 = vector.extract_strided_slice %select_n3A_892 {offsets = [0, 16], sizes = [24, 1008], strides = [1, 1]} : vector<24x1024xi32> to vector<24x1008xi32>
    %slice3A_901 = vector.extract_strided_slice %select_n3A_892 {offsets = [0, 0], sizes = [24, 16], strides = [1, 1]} : vector<24x1024xi32> to vector<24x16xi32>
    %concatenate3A_902 = tpu.concatenate %slice3A_900, %slice3A_901 in 1 : vector<24x1008xi32>, vector<24x16xi32> -> vector<24x1024xi32>
    %slice3A_903 = vector.extract_strided_slice %select_n3A_892 {offsets = [0, 1008], sizes = [24, 16], strides = [1, 1]} : vector<24x1024xi32> to vector<24x16xi32>
    %slice3A_904 = vector.extract_strided_slice %select_n3A_892 {offsets = [0, 0], sizes = [24, 1008], strides = [1, 1]} : vector<24x1024xi32> to vector<24x1008xi32>
    %concatenate3A_905 = tpu.concatenate %slice3A_903, %slice3A_904 in 1 : vector<24x16xi32>, vector<24x1008xi32> -> vector<24x1024xi32>
    %select_n3A_906 = arith.select %eq3A_899, %concatenate3A_902, %concatenate3A_905 : vector<24x1024xi1>, vector<24x1024xi32>
    %slice3A_907 = vector.extract_strided_slice %select_n3A_893 {offsets = [0, 16], sizes = [24, 1008], strides = [1, 1]} : vector<24x1024xi32> to vector<24x1008xi32>
    %slice3A_908 = vector.extract_strided_slice %select_n3A_893 {offsets = [0, 0], sizes = [24, 16], strides = [1, 1]} : vector<24x1024xi32> to vector<24x16xi32>
    %concatenate3A_909 = tpu.concatenate %slice3A_907, %slice3A_908 in 1 : vector<24x1008xi32>, vector<24x16xi32> -> vector<24x1024xi32>
    %slice3A_910 = vector.extract_strided_slice %select_n3A_893 {offsets = [0, 1008], sizes = [24, 16], strides = [1, 1]} : vector<24x1024xi32> to vector<24x16xi32>
    %slice3A_911 = vector.extract_strided_slice %select_n3A_893 {offsets = [0, 0], sizes = [24, 1008], strides = [1, 1]} : vector<24x1024xi32> to vector<24x1008xi32>
    %concatenate3A_912 = tpu.concatenate %slice3A_910, %slice3A_911 in 1 : vector<24x16xi32>, vector<24x1008xi32> -> vector<24x1024xi32>
    %select_n3A_913 = arith.select %eq3A_899, %concatenate3A_909, %concatenate3A_912 : vector<24x1024xi1>, vector<24x1024xi32>
    %gt3A_914 = arith.cmpi sgt, %select_n3A_906, %select_n3A_892 : vector<24x1024xi32>
    %eq3A_915 = arith.cmpi eq, %select_n3A_906, %select_n3A_892 : vector<24x1024xi32>
    %lt3A_916 = arith.cmpi slt, %select_n3A_913, %select_n3A_893 : vector<24x1024xi32>
    %and3A_917 = arith.andi %eq3A_915, %lt3A_916 : vector<24x1024xi1>
    %or3A_918 = arith.ori %gt3A_914, %and3A_917 : vector<24x1024xi1>
    %and3A_919 = arith.constant 128 : i32
    %and3A_920 = vector.broadcast %and3A_919 : i32 to vector<24x1024xi32>
    %and3A_921 = arith.andi %iota3A, %and3A_920 : vector<24x1024xi32>
    %eq3A_922 = arith.constant 0 : i32
    %eq3A_923 = vector.broadcast %eq3A_922 : i32 to vector<24x1024xi32>
    %eq3A_924 = arith.cmpi eq, %and3A_921, %eq3A_923 : vector<24x1024xi32>
    %eq3A_925 = arith.xori %eq3A_924, %eq3A_899 : vector<24x1024xi1>
    %eq3A_926 = arith.constant dense<true> : vector<24x1024xi1>
    %eq3A_927 = arith.xori %eq3A_925, %eq3A_926 : vector<24x1024xi1>
    %eq3A_928 = arith.xori %eq3A_927, %or3A_918 : vector<24x1024xi1>
    %eq3A_929 = arith.constant dense<true> : vector<24x1024xi1>
    %eq3A_930 = arith.xori %eq3A_928, %eq3A_929 : vector<24x1024xi1>
    %select_n3A_931 = arith.select %eq3A_930, %select_n3A_906, %select_n3A_892 : vector<24x1024xi1>, vector<24x1024xi32>
    %select_n3A_932 = arith.select %eq3A_930, %select_n3A_913, %select_n3A_893 : vector<24x1024xi1>, vector<24x1024xi32>
    %and3A_933 = arith.constant 8 : i32
    %and3A_934 = vector.broadcast %and3A_933 : i32 to vector<24x1024xi32>
    %and3A_935 = arith.andi %iota3A, %and3A_934 : vector<24x1024xi32>
    %eq3A_936 = arith.constant 0 : i32
    %eq3A_937 = vector.broadcast %eq3A_936 : i32 to vector<24x1024xi32>
    %eq3A_938 = arith.cmpi eq, %and3A_935, %eq3A_937 : vector<24x1024xi32>
    %slice3A_939 = vector.extract_strided_slice %select_n3A_931 {offsets = [0, 8], sizes = [24, 1016], strides = [1, 1]} : vector<24x1024xi32> to vector<24x1016xi32>
    %slice3A_940 = vector.extract_strided_slice %select_n3A_931 {offsets = [0, 0], sizes = [24, 8], strides = [1, 1]} : vector<24x1024xi32> to vector<24x8xi32>
    %concatenate3A_941 = tpu.concatenate %slice3A_939, %slice3A_940 in 1 : vector<24x1016xi32>, vector<24x8xi32> -> vector<24x1024xi32>
    %slice3A_942 = vector.extract_strided_slice %select_n3A_931 {offsets = [0, 1016], sizes = [24, 8], strides = [1, 1]} : vector<24x1024xi32> to vector<24x8xi32>
    %slice3A_943 = vector.extract_strided_slice %select_n3A_931 {offsets = [0, 0], sizes = [24, 1016], strides = [1, 1]} : vector<24x1024xi32> to vector<24x1016xi32>
    %concatenate3A_944 = tpu.concatenate %slice3A_942, %slice3A_943 in 1 : vector<24x8xi32>, vector<24x1016xi32> -> vector<24x1024xi32>
    %select_n3A_945 = arith.select %eq3A_938, %concatenate3A_941, %concatenate3A_944 : vector<24x1024xi1>, vector<24x1024xi32>
    %slice3A_946 = vector.extract_strided_slice %select_n3A_932 {offsets = [0, 8], sizes = [24, 1016], strides = [1, 1]} : vector<24x1024xi32> to vector<24x1016xi32>
    %slice3A_947 = vector.extract_strided_slice %select_n3A_932 {offsets = [0, 0], sizes = [24, 8], strides = [1, 1]} : vector<24x1024xi32> to vector<24x8xi32>
    %concatenate3A_948 = tpu.concatenate %slice3A_946, %slice3A_947 in 1 : vector<24x1016xi32>, vector<24x8xi32> -> vector<24x1024xi32>
    %slice3A_949 = vector.extract_strided_slice %select_n3A_932 {offsets = [0, 1016], sizes = [24, 8], strides = [1, 1]} : vector<24x1024xi32> to vector<24x8xi32>
    %slice3A_950 = vector.extract_strided_slice %select_n3A_932 {offsets = [0, 0], sizes = [24, 1016], strides = [1, 1]} : vector<24x1024xi32> to vector<24x1016xi32>
    %concatenate3A_951 = tpu.concatenate %slice3A_949, %slice3A_950 in 1 : vector<24x8xi32>, vector<24x1016xi32> -> vector<24x1024xi32>
    %select_n3A_952 = arith.select %eq3A_938, %concatenate3A_948, %concatenate3A_951 : vector<24x1024xi1>, vector<24x1024xi32>
    %gt3A_953 = arith.cmpi sgt, %select_n3A_945, %select_n3A_931 : vector<24x1024xi32>
    %eq3A_954 = arith.cmpi eq, %select_n3A_945, %select_n3A_931 : vector<24x1024xi32>
    %lt3A_955 = arith.cmpi slt, %select_n3A_952, %select_n3A_932 : vector<24x1024xi32>
    %and3A_956 = arith.andi %eq3A_954, %lt3A_955 : vector<24x1024xi1>
    %or3A_957 = arith.ori %gt3A_953, %and3A_956 : vector<24x1024xi1>
    %and3A_958 = arith.constant 128 : i32
    %and3A_959 = vector.broadcast %and3A_958 : i32 to vector<24x1024xi32>
    %and3A_960 = arith.andi %iota3A, %and3A_959 : vector<24x1024xi32>
    %eq3A_961 = arith.constant 0 : i32
    %eq3A_962 = vector.broadcast %eq3A_961 : i32 to vector<24x1024xi32>
    %eq3A_963 = arith.cmpi eq, %and3A_960, %eq3A_962 : vector<24x1024xi32>
    %eq3A_964 = arith.xori %eq3A_963, %eq3A_938 : vector<24x1024xi1>
    %eq3A_965 = arith.constant dense<true> : vector<24x1024xi1>
    %eq3A_966 = arith.xori %eq3A_964, %eq3A_965 : vector<24x1024xi1>
    %eq3A_967 = arith.xori %eq3A_966, %or3A_957 : vector<24x1024xi1>
    %eq3A_968 = arith.constant dense<true> : vector<24x1024xi1>
    %eq3A_969 = arith.xori %eq3A_967, %eq3A_968 : vector<24x1024xi1>
    %select_n3A_970 = arith.select %eq3A_969, %select_n3A_945, %select_n3A_931 : vector<24x1024xi1>, vector<24x1024xi32>
    %select_n3A_971 = arith.select %eq3A_969, %select_n3A_952, %select_n3A_932 : vector<24x1024xi1>, vector<24x1024xi32>
    %and3A_972 = arith.constant 4 : i32
    %and3A_973 = vector.broadcast %and3A_972 : i32 to vector<24x1024xi32>
    %and3A_974 = arith.andi %iota3A, %and3A_973 : vector<24x1024xi32>
    %eq3A_975 = arith.constant 0 : i32
    %eq3A_976 = vector.broadcast %eq3A_975 : i32 to vector<24x1024xi32>
    %eq3A_977 = arith.cmpi eq, %and3A_974, %eq3A_976 : vector<24x1024xi32>
    %slice3A_978 = vector.extract_strided_slice %select_n3A_970 {offsets = [0, 4], sizes = [24, 1020], strides = [1, 1]} : vector<24x1024xi32> to vector<24x1020xi32>
    %slice3A_979 = vector.extract_strided_slice %select_n3A_970 {offsets = [0, 0], sizes = [24, 4], strides = [1, 1]} : vector<24x1024xi32> to vector<24x4xi32>
    %concatenate3A_980 = tpu.concatenate %slice3A_978, %slice3A_979 in 1 : vector<24x1020xi32>, vector<24x4xi32> -> vector<24x1024xi32>
    %slice3A_981 = vector.extract_strided_slice %select_n3A_970 {offsets = [0, 1020], sizes = [24, 4], strides = [1, 1]} : vector<24x1024xi32> to vector<24x4xi32>
    %slice3A_982 = vector.extract_strided_slice %select_n3A_970 {offsets = [0, 0], sizes = [24, 1020], strides = [1, 1]} : vector<24x1024xi32> to vector<24x1020xi32>
    %concatenate3A_983 = tpu.concatenate %slice3A_981, %slice3A_982 in 1 : vector<24x4xi32>, vector<24x1020xi32> -> vector<24x1024xi32>
    %select_n3A_984 = arith.select %eq3A_977, %concatenate3A_980, %concatenate3A_983 : vector<24x1024xi1>, vector<24x1024xi32>
    %slice3A_985 = vector.extract_strided_slice %select_n3A_971 {offsets = [0, 4], sizes = [24, 1020], strides = [1, 1]} : vector<24x1024xi32> to vector<24x1020xi32>
    %slice3A_986 = vector.extract_strided_slice %select_n3A_971 {offsets = [0, 0], sizes = [24, 4], strides = [1, 1]} : vector<24x1024xi32> to vector<24x4xi32>
    %concatenate3A_987 = tpu.concatenate %slice3A_985, %slice3A_986 in 1 : vector<24x1020xi32>, vector<24x4xi32> -> vector<24x1024xi32>
    %slice3A_988 = vector.extract_strided_slice %select_n3A_971 {offsets = [0, 1020], sizes = [24, 4], strides = [1, 1]} : vector<24x1024xi32> to vector<24x4xi32>
    %slice3A_989 = vector.extract_strided_slice %select_n3A_971 {offsets = [0, 0], sizes = [24, 1020], strides = [1, 1]} : vector<24x1024xi32> to vector<24x1020xi32>
    %concatenate3A_990 = tpu.concatenate %slice3A_988, %slice3A_989 in 1 : vector<24x4xi32>, vector<24x1020xi32> -> vector<24x1024xi32>
    %select_n3A_991 = arith.select %eq3A_977, %concatenate3A_987, %concatenate3A_990 : vector<24x1024xi1>, vector<24x1024xi32>
    %gt3A_992 = arith.cmpi sgt, %select_n3A_984, %select_n3A_970 : vector<24x1024xi32>
    %eq3A_993 = arith.cmpi eq, %select_n3A_984, %select_n3A_970 : vector<24x1024xi32>
    %lt3A_994 = arith.cmpi slt, %select_n3A_991, %select_n3A_971 : vector<24x1024xi32>
    %and3A_995 = arith.andi %eq3A_993, %lt3A_994 : vector<24x1024xi1>
    %or3A_996 = arith.ori %gt3A_992, %and3A_995 : vector<24x1024xi1>
    %and3A_997 = arith.constant 128 : i32
    %and3A_998 = vector.broadcast %and3A_997 : i32 to vector<24x1024xi32>
    %and3A_999 = arith.andi %iota3A, %and3A_998 : vector<24x1024xi32>
    %eq3A_1000 = arith.constant 0 : i32
    %eq3A_1001 = vector.broadcast %eq3A_1000 : i32 to vector<24x1024xi32>
    %eq3A_1002 = arith.cmpi eq, %and3A_999, %eq3A_1001 : vector<24x1024xi32>
    %eq3A_1003 = arith.xori %eq3A_1002, %eq3A_977 : vector<24x1024xi1>
    %eq3A_1004 = arith.constant dense<true> : vector<24x1024xi1>
    %eq3A_1005 = arith.xori %eq3A_1003, %eq3A_1004 : vector<24x1024xi1>
    %eq3A_1006 = arith.xori %eq3A_1005, %or3A_996 : vector<24x1024xi1>
    %eq3A_1007 = arith.constant dense<true> : vector<24x1024xi1>
    %eq3A_1008 = arith.xori %eq3A_1006, %eq3A_1007 : vector<24x1024xi1>
    %select_n3A_1009 = arith.select %eq3A_1008, %select_n3A_984, %select_n3A_970 : vector<24x1024xi1>, vector<24x1024xi32>
    %select_n3A_1010 = arith.select %eq3A_1008, %select_n3A_991, %select_n3A_971 : vector<24x1024xi1>, vector<24x1024xi32>
    %and3A_1011 = arith.constant 2 : i32
    %and3A_1012 = vector.broadcast %and3A_1011 : i32 to vector<24x1024xi32>
    %and3A_1013 = arith.andi %iota3A, %and3A_1012 : vector<24x1024xi32>
    %eq3A_1014 = arith.constant 0 : i32
    %eq3A_1015 = vector.broadcast %eq3A_1014 : i32 to vector<24x1024xi32>
    %eq3A_1016 = arith.cmpi eq, %and3A_1013, %eq3A_1015 : vector<24x1024xi32>
    %slice3A_1017 = vector.extract_strided_slice %select_n3A_1009 {offsets = [0, 2], sizes = [24, 1022], strides = [1, 1]} : vector<24x1024xi32> to vector<24x1022xi32>
    %slice3A_1018 = vector.extract_strided_slice %select_n3A_1009 {offsets = [0, 0], sizes = [24, 2], strides = [1, 1]} : vector<24x1024xi32> to vector<24x2xi32>
    %concatenate3A_1019 = tpu.concatenate %slice3A_1017, %slice3A_1018 in 1 : vector<24x1022xi32>, vector<24x2xi32> -> vector<24x1024xi32>
    %slice3A_1020 = vector.extract_strided_slice %select_n3A_1009 {offsets = [0, 1022], sizes = [24, 2], strides = [1, 1]} : vector<24x1024xi32> to vector<24x2xi32>
    %slice3A_1021 = vector.extract_strided_slice %select_n3A_1009 {offsets = [0, 0], sizes = [24, 1022], strides = [1, 1]} : vector<24x1024xi32> to vector<24x1022xi32>
    %concatenate3A_1022 = tpu.concatenate %slice3A_1020, %slice3A_1021 in 1 : vector<24x2xi32>, vector<24x1022xi32> -> vector<24x1024xi32>
    %select_n3A_1023 = arith.select %eq3A_1016, %concatenate3A_1019, %concatenate3A_1022 : vector<24x1024xi1>, vector<24x1024xi32>
    %slice3A_1024 = vector.extract_strided_slice %select_n3A_1010 {offsets = [0, 2], sizes = [24, 1022], strides = [1, 1]} : vector<24x1024xi32> to vector<24x1022xi32>
    %slice3A_1025 = vector.extract_strided_slice %select_n3A_1010 {offsets = [0, 0], sizes = [24, 2], strides = [1, 1]} : vector<24x1024xi32> to vector<24x2xi32>
    %concatenate3A_1026 = tpu.concatenate %slice3A_1024, %slice3A_1025 in 1 : vector<24x1022xi32>, vector<24x2xi32> -> vector<24x1024xi32>
    %slice3A_1027 = vector.extract_strided_slice %select_n3A_1010 {offsets = [0, 1022], sizes = [24, 2], strides = [1, 1]} : vector<24x1024xi32> to vector<24x2xi32>
    %slice3A_1028 = vector.extract_strided_slice %select_n3A_1010 {offsets = [0, 0], sizes = [24, 1022], strides = [1, 1]} : vector<24x1024xi32> to vector<24x1022xi32>
    %concatenate3A_1029 = tpu.concatenate %slice3A_1027, %slice3A_1028 in 1 : vector<24x2xi32>, vector<24x1022xi32> -> vector<24x1024xi32>
    %select_n3A_1030 = arith.select %eq3A_1016, %concatenate3A_1026, %concatenate3A_1029 : vector<24x1024xi1>, vector<24x1024xi32>
    %gt3A_1031 = arith.cmpi sgt, %select_n3A_1023, %select_n3A_1009 : vector<24x1024xi32>
    %eq3A_1032 = arith.cmpi eq, %select_n3A_1023, %select_n3A_1009 : vector<24x1024xi32>
    %lt3A_1033 = arith.cmpi slt, %select_n3A_1030, %select_n3A_1010 : vector<24x1024xi32>
    %and3A_1034 = arith.andi %eq3A_1032, %lt3A_1033 : vector<24x1024xi1>
    %or3A_1035 = arith.ori %gt3A_1031, %and3A_1034 : vector<24x1024xi1>
    %and3A_1036 = arith.constant 128 : i32
    %and3A_1037 = vector.broadcast %and3A_1036 : i32 to vector<24x1024xi32>
    %and3A_1038 = arith.andi %iota3A, %and3A_1037 : vector<24x1024xi32>
    %eq3A_1039 = arith.constant 0 : i32
    %eq3A_1040 = vector.broadcast %eq3A_1039 : i32 to vector<24x1024xi32>
    %eq3A_1041 = arith.cmpi eq, %and3A_1038, %eq3A_1040 : vector<24x1024xi32>
    %eq3A_1042 = arith.xori %eq3A_1041, %eq3A_1016 : vector<24x1024xi1>
    %eq3A_1043 = arith.constant dense<true> : vector<24x1024xi1>
    %eq3A_1044 = arith.xori %eq3A_1042, %eq3A_1043 : vector<24x1024xi1>
    %eq3A_1045 = arith.xori %eq3A_1044, %or3A_1035 : vector<24x1024xi1>
    %eq3A_1046 = arith.constant dense<true> : vector<24x1024xi1>
    %eq3A_1047 = arith.xori %eq3A_1045, %eq3A_1046 : vector<24x1024xi1>
    %select_n3A_1048 = arith.select %eq3A_1047, %select_n3A_1023, %select_n3A_1009 : vector<24x1024xi1>, vector<24x1024xi32>
    %select_n3A_1049 = arith.select %eq3A_1047, %select_n3A_1030, %select_n3A_1010 : vector<24x1024xi1>, vector<24x1024xi32>
    %and3A_1050 = arith.constant 1 : i32
    %and3A_1051 = vector.broadcast %and3A_1050 : i32 to vector<24x1024xi32>
    %and3A_1052 = arith.andi %iota3A, %and3A_1051 : vector<24x1024xi32>
    %eq3A_1053 = arith.constant 0 : i32
    %eq3A_1054 = vector.broadcast %eq3A_1053 : i32 to vector<24x1024xi32>
    %eq3A_1055 = arith.cmpi eq, %and3A_1052, %eq3A_1054 : vector<24x1024xi32>
    %slice3A_1056 = vector.extract_strided_slice %select_n3A_1048 {offsets = [0, 1], sizes = [24, 1023], strides = [1, 1]} : vector<24x1024xi32> to vector<24x1023xi32>
    %slice3A_1057 = vector.extract_strided_slice %select_n3A_1048 {offsets = [0, 0], sizes = [24, 1], strides = [1, 1]} : vector<24x1024xi32> to vector<24x1xi32>
    %concatenate3A_1058 = tpu.concatenate %slice3A_1056, %slice3A_1057 in 1 : vector<24x1023xi32>, vector<24x1xi32> -> vector<24x1024xi32>
    %slice3A_1059 = vector.extract_strided_slice %select_n3A_1048 {offsets = [0, 1023], sizes = [24, 1], strides = [1, 1]} : vector<24x1024xi32> to vector<24x1xi32>
    %slice3A_1060 = vector.extract_strided_slice %select_n3A_1048 {offsets = [0, 0], sizes = [24, 1023], strides = [1, 1]} : vector<24x1024xi32> to vector<24x1023xi32>
    %concatenate3A_1061 = tpu.concatenate %slice3A_1059, %slice3A_1060 in 1 : vector<24x1xi32>, vector<24x1023xi32> -> vector<24x1024xi32>
    %select_n3A_1062 = arith.select %eq3A_1055, %concatenate3A_1058, %concatenate3A_1061 : vector<24x1024xi1>, vector<24x1024xi32>
    %slice3A_1063 = vector.extract_strided_slice %select_n3A_1049 {offsets = [0, 1], sizes = [24, 1023], strides = [1, 1]} : vector<24x1024xi32> to vector<24x1023xi32>
    %slice3A_1064 = vector.extract_strided_slice %select_n3A_1049 {offsets = [0, 0], sizes = [24, 1], strides = [1, 1]} : vector<24x1024xi32> to vector<24x1xi32>
    %concatenate3A_1065 = tpu.concatenate %slice3A_1063, %slice3A_1064 in 1 : vector<24x1023xi32>, vector<24x1xi32> -> vector<24x1024xi32>
    %slice3A_1066 = vector.extract_strided_slice %select_n3A_1049 {offsets = [0, 1023], sizes = [24, 1], strides = [1, 1]} : vector<24x1024xi32> to vector<24x1xi32>
    %slice3A_1067 = vector.extract_strided_slice %select_n3A_1049 {offsets = [0, 0], sizes = [24, 1023], strides = [1, 1]} : vector<24x1024xi32> to vector<24x1023xi32>
    %concatenate3A_1068 = tpu.concatenate %slice3A_1066, %slice3A_1067 in 1 : vector<24x1xi32>, vector<24x1023xi32> -> vector<24x1024xi32>
    %select_n3A_1069 = arith.select %eq3A_1055, %concatenate3A_1065, %concatenate3A_1068 : vector<24x1024xi1>, vector<24x1024xi32>
    %gt3A_1070 = arith.cmpi sgt, %select_n3A_1062, %select_n3A_1048 : vector<24x1024xi32>
    %eq3A_1071 = arith.cmpi eq, %select_n3A_1062, %select_n3A_1048 : vector<24x1024xi32>
    %lt3A_1072 = arith.cmpi slt, %select_n3A_1069, %select_n3A_1049 : vector<24x1024xi32>
    %and3A_1073 = arith.andi %eq3A_1071, %lt3A_1072 : vector<24x1024xi1>
    %or3A_1074 = arith.ori %gt3A_1070, %and3A_1073 : vector<24x1024xi1>
    %and3A_1075 = arith.constant 128 : i32
    %and3A_1076 = vector.broadcast %and3A_1075 : i32 to vector<24x1024xi32>
    %and3A_1077 = arith.andi %iota3A, %and3A_1076 : vector<24x1024xi32>
    %eq3A_1078 = arith.constant 0 : i32
    %eq3A_1079 = vector.broadcast %eq3A_1078 : i32 to vector<24x1024xi32>
    %eq3A_1080 = arith.cmpi eq, %and3A_1077, %eq3A_1079 : vector<24x1024xi32>
    %eq3A_1081 = arith.xori %eq3A_1080, %eq3A_1055 : vector<24x1024xi1>
    %eq3A_1082 = arith.constant dense<true> : vector<24x1024xi1>
    %eq3A_1083 = arith.xori %eq3A_1081, %eq3A_1082 : vector<24x1024xi1>
    %eq3A_1084 = arith.xori %eq3A_1083, %or3A_1074 : vector<24x1024xi1>
    %eq3A_1085 = arith.constant dense<true> : vector<24x1024xi1>
    %eq3A_1086 = arith.xori %eq3A_1084, %eq3A_1085 : vector<24x1024xi1>
    %select_n3A_1087 = arith.select %eq3A_1086, %select_n3A_1062, %select_n3A_1048 : vector<24x1024xi1>, vector<24x1024xi32>
    %select_n3A_1088 = arith.select %eq3A_1086, %select_n3A_1069, %select_n3A_1049 : vector<24x1024xi1>, vector<24x1024xi32>
    %and3A_1089 = arith.constant 128 : i32
    %and3A_1090 = vector.broadcast %and3A_1089 : i32 to vector<24x1024xi32>
    %and3A_1091 = arith.andi %iota3A, %and3A_1090 : vector<24x1024xi32>
    %eq3A_1092 = arith.constant 0 : i32
    %eq3A_1093 = vector.broadcast %eq3A_1092 : i32 to vector<24x1024xi32>
    %eq3A_1094 = arith.cmpi eq, %and3A_1091, %eq3A_1093 : vector<24x1024xi32>
    %slice3A_1095 = vector.extract_strided_slice %select_n3A_1087 {offsets = [0, 128], sizes = [24, 896], strides = [1, 1]} : vector<24x1024xi32> to vector<24x896xi32>
    %slice3A_1096 = vector.extract_strided_slice %select_n3A_1087 {offsets = [0, 0], sizes = [24, 128], strides = [1, 1]} : vector<24x1024xi32> to vector<24x128xi32>
    %concatenate3A_1097 = tpu.concatenate %slice3A_1095, %slice3A_1096 in 1 : vector<24x896xi32>, vector<24x128xi32> -> vector<24x1024xi32>
    %slice3A_1098 = vector.extract_strided_slice %select_n3A_1087 {offsets = [0, 896], sizes = [24, 128], strides = [1, 1]} : vector<24x1024xi32> to vector<24x128xi32>
    %slice3A_1099 = vector.extract_strided_slice %select_n3A_1087 {offsets = [0, 0], sizes = [24, 896], strides = [1, 1]} : vector<24x1024xi32> to vector<24x896xi32>
    %concatenate3A_1100 = tpu.concatenate %slice3A_1098, %slice3A_1099 in 1 : vector<24x128xi32>, vector<24x896xi32> -> vector<24x1024xi32>
    %select_n3A_1101 = arith.select %eq3A_1094, %concatenate3A_1097, %concatenate3A_1100 : vector<24x1024xi1>, vector<24x1024xi32>
    %slice3A_1102 = vector.extract_strided_slice %select_n3A_1088 {offsets = [0, 128], sizes = [24, 896], strides = [1, 1]} : vector<24x1024xi32> to vector<24x896xi32>
    %slice3A_1103 = vector.extract_strided_slice %select_n3A_1088 {offsets = [0, 0], sizes = [24, 128], strides = [1, 1]} : vector<24x1024xi32> to vector<24x128xi32>
    %concatenate3A_1104 = tpu.concatenate %slice3A_1102, %slice3A_1103 in 1 : vector<24x896xi32>, vector<24x128xi32> -> vector<24x1024xi32>
    %slice3A_1105 = vector.extract_strided_slice %select_n3A_1088 {offsets = [0, 896], sizes = [24, 128], strides = [1, 1]} : vector<24x1024xi32> to vector<24x128xi32>
    %slice3A_1106 = vector.extract_strided_slice %select_n3A_1088 {offsets = [0, 0], sizes = [24, 896], strides = [1, 1]} : vector<24x1024xi32> to vector<24x896xi32>
    %concatenate3A_1107 = tpu.concatenate %slice3A_1105, %slice3A_1106 in 1 : vector<24x128xi32>, vector<24x896xi32> -> vector<24x1024xi32>
    %select_n3A_1108 = arith.select %eq3A_1094, %concatenate3A_1104, %concatenate3A_1107 : vector<24x1024xi1>, vector<24x1024xi32>
    %gt3A_1109 = arith.cmpi sgt, %select_n3A_1101, %select_n3A_1087 : vector<24x1024xi32>
    %eq3A_1110 = arith.cmpi eq, %select_n3A_1101, %select_n3A_1087 : vector<24x1024xi32>
    %lt3A_1111 = arith.cmpi slt, %select_n3A_1108, %select_n3A_1088 : vector<24x1024xi32>
    %and3A_1112 = arith.andi %eq3A_1110, %lt3A_1111 : vector<24x1024xi1>
    %or3A_1113 = arith.ori %gt3A_1109, %and3A_1112 : vector<24x1024xi1>
    %and3A_1114 = arith.constant 256 : i32
    %and3A_1115 = vector.broadcast %and3A_1114 : i32 to vector<24x1024xi32>
    %and3A_1116 = arith.andi %iota3A, %and3A_1115 : vector<24x1024xi32>
    %eq3A_1117 = arith.constant 0 : i32
    %eq3A_1118 = vector.broadcast %eq3A_1117 : i32 to vector<24x1024xi32>
    %eq3A_1119 = arith.cmpi eq, %and3A_1116, %eq3A_1118 : vector<24x1024xi32>
    %eq3A_1120 = arith.xori %eq3A_1119, %eq3A_1094 : vector<24x1024xi1>
    %eq3A_1121 = arith.constant dense<true> : vector<24x1024xi1>
    %eq3A_1122 = arith.xori %eq3A_1120, %eq3A_1121 : vector<24x1024xi1>
    %eq3A_1123 = arith.xori %eq3A_1122, %or3A_1113 : vector<24x1024xi1>
    %eq3A_1124 = arith.constant dense<true> : vector<24x1024xi1>
    %eq3A_1125 = arith.xori %eq3A_1123, %eq3A_1124 : vector<24x1024xi1>
    %select_n3A_1126 = arith.select %eq3A_1125, %select_n3A_1101, %select_n3A_1087 : vector<24x1024xi1>, vector<24x1024xi32>
    %select_n3A_1127 = arith.select %eq3A_1125, %select_n3A_1108, %select_n3A_1088 : vector<24x1024xi1>, vector<24x1024xi32>
    %and3A_1128 = arith.constant 64 : i32
    %and3A_1129 = vector.broadcast %and3A_1128 : i32 to vector<24x1024xi32>
    %and3A_1130 = arith.andi %iota3A, %and3A_1129 : vector<24x1024xi32>
    %eq3A_1131 = arith.constant 0 : i32
    %eq3A_1132 = vector.broadcast %eq3A_1131 : i32 to vector<24x1024xi32>
    %eq3A_1133 = arith.cmpi eq, %and3A_1130, %eq3A_1132 : vector<24x1024xi32>
    %slice3A_1134 = vector.extract_strided_slice %select_n3A_1126 {offsets = [0, 64], sizes = [24, 960], strides = [1, 1]} : vector<24x1024xi32> to vector<24x960xi32>
    %slice3A_1135 = vector.extract_strided_slice %select_n3A_1126 {offsets = [0, 0], sizes = [24, 64], strides = [1, 1]} : vector<24x1024xi32> to vector<24x64xi32>
    %concatenate3A_1136 = tpu.concatenate %slice3A_1134, %slice3A_1135 in 1 : vector<24x960xi32>, vector<24x64xi32> -> vector<24x1024xi32>
    %slice3A_1137 = vector.extract_strided_slice %select_n3A_1126 {offsets = [0, 960], sizes = [24, 64], strides = [1, 1]} : vector<24x1024xi32> to vector<24x64xi32>
    %slice3A_1138 = vector.extract_strided_slice %select_n3A_1126 {offsets = [0, 0], sizes = [24, 960], strides = [1, 1]} : vector<24x1024xi32> to vector<24x960xi32>
    %concatenate3A_1139 = tpu.concatenate %slice3A_1137, %slice3A_1138 in 1 : vector<24x64xi32>, vector<24x960xi32> -> vector<24x1024xi32>
    %select_n3A_1140 = arith.select %eq3A_1133, %concatenate3A_1136, %concatenate3A_1139 : vector<24x1024xi1>, vector<24x1024xi32>
    %slice3A_1141 = vector.extract_strided_slice %select_n3A_1127 {offsets = [0, 64], sizes = [24, 960], strides = [1, 1]} : vector<24x1024xi32> to vector<24x960xi32>
    %slice3A_1142 = vector.extract_strided_slice %select_n3A_1127 {offsets = [0, 0], sizes = [24, 64], strides = [1, 1]} : vector<24x1024xi32> to vector<24x64xi32>
    %concatenate3A_1143 = tpu.concatenate %slice3A_1141, %slice3A_1142 in 1 : vector<24x960xi32>, vector<24x64xi32> -> vector<24x1024xi32>
    %slice3A_1144 = vector.extract_strided_slice %select_n3A_1127 {offsets = [0, 960], sizes = [24, 64], strides = [1, 1]} : vector<24x1024xi32> to vector<24x64xi32>
    %slice3A_1145 = vector.extract_strided_slice %select_n3A_1127 {offsets = [0, 0], sizes = [24, 960], strides = [1, 1]} : vector<24x1024xi32> to vector<24x960xi32>
    %concatenate3A_1146 = tpu.concatenate %slice3A_1144, %slice3A_1145 in 1 : vector<24x64xi32>, vector<24x960xi32> -> vector<24x1024xi32>
    %select_n3A_1147 = arith.select %eq3A_1133, %concatenate3A_1143, %concatenate3A_1146 : vector<24x1024xi1>, vector<24x1024xi32>
    %gt3A_1148 = arith.cmpi sgt, %select_n3A_1140, %select_n3A_1126 : vector<24x1024xi32>
    %eq3A_1149 = arith.cmpi eq, %select_n3A_1140, %select_n3A_1126 : vector<24x1024xi32>
    %lt3A_1150 = arith.cmpi slt, %select_n3A_1147, %select_n3A_1127 : vector<24x1024xi32>
    %and3A_1151 = arith.andi %eq3A_1149, %lt3A_1150 : vector<24x1024xi1>
    %or3A_1152 = arith.ori %gt3A_1148, %and3A_1151 : vector<24x1024xi1>
    %and3A_1153 = arith.constant 256 : i32
    %and3A_1154 = vector.broadcast %and3A_1153 : i32 to vector<24x1024xi32>
    %and3A_1155 = arith.andi %iota3A, %and3A_1154 : vector<24x1024xi32>
    %eq3A_1156 = arith.constant 0 : i32
    %eq3A_1157 = vector.broadcast %eq3A_1156 : i32 to vector<24x1024xi32>
    %eq3A_1158 = arith.cmpi eq, %and3A_1155, %eq3A_1157 : vector<24x1024xi32>
    %eq3A_1159 = arith.xori %eq3A_1158, %eq3A_1133 : vector<24x1024xi1>
    %eq3A_1160 = arith.constant dense<true> : vector<24x1024xi1>
    %eq3A_1161 = arith.xori %eq3A_1159, %eq3A_1160 : vector<24x1024xi1>
    %eq3A_1162 = arith.xori %eq3A_1161, %or3A_1152 : vector<24x1024xi1>
    %eq3A_1163 = arith.constant dense<true> : vector<24x1024xi1>
    %eq3A_1164 = arith.xori %eq3A_1162, %eq3A_1163 : vector<24x1024xi1>
    %select_n3A_1165 = arith.select %eq3A_1164, %select_n3A_1140, %select_n3A_1126 : vector<24x1024xi1>, vector<24x1024xi32>
    %select_n3A_1166 = arith.select %eq3A_1164, %select_n3A_1147, %select_n3A_1127 : vector<24x1024xi1>, vector<24x1024xi32>
    %and3A_1167 = arith.constant 32 : i32
    %and3A_1168 = vector.broadcast %and3A_1167 : i32 to vector<24x1024xi32>
    %and3A_1169 = arith.andi %iota3A, %and3A_1168 : vector<24x1024xi32>
    %eq3A_1170 = arith.constant 0 : i32
    %eq3A_1171 = vector.broadcast %eq3A_1170 : i32 to vector<24x1024xi32>
    %eq3A_1172 = arith.cmpi eq, %and3A_1169, %eq3A_1171 : vector<24x1024xi32>
    %slice3A_1173 = vector.extract_strided_slice %select_n3A_1165 {offsets = [0, 32], sizes = [24, 992], strides = [1, 1]} : vector<24x1024xi32> to vector<24x992xi32>
    %slice3A_1174 = vector.extract_strided_slice %select_n3A_1165 {offsets = [0, 0], sizes = [24, 32], strides = [1, 1]} : vector<24x1024xi32> to vector<24x32xi32>
    %concatenate3A_1175 = tpu.concatenate %slice3A_1173, %slice3A_1174 in 1 : vector<24x992xi32>, vector<24x32xi32> -> vector<24x1024xi32>
    %slice3A_1176 = vector.extract_strided_slice %select_n3A_1165 {offsets = [0, 992], sizes = [24, 32], strides = [1, 1]} : vector<24x1024xi32> to vector<24x32xi32>
    %slice3A_1177 = vector.extract_strided_slice %select_n3A_1165 {offsets = [0, 0], sizes = [24, 992], strides = [1, 1]} : vector<24x1024xi32> to vector<24x992xi32>
    %concatenate3A_1178 = tpu.concatenate %slice3A_1176, %slice3A_1177 in 1 : vector<24x32xi32>, vector<24x992xi32> -> vector<24x1024xi32>
    %select_n3A_1179 = arith.select %eq3A_1172, %concatenate3A_1175, %concatenate3A_1178 : vector<24x1024xi1>, vector<24x1024xi32>
    %slice3A_1180 = vector.extract_strided_slice %select_n3A_1166 {offsets = [0, 32], sizes = [24, 992], strides = [1, 1]} : vector<24x1024xi32> to vector<24x992xi32>
    %slice3A_1181 = vector.extract_strided_slice %select_n3A_1166 {offsets = [0, 0], sizes = [24, 32], strides = [1, 1]} : vector<24x1024xi32> to vector<24x32xi32>
    %concatenate3A_1182 = tpu.concatenate %slice3A_1180, %slice3A_1181 in 1 : vector<24x992xi32>, vector<24x32xi32> -> vector<24x1024xi32>
    %slice3A_1183 = vector.extract_strided_slice %select_n3A_1166 {offsets = [0, 992], sizes = [24, 32], strides = [1, 1]} : vector<24x1024xi32> to vector<24x32xi32>
    %slice3A_1184 = vector.extract_strided_slice %select_n3A_1166 {offsets = [0, 0], sizes = [24, 992], strides = [1, 1]} : vector<24x1024xi32> to vector<24x992xi32>
    %concatenate3A_1185 = tpu.concatenate %slice3A_1183, %slice3A_1184 in 1 : vector<24x32xi32>, vector<24x992xi32> -> vector<24x1024xi32>
    %select_n3A_1186 = arith.select %eq3A_1172, %concatenate3A_1182, %concatenate3A_1185 : vector<24x1024xi1>, vector<24x1024xi32>
    %gt3A_1187 = arith.cmpi sgt, %select_n3A_1179, %select_n3A_1165 : vector<24x1024xi32>
    %eq3A_1188 = arith.cmpi eq, %select_n3A_1179, %select_n3A_1165 : vector<24x1024xi32>
    %lt3A_1189 = arith.cmpi slt, %select_n3A_1186, %select_n3A_1166 : vector<24x1024xi32>
    %and3A_1190 = arith.andi %eq3A_1188, %lt3A_1189 : vector<24x1024xi1>
    %or3A_1191 = arith.ori %gt3A_1187, %and3A_1190 : vector<24x1024xi1>
    %and3A_1192 = arith.constant 256 : i32
    %and3A_1193 = vector.broadcast %and3A_1192 : i32 to vector<24x1024xi32>
    %and3A_1194 = arith.andi %iota3A, %and3A_1193 : vector<24x1024xi32>
    %eq3A_1195 = arith.constant 0 : i32
    %eq3A_1196 = vector.broadcast %eq3A_1195 : i32 to vector<24x1024xi32>
    %eq3A_1197 = arith.cmpi eq, %and3A_1194, %eq3A_1196 : vector<24x1024xi32>
    %eq3A_1198 = arith.xori %eq3A_1197, %eq3A_1172 : vector<24x1024xi1>
    %eq3A_1199 = arith.constant dense<true> : vector<24x1024xi1>
    %eq3A_1200 = arith.xori %eq3A_1198, %eq3A_1199 : vector<24x1024xi1>
    %eq3A_1201 = arith.xori %eq3A_1200, %or3A_1191 : vector<24x1024xi1>
    %eq3A_1202 = arith.constant dense<true> : vector<24x1024xi1>
    %eq3A_1203 = arith.xori %eq3A_1201, %eq3A_1202 : vector<24x1024xi1>
    %select_n3A_1204 = arith.select %eq3A_1203, %select_n3A_1179, %select_n3A_1165 : vector<24x1024xi1>, vector<24x1024xi32>
    %select_n3A_1205 = arith.select %eq3A_1203, %select_n3A_1186, %select_n3A_1166 : vector<24x1024xi1>, vector<24x1024xi32>
    %and3A_1206 = arith.constant 16 : i32
    %and3A_1207 = vector.broadcast %and3A_1206 : i32 to vector<24x1024xi32>
    %and3A_1208 = arith.andi %iota3A, %and3A_1207 : vector<24x1024xi32>
    %eq3A_1209 = arith.constant 0 : i32
    %eq3A_1210 = vector.broadcast %eq3A_1209 : i32 to vector<24x1024xi32>
    %eq3A_1211 = arith.cmpi eq, %and3A_1208, %eq3A_1210 : vector<24x1024xi32>
    %slice3A_1212 = vector.extract_strided_slice %select_n3A_1204 {offsets = [0, 16], sizes = [24, 1008], strides = [1, 1]} : vector<24x1024xi32> to vector<24x1008xi32>
    %slice3A_1213 = vector.extract_strided_slice %select_n3A_1204 {offsets = [0, 0], sizes = [24, 16], strides = [1, 1]} : vector<24x1024xi32> to vector<24x16xi32>
    %concatenate3A_1214 = tpu.concatenate %slice3A_1212, %slice3A_1213 in 1 : vector<24x1008xi32>, vector<24x16xi32> -> vector<24x1024xi32>
    %slice3A_1215 = vector.extract_strided_slice %select_n3A_1204 {offsets = [0, 1008], sizes = [24, 16], strides = [1, 1]} : vector<24x1024xi32> to vector<24x16xi32>
    %slice3A_1216 = vector.extract_strided_slice %select_n3A_1204 {offsets = [0, 0], sizes = [24, 1008], strides = [1, 1]} : vector<24x1024xi32> to vector<24x1008xi32>
    %concatenate3A_1217 = tpu.concatenate %slice3A_1215, %slice3A_1216 in 1 : vector<24x16xi32>, vector<24x1008xi32> -> vector<24x1024xi32>
    %select_n3A_1218 = arith.select %eq3A_1211, %concatenate3A_1214, %concatenate3A_1217 : vector<24x1024xi1>, vector<24x1024xi32>
    %slice3A_1219 = vector.extract_strided_slice %select_n3A_1205 {offsets = [0, 16], sizes = [24, 1008], strides = [1, 1]} : vector<24x1024xi32> to vector<24x1008xi32>
    %slice3A_1220 = vector.extract_strided_slice %select_n3A_1205 {offsets = [0, 0], sizes = [24, 16], strides = [1, 1]} : vector<24x1024xi32> to vector<24x16xi32>
    %concatenate3A_1221 = tpu.concatenate %slice3A_1219, %slice3A_1220 in 1 : vector<24x1008xi32>, vector<24x16xi32> -> vector<24x1024xi32>
    %slice3A_1222 = vector.extract_strided_slice %select_n3A_1205 {offsets = [0, 1008], sizes = [24, 16], strides = [1, 1]} : vector<24x1024xi32> to vector<24x16xi32>
    %slice3A_1223 = vector.extract_strided_slice %select_n3A_1205 {offsets = [0, 0], sizes = [24, 1008], strides = [1, 1]} : vector<24x1024xi32> to vector<24x1008xi32>
    %concatenate3A_1224 = tpu.concatenate %slice3A_1222, %slice3A_1223 in 1 : vector<24x16xi32>, vector<24x1008xi32> -> vector<24x1024xi32>
    %select_n3A_1225 = arith.select %eq3A_1211, %concatenate3A_1221, %concatenate3A_1224 : vector<24x1024xi1>, vector<24x1024xi32>
    %gt3A_1226 = arith.cmpi sgt, %select_n3A_1218, %select_n3A_1204 : vector<24x1024xi32>
    %eq3A_1227 = arith.cmpi eq, %select_n3A_1218, %select_n3A_1204 : vector<24x1024xi32>
    %lt3A_1228 = arith.cmpi slt, %select_n3A_1225, %select_n3A_1205 : vector<24x1024xi32>
    %and3A_1229 = arith.andi %eq3A_1227, %lt3A_1228 : vector<24x1024xi1>
    %or3A_1230 = arith.ori %gt3A_1226, %and3A_1229 : vector<24x1024xi1>
    %and3A_1231 = arith.constant 256 : i32
    %and3A_1232 = vector.broadcast %and3A_1231 : i32 to vector<24x1024xi32>
    %and3A_1233 = arith.andi %iota3A, %and3A_1232 : vector<24x1024xi32>
    %eq3A_1234 = arith.constant 0 : i32
    %eq3A_1235 = vector.broadcast %eq3A_1234 : i32 to vector<24x1024xi32>
    %eq3A_1236 = arith.cmpi eq, %and3A_1233, %eq3A_1235 : vector<24x1024xi32>
    %eq3A_1237 = arith.xori %eq3A_1236, %eq3A_1211 : vector<24x1024xi1>
    %eq3A_1238 = arith.constant dense<true> : vector<24x1024xi1>
    %eq3A_1239 = arith.xori %eq3A_1237, %eq3A_1238 : vector<24x1024xi1>
    %eq3A_1240 = arith.xori %eq3A_1239, %or3A_1230 : vector<24x1024xi1>
    %eq3A_1241 = arith.constant dense<true> : vector<24x1024xi1>
    %eq3A_1242 = arith.xori %eq3A_1240, %eq3A_1241 : vector<24x1024xi1>
    %select_n3A_1243 = arith.select %eq3A_1242, %select_n3A_1218, %select_n3A_1204 : vector<24x1024xi1>, vector<24x1024xi32>
    %select_n3A_1244 = arith.select %eq3A_1242, %select_n3A_1225, %select_n3A_1205 : vector<24x1024xi1>, vector<24x1024xi32>
    %and3A_1245 = arith.constant 8 : i32
    %and3A_1246 = vector.broadcast %and3A_1245 : i32 to vector<24x1024xi32>
    %and3A_1247 = arith.andi %iota3A, %and3A_1246 : vector<24x1024xi32>
    %eq3A_1248 = arith.constant 0 : i32
    %eq3A_1249 = vector.broadcast %eq3A_1248 : i32 to vector<24x1024xi32>
    %eq3A_1250 = arith.cmpi eq, %and3A_1247, %eq3A_1249 : vector<24x1024xi32>
    %slice3A_1251 = vector.extract_strided_slice %select_n3A_1243 {offsets = [0, 8], sizes = [24, 1016], strides = [1, 1]} : vector<24x1024xi32> to vector<24x1016xi32>
    %slice3A_1252 = vector.extract_strided_slice %select_n3A_1243 {offsets = [0, 0], sizes = [24, 8], strides = [1, 1]} : vector<24x1024xi32> to vector<24x8xi32>
    %concatenate3A_1253 = tpu.concatenate %slice3A_1251, %slice3A_1252 in 1 : vector<24x1016xi32>, vector<24x8xi32> -> vector<24x1024xi32>
    %slice3A_1254 = vector.extract_strided_slice %select_n3A_1243 {offsets = [0, 1016], sizes = [24, 8], strides = [1, 1]} : vector<24x1024xi32> to vector<24x8xi32>
    %slice3A_1255 = vector.extract_strided_slice %select_n3A_1243 {offsets = [0, 0], sizes = [24, 1016], strides = [1, 1]} : vector<24x1024xi32> to vector<24x1016xi32>
    %concatenate3A_1256 = tpu.concatenate %slice3A_1254, %slice3A_1255 in 1 : vector<24x8xi32>, vector<24x1016xi32> -> vector<24x1024xi32>
    %select_n3A_1257 = arith.select %eq3A_1250, %concatenate3A_1253, %concatenate3A_1256 : vector<24x1024xi1>, vector<24x1024xi32>
    %slice3A_1258 = vector.extract_strided_slice %select_n3A_1244 {offsets = [0, 8], sizes = [24, 1016], strides = [1, 1]} : vector<24x1024xi32> to vector<24x1016xi32>
    %slice3A_1259 = vector.extract_strided_slice %select_n3A_1244 {offsets = [0, 0], sizes = [24, 8], strides = [1, 1]} : vector<24x1024xi32> to vector<24x8xi32>
    %concatenate3A_1260 = tpu.concatenate %slice3A_1258, %slice3A_1259 in 1 : vector<24x1016xi32>, vector<24x8xi32> -> vector<24x1024xi32>
    %slice3A_1261 = vector.extract_strided_slice %select_n3A_1244 {offsets = [0, 1016], sizes = [24, 8], strides = [1, 1]} : vector<24x1024xi32> to vector<24x8xi32>
    %slice3A_1262 = vector.extract_strided_slice %select_n3A_1244 {offsets = [0, 0], sizes = [24, 1016], strides = [1, 1]} : vector<24x1024xi32> to vector<24x1016xi32>
    %concatenate3A_1263 = tpu.concatenate %slice3A_1261, %slice3A_1262 in 1 : vector<24x8xi32>, vector<24x1016xi32> -> vector<24x1024xi32>
    %select_n3A_1264 = arith.select %eq3A_1250, %concatenate3A_1260, %concatenate3A_1263 : vector<24x1024xi1>, vector<24x1024xi32>
    %gt3A_1265 = arith.cmpi sgt, %select_n3A_1257, %select_n3A_1243 : vector<24x1024xi32>
    %eq3A_1266 = arith.cmpi eq, %select_n3A_1257, %select_n3A_1243 : vector<24x1024xi32>
    %lt3A_1267 = arith.cmpi slt, %select_n3A_1264, %select_n3A_1244 : vector<24x1024xi32>
    %and3A_1268 = arith.andi %eq3A_1266, %lt3A_1267 : vector<24x1024xi1>
    %or3A_1269 = arith.ori %gt3A_1265, %and3A_1268 : vector<24x1024xi1>
    %and3A_1270 = arith.constant 256 : i32
    %and3A_1271 = vector.broadcast %and3A_1270 : i32 to vector<24x1024xi32>
    %and3A_1272 = arith.andi %iota3A, %and3A_1271 : vector<24x1024xi32>
    %eq3A_1273 = arith.constant 0 : i32
    %eq3A_1274 = vector.broadcast %eq3A_1273 : i32 to vector<24x1024xi32>
    %eq3A_1275 = arith.cmpi eq, %and3A_1272, %eq3A_1274 : vector<24x1024xi32>
    %eq3A_1276 = arith.xori %eq3A_1275, %eq3A_1250 : vector<24x1024xi1>
    %eq3A_1277 = arith.constant dense<true> : vector<24x1024xi1>
    %eq3A_1278 = arith.xori %eq3A_1276, %eq3A_1277 : vector<24x1024xi1>
    %eq3A_1279 = arith.xori %eq3A_1278, %or3A_1269 : vector<24x1024xi1>
    %eq3A_1280 = arith.constant dense<true> : vector<24x1024xi1>
    %eq3A_1281 = arith.xori %eq3A_1279, %eq3A_1280 : vector<24x1024xi1>
    %select_n3A_1282 = arith.select %eq3A_1281, %select_n3A_1257, %select_n3A_1243 : vector<24x1024xi1>, vector<24x1024xi32>
    %select_n3A_1283 = arith.select %eq3A_1281, %select_n3A_1264, %select_n3A_1244 : vector<24x1024xi1>, vector<24x1024xi32>
    %and3A_1284 = arith.constant 4 : i32
    %and3A_1285 = vector.broadcast %and3A_1284 : i32 to vector<24x1024xi32>
    %and3A_1286 = arith.andi %iota3A, %and3A_1285 : vector<24x1024xi32>
    %eq3A_1287 = arith.constant 0 : i32
    %eq3A_1288 = vector.broadcast %eq3A_1287 : i32 to vector<24x1024xi32>
    %eq3A_1289 = arith.cmpi eq, %and3A_1286, %eq3A_1288 : vector<24x1024xi32>
    %slice3A_1290 = vector.extract_strided_slice %select_n3A_1282 {offsets = [0, 4], sizes = [24, 1020], strides = [1, 1]} : vector<24x1024xi32> to vector<24x1020xi32>
    %slice3A_1291 = vector.extract_strided_slice %select_n3A_1282 {offsets = [0, 0], sizes = [24, 4], strides = [1, 1]} : vector<24x1024xi32> to vector<24x4xi32>
    %concatenate3A_1292 = tpu.concatenate %slice3A_1290, %slice3A_1291 in 1 : vector<24x1020xi32>, vector<24x4xi32> -> vector<24x1024xi32>
    %slice3A_1293 = vector.extract_strided_slice %select_n3A_1282 {offsets = [0, 1020], sizes = [24, 4], strides = [1, 1]} : vector<24x1024xi32> to vector<24x4xi32>
    %slice3A_1294 = vector.extract_strided_slice %select_n3A_1282 {offsets = [0, 0], sizes = [24, 1020], strides = [1, 1]} : vector<24x1024xi32> to vector<24x1020xi32>
    %concatenate3A_1295 = tpu.concatenate %slice3A_1293, %slice3A_1294 in 1 : vector<24x4xi32>, vector<24x1020xi32> -> vector<24x1024xi32>
    %select_n3A_1296 = arith.select %eq3A_1289, %concatenate3A_1292, %concatenate3A_1295 : vector<24x1024xi1>, vector<24x1024xi32>
    %slice3A_1297 = vector.extract_strided_slice %select_n3A_1283 {offsets = [0, 4], sizes = [24, 1020], strides = [1, 1]} : vector<24x1024xi32> to vector<24x1020xi32>
    %slice3A_1298 = vector.extract_strided_slice %select_n3A_1283 {offsets = [0, 0], sizes = [24, 4], strides = [1, 1]} : vector<24x1024xi32> to vector<24x4xi32>
    %concatenate3A_1299 = tpu.concatenate %slice3A_1297, %slice3A_1298 in 1 : vector<24x1020xi32>, vector<24x4xi32> -> vector<24x1024xi32>
    %slice3A_1300 = vector.extract_strided_slice %select_n3A_1283 {offsets = [0, 1020], sizes = [24, 4], strides = [1, 1]} : vector<24x1024xi32> to vector<24x4xi32>
    %slice3A_1301 = vector.extract_strided_slice %select_n3A_1283 {offsets = [0, 0], sizes = [24, 1020], strides = [1, 1]} : vector<24x1024xi32> to vector<24x1020xi32>
    %concatenate3A_1302 = tpu.concatenate %slice3A_1300, %slice3A_1301 in 1 : vector<24x4xi32>, vector<24x1020xi32> -> vector<24x1024xi32>
    %select_n3A_1303 = arith.select %eq3A_1289, %concatenate3A_1299, %concatenate3A_1302 : vector<24x1024xi1>, vector<24x1024xi32>
    %gt3A_1304 = arith.cmpi sgt, %select_n3A_1296, %select_n3A_1282 : vector<24x1024xi32>
    %eq3A_1305 = arith.cmpi eq, %select_n3A_1296, %select_n3A_1282 : vector<24x1024xi32>
    %lt3A_1306 = arith.cmpi slt, %select_n3A_1303, %select_n3A_1283 : vector<24x1024xi32>
    %and3A_1307 = arith.andi %eq3A_1305, %lt3A_1306 : vector<24x1024xi1>
    %or3A_1308 = arith.ori %gt3A_1304, %and3A_1307 : vector<24x1024xi1>
    %and3A_1309 = arith.constant 256 : i32
    %and3A_1310 = vector.broadcast %and3A_1309 : i32 to vector<24x1024xi32>
    %and3A_1311 = arith.andi %iota3A, %and3A_1310 : vector<24x1024xi32>
    %eq3A_1312 = arith.constant 0 : i32
    %eq3A_1313 = vector.broadcast %eq3A_1312 : i32 to vector<24x1024xi32>
    %eq3A_1314 = arith.cmpi eq, %and3A_1311, %eq3A_1313 : vector<24x1024xi32>
    %eq3A_1315 = arith.xori %eq3A_1314, %eq3A_1289 : vector<24x1024xi1>
    %eq3A_1316 = arith.constant dense<true> : vector<24x1024xi1>
    %eq3A_1317 = arith.xori %eq3A_1315, %eq3A_1316 : vector<24x1024xi1>
    %eq3A_1318 = arith.xori %eq3A_1317, %or3A_1308 : vector<24x1024xi1>
    %eq3A_1319 = arith.constant dense<true> : vector<24x1024xi1>
    %eq3A_1320 = arith.xori %eq3A_1318, %eq3A_1319 : vector<24x1024xi1>
    %select_n3A_1321 = arith.select %eq3A_1320, %select_n3A_1296, %select_n3A_1282 : vector<24x1024xi1>, vector<24x1024xi32>
    %select_n3A_1322 = arith.select %eq3A_1320, %select_n3A_1303, %select_n3A_1283 : vector<24x1024xi1>, vector<24x1024xi32>
    %and3A_1323 = arith.constant 2 : i32
    %and3A_1324 = vector.broadcast %and3A_1323 : i32 to vector<24x1024xi32>
    %and3A_1325 = arith.andi %iota3A, %and3A_1324 : vector<24x1024xi32>
    %eq3A_1326 = arith.constant 0 : i32
    %eq3A_1327 = vector.broadcast %eq3A_1326 : i32 to vector<24x1024xi32>
    %eq3A_1328 = arith.cmpi eq, %and3A_1325, %eq3A_1327 : vector<24x1024xi32>
    %slice3A_1329 = vector.extract_strided_slice %select_n3A_1321 {offsets = [0, 2], sizes = [24, 1022], strides = [1, 1]} : vector<24x1024xi32> to vector<24x1022xi32>
    %slice3A_1330 = vector.extract_strided_slice %select_n3A_1321 {offsets = [0, 0], sizes = [24, 2], strides = [1, 1]} : vector<24x1024xi32> to vector<24x2xi32>
    %concatenate3A_1331 = tpu.concatenate %slice3A_1329, %slice3A_1330 in 1 : vector<24x1022xi32>, vector<24x2xi32> -> vector<24x1024xi32>
    %slice3A_1332 = vector.extract_strided_slice %select_n3A_1321 {offsets = [0, 1022], sizes = [24, 2], strides = [1, 1]} : vector<24x1024xi32> to vector<24x2xi32>
    %slice3A_1333 = vector.extract_strided_slice %select_n3A_1321 {offsets = [0, 0], sizes = [24, 1022], strides = [1, 1]} : vector<24x1024xi32> to vector<24x1022xi32>
    %concatenate3A_1334 = tpu.concatenate %slice3A_1332, %slice3A_1333 in 1 : vector<24x2xi32>, vector<24x1022xi32> -> vector<24x1024xi32>
    %select_n3A_1335 = arith.select %eq3A_1328, %concatenate3A_1331, %concatenate3A_1334 : vector<24x1024xi1>, vector<24x1024xi32>
    %slice3A_1336 = vector.extract_strided_slice %select_n3A_1322 {offsets = [0, 2], sizes = [24, 1022], strides = [1, 1]} : vector<24x1024xi32> to vector<24x1022xi32>
    %slice3A_1337 = vector.extract_strided_slice %select_n3A_1322 {offsets = [0, 0], sizes = [24, 2], strides = [1, 1]} : vector<24x1024xi32> to vector<24x2xi32>
    %concatenate3A_1338 = tpu.concatenate %slice3A_1336, %slice3A_1337 in 1 : vector<24x1022xi32>, vector<24x2xi32> -> vector<24x1024xi32>
    %slice3A_1339 = vector.extract_strided_slice %select_n3A_1322 {offsets = [0, 1022], sizes = [24, 2], strides = [1, 1]} : vector<24x1024xi32> to vector<24x2xi32>
    %slice3A_1340 = vector.extract_strided_slice %select_n3A_1322 {offsets = [0, 0], sizes = [24, 1022], strides = [1, 1]} : vector<24x1024xi32> to vector<24x1022xi32>
    %concatenate3A_1341 = tpu.concatenate %slice3A_1339, %slice3A_1340 in 1 : vector<24x2xi32>, vector<24x1022xi32> -> vector<24x1024xi32>
    %select_n3A_1342 = arith.select %eq3A_1328, %concatenate3A_1338, %concatenate3A_1341 : vector<24x1024xi1>, vector<24x1024xi32>
    %gt3A_1343 = arith.cmpi sgt, %select_n3A_1335, %select_n3A_1321 : vector<24x1024xi32>
    %eq3A_1344 = arith.cmpi eq, %select_n3A_1335, %select_n3A_1321 : vector<24x1024xi32>
    %lt3A_1345 = arith.cmpi slt, %select_n3A_1342, %select_n3A_1322 : vector<24x1024xi32>
    %and3A_1346 = arith.andi %eq3A_1344, %lt3A_1345 : vector<24x1024xi1>
    %or3A_1347 = arith.ori %gt3A_1343, %and3A_1346 : vector<24x1024xi1>
    %and3A_1348 = arith.constant 256 : i32
    %and3A_1349 = vector.broadcast %and3A_1348 : i32 to vector<24x1024xi32>
    %and3A_1350 = arith.andi %iota3A, %and3A_1349 : vector<24x1024xi32>
    %eq3A_1351 = arith.constant 0 : i32
    %eq3A_1352 = vector.broadcast %eq3A_1351 : i32 to vector<24x1024xi32>
    %eq3A_1353 = arith.cmpi eq, %and3A_1350, %eq3A_1352 : vector<24x1024xi32>
    %eq3A_1354 = arith.xori %eq3A_1353, %eq3A_1328 : vector<24x1024xi1>
    %eq3A_1355 = arith.constant dense<true> : vector<24x1024xi1>
    %eq3A_1356 = arith.xori %eq3A_1354, %eq3A_1355 : vector<24x1024xi1>
    %eq3A_1357 = arith.xori %eq3A_1356, %or3A_1347 : vector<24x1024xi1>
    %eq3A_1358 = arith.constant dense<true> : vector<24x1024xi1>
    %eq3A_1359 = arith.xori %eq3A_1357, %eq3A_1358 : vector<24x1024xi1>
    %select_n3A_1360 = arith.select %eq3A_1359, %select_n3A_1335, %select_n3A_1321 : vector<24x1024xi1>, vector<24x1024xi32>
    %select_n3A_1361 = arith.select %eq3A_1359, %select_n3A_1342, %select_n3A_1322 : vector<24x1024xi1>, vector<24x1024xi32>
    %and3A_1362 = arith.constant 1 : i32
    %and3A_1363 = vector.broadcast %and3A_1362 : i32 to vector<24x1024xi32>
    %and3A_1364 = arith.andi %iota3A, %and3A_1363 : vector<24x1024xi32>
    %eq3A_1365 = arith.constant 0 : i32
    %eq3A_1366 = vector.broadcast %eq3A_1365 : i32 to vector<24x1024xi32>
    %eq3A_1367 = arith.cmpi eq, %and3A_1364, %eq3A_1366 : vector<24x1024xi32>
    %slice3A_1368 = vector.extract_strided_slice %select_n3A_1360 {offsets = [0, 1], sizes = [24, 1023], strides = [1, 1]} : vector<24x1024xi32> to vector<24x1023xi32>
    %slice3A_1369 = vector.extract_strided_slice %select_n3A_1360 {offsets = [0, 0], sizes = [24, 1], strides = [1, 1]} : vector<24x1024xi32> to vector<24x1xi32>
    %concatenate3A_1370 = tpu.concatenate %slice3A_1368, %slice3A_1369 in 1 : vector<24x1023xi32>, vector<24x1xi32> -> vector<24x1024xi32>
    %slice3A_1371 = vector.extract_strided_slice %select_n3A_1360 {offsets = [0, 1023], sizes = [24, 1], strides = [1, 1]} : vector<24x1024xi32> to vector<24x1xi32>
    %slice3A_1372 = vector.extract_strided_slice %select_n3A_1360 {offsets = [0, 0], sizes = [24, 1023], strides = [1, 1]} : vector<24x1024xi32> to vector<24x1023xi32>
    %concatenate3A_1373 = tpu.concatenate %slice3A_1371, %slice3A_1372 in 1 : vector<24x1xi32>, vector<24x1023xi32> -> vector<24x1024xi32>
    %select_n3A_1374 = arith.select %eq3A_1367, %concatenate3A_1370, %concatenate3A_1373 : vector<24x1024xi1>, vector<24x1024xi32>
    %slice3A_1375 = vector.extract_strided_slice %select_n3A_1361 {offsets = [0, 1], sizes = [24, 1023], strides = [1, 1]} : vector<24x1024xi32> to vector<24x1023xi32>
    %slice3A_1376 = vector.extract_strided_slice %select_n3A_1361 {offsets = [0, 0], sizes = [24, 1], strides = [1, 1]} : vector<24x1024xi32> to vector<24x1xi32>
    %concatenate3A_1377 = tpu.concatenate %slice3A_1375, %slice3A_1376 in 1 : vector<24x1023xi32>, vector<24x1xi32> -> vector<24x1024xi32>
    %slice3A_1378 = vector.extract_strided_slice %select_n3A_1361 {offsets = [0, 1023], sizes = [24, 1], strides = [1, 1]} : vector<24x1024xi32> to vector<24x1xi32>
    %slice3A_1379 = vector.extract_strided_slice %select_n3A_1361 {offsets = [0, 0], sizes = [24, 1023], strides = [1, 1]} : vector<24x1024xi32> to vector<24x1023xi32>
    %concatenate3A_1380 = tpu.concatenate %slice3A_1378, %slice3A_1379 in 1 : vector<24x1xi32>, vector<24x1023xi32> -> vector<24x1024xi32>
    %select_n3A_1381 = arith.select %eq3A_1367, %concatenate3A_1377, %concatenate3A_1380 : vector<24x1024xi1>, vector<24x1024xi32>
    %gt3A_1382 = arith.cmpi sgt, %select_n3A_1374, %select_n3A_1360 : vector<24x1024xi32>
    %eq3A_1383 = arith.cmpi eq, %select_n3A_1374, %select_n3A_1360 : vector<24x1024xi32>
    %lt3A_1384 = arith.cmpi slt, %select_n3A_1381, %select_n3A_1361 : vector<24x1024xi32>
    %and3A_1385 = arith.andi %eq3A_1383, %lt3A_1384 : vector<24x1024xi1>
    %or3A_1386 = arith.ori %gt3A_1382, %and3A_1385 : vector<24x1024xi1>
    %and3A_1387 = arith.constant 256 : i32
    %and3A_1388 = vector.broadcast %and3A_1387 : i32 to vector<24x1024xi32>
    %and3A_1389 = arith.andi %iota3A, %and3A_1388 : vector<24x1024xi32>
    %eq3A_1390 = arith.constant 0 : i32
    %eq3A_1391 = vector.broadcast %eq3A_1390 : i32 to vector<24x1024xi32>
    %eq3A_1392 = arith.cmpi eq, %and3A_1389, %eq3A_1391 : vector<24x1024xi32>
    %eq3A_1393 = arith.xori %eq3A_1392, %eq3A_1367 : vector<24x1024xi1>
    %eq3A_1394 = arith.constant dense<true> : vector<24x1024xi1>
    %eq3A_1395 = arith.xori %eq3A_1393, %eq3A_1394 : vector<24x1024xi1>
    %eq3A_1396 = arith.xori %eq3A_1395, %or3A_1386 : vector<24x1024xi1>
    %eq3A_1397 = arith.constant dense<true> : vector<24x1024xi1>
    %eq3A_1398 = arith.xori %eq3A_1396, %eq3A_1397 : vector<24x1024xi1>
    %select_n3A_1399 = arith.select %eq3A_1398, %select_n3A_1374, %select_n3A_1360 : vector<24x1024xi1>, vector<24x1024xi32>
    %select_n3A_1400 = arith.select %eq3A_1398, %select_n3A_1381, %select_n3A_1361 : vector<24x1024xi1>, vector<24x1024xi32>
    %and3A_1401 = arith.constant 256 : i32
    %and3A_1402 = vector.broadcast %and3A_1401 : i32 to vector<24x1024xi32>
    %and3A_1403 = arith.andi %iota3A, %and3A_1402 : vector<24x1024xi32>
    %eq3A_1404 = arith.constant 0 : i32
    %eq3A_1405 = vector.broadcast %eq3A_1404 : i32 to vector<24x1024xi32>
    %eq3A_1406 = arith.cmpi eq, %and3A_1403, %eq3A_1405 : vector<24x1024xi32>
    %slice3A_1407 = vector.extract_strided_slice %select_n3A_1399 {offsets = [0, 256], sizes = [24, 768], strides = [1, 1]} : vector<24x1024xi32> to vector<24x768xi32>
    %slice3A_1408 = vector.extract_strided_slice %select_n3A_1399 {offsets = [0, 0], sizes = [24, 256], strides = [1, 1]} : vector<24x1024xi32> to vector<24x256xi32>
    %concatenate3A_1409 = tpu.concatenate %slice3A_1407, %slice3A_1408 in 1 : vector<24x768xi32>, vector<24x256xi32> -> vector<24x1024xi32>
    %slice3A_1410 = vector.extract_strided_slice %select_n3A_1399 {offsets = [0, 768], sizes = [24, 256], strides = [1, 1]} : vector<24x1024xi32> to vector<24x256xi32>
    %slice3A_1411 = vector.extract_strided_slice %select_n3A_1399 {offsets = [0, 0], sizes = [24, 768], strides = [1, 1]} : vector<24x1024xi32> to vector<24x768xi32>
    %concatenate3A_1412 = tpu.concatenate %slice3A_1410, %slice3A_1411 in 1 : vector<24x256xi32>, vector<24x768xi32> -> vector<24x1024xi32>
    %select_n3A_1413 = arith.select %eq3A_1406, %concatenate3A_1409, %concatenate3A_1412 : vector<24x1024xi1>, vector<24x1024xi32>
    %slice3A_1414 = vector.extract_strided_slice %select_n3A_1400 {offsets = [0, 256], sizes = [24, 768], strides = [1, 1]} : vector<24x1024xi32> to vector<24x768xi32>
    %slice3A_1415 = vector.extract_strided_slice %select_n3A_1400 {offsets = [0, 0], sizes = [24, 256], strides = [1, 1]} : vector<24x1024xi32> to vector<24x256xi32>
    %concatenate3A_1416 = tpu.concatenate %slice3A_1414, %slice3A_1415 in 1 : vector<24x768xi32>, vector<24x256xi32> -> vector<24x1024xi32>
    %slice3A_1417 = vector.extract_strided_slice %select_n3A_1400 {offsets = [0, 768], sizes = [24, 256], strides = [1, 1]} : vector<24x1024xi32> to vector<24x256xi32>
    %slice3A_1418 = vector.extract_strided_slice %select_n3A_1400 {offsets = [0, 0], sizes = [24, 768], strides = [1, 1]} : vector<24x1024xi32> to vector<24x768xi32>
    %concatenate3A_1419 = tpu.concatenate %slice3A_1417, %slice3A_1418 in 1 : vector<24x256xi32>, vector<24x768xi32> -> vector<24x1024xi32>
    %select_n3A_1420 = arith.select %eq3A_1406, %concatenate3A_1416, %concatenate3A_1419 : vector<24x1024xi1>, vector<24x1024xi32>
    %gt3A_1421 = arith.cmpi sgt, %select_n3A_1413, %select_n3A_1399 : vector<24x1024xi32>
    %eq3A_1422 = arith.cmpi eq, %select_n3A_1413, %select_n3A_1399 : vector<24x1024xi32>
    %lt3A_1423 = arith.cmpi slt, %select_n3A_1420, %select_n3A_1400 : vector<24x1024xi32>
    %and3A_1424 = arith.andi %eq3A_1422, %lt3A_1423 : vector<24x1024xi1>
    %or3A_1425 = arith.ori %gt3A_1421, %and3A_1424 : vector<24x1024xi1>
    %and3A_1426 = arith.constant 512 : i32
    %and3A_1427 = vector.broadcast %and3A_1426 : i32 to vector<24x1024xi32>
    %and3A_1428 = arith.andi %iota3A, %and3A_1427 : vector<24x1024xi32>
    %eq3A_1429 = arith.constant 0 : i32
    %eq3A_1430 = vector.broadcast %eq3A_1429 : i32 to vector<24x1024xi32>
    %eq3A_1431 = arith.cmpi eq, %and3A_1428, %eq3A_1430 : vector<24x1024xi32>
    %eq3A_1432 = arith.xori %eq3A_1431, %eq3A_1406 : vector<24x1024xi1>
    %eq3A_1433 = arith.constant dense<true> : vector<24x1024xi1>
    %eq3A_1434 = arith.xori %eq3A_1432, %eq3A_1433 : vector<24x1024xi1>
    %eq3A_1435 = arith.xori %eq3A_1434, %or3A_1425 : vector<24x1024xi1>
    %eq3A_1436 = arith.constant dense<true> : vector<24x1024xi1>
    %eq3A_1437 = arith.xori %eq3A_1435, %eq3A_1436 : vector<24x1024xi1>
    %select_n3A_1438 = arith.select %eq3A_1437, %select_n3A_1413, %select_n3A_1399 : vector<24x1024xi1>, vector<24x1024xi32>
    %select_n3A_1439 = arith.select %eq3A_1437, %select_n3A_1420, %select_n3A_1400 : vector<24x1024xi1>, vector<24x1024xi32>
    %and3A_1440 = arith.constant 128 : i32
    %and3A_1441 = vector.broadcast %and3A_1440 : i32 to vector<24x1024xi32>
    %and3A_1442 = arith.andi %iota3A, %and3A_1441 : vector<24x1024xi32>
    %eq3A_1443 = arith.constant 0 : i32
    %eq3A_1444 = vector.broadcast %eq3A_1443 : i32 to vector<24x1024xi32>
    %eq3A_1445 = arith.cmpi eq, %and3A_1442, %eq3A_1444 : vector<24x1024xi32>
    %slice3A_1446 = vector.extract_strided_slice %select_n3A_1438 {offsets = [0, 128], sizes = [24, 896], strides = [1, 1]} : vector<24x1024xi32> to vector<24x896xi32>
    %slice3A_1447 = vector.extract_strided_slice %select_n3A_1438 {offsets = [0, 0], sizes = [24, 128], strides = [1, 1]} : vector<24x1024xi32> to vector<24x128xi32>
    %concatenate3A_1448 = tpu.concatenate %slice3A_1446, %slice3A_1447 in 1 : vector<24x896xi32>, vector<24x128xi32> -> vector<24x1024xi32>
    %slice3A_1449 = vector.extract_strided_slice %select_n3A_1438 {offsets = [0, 896], sizes = [24, 128], strides = [1, 1]} : vector<24x1024xi32> to vector<24x128xi32>
    %slice3A_1450 = vector.extract_strided_slice %select_n3A_1438 {offsets = [0, 0], sizes = [24, 896], strides = [1, 1]} : vector<24x1024xi32> to vector<24x896xi32>
    %concatenate3A_1451 = tpu.concatenate %slice3A_1449, %slice3A_1450 in 1 : vector<24x128xi32>, vector<24x896xi32> -> vector<24x1024xi32>
    %select_n3A_1452 = arith.select %eq3A_1445, %concatenate3A_1448, %concatenate3A_1451 : vector<24x1024xi1>, vector<24x1024xi32>
    %slice3A_1453 = vector.extract_strided_slice %select_n3A_1439 {offsets = [0, 128], sizes = [24, 896], strides = [1, 1]} : vector<24x1024xi32> to vector<24x896xi32>
    %slice3A_1454 = vector.extract_strided_slice %select_n3A_1439 {offsets = [0, 0], sizes = [24, 128], strides = [1, 1]} : vector<24x1024xi32> to vector<24x128xi32>
    %concatenate3A_1455 = tpu.concatenate %slice3A_1453, %slice3A_1454 in 1 : vector<24x896xi32>, vector<24x128xi32> -> vector<24x1024xi32>
    %slice3A_1456 = vector.extract_strided_slice %select_n3A_1439 {offsets = [0, 896], sizes = [24, 128], strides = [1, 1]} : vector<24x1024xi32> to vector<24x128xi32>
    %slice3A_1457 = vector.extract_strided_slice %select_n3A_1439 {offsets = [0, 0], sizes = [24, 896], strides = [1, 1]} : vector<24x1024xi32> to vector<24x896xi32>
    %concatenate3A_1458 = tpu.concatenate %slice3A_1456, %slice3A_1457 in 1 : vector<24x128xi32>, vector<24x896xi32> -> vector<24x1024xi32>
    %select_n3A_1459 = arith.select %eq3A_1445, %concatenate3A_1455, %concatenate3A_1458 : vector<24x1024xi1>, vector<24x1024xi32>
    %gt3A_1460 = arith.cmpi sgt, %select_n3A_1452, %select_n3A_1438 : vector<24x1024xi32>
    %eq3A_1461 = arith.cmpi eq, %select_n3A_1452, %select_n3A_1438 : vector<24x1024xi32>
    %lt3A_1462 = arith.cmpi slt, %select_n3A_1459, %select_n3A_1439 : vector<24x1024xi32>
    %and3A_1463 = arith.andi %eq3A_1461, %lt3A_1462 : vector<24x1024xi1>
    %or3A_1464 = arith.ori %gt3A_1460, %and3A_1463 : vector<24x1024xi1>
    %and3A_1465 = arith.constant 512 : i32
    %and3A_1466 = vector.broadcast %and3A_1465 : i32 to vector<24x1024xi32>
    %and3A_1467 = arith.andi %iota3A, %and3A_1466 : vector<24x1024xi32>
    %eq3A_1468 = arith.constant 0 : i32
    %eq3A_1469 = vector.broadcast %eq3A_1468 : i32 to vector<24x1024xi32>
    %eq3A_1470 = arith.cmpi eq, %and3A_1467, %eq3A_1469 : vector<24x1024xi32>
    %eq3A_1471 = arith.xori %eq3A_1470, %eq3A_1445 : vector<24x1024xi1>
    %eq3A_1472 = arith.constant dense<true> : vector<24x1024xi1>
    %eq3A_1473 = arith.xori %eq3A_1471, %eq3A_1472 : vector<24x1024xi1>
    %eq3A_1474 = arith.xori %eq3A_1473, %or3A_1464 : vector<24x1024xi1>
    %eq3A_1475 = arith.constant dense<true> : vector<24x1024xi1>
    %eq3A_1476 = arith.xori %eq3A_1474, %eq3A_1475 : vector<24x1024xi1>
    %select_n3A_1477 = arith.select %eq3A_1476, %select_n3A_1452, %select_n3A_1438 : vector<24x1024xi1>, vector<24x1024xi32>
    %select_n3A_1478 = arith.select %eq3A_1476, %select_n3A_1459, %select_n3A_1439 : vector<24x1024xi1>, vector<24x1024xi32>
    %and3A_1479 = arith.constant 64 : i32
    %and3A_1480 = vector.broadcast %and3A_1479 : i32 to vector<24x1024xi32>
    %and3A_1481 = arith.andi %iota3A, %and3A_1480 : vector<24x1024xi32>
    %eq3A_1482 = arith.constant 0 : i32
    %eq3A_1483 = vector.broadcast %eq3A_1482 : i32 to vector<24x1024xi32>
    %eq3A_1484 = arith.cmpi eq, %and3A_1481, %eq3A_1483 : vector<24x1024xi32>
    %slice3A_1485 = vector.extract_strided_slice %select_n3A_1477 {offsets = [0, 64], sizes = [24, 960], strides = [1, 1]} : vector<24x1024xi32> to vector<24x960xi32>
    %slice3A_1486 = vector.extract_strided_slice %select_n3A_1477 {offsets = [0, 0], sizes = [24, 64], strides = [1, 1]} : vector<24x1024xi32> to vector<24x64xi32>
    %concatenate3A_1487 = tpu.concatenate %slice3A_1485, %slice3A_1486 in 1 : vector<24x960xi32>, vector<24x64xi32> -> vector<24x1024xi32>
    %slice3A_1488 = vector.extract_strided_slice %select_n3A_1477 {offsets = [0, 960], sizes = [24, 64], strides = [1, 1]} : vector<24x1024xi32> to vector<24x64xi32>
    %slice3A_1489 = vector.extract_strided_slice %select_n3A_1477 {offsets = [0, 0], sizes = [24, 960], strides = [1, 1]} : vector<24x1024xi32> to vector<24x960xi32>
    %concatenate3A_1490 = tpu.concatenate %slice3A_1488, %slice3A_1489 in 1 : vector<24x64xi32>, vector<24x960xi32> -> vector<24x1024xi32>
    %select_n3A_1491 = arith.select %eq3A_1484, %concatenate3A_1487, %concatenate3A_1490 : vector<24x1024xi1>, vector<24x1024xi32>
    %slice3A_1492 = vector.extract_strided_slice %select_n3A_1478 {offsets = [0, 64], sizes = [24, 960], strides = [1, 1]} : vector<24x1024xi32> to vector<24x960xi32>
    %slice3A_1493 = vector.extract_strided_slice %select_n3A_1478 {offsets = [0, 0], sizes = [24, 64], strides = [1, 1]} : vector<24x1024xi32> to vector<24x64xi32>
    %concatenate3A_1494 = tpu.concatenate %slice3A_1492, %slice3A_1493 in 1 : vector<24x960xi32>, vector<24x64xi32> -> vector<24x1024xi32>
    %slice3A_1495 = vector.extract_strided_slice %select_n3A_1478 {offsets = [0, 960], sizes = [24, 64], strides = [1, 1]} : vector<24x1024xi32> to vector<24x64xi32>
    %slice3A_1496 = vector.extract_strided_slice %select_n3A_1478 {offsets = [0, 0], sizes = [24, 960], strides = [1, 1]} : vector<24x1024xi32> to vector<24x960xi32>
    %concatenate3A_1497 = tpu.concatenate %slice3A_1495, %slice3A_1496 in 1 : vector<24x64xi32>, vector<24x960xi32> -> vector<24x1024xi32>
    %select_n3A_1498 = arith.select %eq3A_1484, %concatenate3A_1494, %concatenate3A_1497 : vector<24x1024xi1>, vector<24x1024xi32>
    %gt3A_1499 = arith.cmpi sgt, %select_n3A_1491, %select_n3A_1477 : vector<24x1024xi32>
    %eq3A_1500 = arith.cmpi eq, %select_n3A_1491, %select_n3A_1477 : vector<24x1024xi32>
    %lt3A_1501 = arith.cmpi slt, %select_n3A_1498, %select_n3A_1478 : vector<24x1024xi32>
    %and3A_1502 = arith.andi %eq3A_1500, %lt3A_1501 : vector<24x1024xi1>
    %or3A_1503 = arith.ori %gt3A_1499, %and3A_1502 : vector<24x1024xi1>
    %and3A_1504 = arith.constant 512 : i32
    %and3A_1505 = vector.broadcast %and3A_1504 : i32 to vector<24x1024xi32>
    %and3A_1506 = arith.andi %iota3A, %and3A_1505 : vector<24x1024xi32>
    %eq3A_1507 = arith.constant 0 : i32
    %eq3A_1508 = vector.broadcast %eq3A_1507 : i32 to vector<24x1024xi32>
    %eq3A_1509 = arith.cmpi eq, %and3A_1506, %eq3A_1508 : vector<24x1024xi32>
    %eq3A_1510 = arith.xori %eq3A_1509, %eq3A_1484 : vector<24x1024xi1>
    %eq3A_1511 = arith.constant dense<true> : vector<24x1024xi1>
    %eq3A_1512 = arith.xori %eq3A_1510, %eq3A_1511 : vector<24x1024xi1>
    %eq3A_1513 = arith.xori %eq3A_1512, %or3A_1503 : vector<24x1024xi1>
    %eq3A_1514 = arith.constant dense<true> : vector<24x1024xi1>
    %eq3A_1515 = arith.xori %eq3A_1513, %eq3A_1514 : vector<24x1024xi1>
    %select_n3A_1516 = arith.select %eq3A_1515, %select_n3A_1491, %select_n3A_1477 : vector<24x1024xi1>, vector<24x1024xi32>
    %select_n3A_1517 = arith.select %eq3A_1515, %select_n3A_1498, %select_n3A_1478 : vector<24x1024xi1>, vector<24x1024xi32>
    %and3A_1518 = arith.constant 32 : i32
    %and3A_1519 = vector.broadcast %and3A_1518 : i32 to vector<24x1024xi32>
    %and3A_1520 = arith.andi %iota3A, %and3A_1519 : vector<24x1024xi32>
    %eq3A_1521 = arith.constant 0 : i32
    %eq3A_1522 = vector.broadcast %eq3A_1521 : i32 to vector<24x1024xi32>
    %eq3A_1523 = arith.cmpi eq, %and3A_1520, %eq3A_1522 : vector<24x1024xi32>
    %slice3A_1524 = vector.extract_strided_slice %select_n3A_1516 {offsets = [0, 32], sizes = [24, 992], strides = [1, 1]} : vector<24x1024xi32> to vector<24x992xi32>
    %slice3A_1525 = vector.extract_strided_slice %select_n3A_1516 {offsets = [0, 0], sizes = [24, 32], strides = [1, 1]} : vector<24x1024xi32> to vector<24x32xi32>
    %concatenate3A_1526 = tpu.concatenate %slice3A_1524, %slice3A_1525 in 1 : vector<24x992xi32>, vector<24x32xi32> -> vector<24x1024xi32>
    %slice3A_1527 = vector.extract_strided_slice %select_n3A_1516 {offsets = [0, 992], sizes = [24, 32], strides = [1, 1]} : vector<24x1024xi32> to vector<24x32xi32>
    %slice3A_1528 = vector.extract_strided_slice %select_n3A_1516 {offsets = [0, 0], sizes = [24, 992], strides = [1, 1]} : vector<24x1024xi32> to vector<24x992xi32>
    %concatenate3A_1529 = tpu.concatenate %slice3A_1527, %slice3A_1528 in 1 : vector<24x32xi32>, vector<24x992xi32> -> vector<24x1024xi32>
    %select_n3A_1530 = arith.select %eq3A_1523, %concatenate3A_1526, %concatenate3A_1529 : vector<24x1024xi1>, vector<24x1024xi32>
    %slice3A_1531 = vector.extract_strided_slice %select_n3A_1517 {offsets = [0, 32], sizes = [24, 992], strides = [1, 1]} : vector<24x1024xi32> to vector<24x992xi32>
    %slice3A_1532 = vector.extract_strided_slice %select_n3A_1517 {offsets = [0, 0], sizes = [24, 32], strides = [1, 1]} : vector<24x1024xi32> to vector<24x32xi32>
    %concatenate3A_1533 = tpu.concatenate %slice3A_1531, %slice3A_1532 in 1 : vector<24x992xi32>, vector<24x32xi32> -> vector<24x1024xi32>
    %slice3A_1534 = vector.extract_strided_slice %select_n3A_1517 {offsets = [0, 992], sizes = [24, 32], strides = [1, 1]} : vector<24x1024xi32> to vector<24x32xi32>
    %slice3A_1535 = vector.extract_strided_slice %select_n3A_1517 {offsets = [0, 0], sizes = [24, 992], strides = [1, 1]} : vector<24x1024xi32> to vector<24x992xi32>
    %concatenate3A_1536 = tpu.concatenate %slice3A_1534, %slice3A_1535 in 1 : vector<24x32xi32>, vector<24x992xi32> -> vector<24x1024xi32>
    %select_n3A_1537 = arith.select %eq3A_1523, %concatenate3A_1533, %concatenate3A_1536 : vector<24x1024xi1>, vector<24x1024xi32>
    %gt3A_1538 = arith.cmpi sgt, %select_n3A_1530, %select_n3A_1516 : vector<24x1024xi32>
    %eq3A_1539 = arith.cmpi eq, %select_n3A_1530, %select_n3A_1516 : vector<24x1024xi32>
    %lt3A_1540 = arith.cmpi slt, %select_n3A_1537, %select_n3A_1517 : vector<24x1024xi32>
    %and3A_1541 = arith.andi %eq3A_1539, %lt3A_1540 : vector<24x1024xi1>
    %or3A_1542 = arith.ori %gt3A_1538, %and3A_1541 : vector<24x1024xi1>
    %and3A_1543 = arith.constant 512 : i32
    %and3A_1544 = vector.broadcast %and3A_1543 : i32 to vector<24x1024xi32>
    %and3A_1545 = arith.andi %iota3A, %and3A_1544 : vector<24x1024xi32>
    %eq3A_1546 = arith.constant 0 : i32
    %eq3A_1547 = vector.broadcast %eq3A_1546 : i32 to vector<24x1024xi32>
    %eq3A_1548 = arith.cmpi eq, %and3A_1545, %eq3A_1547 : vector<24x1024xi32>
    %eq3A_1549 = arith.xori %eq3A_1548, %eq3A_1523 : vector<24x1024xi1>
    %eq3A_1550 = arith.constant dense<true> : vector<24x1024xi1>
    %eq3A_1551 = arith.xori %eq3A_1549, %eq3A_1550 : vector<24x1024xi1>
    %eq3A_1552 = arith.xori %eq3A_1551, %or3A_1542 : vector<24x1024xi1>
    %eq3A_1553 = arith.constant dense<true> : vector<24x1024xi1>
    %eq3A_1554 = arith.xori %eq3A_1552, %eq3A_1553 : vector<24x1024xi1>
    %select_n3A_1555 = arith.select %eq3A_1554, %select_n3A_1530, %select_n3A_1516 : vector<24x1024xi1>, vector<24x1024xi32>
    %select_n3A_1556 = arith.select %eq3A_1554, %select_n3A_1537, %select_n3A_1517 : vector<24x1024xi1>, vector<24x1024xi32>
    %and3A_1557 = arith.constant 16 : i32
    %and3A_1558 = vector.broadcast %and3A_1557 : i32 to vector<24x1024xi32>
    %and3A_1559 = arith.andi %iota3A, %and3A_1558 : vector<24x1024xi32>
    %eq3A_1560 = arith.constant 0 : i32
    %eq3A_1561 = vector.broadcast %eq3A_1560 : i32 to vector<24x1024xi32>
    %eq3A_1562 = arith.cmpi eq, %and3A_1559, %eq3A_1561 : vector<24x1024xi32>
    %slice3A_1563 = vector.extract_strided_slice %select_n3A_1555 {offsets = [0, 16], sizes = [24, 1008], strides = [1, 1]} : vector<24x1024xi32> to vector<24x1008xi32>
    %slice3A_1564 = vector.extract_strided_slice %select_n3A_1555 {offsets = [0, 0], sizes = [24, 16], strides = [1, 1]} : vector<24x1024xi32> to vector<24x16xi32>
    %concatenate3A_1565 = tpu.concatenate %slice3A_1563, %slice3A_1564 in 1 : vector<24x1008xi32>, vector<24x16xi32> -> vector<24x1024xi32>
    %slice3A_1566 = vector.extract_strided_slice %select_n3A_1555 {offsets = [0, 1008], sizes = [24, 16], strides = [1, 1]} : vector<24x1024xi32> to vector<24x16xi32>
    %slice3A_1567 = vector.extract_strided_slice %select_n3A_1555 {offsets = [0, 0], sizes = [24, 1008], strides = [1, 1]} : vector<24x1024xi32> to vector<24x1008xi32>
    %concatenate3A_1568 = tpu.concatenate %slice3A_1566, %slice3A_1567 in 1 : vector<24x16xi32>, vector<24x1008xi32> -> vector<24x1024xi32>
    %select_n3A_1569 = arith.select %eq3A_1562, %concatenate3A_1565, %concatenate3A_1568 : vector<24x1024xi1>, vector<24x1024xi32>
    %slice3A_1570 = vector.extract_strided_slice %select_n3A_1556 {offsets = [0, 16], sizes = [24, 1008], strides = [1, 1]} : vector<24x1024xi32> to vector<24x1008xi32>
    %slice3A_1571 = vector.extract_strided_slice %select_n3A_1556 {offsets = [0, 0], sizes = [24, 16], strides = [1, 1]} : vector<24x1024xi32> to vector<24x16xi32>
    %concatenate3A_1572 = tpu.concatenate %slice3A_1570, %slice3A_1571 in 1 : vector<24x1008xi32>, vector<24x16xi32> -> vector<24x1024xi32>
    %slice3A_1573 = vector.extract_strided_slice %select_n3A_1556 {offsets = [0, 1008], sizes = [24, 16], strides = [1, 1]} : vector<24x1024xi32> to vector<24x16xi32>
    %slice3A_1574 = vector.extract_strided_slice %select_n3A_1556 {offsets = [0, 0], sizes = [24, 1008], strides = [1, 1]} : vector<24x1024xi32> to vector<24x1008xi32>
    %concatenate3A_1575 = tpu.concatenate %slice3A_1573, %slice3A_1574 in 1 : vector<24x16xi32>, vector<24x1008xi32> -> vector<24x1024xi32>
    %select_n3A_1576 = arith.select %eq3A_1562, %concatenate3A_1572, %concatenate3A_1575 : vector<24x1024xi1>, vector<24x1024xi32>
    %gt3A_1577 = arith.cmpi sgt, %select_n3A_1569, %select_n3A_1555 : vector<24x1024xi32>
    %eq3A_1578 = arith.cmpi eq, %select_n3A_1569, %select_n3A_1555 : vector<24x1024xi32>
    %lt3A_1579 = arith.cmpi slt, %select_n3A_1576, %select_n3A_1556 : vector<24x1024xi32>
    %and3A_1580 = arith.andi %eq3A_1578, %lt3A_1579 : vector<24x1024xi1>
    %or3A_1581 = arith.ori %gt3A_1577, %and3A_1580 : vector<24x1024xi1>
    %and3A_1582 = arith.constant 512 : i32
    %and3A_1583 = vector.broadcast %and3A_1582 : i32 to vector<24x1024xi32>
    %and3A_1584 = arith.andi %iota3A, %and3A_1583 : vector<24x1024xi32>
    %eq3A_1585 = arith.constant 0 : i32
    %eq3A_1586 = vector.broadcast %eq3A_1585 : i32 to vector<24x1024xi32>
    %eq3A_1587 = arith.cmpi eq, %and3A_1584, %eq3A_1586 : vector<24x1024xi32>
    %eq3A_1588 = arith.xori %eq3A_1587, %eq3A_1562 : vector<24x1024xi1>
    %eq3A_1589 = arith.constant dense<true> : vector<24x1024xi1>
    %eq3A_1590 = arith.xori %eq3A_1588, %eq3A_1589 : vector<24x1024xi1>
    %eq3A_1591 = arith.xori %eq3A_1590, %or3A_1581 : vector<24x1024xi1>
    %eq3A_1592 = arith.constant dense<true> : vector<24x1024xi1>
    %eq3A_1593 = arith.xori %eq3A_1591, %eq3A_1592 : vector<24x1024xi1>
    %select_n3A_1594 = arith.select %eq3A_1593, %select_n3A_1569, %select_n3A_1555 : vector<24x1024xi1>, vector<24x1024xi32>
    %select_n3A_1595 = arith.select %eq3A_1593, %select_n3A_1576, %select_n3A_1556 : vector<24x1024xi1>, vector<24x1024xi32>
    %and3A_1596 = arith.constant 8 : i32
    %and3A_1597 = vector.broadcast %and3A_1596 : i32 to vector<24x1024xi32>
    %and3A_1598 = arith.andi %iota3A, %and3A_1597 : vector<24x1024xi32>
    %eq3A_1599 = arith.constant 0 : i32
    %eq3A_1600 = vector.broadcast %eq3A_1599 : i32 to vector<24x1024xi32>
    %eq3A_1601 = arith.cmpi eq, %and3A_1598, %eq3A_1600 : vector<24x1024xi32>
    %slice3A_1602 = vector.extract_strided_slice %select_n3A_1594 {offsets = [0, 8], sizes = [24, 1016], strides = [1, 1]} : vector<24x1024xi32> to vector<24x1016xi32>
    %slice3A_1603 = vector.extract_strided_slice %select_n3A_1594 {offsets = [0, 0], sizes = [24, 8], strides = [1, 1]} : vector<24x1024xi32> to vector<24x8xi32>
    %concatenate3A_1604 = tpu.concatenate %slice3A_1602, %slice3A_1603 in 1 : vector<24x1016xi32>, vector<24x8xi32> -> vector<24x1024xi32>
    %slice3A_1605 = vector.extract_strided_slice %select_n3A_1594 {offsets = [0, 1016], sizes = [24, 8], strides = [1, 1]} : vector<24x1024xi32> to vector<24x8xi32>
    %slice3A_1606 = vector.extract_strided_slice %select_n3A_1594 {offsets = [0, 0], sizes = [24, 1016], strides = [1, 1]} : vector<24x1024xi32> to vector<24x1016xi32>
    %concatenate3A_1607 = tpu.concatenate %slice3A_1605, %slice3A_1606 in 1 : vector<24x8xi32>, vector<24x1016xi32> -> vector<24x1024xi32>
    %select_n3A_1608 = arith.select %eq3A_1601, %concatenate3A_1604, %concatenate3A_1607 : vector<24x1024xi1>, vector<24x1024xi32>
    %slice3A_1609 = vector.extract_strided_slice %select_n3A_1595 {offsets = [0, 8], sizes = [24, 1016], strides = [1, 1]} : vector<24x1024xi32> to vector<24x1016xi32>
    %slice3A_1610 = vector.extract_strided_slice %select_n3A_1595 {offsets = [0, 0], sizes = [24, 8], strides = [1, 1]} : vector<24x1024xi32> to vector<24x8xi32>
    %concatenate3A_1611 = tpu.concatenate %slice3A_1609, %slice3A_1610 in 1 : vector<24x1016xi32>, vector<24x8xi32> -> vector<24x1024xi32>
    %slice3A_1612 = vector.extract_strided_slice %select_n3A_1595 {offsets = [0, 1016], sizes = [24, 8], strides = [1, 1]} : vector<24x1024xi32> to vector<24x8xi32>
    %slice3A_1613 = vector.extract_strided_slice %select_n3A_1595 {offsets = [0, 0], sizes = [24, 1016], strides = [1, 1]} : vector<24x1024xi32> to vector<24x1016xi32>
    %concatenate3A_1614 = tpu.concatenate %slice3A_1612, %slice3A_1613 in 1 : vector<24x8xi32>, vector<24x1016xi32> -> vector<24x1024xi32>
    %select_n3A_1615 = arith.select %eq3A_1601, %concatenate3A_1611, %concatenate3A_1614 : vector<24x1024xi1>, vector<24x1024xi32>
    %gt3A_1616 = arith.cmpi sgt, %select_n3A_1608, %select_n3A_1594 : vector<24x1024xi32>
    %eq3A_1617 = arith.cmpi eq, %select_n3A_1608, %select_n3A_1594 : vector<24x1024xi32>
    %lt3A_1618 = arith.cmpi slt, %select_n3A_1615, %select_n3A_1595 : vector<24x1024xi32>
    %and3A_1619 = arith.andi %eq3A_1617, %lt3A_1618 : vector<24x1024xi1>
    %or3A_1620 = arith.ori %gt3A_1616, %and3A_1619 : vector<24x1024xi1>
    %and3A_1621 = arith.constant 512 : i32
    %and3A_1622 = vector.broadcast %and3A_1621 : i32 to vector<24x1024xi32>
    %and3A_1623 = arith.andi %iota3A, %and3A_1622 : vector<24x1024xi32>
    %eq3A_1624 = arith.constant 0 : i32
    %eq3A_1625 = vector.broadcast %eq3A_1624 : i32 to vector<24x1024xi32>
    %eq3A_1626 = arith.cmpi eq, %and3A_1623, %eq3A_1625 : vector<24x1024xi32>
    %eq3A_1627 = arith.xori %eq3A_1626, %eq3A_1601 : vector<24x1024xi1>
    %eq3A_1628 = arith.constant dense<true> : vector<24x1024xi1>
    %eq3A_1629 = arith.xori %eq3A_1627, %eq3A_1628 : vector<24x1024xi1>
    %eq3A_1630 = arith.xori %eq3A_1629, %or3A_1620 : vector<24x1024xi1>
    %eq3A_1631 = arith.constant dense<true> : vector<24x1024xi1>
    %eq3A_1632 = arith.xori %eq3A_1630, %eq3A_1631 : vector<24x1024xi1>
    %select_n3A_1633 = arith.select %eq3A_1632, %select_n3A_1608, %select_n3A_1594 : vector<24x1024xi1>, vector<24x1024xi32>
    %select_n3A_1634 = arith.select %eq3A_1632, %select_n3A_1615, %select_n3A_1595 : vector<24x1024xi1>, vector<24x1024xi32>
    %and3A_1635 = arith.constant 4 : i32
    %and3A_1636 = vector.broadcast %and3A_1635 : i32 to vector<24x1024xi32>
    %and3A_1637 = arith.andi %iota3A, %and3A_1636 : vector<24x1024xi32>
    %eq3A_1638 = arith.constant 0 : i32
    %eq3A_1639 = vector.broadcast %eq3A_1638 : i32 to vector<24x1024xi32>
    %eq3A_1640 = arith.cmpi eq, %and3A_1637, %eq3A_1639 : vector<24x1024xi32>
    %slice3A_1641 = vector.extract_strided_slice %select_n3A_1633 {offsets = [0, 4], sizes = [24, 1020], strides = [1, 1]} : vector<24x1024xi32> to vector<24x1020xi32>
    %slice3A_1642 = vector.extract_strided_slice %select_n3A_1633 {offsets = [0, 0], sizes = [24, 4], strides = [1, 1]} : vector<24x1024xi32> to vector<24x4xi32>
    %concatenate3A_1643 = tpu.concatenate %slice3A_1641, %slice3A_1642 in 1 : vector<24x1020xi32>, vector<24x4xi32> -> vector<24x1024xi32>
    %slice3A_1644 = vector.extract_strided_slice %select_n3A_1633 {offsets = [0, 1020], sizes = [24, 4], strides = [1, 1]} : vector<24x1024xi32> to vector<24x4xi32>
    %slice3A_1645 = vector.extract_strided_slice %select_n3A_1633 {offsets = [0, 0], sizes = [24, 1020], strides = [1, 1]} : vector<24x1024xi32> to vector<24x1020xi32>
    %concatenate3A_1646 = tpu.concatenate %slice3A_1644, %slice3A_1645 in 1 : vector<24x4xi32>, vector<24x1020xi32> -> vector<24x1024xi32>
    %select_n3A_1647 = arith.select %eq3A_1640, %concatenate3A_1643, %concatenate3A_1646 : vector<24x1024xi1>, vector<24x1024xi32>
    %slice3A_1648 = vector.extract_strided_slice %select_n3A_1634 {offsets = [0, 4], sizes = [24, 1020], strides = [1, 1]} : vector<24x1024xi32> to vector<24x1020xi32>
    %slice3A_1649 = vector.extract_strided_slice %select_n3A_1634 {offsets = [0, 0], sizes = [24, 4], strides = [1, 1]} : vector<24x1024xi32> to vector<24x4xi32>
    %concatenate3A_1650 = tpu.concatenate %slice3A_1648, %slice3A_1649 in 1 : vector<24x1020xi32>, vector<24x4xi32> -> vector<24x1024xi32>
    %slice3A_1651 = vector.extract_strided_slice %select_n3A_1634 {offsets = [0, 1020], sizes = [24, 4], strides = [1, 1]} : vector<24x1024xi32> to vector<24x4xi32>
    %slice3A_1652 = vector.extract_strided_slice %select_n3A_1634 {offsets = [0, 0], sizes = [24, 1020], strides = [1, 1]} : vector<24x1024xi32> to vector<24x1020xi32>
    %concatenate3A_1653 = tpu.concatenate %slice3A_1651, %slice3A_1652 in 1 : vector<24x4xi32>, vector<24x1020xi32> -> vector<24x1024xi32>
    %select_n3A_1654 = arith.select %eq3A_1640, %concatenate3A_1650, %concatenate3A_1653 : vector<24x1024xi1>, vector<24x1024xi32>
    %gt3A_1655 = arith.cmpi sgt, %select_n3A_1647, %select_n3A_1633 : vector<24x1024xi32>
    %eq3A_1656 = arith.cmpi eq, %select_n3A_1647, %select_n3A_1633 : vector<24x1024xi32>
    %lt3A_1657 = arith.cmpi slt, %select_n3A_1654, %select_n3A_1634 : vector<24x1024xi32>
    %and3A_1658 = arith.andi %eq3A_1656, %lt3A_1657 : vector<24x1024xi1>
    %or3A_1659 = arith.ori %gt3A_1655, %and3A_1658 : vector<24x1024xi1>
    %and3A_1660 = arith.constant 512 : i32
    %and3A_1661 = vector.broadcast %and3A_1660 : i32 to vector<24x1024xi32>
    %and3A_1662 = arith.andi %iota3A, %and3A_1661 : vector<24x1024xi32>
    %eq3A_1663 = arith.constant 0 : i32
    %eq3A_1664 = vector.broadcast %eq3A_1663 : i32 to vector<24x1024xi32>
    %eq3A_1665 = arith.cmpi eq, %and3A_1662, %eq3A_1664 : vector<24x1024xi32>
    %eq3A_1666 = arith.xori %eq3A_1665, %eq3A_1640 : vector<24x1024xi1>
    %eq3A_1667 = arith.constant dense<true> : vector<24x1024xi1>
    %eq3A_1668 = arith.xori %eq3A_1666, %eq3A_1667 : vector<24x1024xi1>
    %eq3A_1669 = arith.xori %eq3A_1668, %or3A_1659 : vector<24x1024xi1>
    %eq3A_1670 = arith.constant dense<true> : vector<24x1024xi1>
    %eq3A_1671 = arith.xori %eq3A_1669, %eq3A_1670 : vector<24x1024xi1>
    %select_n3A_1672 = arith.select %eq3A_1671, %select_n3A_1647, %select_n3A_1633 : vector<24x1024xi1>, vector<24x1024xi32>
    %select_n3A_1673 = arith.select %eq3A_1671, %select_n3A_1654, %select_n3A_1634 : vector<24x1024xi1>, vector<24x1024xi32>
    %and3A_1674 = arith.constant 2 : i32
    %and3A_1675 = vector.broadcast %and3A_1674 : i32 to vector<24x1024xi32>
    %and3A_1676 = arith.andi %iota3A, %and3A_1675 : vector<24x1024xi32>
    %eq3A_1677 = arith.constant 0 : i32
    %eq3A_1678 = vector.broadcast %eq3A_1677 : i32 to vector<24x1024xi32>
    %eq3A_1679 = arith.cmpi eq, %and3A_1676, %eq3A_1678 : vector<24x1024xi32>
    %slice3A_1680 = vector.extract_strided_slice %select_n3A_1672 {offsets = [0, 2], sizes = [24, 1022], strides = [1, 1]} : vector<24x1024xi32> to vector<24x1022xi32>
    %slice3A_1681 = vector.extract_strided_slice %select_n3A_1672 {offsets = [0, 0], sizes = [24, 2], strides = [1, 1]} : vector<24x1024xi32> to vector<24x2xi32>
    %concatenate3A_1682 = tpu.concatenate %slice3A_1680, %slice3A_1681 in 1 : vector<24x1022xi32>, vector<24x2xi32> -> vector<24x1024xi32>
    %slice3A_1683 = vector.extract_strided_slice %select_n3A_1672 {offsets = [0, 1022], sizes = [24, 2], strides = [1, 1]} : vector<24x1024xi32> to vector<24x2xi32>
    %slice3A_1684 = vector.extract_strided_slice %select_n3A_1672 {offsets = [0, 0], sizes = [24, 1022], strides = [1, 1]} : vector<24x1024xi32> to vector<24x1022xi32>
    %concatenate3A_1685 = tpu.concatenate %slice3A_1683, %slice3A_1684 in 1 : vector<24x2xi32>, vector<24x1022xi32> -> vector<24x1024xi32>
    %select_n3A_1686 = arith.select %eq3A_1679, %concatenate3A_1682, %concatenate3A_1685 : vector<24x1024xi1>, vector<24x1024xi32>
    %slice3A_1687 = vector.extract_strided_slice %select_n3A_1673 {offsets = [0, 2], sizes = [24, 1022], strides = [1, 1]} : vector<24x1024xi32> to vector<24x1022xi32>
    %slice3A_1688 = vector.extract_strided_slice %select_n3A_1673 {offsets = [0, 0], sizes = [24, 2], strides = [1, 1]} : vector<24x1024xi32> to vector<24x2xi32>
    %concatenate3A_1689 = tpu.concatenate %slice3A_1687, %slice3A_1688 in 1 : vector<24x1022xi32>, vector<24x2xi32> -> vector<24x1024xi32>
    %slice3A_1690 = vector.extract_strided_slice %select_n3A_1673 {offsets = [0, 1022], sizes = [24, 2], strides = [1, 1]} : vector<24x1024xi32> to vector<24x2xi32>
    %slice3A_1691 = vector.extract_strided_slice %select_n3A_1673 {offsets = [0, 0], sizes = [24, 1022], strides = [1, 1]} : vector<24x1024xi32> to vector<24x1022xi32>
    %concatenate3A_1692 = tpu.concatenate %slice3A_1690, %slice3A_1691 in 1 : vector<24x2xi32>, vector<24x1022xi32> -> vector<24x1024xi32>
    %select_n3A_1693 = arith.select %eq3A_1679, %concatenate3A_1689, %concatenate3A_1692 : vector<24x1024xi1>, vector<24x1024xi32>
    %gt3A_1694 = arith.cmpi sgt, %select_n3A_1686, %select_n3A_1672 : vector<24x1024xi32>
    %eq3A_1695 = arith.cmpi eq, %select_n3A_1686, %select_n3A_1672 : vector<24x1024xi32>
    %lt3A_1696 = arith.cmpi slt, %select_n3A_1693, %select_n3A_1673 : vector<24x1024xi32>
    %and3A_1697 = arith.andi %eq3A_1695, %lt3A_1696 : vector<24x1024xi1>
    %or3A_1698 = arith.ori %gt3A_1694, %and3A_1697 : vector<24x1024xi1>
    %and3A_1699 = arith.constant 512 : i32
    %and3A_1700 = vector.broadcast %and3A_1699 : i32 to vector<24x1024xi32>
    %and3A_1701 = arith.andi %iota3A, %and3A_1700 : vector<24x1024xi32>
    %eq3A_1702 = arith.constant 0 : i32
    %eq3A_1703 = vector.broadcast %eq3A_1702 : i32 to vector<24x1024xi32>
    %eq3A_1704 = arith.cmpi eq, %and3A_1701, %eq3A_1703 : vector<24x1024xi32>
    %eq3A_1705 = arith.xori %eq3A_1704, %eq3A_1679 : vector<24x1024xi1>
    %eq3A_1706 = arith.constant dense<true> : vector<24x1024xi1>
    %eq3A_1707 = arith.xori %eq3A_1705, %eq3A_1706 : vector<24x1024xi1>
    %eq3A_1708 = arith.xori %eq3A_1707, %or3A_1698 : vector<24x1024xi1>
    %eq3A_1709 = arith.constant dense<true> : vector<24x1024xi1>
    %eq3A_1710 = arith.xori %eq3A_1708, %eq3A_1709 : vector<24x1024xi1>
    %select_n3A_1711 = arith.select %eq3A_1710, %select_n3A_1686, %select_n3A_1672 : vector<24x1024xi1>, vector<24x1024xi32>
    %select_n3A_1712 = arith.select %eq3A_1710, %select_n3A_1693, %select_n3A_1673 : vector<24x1024xi1>, vector<24x1024xi32>
    %and3A_1713 = arith.constant 1 : i32
    %and3A_1714 = vector.broadcast %and3A_1713 : i32 to vector<24x1024xi32>
    %and3A_1715 = arith.andi %iota3A, %and3A_1714 : vector<24x1024xi32>
    %eq3A_1716 = arith.constant 0 : i32
    %eq3A_1717 = vector.broadcast %eq3A_1716 : i32 to vector<24x1024xi32>
    %eq3A_1718 = arith.cmpi eq, %and3A_1715, %eq3A_1717 : vector<24x1024xi32>
    %slice3A_1719 = vector.extract_strided_slice %select_n3A_1711 {offsets = [0, 1], sizes = [24, 1023], strides = [1, 1]} : vector<24x1024xi32> to vector<24x1023xi32>
    %slice3A_1720 = vector.extract_strided_slice %select_n3A_1711 {offsets = [0, 0], sizes = [24, 1], strides = [1, 1]} : vector<24x1024xi32> to vector<24x1xi32>
    %concatenate3A_1721 = tpu.concatenate %slice3A_1719, %slice3A_1720 in 1 : vector<24x1023xi32>, vector<24x1xi32> -> vector<24x1024xi32>
    %slice3A_1722 = vector.extract_strided_slice %select_n3A_1711 {offsets = [0, 1023], sizes = [24, 1], strides = [1, 1]} : vector<24x1024xi32> to vector<24x1xi32>
    %slice3A_1723 = vector.extract_strided_slice %select_n3A_1711 {offsets = [0, 0], sizes = [24, 1023], strides = [1, 1]} : vector<24x1024xi32> to vector<24x1023xi32>
    %concatenate3A_1724 = tpu.concatenate %slice3A_1722, %slice3A_1723 in 1 : vector<24x1xi32>, vector<24x1023xi32> -> vector<24x1024xi32>
    %select_n3A_1725 = arith.select %eq3A_1718, %concatenate3A_1721, %concatenate3A_1724 : vector<24x1024xi1>, vector<24x1024xi32>
    %slice3A_1726 = vector.extract_strided_slice %select_n3A_1712 {offsets = [0, 1], sizes = [24, 1023], strides = [1, 1]} : vector<24x1024xi32> to vector<24x1023xi32>
    %slice3A_1727 = vector.extract_strided_slice %select_n3A_1712 {offsets = [0, 0], sizes = [24, 1], strides = [1, 1]} : vector<24x1024xi32> to vector<24x1xi32>
    %concatenate3A_1728 = tpu.concatenate %slice3A_1726, %slice3A_1727 in 1 : vector<24x1023xi32>, vector<24x1xi32> -> vector<24x1024xi32>
    %slice3A_1729 = vector.extract_strided_slice %select_n3A_1712 {offsets = [0, 1023], sizes = [24, 1], strides = [1, 1]} : vector<24x1024xi32> to vector<24x1xi32>
    %slice3A_1730 = vector.extract_strided_slice %select_n3A_1712 {offsets = [0, 0], sizes = [24, 1023], strides = [1, 1]} : vector<24x1024xi32> to vector<24x1023xi32>
    %concatenate3A_1731 = tpu.concatenate %slice3A_1729, %slice3A_1730 in 1 : vector<24x1xi32>, vector<24x1023xi32> -> vector<24x1024xi32>
    %select_n3A_1732 = arith.select %eq3A_1718, %concatenate3A_1728, %concatenate3A_1731 : vector<24x1024xi1>, vector<24x1024xi32>
    %gt3A_1733 = arith.cmpi sgt, %select_n3A_1725, %select_n3A_1711 : vector<24x1024xi32>
    %eq3A_1734 = arith.cmpi eq, %select_n3A_1725, %select_n3A_1711 : vector<24x1024xi32>
    %lt3A_1735 = arith.cmpi slt, %select_n3A_1732, %select_n3A_1712 : vector<24x1024xi32>
    %and3A_1736 = arith.andi %eq3A_1734, %lt3A_1735 : vector<24x1024xi1>
    %or3A_1737 = arith.ori %gt3A_1733, %and3A_1736 : vector<24x1024xi1>
    %and3A_1738 = arith.constant 512 : i32
    %and3A_1739 = vector.broadcast %and3A_1738 : i32 to vector<24x1024xi32>
    %and3A_1740 = arith.andi %iota3A, %and3A_1739 : vector<24x1024xi32>
    %eq3A_1741 = arith.constant 0 : i32
    %eq3A_1742 = vector.broadcast %eq3A_1741 : i32 to vector<24x1024xi32>
    %eq3A_1743 = arith.cmpi eq, %and3A_1740, %eq3A_1742 : vector<24x1024xi32>
    %eq3A_1744 = arith.xori %eq3A_1743, %eq3A_1718 : vector<24x1024xi1>
    %eq3A_1745 = arith.constant dense<true> : vector<24x1024xi1>
    %eq3A_1746 = arith.xori %eq3A_1744, %eq3A_1745 : vector<24x1024xi1>
    %eq3A_1747 = arith.xori %eq3A_1746, %or3A_1737 : vector<24x1024xi1>
    %eq3A_1748 = arith.constant dense<true> : vector<24x1024xi1>
    %eq3A_1749 = arith.xori %eq3A_1747, %eq3A_1748 : vector<24x1024xi1>
    %select_n3A_1750 = arith.select %eq3A_1749, %select_n3A_1725, %select_n3A_1711 : vector<24x1024xi1>, vector<24x1024xi32>
    %select_n3A_1751 = arith.select %eq3A_1749, %select_n3A_1732, %select_n3A_1712 : vector<24x1024xi1>, vector<24x1024xi32>
    %and3A_1752 = arith.constant 512 : i32
    %and3A_1753 = vector.broadcast %and3A_1752 : i32 to vector<24x1024xi32>
    %and3A_1754 = arith.andi %iota3A, %and3A_1753 : vector<24x1024xi32>
    %eq3A_1755 = arith.constant 0 : i32
    %eq3A_1756 = vector.broadcast %eq3A_1755 : i32 to vector<24x1024xi32>
    %eq3A_1757 = arith.cmpi eq, %and3A_1754, %eq3A_1756 : vector<24x1024xi32>
    %slice3A_1758 = vector.extract_strided_slice %select_n3A_1750 {offsets = [0, 512], sizes = [24, 512], strides = [1, 1]} : vector<24x1024xi32> to vector<24x512xi32>
    %slice3A_1759 = vector.extract_strided_slice %select_n3A_1750 {offsets = [0, 0], sizes = [24, 512], strides = [1, 1]} : vector<24x1024xi32> to vector<24x512xi32>
    %concatenate3A_1760 = tpu.concatenate %slice3A_1758, %slice3A_1759 in 1 : vector<24x512xi32>, vector<24x512xi32> -> vector<24x1024xi32>
    %slice3A_1761 = vector.extract_strided_slice %select_n3A_1750 {offsets = [0, 512], sizes = [24, 512], strides = [1, 1]} : vector<24x1024xi32> to vector<24x512xi32>
    %slice3A_1762 = vector.extract_strided_slice %select_n3A_1750 {offsets = [0, 0], sizes = [24, 512], strides = [1, 1]} : vector<24x1024xi32> to vector<24x512xi32>
    %concatenate3A_1763 = tpu.concatenate %slice3A_1761, %slice3A_1762 in 1 : vector<24x512xi32>, vector<24x512xi32> -> vector<24x1024xi32>
    %select_n3A_1764 = arith.select %eq3A_1757, %concatenate3A_1760, %concatenate3A_1763 : vector<24x1024xi1>, vector<24x1024xi32>
    %slice3A_1765 = vector.extract_strided_slice %select_n3A_1751 {offsets = [0, 512], sizes = [24, 512], strides = [1, 1]} : vector<24x1024xi32> to vector<24x512xi32>
    %slice3A_1766 = vector.extract_strided_slice %select_n3A_1751 {offsets = [0, 0], sizes = [24, 512], strides = [1, 1]} : vector<24x1024xi32> to vector<24x512xi32>
    %concatenate3A_1767 = tpu.concatenate %slice3A_1765, %slice3A_1766 in 1 : vector<24x512xi32>, vector<24x512xi32> -> vector<24x1024xi32>
    %slice3A_1768 = vector.extract_strided_slice %select_n3A_1751 {offsets = [0, 512], sizes = [24, 512], strides = [1, 1]} : vector<24x1024xi32> to vector<24x512xi32>
    %slice3A_1769 = vector.extract_strided_slice %select_n3A_1751 {offsets = [0, 0], sizes = [24, 512], strides = [1, 1]} : vector<24x1024xi32> to vector<24x512xi32>
    %concatenate3A_1770 = tpu.concatenate %slice3A_1768, %slice3A_1769 in 1 : vector<24x512xi32>, vector<24x512xi32> -> vector<24x1024xi32>
    %select_n3A_1771 = arith.select %eq3A_1757, %concatenate3A_1767, %concatenate3A_1770 : vector<24x1024xi1>, vector<24x1024xi32>
    %gt3A_1772 = arith.cmpi sgt, %select_n3A_1764, %select_n3A_1750 : vector<24x1024xi32>
    %eq3A_1773 = arith.cmpi eq, %select_n3A_1764, %select_n3A_1750 : vector<24x1024xi32>
    %lt3A_1774 = arith.cmpi slt, %select_n3A_1771, %select_n3A_1751 : vector<24x1024xi32>
    %and3A_1775 = arith.andi %eq3A_1773, %lt3A_1774 : vector<24x1024xi1>
    %or3A_1776 = arith.ori %gt3A_1772, %and3A_1775 : vector<24x1024xi1>
    %and3A_1777 = arith.constant 1024 : i32
    %and3A_1778 = vector.broadcast %and3A_1777 : i32 to vector<24x1024xi32>
    %and3A_1779 = arith.andi %iota3A, %and3A_1778 : vector<24x1024xi32>
    %eq3A_1780 = arith.constant 0 : i32
    %eq3A_1781 = vector.broadcast %eq3A_1780 : i32 to vector<24x1024xi32>
    %eq3A_1782 = arith.cmpi eq, %and3A_1779, %eq3A_1781 : vector<24x1024xi32>
    %eq3A_1783 = arith.xori %eq3A_1782, %eq3A_1757 : vector<24x1024xi1>
    %eq3A_1784 = arith.constant dense<true> : vector<24x1024xi1>
    %eq3A_1785 = arith.xori %eq3A_1783, %eq3A_1784 : vector<24x1024xi1>
    %eq3A_1786 = arith.xori %eq3A_1785, %or3A_1776 : vector<24x1024xi1>
    %eq3A_1787 = arith.constant dense<true> : vector<24x1024xi1>
    %eq3A_1788 = arith.xori %eq3A_1786, %eq3A_1787 : vector<24x1024xi1>
    %select_n3A_1789 = arith.select %eq3A_1788, %select_n3A_1764, %select_n3A_1750 : vector<24x1024xi1>, vector<24x1024xi32>
    %select_n3A_1790 = arith.select %eq3A_1788, %select_n3A_1771, %select_n3A_1751 : vector<24x1024xi1>, vector<24x1024xi32>
    %and3A_1791 = arith.constant 256 : i32
    %and3A_1792 = vector.broadcast %and3A_1791 : i32 to vector<24x1024xi32>
    %and3A_1793 = arith.andi %iota3A, %and3A_1792 : vector<24x1024xi32>
    %eq3A_1794 = arith.constant 0 : i32
    %eq3A_1795 = vector.broadcast %eq3A_1794 : i32 to vector<24x1024xi32>
    %eq3A_1796 = arith.cmpi eq, %and3A_1793, %eq3A_1795 : vector<24x1024xi32>
    %slice3A_1797 = vector.extract_strided_slice %select_n3A_1789 {offsets = [0, 256], sizes = [24, 768], strides = [1, 1]} : vector<24x1024xi32> to vector<24x768xi32>
    %slice3A_1798 = vector.extract_strided_slice %select_n3A_1789 {offsets = [0, 0], sizes = [24, 256], strides = [1, 1]} : vector<24x1024xi32> to vector<24x256xi32>
    %concatenate3A_1799 = tpu.concatenate %slice3A_1797, %slice3A_1798 in 1 : vector<24x768xi32>, vector<24x256xi32> -> vector<24x1024xi32>
    %slice3A_1800 = vector.extract_strided_slice %select_n3A_1789 {offsets = [0, 768], sizes = [24, 256], strides = [1, 1]} : vector<24x1024xi32> to vector<24x256xi32>
    %slice3A_1801 = vector.extract_strided_slice %select_n3A_1789 {offsets = [0, 0], sizes = [24, 768], strides = [1, 1]} : vector<24x1024xi32> to vector<24x768xi32>
    %concatenate3A_1802 = tpu.concatenate %slice3A_1800, %slice3A_1801 in 1 : vector<24x256xi32>, vector<24x768xi32> -> vector<24x1024xi32>
    %select_n3A_1803 = arith.select %eq3A_1796, %concatenate3A_1799, %concatenate3A_1802 : vector<24x1024xi1>, vector<24x1024xi32>
    %slice3A_1804 = vector.extract_strided_slice %select_n3A_1790 {offsets = [0, 256], sizes = [24, 768], strides = [1, 1]} : vector<24x1024xi32> to vector<24x768xi32>
    %slice3A_1805 = vector.extract_strided_slice %select_n3A_1790 {offsets = [0, 0], sizes = [24, 256], strides = [1, 1]} : vector<24x1024xi32> to vector<24x256xi32>
    %concatenate3A_1806 = tpu.concatenate %slice3A_1804, %slice3A_1805 in 1 : vector<24x768xi32>, vector<24x256xi32> -> vector<24x1024xi32>
    %slice3A_1807 = vector.extract_strided_slice %select_n3A_1790 {offsets = [0, 768], sizes = [24, 256], strides = [1, 1]} : vector<24x1024xi32> to vector<24x256xi32>
    %slice3A_1808 = vector.extract_strided_slice %select_n3A_1790 {offsets = [0, 0], sizes = [24, 768], strides = [1, 1]} : vector<24x1024xi32> to vector<24x768xi32>
    %concatenate3A_1809 = tpu.concatenate %slice3A_1807, %slice3A_1808 in 1 : vector<24x256xi32>, vector<24x768xi32> -> vector<24x1024xi32>
    %select_n3A_1810 = arith.select %eq3A_1796, %concatenate3A_1806, %concatenate3A_1809 : vector<24x1024xi1>, vector<24x1024xi32>
    %gt3A_1811 = arith.cmpi sgt, %select_n3A_1803, %select_n3A_1789 : vector<24x1024xi32>
    %eq3A_1812 = arith.cmpi eq, %select_n3A_1803, %select_n3A_1789 : vector<24x1024xi32>
    %lt3A_1813 = arith.cmpi slt, %select_n3A_1810, %select_n3A_1790 : vector<24x1024xi32>
    %and3A_1814 = arith.andi %eq3A_1812, %lt3A_1813 : vector<24x1024xi1>
    %or3A_1815 = arith.ori %gt3A_1811, %and3A_1814 : vector<24x1024xi1>
    %and3A_1816 = arith.constant 1024 : i32
    %and3A_1817 = vector.broadcast %and3A_1816 : i32 to vector<24x1024xi32>
    %and3A_1818 = arith.andi %iota3A, %and3A_1817 : vector<24x1024xi32>
    %eq3A_1819 = arith.constant 0 : i32
    %eq3A_1820 = vector.broadcast %eq3A_1819 : i32 to vector<24x1024xi32>
    %eq3A_1821 = arith.cmpi eq, %and3A_1818, %eq3A_1820 : vector<24x1024xi32>
    %eq3A_1822 = arith.xori %eq3A_1821, %eq3A_1796 : vector<24x1024xi1>
    %eq3A_1823 = arith.constant dense<true> : vector<24x1024xi1>
    %eq3A_1824 = arith.xori %eq3A_1822, %eq3A_1823 : vector<24x1024xi1>
    %eq3A_1825 = arith.xori %eq3A_1824, %or3A_1815 : vector<24x1024xi1>
    %eq3A_1826 = arith.constant dense<true> : vector<24x1024xi1>
    %eq3A_1827 = arith.xori %eq3A_1825, %eq3A_1826 : vector<24x1024xi1>
    %select_n3A_1828 = arith.select %eq3A_1827, %select_n3A_1803, %select_n3A_1789 : vector<24x1024xi1>, vector<24x1024xi32>
    %select_n3A_1829 = arith.select %eq3A_1827, %select_n3A_1810, %select_n3A_1790 : vector<24x1024xi1>, vector<24x1024xi32>
    %and3A_1830 = arith.constant 128 : i32
    %and3A_1831 = vector.broadcast %and3A_1830 : i32 to vector<24x1024xi32>
    %and3A_1832 = arith.andi %iota3A, %and3A_1831 : vector<24x1024xi32>
    %eq3A_1833 = arith.constant 0 : i32
    %eq3A_1834 = vector.broadcast %eq3A_1833 : i32 to vector<24x1024xi32>
    %eq3A_1835 = arith.cmpi eq, %and3A_1832, %eq3A_1834 : vector<24x1024xi32>
    %slice3A_1836 = vector.extract_strided_slice %select_n3A_1828 {offsets = [0, 128], sizes = [24, 896], strides = [1, 1]} : vector<24x1024xi32> to vector<24x896xi32>
    %slice3A_1837 = vector.extract_strided_slice %select_n3A_1828 {offsets = [0, 0], sizes = [24, 128], strides = [1, 1]} : vector<24x1024xi32> to vector<24x128xi32>
    %concatenate3A_1838 = tpu.concatenate %slice3A_1836, %slice3A_1837 in 1 : vector<24x896xi32>, vector<24x128xi32> -> vector<24x1024xi32>
    %slice3A_1839 = vector.extract_strided_slice %select_n3A_1828 {offsets = [0, 896], sizes = [24, 128], strides = [1, 1]} : vector<24x1024xi32> to vector<24x128xi32>
    %slice3A_1840 = vector.extract_strided_slice %select_n3A_1828 {offsets = [0, 0], sizes = [24, 896], strides = [1, 1]} : vector<24x1024xi32> to vector<24x896xi32>
    %concatenate3A_1841 = tpu.concatenate %slice3A_1839, %slice3A_1840 in 1 : vector<24x128xi32>, vector<24x896xi32> -> vector<24x1024xi32>
    %select_n3A_1842 = arith.select %eq3A_1835, %concatenate3A_1838, %concatenate3A_1841 : vector<24x1024xi1>, vector<24x1024xi32>
    %slice3A_1843 = vector.extract_strided_slice %select_n3A_1829 {offsets = [0, 128], sizes = [24, 896], strides = [1, 1]} : vector<24x1024xi32> to vector<24x896xi32>
    %slice3A_1844 = vector.extract_strided_slice %select_n3A_1829 {offsets = [0, 0], sizes = [24, 128], strides = [1, 1]} : vector<24x1024xi32> to vector<24x128xi32>
    %concatenate3A_1845 = tpu.concatenate %slice3A_1843, %slice3A_1844 in 1 : vector<24x896xi32>, vector<24x128xi32> -> vector<24x1024xi32>
    %slice3A_1846 = vector.extract_strided_slice %select_n3A_1829 {offsets = [0, 896], sizes = [24, 128], strides = [1, 1]} : vector<24x1024xi32> to vector<24x128xi32>
    %slice3A_1847 = vector.extract_strided_slice %select_n3A_1829 {offsets = [0, 0], sizes = [24, 896], strides = [1, 1]} : vector<24x1024xi32> to vector<24x896xi32>
    %concatenate3A_1848 = tpu.concatenate %slice3A_1846, %slice3A_1847 in 1 : vector<24x128xi32>, vector<24x896xi32> -> vector<24x1024xi32>
    %select_n3A_1849 = arith.select %eq3A_1835, %concatenate3A_1845, %concatenate3A_1848 : vector<24x1024xi1>, vector<24x1024xi32>
    %gt3A_1850 = arith.cmpi sgt, %select_n3A_1842, %select_n3A_1828 : vector<24x1024xi32>
    %eq3A_1851 = arith.cmpi eq, %select_n3A_1842, %select_n3A_1828 : vector<24x1024xi32>
    %lt3A_1852 = arith.cmpi slt, %select_n3A_1849, %select_n3A_1829 : vector<24x1024xi32>
    %and3A_1853 = arith.andi %eq3A_1851, %lt3A_1852 : vector<24x1024xi1>
    %or3A_1854 = arith.ori %gt3A_1850, %and3A_1853 : vector<24x1024xi1>
    %and3A_1855 = arith.constant 1024 : i32
    %and3A_1856 = vector.broadcast %and3A_1855 : i32 to vector<24x1024xi32>
    %and3A_1857 = arith.andi %iota3A, %and3A_1856 : vector<24x1024xi32>
    %eq3A_1858 = arith.constant 0 : i32
    %eq3A_1859 = vector.broadcast %eq3A_1858 : i32 to vector<24x1024xi32>
    %eq3A_1860 = arith.cmpi eq, %and3A_1857, %eq3A_1859 : vector<24x1024xi32>
    %eq3A_1861 = arith.xori %eq3A_1860, %eq3A_1835 : vector<24x1024xi1>
    %eq3A_1862 = arith.constant dense<true> : vector<24x1024xi1>
    %eq3A_1863 = arith.xori %eq3A_1861, %eq3A_1862 : vector<24x1024xi1>
    %eq3A_1864 = arith.xori %eq3A_1863, %or3A_1854 : vector<24x1024xi1>
    %eq3A_1865 = arith.constant dense<true> : vector<24x1024xi1>
    %eq3A_1866 = arith.xori %eq3A_1864, %eq3A_1865 : vector<24x1024xi1>
    %select_n3A_1867 = arith.select %eq3A_1866, %select_n3A_1842, %select_n3A_1828 : vector<24x1024xi1>, vector<24x1024xi32>
    %select_n3A_1868 = arith.select %eq3A_1866, %select_n3A_1849, %select_n3A_1829 : vector<24x1024xi1>, vector<24x1024xi32>
    %and3A_1869 = arith.constant 64 : i32
    %and3A_1870 = vector.broadcast %and3A_1869 : i32 to vector<24x1024xi32>
    %and3A_1871 = arith.andi %iota3A, %and3A_1870 : vector<24x1024xi32>
    %eq3A_1872 = arith.constant 0 : i32
    %eq3A_1873 = vector.broadcast %eq3A_1872 : i32 to vector<24x1024xi32>
    %eq3A_1874 = arith.cmpi eq, %and3A_1871, %eq3A_1873 : vector<24x1024xi32>
    %slice3A_1875 = vector.extract_strided_slice %select_n3A_1867 {offsets = [0, 64], sizes = [24, 960], strides = [1, 1]} : vector<24x1024xi32> to vector<24x960xi32>
    %slice3A_1876 = vector.extract_strided_slice %select_n3A_1867 {offsets = [0, 0], sizes = [24, 64], strides = [1, 1]} : vector<24x1024xi32> to vector<24x64xi32>
    %concatenate3A_1877 = tpu.concatenate %slice3A_1875, %slice3A_1876 in 1 : vector<24x960xi32>, vector<24x64xi32> -> vector<24x1024xi32>
    %slice3A_1878 = vector.extract_strided_slice %select_n3A_1867 {offsets = [0, 960], sizes = [24, 64], strides = [1, 1]} : vector<24x1024xi32> to vector<24x64xi32>
    %slice3A_1879 = vector.extract_strided_slice %select_n3A_1867 {offsets = [0, 0], sizes = [24, 960], strides = [1, 1]} : vector<24x1024xi32> to vector<24x960xi32>
    %concatenate3A_1880 = tpu.concatenate %slice3A_1878, %slice3A_1879 in 1 : vector<24x64xi32>, vector<24x960xi32> -> vector<24x1024xi32>
    %select_n3A_1881 = arith.select %eq3A_1874, %concatenate3A_1877, %concatenate3A_1880 : vector<24x1024xi1>, vector<24x1024xi32>
    %slice3A_1882 = vector.extract_strided_slice %select_n3A_1868 {offsets = [0, 64], sizes = [24, 960], strides = [1, 1]} : vector<24x1024xi32> to vector<24x960xi32>
    %slice3A_1883 = vector.extract_strided_slice %select_n3A_1868 {offsets = [0, 0], sizes = [24, 64], strides = [1, 1]} : vector<24x1024xi32> to vector<24x64xi32>
    %concatenate3A_1884 = tpu.concatenate %slice3A_1882, %slice3A_1883 in 1 : vector<24x960xi32>, vector<24x64xi32> -> vector<24x1024xi32>
    %slice3A_1885 = vector.extract_strided_slice %select_n3A_1868 {offsets = [0, 960], sizes = [24, 64], strides = [1, 1]} : vector<24x1024xi32> to vector<24x64xi32>
    %slice3A_1886 = vector.extract_strided_slice %select_n3A_1868 {offsets = [0, 0], sizes = [24, 960], strides = [1, 1]} : vector<24x1024xi32> to vector<24x960xi32>
    %concatenate3A_1887 = tpu.concatenate %slice3A_1885, %slice3A_1886 in 1 : vector<24x64xi32>, vector<24x960xi32> -> vector<24x1024xi32>
    %select_n3A_1888 = arith.select %eq3A_1874, %concatenate3A_1884, %concatenate3A_1887 : vector<24x1024xi1>, vector<24x1024xi32>
    %gt3A_1889 = arith.cmpi sgt, %select_n3A_1881, %select_n3A_1867 : vector<24x1024xi32>
    %eq3A_1890 = arith.cmpi eq, %select_n3A_1881, %select_n3A_1867 : vector<24x1024xi32>
    %lt3A_1891 = arith.cmpi slt, %select_n3A_1888, %select_n3A_1868 : vector<24x1024xi32>
    %and3A_1892 = arith.andi %eq3A_1890, %lt3A_1891 : vector<24x1024xi1>
    %or3A_1893 = arith.ori %gt3A_1889, %and3A_1892 : vector<24x1024xi1>
    %and3A_1894 = arith.constant 1024 : i32
    %and3A_1895 = vector.broadcast %and3A_1894 : i32 to vector<24x1024xi32>
    %and3A_1896 = arith.andi %iota3A, %and3A_1895 : vector<24x1024xi32>
    %eq3A_1897 = arith.constant 0 : i32
    %eq3A_1898 = vector.broadcast %eq3A_1897 : i32 to vector<24x1024xi32>
    %eq3A_1899 = arith.cmpi eq, %and3A_1896, %eq3A_1898 : vector<24x1024xi32>
    %eq3A_1900 = arith.xori %eq3A_1899, %eq3A_1874 : vector<24x1024xi1>
    %eq3A_1901 = arith.constant dense<true> : vector<24x1024xi1>
    %eq3A_1902 = arith.xori %eq3A_1900, %eq3A_1901 : vector<24x1024xi1>
    %eq3A_1903 = arith.xori %eq3A_1902, %or3A_1893 : vector<24x1024xi1>
    %eq3A_1904 = arith.constant dense<true> : vector<24x1024xi1>
    %eq3A_1905 = arith.xori %eq3A_1903, %eq3A_1904 : vector<24x1024xi1>
    %select_n3A_1906 = arith.select %eq3A_1905, %select_n3A_1881, %select_n3A_1867 : vector<24x1024xi1>, vector<24x1024xi32>
    %select_n3A_1907 = arith.select %eq3A_1905, %select_n3A_1888, %select_n3A_1868 : vector<24x1024xi1>, vector<24x1024xi32>
    %and3A_1908 = arith.constant 32 : i32
    %and3A_1909 = vector.broadcast %and3A_1908 : i32 to vector<24x1024xi32>
    %and3A_1910 = arith.andi %iota3A, %and3A_1909 : vector<24x1024xi32>
    %eq3A_1911 = arith.constant 0 : i32
    %eq3A_1912 = vector.broadcast %eq3A_1911 : i32 to vector<24x1024xi32>
    %eq3A_1913 = arith.cmpi eq, %and3A_1910, %eq3A_1912 : vector<24x1024xi32>
    %slice3A_1914 = vector.extract_strided_slice %select_n3A_1906 {offsets = [0, 32], sizes = [24, 992], strides = [1, 1]} : vector<24x1024xi32> to vector<24x992xi32>
    %slice3A_1915 = vector.extract_strided_slice %select_n3A_1906 {offsets = [0, 0], sizes = [24, 32], strides = [1, 1]} : vector<24x1024xi32> to vector<24x32xi32>
    %concatenate3A_1916 = tpu.concatenate %slice3A_1914, %slice3A_1915 in 1 : vector<24x992xi32>, vector<24x32xi32> -> vector<24x1024xi32>
    %slice3A_1917 = vector.extract_strided_slice %select_n3A_1906 {offsets = [0, 992], sizes = [24, 32], strides = [1, 1]} : vector<24x1024xi32> to vector<24x32xi32>
    %slice3A_1918 = vector.extract_strided_slice %select_n3A_1906 {offsets = [0, 0], sizes = [24, 992], strides = [1, 1]} : vector<24x1024xi32> to vector<24x992xi32>
    %concatenate3A_1919 = tpu.concatenate %slice3A_1917, %slice3A_1918 in 1 : vector<24x32xi32>, vector<24x992xi32> -> vector<24x1024xi32>
    %select_n3A_1920 = arith.select %eq3A_1913, %concatenate3A_1916, %concatenate3A_1919 : vector<24x1024xi1>, vector<24x1024xi32>
    %slice3A_1921 = vector.extract_strided_slice %select_n3A_1907 {offsets = [0, 32], sizes = [24, 992], strides = [1, 1]} : vector<24x1024xi32> to vector<24x992xi32>
    %slice3A_1922 = vector.extract_strided_slice %select_n3A_1907 {offsets = [0, 0], sizes = [24, 32], strides = [1, 1]} : vector<24x1024xi32> to vector<24x32xi32>
    %concatenate3A_1923 = tpu.concatenate %slice3A_1921, %slice3A_1922 in 1 : vector<24x992xi32>, vector<24x32xi32> -> vector<24x1024xi32>
    %slice3A_1924 = vector.extract_strided_slice %select_n3A_1907 {offsets = [0, 992], sizes = [24, 32], strides = [1, 1]} : vector<24x1024xi32> to vector<24x32xi32>
    %slice3A_1925 = vector.extract_strided_slice %select_n3A_1907 {offsets = [0, 0], sizes = [24, 992], strides = [1, 1]} : vector<24x1024xi32> to vector<24x992xi32>
    %concatenate3A_1926 = tpu.concatenate %slice3A_1924, %slice3A_1925 in 1 : vector<24x32xi32>, vector<24x992xi32> -> vector<24x1024xi32>
    %select_n3A_1927 = arith.select %eq3A_1913, %concatenate3A_1923, %concatenate3A_1926 : vector<24x1024xi1>, vector<24x1024xi32>
    %gt3A_1928 = arith.cmpi sgt, %select_n3A_1920, %select_n3A_1906 : vector<24x1024xi32>
    %eq3A_1929 = arith.cmpi eq, %select_n3A_1920, %select_n3A_1906 : vector<24x1024xi32>
    %lt3A_1930 = arith.cmpi slt, %select_n3A_1927, %select_n3A_1907 : vector<24x1024xi32>
    %and3A_1931 = arith.andi %eq3A_1929, %lt3A_1930 : vector<24x1024xi1>
    %or3A_1932 = arith.ori %gt3A_1928, %and3A_1931 : vector<24x1024xi1>
    %and3A_1933 = arith.constant 1024 : i32
    %and3A_1934 = vector.broadcast %and3A_1933 : i32 to vector<24x1024xi32>
    %and3A_1935 = arith.andi %iota3A, %and3A_1934 : vector<24x1024xi32>
    %eq3A_1936 = arith.constant 0 : i32
    %eq3A_1937 = vector.broadcast %eq3A_1936 : i32 to vector<24x1024xi32>
    %eq3A_1938 = arith.cmpi eq, %and3A_1935, %eq3A_1937 : vector<24x1024xi32>
    %eq3A_1939 = arith.xori %eq3A_1938, %eq3A_1913 : vector<24x1024xi1>
    %eq3A_1940 = arith.constant dense<true> : vector<24x1024xi1>
    %eq3A_1941 = arith.xori %eq3A_1939, %eq3A_1940 : vector<24x1024xi1>
    %eq3A_1942 = arith.xori %eq3A_1941, %or3A_1932 : vector<24x1024xi1>
    %eq3A_1943 = arith.constant dense<true> : vector<24x1024xi1>
    %eq3A_1944 = arith.xori %eq3A_1942, %eq3A_1943 : vector<24x1024xi1>
    %select_n3A_1945 = arith.select %eq3A_1944, %select_n3A_1920, %select_n3A_1906 : vector<24x1024xi1>, vector<24x1024xi32>
    %select_n3A_1946 = arith.select %eq3A_1944, %select_n3A_1927, %select_n3A_1907 : vector<24x1024xi1>, vector<24x1024xi32>
    %and3A_1947 = arith.constant 16 : i32
    %and3A_1948 = vector.broadcast %and3A_1947 : i32 to vector<24x1024xi32>
    %and3A_1949 = arith.andi %iota3A, %and3A_1948 : vector<24x1024xi32>
    %eq3A_1950 = arith.constant 0 : i32
    %eq3A_1951 = vector.broadcast %eq3A_1950 : i32 to vector<24x1024xi32>
    %eq3A_1952 = arith.cmpi eq, %and3A_1949, %eq3A_1951 : vector<24x1024xi32>
    %slice3A_1953 = vector.extract_strided_slice %select_n3A_1945 {offsets = [0, 16], sizes = [24, 1008], strides = [1, 1]} : vector<24x1024xi32> to vector<24x1008xi32>
    %slice3A_1954 = vector.extract_strided_slice %select_n3A_1945 {offsets = [0, 0], sizes = [24, 16], strides = [1, 1]} : vector<24x1024xi32> to vector<24x16xi32>
    %concatenate3A_1955 = tpu.concatenate %slice3A_1953, %slice3A_1954 in 1 : vector<24x1008xi32>, vector<24x16xi32> -> vector<24x1024xi32>
    %slice3A_1956 = vector.extract_strided_slice %select_n3A_1945 {offsets = [0, 1008], sizes = [24, 16], strides = [1, 1]} : vector<24x1024xi32> to vector<24x16xi32>
    %slice3A_1957 = vector.extract_strided_slice %select_n3A_1945 {offsets = [0, 0], sizes = [24, 1008], strides = [1, 1]} : vector<24x1024xi32> to vector<24x1008xi32>
    %concatenate3A_1958 = tpu.concatenate %slice3A_1956, %slice3A_1957 in 1 : vector<24x16xi32>, vector<24x1008xi32> -> vector<24x1024xi32>
    %select_n3A_1959 = arith.select %eq3A_1952, %concatenate3A_1955, %concatenate3A_1958 : vector<24x1024xi1>, vector<24x1024xi32>
    %slice3A_1960 = vector.extract_strided_slice %select_n3A_1946 {offsets = [0, 16], sizes = [24, 1008], strides = [1, 1]} : vector<24x1024xi32> to vector<24x1008xi32>
    %slice3A_1961 = vector.extract_strided_slice %select_n3A_1946 {offsets = [0, 0], sizes = [24, 16], strides = [1, 1]} : vector<24x1024xi32> to vector<24x16xi32>
    %concatenate3A_1962 = tpu.concatenate %slice3A_1960, %slice3A_1961 in 1 : vector<24x1008xi32>, vector<24x16xi32> -> vector<24x1024xi32>
    %slice3A_1963 = vector.extract_strided_slice %select_n3A_1946 {offsets = [0, 1008], sizes = [24, 16], strides = [1, 1]} : vector<24x1024xi32> to vector<24x16xi32>
    %slice3A_1964 = vector.extract_strided_slice %select_n3A_1946 {offsets = [0, 0], sizes = [24, 1008], strides = [1, 1]} : vector<24x1024xi32> to vector<24x1008xi32>
    %concatenate3A_1965 = tpu.concatenate %slice3A_1963, %slice3A_1964 in 1 : vector<24x16xi32>, vector<24x1008xi32> -> vector<24x1024xi32>
    %select_n3A_1966 = arith.select %eq3A_1952, %concatenate3A_1962, %concatenate3A_1965 : vector<24x1024xi1>, vector<24x1024xi32>
    %gt3A_1967 = arith.cmpi sgt, %select_n3A_1959, %select_n3A_1945 : vector<24x1024xi32>
    %eq3A_1968 = arith.cmpi eq, %select_n3A_1959, %select_n3A_1945 : vector<24x1024xi32>
    %lt3A_1969 = arith.cmpi slt, %select_n3A_1966, %select_n3A_1946 : vector<24x1024xi32>
    %and3A_1970 = arith.andi %eq3A_1968, %lt3A_1969 : vector<24x1024xi1>
    %or3A_1971 = arith.ori %gt3A_1967, %and3A_1970 : vector<24x1024xi1>
    %and3A_1972 = arith.constant 1024 : i32
    %and3A_1973 = vector.broadcast %and3A_1972 : i32 to vector<24x1024xi32>
    %and3A_1974 = arith.andi %iota3A, %and3A_1973 : vector<24x1024xi32>
    %eq3A_1975 = arith.constant 0 : i32
    %eq3A_1976 = vector.broadcast %eq3A_1975 : i32 to vector<24x1024xi32>
    %eq3A_1977 = arith.cmpi eq, %and3A_1974, %eq3A_1976 : vector<24x1024xi32>
    %eq3A_1978 = arith.xori %eq3A_1977, %eq3A_1952 : vector<24x1024xi1>
    %eq3A_1979 = arith.constant dense<true> : vector<24x1024xi1>
    %eq3A_1980 = arith.xori %eq3A_1978, %eq3A_1979 : vector<24x1024xi1>
    %eq3A_1981 = arith.xori %eq3A_1980, %or3A_1971 : vector<24x1024xi1>
    %eq3A_1982 = arith.constant dense<true> : vector<24x1024xi1>
    %eq3A_1983 = arith.xori %eq3A_1981, %eq3A_1982 : vector<24x1024xi1>
    %select_n3A_1984 = arith.select %eq3A_1983, %select_n3A_1959, %select_n3A_1945 : vector<24x1024xi1>, vector<24x1024xi32>
    %select_n3A_1985 = arith.select %eq3A_1983, %select_n3A_1966, %select_n3A_1946 : vector<24x1024xi1>, vector<24x1024xi32>
    %and3A_1986 = arith.constant 8 : i32
    %and3A_1987 = vector.broadcast %and3A_1986 : i32 to vector<24x1024xi32>
    %and3A_1988 = arith.andi %iota3A, %and3A_1987 : vector<24x1024xi32>
    %eq3A_1989 = arith.constant 0 : i32
    %eq3A_1990 = vector.broadcast %eq3A_1989 : i32 to vector<24x1024xi32>
    %eq3A_1991 = arith.cmpi eq, %and3A_1988, %eq3A_1990 : vector<24x1024xi32>
    %slice3A_1992 = vector.extract_strided_slice %select_n3A_1984 {offsets = [0, 8], sizes = [24, 1016], strides = [1, 1]} : vector<24x1024xi32> to vector<24x1016xi32>
    %slice3A_1993 = vector.extract_strided_slice %select_n3A_1984 {offsets = [0, 0], sizes = [24, 8], strides = [1, 1]} : vector<24x1024xi32> to vector<24x8xi32>
    %concatenate3A_1994 = tpu.concatenate %slice3A_1992, %slice3A_1993 in 1 : vector<24x1016xi32>, vector<24x8xi32> -> vector<24x1024xi32>
    %slice3A_1995 = vector.extract_strided_slice %select_n3A_1984 {offsets = [0, 1016], sizes = [24, 8], strides = [1, 1]} : vector<24x1024xi32> to vector<24x8xi32>
    %slice3A_1996 = vector.extract_strided_slice %select_n3A_1984 {offsets = [0, 0], sizes = [24, 1016], strides = [1, 1]} : vector<24x1024xi32> to vector<24x1016xi32>
    %concatenate3A_1997 = tpu.concatenate %slice3A_1995, %slice3A_1996 in 1 : vector<24x8xi32>, vector<24x1016xi32> -> vector<24x1024xi32>
    %select_n3A_1998 = arith.select %eq3A_1991, %concatenate3A_1994, %concatenate3A_1997 : vector<24x1024xi1>, vector<24x1024xi32>
    %slice3A_1999 = vector.extract_strided_slice %select_n3A_1985 {offsets = [0, 8], sizes = [24, 1016], strides = [1, 1]} : vector<24x1024xi32> to vector<24x1016xi32>
    %slice3A_2000 = vector.extract_strided_slice %select_n3A_1985 {offsets = [0, 0], sizes = [24, 8], strides = [1, 1]} : vector<24x1024xi32> to vector<24x8xi32>
    %concatenate3A_2001 = tpu.concatenate %slice3A_1999, %slice3A_2000 in 1 : vector<24x1016xi32>, vector<24x8xi32> -> vector<24x1024xi32>
    %slice3A_2002 = vector.extract_strided_slice %select_n3A_1985 {offsets = [0, 1016], sizes = [24, 8], strides = [1, 1]} : vector<24x1024xi32> to vector<24x8xi32>
    %slice3A_2003 = vector.extract_strided_slice %select_n3A_1985 {offsets = [0, 0], sizes = [24, 1016], strides = [1, 1]} : vector<24x1024xi32> to vector<24x1016xi32>
    %concatenate3A_2004 = tpu.concatenate %slice3A_2002, %slice3A_2003 in 1 : vector<24x8xi32>, vector<24x1016xi32> -> vector<24x1024xi32>
    %select_n3A_2005 = arith.select %eq3A_1991, %concatenate3A_2001, %concatenate3A_2004 : vector<24x1024xi1>, vector<24x1024xi32>
    %gt3A_2006 = arith.cmpi sgt, %select_n3A_1998, %select_n3A_1984 : vector<24x1024xi32>
    %eq3A_2007 = arith.cmpi eq, %select_n3A_1998, %select_n3A_1984 : vector<24x1024xi32>
    %lt3A_2008 = arith.cmpi slt, %select_n3A_2005, %select_n3A_1985 : vector<24x1024xi32>
    %and3A_2009 = arith.andi %eq3A_2007, %lt3A_2008 : vector<24x1024xi1>
    %or3A_2010 = arith.ori %gt3A_2006, %and3A_2009 : vector<24x1024xi1>
    %and3A_2011 = arith.constant 1024 : i32
    %and3A_2012 = vector.broadcast %and3A_2011 : i32 to vector<24x1024xi32>
    %and3A_2013 = arith.andi %iota3A, %and3A_2012 : vector<24x1024xi32>
    %eq3A_2014 = arith.constant 0 : i32
    %eq3A_2015 = vector.broadcast %eq3A_2014 : i32 to vector<24x1024xi32>
    %eq3A_2016 = arith.cmpi eq, %and3A_2013, %eq3A_2015 : vector<24x1024xi32>
    %eq3A_2017 = arith.xori %eq3A_2016, %eq3A_1991 : vector<24x1024xi1>
    %eq3A_2018 = arith.constant dense<true> : vector<24x1024xi1>
    %eq3A_2019 = arith.xori %eq3A_2017, %eq3A_2018 : vector<24x1024xi1>
    %eq3A_2020 = arith.xori %eq3A_2019, %or3A_2010 : vector<24x1024xi1>
    %eq3A_2021 = arith.constant dense<true> : vector<24x1024xi1>
    %eq3A_2022 = arith.xori %eq3A_2020, %eq3A_2021 : vector<24x1024xi1>
    %select_n3A_2023 = arith.select %eq3A_2022, %select_n3A_1998, %select_n3A_1984 : vector<24x1024xi1>, vector<24x1024xi32>
    %select_n3A_2024 = arith.select %eq3A_2022, %select_n3A_2005, %select_n3A_1985 : vector<24x1024xi1>, vector<24x1024xi32>
    %and3A_2025 = arith.constant 4 : i32
    %and3A_2026 = vector.broadcast %and3A_2025 : i32 to vector<24x1024xi32>
    %and3A_2027 = arith.andi %iota3A, %and3A_2026 : vector<24x1024xi32>
    %eq3A_2028 = arith.constant 0 : i32
    %eq3A_2029 = vector.broadcast %eq3A_2028 : i32 to vector<24x1024xi32>
    %eq3A_2030 = arith.cmpi eq, %and3A_2027, %eq3A_2029 : vector<24x1024xi32>
    %slice3A_2031 = vector.extract_strided_slice %select_n3A_2023 {offsets = [0, 4], sizes = [24, 1020], strides = [1, 1]} : vector<24x1024xi32> to vector<24x1020xi32>
    %slice3A_2032 = vector.extract_strided_slice %select_n3A_2023 {offsets = [0, 0], sizes = [24, 4], strides = [1, 1]} : vector<24x1024xi32> to vector<24x4xi32>
    %concatenate3A_2033 = tpu.concatenate %slice3A_2031, %slice3A_2032 in 1 : vector<24x1020xi32>, vector<24x4xi32> -> vector<24x1024xi32>
    %slice3A_2034 = vector.extract_strided_slice %select_n3A_2023 {offsets = [0, 1020], sizes = [24, 4], strides = [1, 1]} : vector<24x1024xi32> to vector<24x4xi32>
    %slice3A_2035 = vector.extract_strided_slice %select_n3A_2023 {offsets = [0, 0], sizes = [24, 1020], strides = [1, 1]} : vector<24x1024xi32> to vector<24x1020xi32>
    %concatenate3A_2036 = tpu.concatenate %slice3A_2034, %slice3A_2035 in 1 : vector<24x4xi32>, vector<24x1020xi32> -> vector<24x1024xi32>
    %select_n3A_2037 = arith.select %eq3A_2030, %concatenate3A_2033, %concatenate3A_2036 : vector<24x1024xi1>, vector<24x1024xi32>
    %slice3A_2038 = vector.extract_strided_slice %select_n3A_2024 {offsets = [0, 4], sizes = [24, 1020], strides = [1, 1]} : vector<24x1024xi32> to vector<24x1020xi32>
    %slice3A_2039 = vector.extract_strided_slice %select_n3A_2024 {offsets = [0, 0], sizes = [24, 4], strides = [1, 1]} : vector<24x1024xi32> to vector<24x4xi32>
    %concatenate3A_2040 = tpu.concatenate %slice3A_2038, %slice3A_2039 in 1 : vector<24x1020xi32>, vector<24x4xi32> -> vector<24x1024xi32>
    %slice3A_2041 = vector.extract_strided_slice %select_n3A_2024 {offsets = [0, 1020], sizes = [24, 4], strides = [1, 1]} : vector<24x1024xi32> to vector<24x4xi32>
    %slice3A_2042 = vector.extract_strided_slice %select_n3A_2024 {offsets = [0, 0], sizes = [24, 1020], strides = [1, 1]} : vector<24x1024xi32> to vector<24x1020xi32>
    %concatenate3A_2043 = tpu.concatenate %slice3A_2041, %slice3A_2042 in 1 : vector<24x4xi32>, vector<24x1020xi32> -> vector<24x1024xi32>
    %select_n3A_2044 = arith.select %eq3A_2030, %concatenate3A_2040, %concatenate3A_2043 : vector<24x1024xi1>, vector<24x1024xi32>
    %gt3A_2045 = arith.cmpi sgt, %select_n3A_2037, %select_n3A_2023 : vector<24x1024xi32>
    %eq3A_2046 = arith.cmpi eq, %select_n3A_2037, %select_n3A_2023 : vector<24x1024xi32>
    %lt3A_2047 = arith.cmpi slt, %select_n3A_2044, %select_n3A_2024 : vector<24x1024xi32>
    %and3A_2048 = arith.andi %eq3A_2046, %lt3A_2047 : vector<24x1024xi1>
    %or3A_2049 = arith.ori %gt3A_2045, %and3A_2048 : vector<24x1024xi1>
    %and3A_2050 = arith.constant 1024 : i32
    %and3A_2051 = vector.broadcast %and3A_2050 : i32 to vector<24x1024xi32>
    %and3A_2052 = arith.andi %iota3A, %and3A_2051 : vector<24x1024xi32>
    %eq3A_2053 = arith.constant 0 : i32
    %eq3A_2054 = vector.broadcast %eq3A_2053 : i32 to vector<24x1024xi32>
    %eq3A_2055 = arith.cmpi eq, %and3A_2052, %eq3A_2054 : vector<24x1024xi32>
    %eq3A_2056 = arith.xori %eq3A_2055, %eq3A_2030 : vector<24x1024xi1>
    %eq3A_2057 = arith.constant dense<true> : vector<24x1024xi1>
    %eq3A_2058 = arith.xori %eq3A_2056, %eq3A_2057 : vector<24x1024xi1>
    %eq3A_2059 = arith.xori %eq3A_2058, %or3A_2049 : vector<24x1024xi1>
    %eq3A_2060 = arith.constant dense<true> : vector<24x1024xi1>
    %eq3A_2061 = arith.xori %eq3A_2059, %eq3A_2060 : vector<24x1024xi1>
    %select_n3A_2062 = arith.select %eq3A_2061, %select_n3A_2037, %select_n3A_2023 : vector<24x1024xi1>, vector<24x1024xi32>
    %select_n3A_2063 = arith.select %eq3A_2061, %select_n3A_2044, %select_n3A_2024 : vector<24x1024xi1>, vector<24x1024xi32>
    %and3A_2064 = arith.constant 2 : i32
    %and3A_2065 = vector.broadcast %and3A_2064 : i32 to vector<24x1024xi32>
    %and3A_2066 = arith.andi %iota3A, %and3A_2065 : vector<24x1024xi32>
    %eq3A_2067 = arith.constant 0 : i32
    %eq3A_2068 = vector.broadcast %eq3A_2067 : i32 to vector<24x1024xi32>
    %eq3A_2069 = arith.cmpi eq, %and3A_2066, %eq3A_2068 : vector<24x1024xi32>
    %slice3A_2070 = vector.extract_strided_slice %select_n3A_2062 {offsets = [0, 2], sizes = [24, 1022], strides = [1, 1]} : vector<24x1024xi32> to vector<24x1022xi32>
    %slice3A_2071 = vector.extract_strided_slice %select_n3A_2062 {offsets = [0, 0], sizes = [24, 2], strides = [1, 1]} : vector<24x1024xi32> to vector<24x2xi32>
    %concatenate3A_2072 = tpu.concatenate %slice3A_2070, %slice3A_2071 in 1 : vector<24x1022xi32>, vector<24x2xi32> -> vector<24x1024xi32>
    %slice3A_2073 = vector.extract_strided_slice %select_n3A_2062 {offsets = [0, 1022], sizes = [24, 2], strides = [1, 1]} : vector<24x1024xi32> to vector<24x2xi32>
    %slice3A_2074 = vector.extract_strided_slice %select_n3A_2062 {offsets = [0, 0], sizes = [24, 1022], strides = [1, 1]} : vector<24x1024xi32> to vector<24x1022xi32>
    %concatenate3A_2075 = tpu.concatenate %slice3A_2073, %slice3A_2074 in 1 : vector<24x2xi32>, vector<24x1022xi32> -> vector<24x1024xi32>
    %select_n3A_2076 = arith.select %eq3A_2069, %concatenate3A_2072, %concatenate3A_2075 : vector<24x1024xi1>, vector<24x1024xi32>
    %slice3A_2077 = vector.extract_strided_slice %select_n3A_2063 {offsets = [0, 2], sizes = [24, 1022], strides = [1, 1]} : vector<24x1024xi32> to vector<24x1022xi32>
    %slice3A_2078 = vector.extract_strided_slice %select_n3A_2063 {offsets = [0, 0], sizes = [24, 2], strides = [1, 1]} : vector<24x1024xi32> to vector<24x2xi32>
    %concatenate3A_2079 = tpu.concatenate %slice3A_2077, %slice3A_2078 in 1 : vector<24x1022xi32>, vector<24x2xi32> -> vector<24x1024xi32>
    %slice3A_2080 = vector.extract_strided_slice %select_n3A_2063 {offsets = [0, 1022], sizes = [24, 2], strides = [1, 1]} : vector<24x1024xi32> to vector<24x2xi32>
    %slice3A_2081 = vector.extract_strided_slice %select_n3A_2063 {offsets = [0, 0], sizes = [24, 1022], strides = [1, 1]} : vector<24x1024xi32> to vector<24x1022xi32>
    %concatenate3A_2082 = tpu.concatenate %slice3A_2080, %slice3A_2081 in 1 : vector<24x2xi32>, vector<24x1022xi32> -> vector<24x1024xi32>
    %select_n3A_2083 = arith.select %eq3A_2069, %concatenate3A_2079, %concatenate3A_2082 : vector<24x1024xi1>, vector<24x1024xi32>
    %gt3A_2084 = arith.cmpi sgt, %select_n3A_2076, %select_n3A_2062 : vector<24x1024xi32>
    %eq3A_2085 = arith.cmpi eq, %select_n3A_2076, %select_n3A_2062 : vector<24x1024xi32>
    %lt3A_2086 = arith.cmpi slt, %select_n3A_2083, %select_n3A_2063 : vector<24x1024xi32>
    %and3A_2087 = arith.andi %eq3A_2085, %lt3A_2086 : vector<24x1024xi1>
    %or3A_2088 = arith.ori %gt3A_2084, %and3A_2087 : vector<24x1024xi1>
    %and3A_2089 = arith.constant 1024 : i32
    %and3A_2090 = vector.broadcast %and3A_2089 : i32 to vector<24x1024xi32>
    %and3A_2091 = arith.andi %iota3A, %and3A_2090 : vector<24x1024xi32>
    %eq3A_2092 = arith.constant 0 : i32
    %eq3A_2093 = vector.broadcast %eq3A_2092 : i32 to vector<24x1024xi32>
    %eq3A_2094 = arith.cmpi eq, %and3A_2091, %eq3A_2093 : vector<24x1024xi32>
    %eq3A_2095 = arith.xori %eq3A_2094, %eq3A_2069 : vector<24x1024xi1>
    %eq3A_2096 = arith.constant dense<true> : vector<24x1024xi1>
    %eq3A_2097 = arith.xori %eq3A_2095, %eq3A_2096 : vector<24x1024xi1>
    %eq3A_2098 = arith.xori %eq3A_2097, %or3A_2088 : vector<24x1024xi1>
    %eq3A_2099 = arith.constant dense<true> : vector<24x1024xi1>
    %eq3A_2100 = arith.xori %eq3A_2098, %eq3A_2099 : vector<24x1024xi1>
    %select_n3A_2101 = arith.select %eq3A_2100, %select_n3A_2076, %select_n3A_2062 : vector<24x1024xi1>, vector<24x1024xi32>
    %select_n3A_2102 = arith.select %eq3A_2100, %select_n3A_2083, %select_n3A_2063 : vector<24x1024xi1>, vector<24x1024xi32>
    %and3A_2103 = arith.constant 1 : i32
    %and3A_2104 = vector.broadcast %and3A_2103 : i32 to vector<24x1024xi32>
    %and3A_2105 = arith.andi %iota3A, %and3A_2104 : vector<24x1024xi32>
    %eq3A_2106 = arith.constant 0 : i32
    %eq3A_2107 = vector.broadcast %eq3A_2106 : i32 to vector<24x1024xi32>
    %eq3A_2108 = arith.cmpi eq, %and3A_2105, %eq3A_2107 : vector<24x1024xi32>
    %slice3A_2109 = vector.extract_strided_slice %select_n3A_2101 {offsets = [0, 1], sizes = [24, 1023], strides = [1, 1]} : vector<24x1024xi32> to vector<24x1023xi32>
    %slice3A_2110 = vector.extract_strided_slice %select_n3A_2101 {offsets = [0, 0], sizes = [24, 1], strides = [1, 1]} : vector<24x1024xi32> to vector<24x1xi32>
    %concatenate3A_2111 = tpu.concatenate %slice3A_2109, %slice3A_2110 in 1 : vector<24x1023xi32>, vector<24x1xi32> -> vector<24x1024xi32>
    %slice3A_2112 = vector.extract_strided_slice %select_n3A_2101 {offsets = [0, 1023], sizes = [24, 1], strides = [1, 1]} : vector<24x1024xi32> to vector<24x1xi32>
    %slice3A_2113 = vector.extract_strided_slice %select_n3A_2101 {offsets = [0, 0], sizes = [24, 1023], strides = [1, 1]} : vector<24x1024xi32> to vector<24x1023xi32>
    %concatenate3A_2114 = tpu.concatenate %slice3A_2112, %slice3A_2113 in 1 : vector<24x1xi32>, vector<24x1023xi32> -> vector<24x1024xi32>
    %select_n3A_2115 = arith.select %eq3A_2108, %concatenate3A_2111, %concatenate3A_2114 : vector<24x1024xi1>, vector<24x1024xi32>
    %slice3A_2116 = vector.extract_strided_slice %select_n3A_2102 {offsets = [0, 1], sizes = [24, 1023], strides = [1, 1]} : vector<24x1024xi32> to vector<24x1023xi32>
    %slice3A_2117 = vector.extract_strided_slice %select_n3A_2102 {offsets = [0, 0], sizes = [24, 1], strides = [1, 1]} : vector<24x1024xi32> to vector<24x1xi32>
    %concatenate3A_2118 = tpu.concatenate %slice3A_2116, %slice3A_2117 in 1 : vector<24x1023xi32>, vector<24x1xi32> -> vector<24x1024xi32>
    %slice3A_2119 = vector.extract_strided_slice %select_n3A_2102 {offsets = [0, 1023], sizes = [24, 1], strides = [1, 1]} : vector<24x1024xi32> to vector<24x1xi32>
    %slice3A_2120 = vector.extract_strided_slice %select_n3A_2102 {offsets = [0, 0], sizes = [24, 1023], strides = [1, 1]} : vector<24x1024xi32> to vector<24x1023xi32>
    %concatenate3A_2121 = tpu.concatenate %slice3A_2119, %slice3A_2120 in 1 : vector<24x1xi32>, vector<24x1023xi32> -> vector<24x1024xi32>
    %select_n3A_2122 = arith.select %eq3A_2108, %concatenate3A_2118, %concatenate3A_2121 : vector<24x1024xi1>, vector<24x1024xi32>
    %gt3A_2123 = arith.cmpi sgt, %select_n3A_2115, %select_n3A_2101 : vector<24x1024xi32>
    %eq3A_2124 = arith.cmpi eq, %select_n3A_2115, %select_n3A_2101 : vector<24x1024xi32>
    %lt3A_2125 = arith.cmpi slt, %select_n3A_2122, %select_n3A_2102 : vector<24x1024xi32>
    %and3A_2126 = arith.andi %eq3A_2124, %lt3A_2125 : vector<24x1024xi1>
    %or3A_2127 = arith.ori %gt3A_2123, %and3A_2126 : vector<24x1024xi1>
    %and3A_2128 = arith.constant 1024 : i32
    %and3A_2129 = vector.broadcast %and3A_2128 : i32 to vector<24x1024xi32>
    %and3A_2130 = arith.andi %iota3A, %and3A_2129 : vector<24x1024xi32>
    %eq3A_2131 = arith.constant 0 : i32
    %eq3A_2132 = vector.broadcast %eq3A_2131 : i32 to vector<24x1024xi32>
    %eq3A_2133 = arith.cmpi eq, %and3A_2130, %eq3A_2132 : vector<24x1024xi32>
    %eq3A_2134 = arith.xori %eq3A_2133, %eq3A_2108 : vector<24x1024xi1>
    %eq3A_2135 = arith.constant dense<true> : vector<24x1024xi1>
    %eq3A_2136 = arith.xori %eq3A_2134, %eq3A_2135 : vector<24x1024xi1>
    %eq3A_2137 = arith.xori %eq3A_2136, %or3A_2127 : vector<24x1024xi1>
    %eq3A_2138 = arith.constant dense<true> : vector<24x1024xi1>
    %eq3A_2139 = arith.xori %eq3A_2137, %eq3A_2138 : vector<24x1024xi1>
    %select_n3A_2140 = arith.select %eq3A_2139, %select_n3A_2115, %select_n3A_2101 : vector<24x1024xi1>, vector<24x1024xi32>
    %select_n3A_2141 = arith.select %eq3A_2139, %select_n3A_2122, %select_n3A_2102 : vector<24x1024xi1>, vector<24x1024xi32>
    %swap3A = arith.constant 0 : index
    %swap3A_2142 = arith.constant 0 : index
    %swap3A_2143 = vector.load %arg2[%swap3A, %swap3A_2142] : memref<24x1024xi32, #tpu.memory_space<vmem>>, vector<24x1024xi32>
    tpu.vector_store %arg2[%swap3A, %swap3A_2142], %select_n3A_2140 {strides = array<i32>} : memref<24x1024xi32, #tpu.memory_space<vmem>>, vector<24x1024xi32>,
    %swap3A_2144 = arith.constant 0 : index
    %swap3A_2145 = arith.constant 0 : index
    %swap3A_2146 = vector.load %arg3[%swap3A_2144, %swap3A_2145] : memref<24x1024xi32, #tpu.memory_space<vmem>>, vector<24x1024xi32>
    tpu.vector_store %arg3[%swap3A_2144, %swap3A_2145], %select_n3A_2141 {strides = array<i32>} : memref<24x1024xi32, #tpu.memory_space<vmem>>, vector<24x1024xi32>,
    return
  }
}

module attributes {stable_mosaic.version = 14 : i64} {
  func.func @body(%arg0: i32, %arg1: memref<400x64xf32, #tpu.memory_space<vmem>>, %arg2: memref<64x2688xf32, #tpu.memory_space<vmem>>, %arg3: memref<1x1x400xf32, #tpu.memory_space<vmem>>, %arg4: memref<1x1xf32, #tpu.memory_space<vmem>>, %arg5: memref<1x1x64xf32, #tpu.memory_space<vmem>>) attributes {dimension_semantics = [#tpu.dimension_semantics<arbitrary>], iteration_bounds = array<i64: 34>, scalar_prefetch = 0 : i64, scratch_operands = 0 : i64, tpu.core_type = #tpu.core_type<tc>, window_params = [{transform_indices = @transform_0, window_bounds = array<i64: 400, 64>}, {pipeline_mode = #tpu.pipeline_mode<synchronous>, transform_indices = @transform_1, window_bounds = array<i64: 64, 2688>}, {transform_indices = @transform_2, window_bounds = array<i64: 1, 1, 400>}, {pipeline_mode = #tpu.pipeline_mode<synchronous>, transform_indices = @transform_3, window_bounds = array<i64: 1, 1>}, {transform_indices = @transform_4, window_bounds = array<i64: 1, 1, 64>}]} {
    %get3A = arith.constant 0 : index
    %get3A_0 = arith.constant 0 : index
    %get3A_1 = vector.load %arg1[%get3A, %get3A_0] : memref<400x64xf32, #tpu.memory_space<vmem>>, vector<400x64xf32>
    %mul3A = arith.mulf %get3A_1, %get3A_1 : vector<400x64xf32>
    %reduce_sum3A = arith.constant dense<0.000000e+00> : vector<400xf32>
    %reduce_sum3A_2 = vector.multi_reduction <add>, %mul3A, %reduce_sum3A [1] : vector<400x64xf32> to vector<400xf32>
    %broadcast_in_dim3A = vector.shape_cast %reduce_sum3A_2 : vector<400xf32> to vector<400x1xf32>
    %sqrt3A = math.sqrt %broadcast_in_dim3A : vector<400x1xf32>
    %max3A = arith.constant 9.99999996E-13 : f32
    %max3A_3 = vector.broadcast %max3A : f32 to vector<400x1xf32>
    %max3A_4 = arith.maximumf %sqrt3A, %max3A_3 : vector<400x1xf32>
    %div3A = vector.broadcast %max3A_4 : vector<400x1xf32> to vector<400x64xf32>
    %div3A_5 = arith.divf %get3A_1, %div3A : vector<400x64xf32>
    %get3A_6 = arith.constant 0 : index
    %get3A_7 = arith.constant 0 : index
    %get3A_8 = arith.constant 0 : index
    %get3A_9 = vector.load %arg3[%get3A_6, %get3A_7, %get3A_8] : memref<1x1x400xf32, #tpu.memory_space<vmem>>, vector<1x1x400xf32>
    %get3A_10 = vector.shape_cast %get3A_9 : vector<1x1x400xf32> to vector<400xf32>
    %broadcast_in_dim3A_11 = vector.shape_cast %get3A_10 : vector<400xf32> to vector<400x1xf32>
    %mul3A_12 = vector.broadcast %broadcast_in_dim3A_11 : vector<400x1xf32> to vector<400x64xf32>
    %mul3A_13 = arith.mulf %div3A_5, %mul3A_12 : vector<400x64xf32>
    %reduce_sum3A_14 = arith.constant dense<0.000000e+00> : vector<64xf32>
    %reduce_sum3A_15 = vector.multi_reduction <add>, %mul3A_13, %reduce_sum3A_14 [0] : vector<400x64xf32> to vector<64xf32>
    %swap3A = arith.constant 0 : index
    %swap3A_16 = arith.constant 0 : index
    %swap3A_17 = arith.constant 0 : index
    %swap3A_18 = vector.load %arg5[%swap3A, %swap3A_16, %swap3A_17] : memref<1x1x64xf32, #tpu.memory_space<vmem>>, vector<1x1x64xf32>
    %swap3A_19 = vector.shape_cast %swap3A_18 : vector<1x1x64xf32> to vector<64xf32>
    %swap3A_20 = vector.shape_cast %reduce_sum3A_15 : vector<64xf32> to vector<1x1x64xf32>
    tpu.vector_store %arg5[%swap3A, %swap3A_16, %swap3A_17], %swap3A_20 {strides = array<i32>} : memref<1x1x64xf32, #tpu.memory_space<vmem>>, vector<1x1x64xf32>,
    %get3A_21 = arith.constant 0 : index
    %get3A_22 = arith.constant 0 : index
    %get3A_23 = vector.load %arg2[%get3A_21, %get3A_22] : memref<64x2688xf32, #tpu.memory_space<vmem>>, vector<64x2688xf32>
    %dot_general3A = arith.constant dense<0.000000e+00> : vector<400x2688xf32>
    %dot_general3A_24 = tpu.matmul %div3A_5, %get3A_23, %dot_general3A {dimension_numbers = #tpu.dot_dimension_numbers<[1], [0], [0], [1], [0, 0, 1, 1], [], []>, precision = #tpu.contract_precision<fp32>, transpose_lhs_hint = false} : vector<400x64xf32>, vector<64x2688xf32>, vector<400x2688xf32> -> vector<400x2688xf32>
    %mul3A_25 = arith.constant 1.000000e+01 : f32
    %mul3A_26 = vector.broadcast %mul3A_25 : f32 to vector<400x2688xf32>
    %mul3A_27 = arith.mulf %dot_general3A_24, %mul3A_26 : vector<400x2688xf32>
    %iota3A = tpu.iota {dimensions = array<i32: 1>} : vector<400x2688xi32>
    %lt3A = arith.constant 2567 : i32
    %lt3A_28 = vector.broadcast %lt3A : i32 to vector<400x2688xi32>
    %lt3A_29 = arith.cmpi slt, %iota3A, %lt3A_28 : vector<400x2688xi32>
    %lt3A_30 = arith.constant 2550 : i32
    %lt3A_31 = vector.broadcast %lt3A_30 : i32 to vector<400x2688xi32>
    %lt3A_32 = arith.cmpi slt, %iota3A, %lt3A_31 : vector<400x2688xi32>
    %jit3A = arith.constant 150 : i32
    %div3A_33 = vector.broadcast %jit3A : i32 to vector<400x2688xi32>
    %div3A_34 = arith.divsi %iota3A, %div3A_33 : vector<400x2688xi32>
    %sign3A = arith.constant 0 : i32
    %sign3A_35 = vector.broadcast %sign3A : i32 to vector<400x2688xi32>
    %sign3A_36 = arith.cmpi sgt, %iota3A, %sign3A_35 : vector<400x2688xi32>
    %sign3A_37 = arith.extui %sign3A_36 : vector<400x2688xi1> to vector<400x2688xi32>
    %sign3A_38 = arith.constant 0 : i32
    %sign3A_39 = vector.broadcast %sign3A_38 : i32 to vector<400x2688xi32>
    %sign3A_40 = arith.cmpi slt, %iota3A, %sign3A_39 : vector<400x2688xi32>
    %sign3A_41 = arith.extui %sign3A_40 : vector<400x2688xi1> to vector<400x2688xi32>
    %sign3A_42 = arith.subi %sign3A_37, %sign3A_41 : vector<400x2688xi32>
    %sign3A_43 = arith.constant 0 : i32
    %sign3A_44 = arith.cmpi sgt, %jit3A, %sign3A_43 : i32
    %sign3A_45 = arith.extui %sign3A_44 : i1 to i32
    %sign3A_46 = arith.constant 0 : i32
    %sign3A_47 = arith.cmpi slt, %jit3A, %sign3A_46 : i32
    %sign3A_48 = arith.extui %sign3A_47 : i1 to i32
    %sign3A_49 = arith.subi %sign3A_45, %sign3A_48 : i32
    %ne3A = vector.broadcast %sign3A_49 : i32 to vector<400x2688xi32>
    %ne3A_50 = arith.cmpi ne, %sign3A_42, %ne3A : vector<400x2688xi32>
    %rem3A = vector.broadcast %jit3A : i32 to vector<400x2688xi32>
    %rem3A_51 = arith.remsi %iota3A, %rem3A : vector<400x2688xi32>
    %ne3A_52 = arith.constant 0 : i32
    %ne3A_53 = vector.broadcast %ne3A_52 : i32 to vector<400x2688xi32>
    %ne3A_54 = arith.cmpi ne, %rem3A_51, %ne3A_53 : vector<400x2688xi32>
    %and3A = arith.andi %ne3A_50, %ne3A_54 : vector<400x2688xi1>
    %sub3A = arith.constant 1 : i32
    %sub3A_55 = vector.broadcast %sub3A : i32 to vector<400x2688xi32>
    %sub3A_56 = arith.subi %div3A_34, %sub3A_55 : vector<400x2688xi32>
    %select_n3A = arith.select %and3A, %sub3A_56, %div3A_34 : vector<400x2688xi1>, vector<400x2688xi32>
    %sub3A_57 = arith.constant 2550 : i32
    %sub3A_58 = vector.broadcast %sub3A_57 : i32 to vector<400x2688xi32>
    %sub3A_59 = arith.subi %iota3A, %sub3A_58 : vector<400x2688xi32>
    %select_n3A_60 = arith.select %lt3A_32, %select_n3A, %sub3A_59 : vector<400x2688xi1>, vector<400x2688xi32>
    %iota3A_61 = tpu.iota {dimensions = array<i32: 0>} : vector<400x2688xi32>
    %mul3A_62 = arith.constant 400 : i32
    %mul3A_63 = arith.muli %arg0, %mul3A_62 : i32
    %add3A = vector.broadcast %mul3A_63 : i32 to vector<400x2688xi32>
    %add3A_64 = arith.addi %add3A, %iota3A_61 : vector<400x2688xi32>
    %jit3A_65 = arith.constant 800 : i32
    %div3A_66 = vector.broadcast %jit3A_65 : i32 to vector<400x2688xi32>
    %div3A_67 = arith.divsi %add3A_64, %div3A_66 : vector<400x2688xi32>
    %sign3A_68 = arith.constant 0 : i32
    %sign3A_69 = vector.broadcast %sign3A_68 : i32 to vector<400x2688xi32>
    %sign3A_70 = arith.cmpi sgt, %add3A_64, %sign3A_69 : vector<400x2688xi32>
    %sign3A_71 = arith.extui %sign3A_70 : vector<400x2688xi1> to vector<400x2688xi32>
    %sign3A_72 = arith.constant 0 : i32
    %sign3A_73 = vector.broadcast %sign3A_72 : i32 to vector<400x2688xi32>
    %sign3A_74 = arith.cmpi slt, %add3A_64, %sign3A_73 : vector<400x2688xi32>
    %sign3A_75 = arith.extui %sign3A_74 : vector<400x2688xi1> to vector<400x2688xi32>
    %sign3A_76 = arith.subi %sign3A_71, %sign3A_75 : vector<400x2688xi32>
    %sign3A_77 = arith.constant 0 : i32
    %sign3A_78 = arith.cmpi sgt, %jit3A_65, %sign3A_77 : i32
    %sign3A_79 = arith.extui %sign3A_78 : i1 to i32
    %sign3A_80 = arith.constant 0 : i32
    %sign3A_81 = arith.cmpi slt, %jit3A_65, %sign3A_80 : i32
    %sign3A_82 = arith.extui %sign3A_81 : i1 to i32
    %sign3A_83 = arith.subi %sign3A_79, %sign3A_82 : i32
    %ne3A_84 = vector.broadcast %sign3A_83 : i32 to vector<400x2688xi32>
    %ne3A_85 = arith.cmpi ne, %sign3A_76, %ne3A_84 : vector<400x2688xi32>
    %rem3A_86 = vector.broadcast %jit3A_65 : i32 to vector<400x2688xi32>
    %rem3A_87 = arith.remsi %add3A_64, %rem3A_86 : vector<400x2688xi32>
    %ne3A_88 = arith.constant 0 : i32
    %ne3A_89 = vector.broadcast %ne3A_88 : i32 to vector<400x2688xi32>
    %ne3A_90 = arith.cmpi ne, %rem3A_87, %ne3A_89 : vector<400x2688xi32>
    %and3A_91 = arith.andi %ne3A_85, %ne3A_90 : vector<400x2688xi1>
    %sub3A_92 = arith.constant 1 : i32
    %sub3A_93 = vector.broadcast %sub3A_92 : i32 to vector<400x2688xi32>
    %sub3A_94 = arith.subi %div3A_67, %sub3A_93 : vector<400x2688xi32>
    %select_n3A_95 = arith.select %and3A_91, %sub3A_94, %div3A_67 : vector<400x2688xi1>, vector<400x2688xi32>
    %eq3A = arith.cmpi eq, %select_n3A_95, %select_n3A_60 : vector<400x2688xi32>
    %and3A_96 = arith.andi %eq3A, %lt3A_29 : vector<400x2688xi1>
    %jit3A_97 = arith.constant -1.000000e+30 : f32
    %broadcast_in_dim3A_98 = vector.broadcast %jit3A_97 : f32 to vector<400x2688xf32>
    %select_n3A_99 = arith.select %lt3A_29, %mul3A_27, %broadcast_in_dim3A_98 : vector<400x2688xi1>, vector<400x2688xf32>
    %reduce_max3A = arith.constant dense<0xFF800000> : vector<400xf32>
    %reduce_max3A_100 = vector.multi_reduction <maximumf>, %select_n3A_99, %reduce_max3A [1] : vector<400x2688xf32> to vector<400xf32>
    %broadcast_in_dim3A_101 = vector.shape_cast %reduce_max3A_100 : vector<400xf32> to vector<400x1xf32>
    %sub3A_102 = vector.broadcast %broadcast_in_dim3A_101 : vector<400x1xf32> to vector<400x2688xf32>
    %sub3A_103 = arith.subf %select_n3A_99, %sub3A_102 : vector<400x2688xf32>
    %exp3A = math.exp %sub3A_103 : vector<400x2688xf32>
    %jit3A_104 = arith.constant 0.000000e+00 : f32
    %broadcast_in_dim3A_105 = vector.broadcast %jit3A_104 : f32 to vector<400x2688xf32>
    %select_n3A_106 = arith.select %lt3A_29, %exp3A, %broadcast_in_dim3A_105 : vector<400x2688xi1>, vector<400x2688xf32>
    %reduce_sum3A_107 = arith.constant dense<0.000000e+00> : vector<400xf32>
    %reduce_sum3A_108 = vector.multi_reduction <add>, %select_n3A_106, %reduce_sum3A_107 [1] : vector<400x2688xf32> to vector<400xf32>
    %broadcast_in_dim3A_109 = vector.shape_cast %reduce_sum3A_108 : vector<400xf32> to vector<400x1xf32>
    %log3A = math.log %broadcast_in_dim3A_109 : vector<400x1xf32>
    %sub3A_110 = vector.broadcast %log3A : vector<400x1xf32> to vector<400x2688xf32>
    %sub3A_111 = arith.subf %sub3A_103, %sub3A_110 : vector<400x2688xf32>
    %jit3A_112 = arith.constant 0.000000e+00 : f32
    %broadcast_in_dim3A_113 = vector.broadcast %jit3A_112 : f32 to vector<400x2688xf32>
    %select_n3A_114 = arith.select %and3A_96, %sub3A_111, %broadcast_in_dim3A_113 : vector<400x2688xi1>, vector<400x2688xf32>
    %reduce_sum3A_115 = arith.constant dense<0.000000e+00> : vector<400xf32>
    %reduce_sum3A_116 = vector.multi_reduction <add>, %select_n3A_114, %reduce_sum3A_115 [1] : vector<400x2688xf32> to vector<400xf32>
    %mul3A_117 = arith.constant -6.62251667E-4 : f32
    %mul3A_118 = vector.broadcast %mul3A_117 : f32 to vector<400xf32>
    %mul3A_119 = arith.mulf %mul3A_118, %reduce_sum3A_116 : vector<400xf32>
    %mul3A_120 = arith.mulf %mul3A_119, %get3A_10 : vector<400xf32>
    %reduce_sum3A_121 = vector.shape_cast %mul3A_120 : vector<400xf32> to vector<1x400xf32>
    %reduce_sum3A_122 = arith.constant dense<0.000000e+00> : vector<1xf32>
    %reduce_sum3A_123 = vector.multi_reduction <add>, %reduce_sum3A_121, %reduce_sum3A_122 [1] : vector<1x400xf32> to vector<1xf32>
    %reduce_sum3A_124 = vector.shape_cast %reduce_sum3A_123 : vector<1xf32> to vector<1x1xf32>
    %reduce_sum3A_125 = vector.extract %reduce_sum3A_124[0, 0] : f32 from vector<1x1xf32>
    %eq3A_126 = arith.constant 0 : i32
    %eq3A_127 = arith.cmpi eq, %arg0, %eq3A_126 : i32
    %convert_element_type3A = arith.extui %eq3A_127 : i1 to i32
    %cond3A = arith.constant 0 : i32
    %cond3A_128 = arith.cmpi ne, %convert_element_type3A, %cond3A : i32
    scf.if %cond3A_128 {
      %broadcast_in_dim3A_137 = arith.constant 0.000000e+00 : f32
      %broadcast_in_dim3A_138 = vector.broadcast %broadcast_in_dim3A_137 : f32 to vector<1x1xf32>
      %swap3A_139 = arith.constant 0 : index
      %swap3A_140 = arith.constant 0 : index
      %swap3A_141 = vector.load %arg4[%swap3A_139, %swap3A_140] : memref<1x1xf32, #tpu.memory_space<vmem>>, vector<1x1xf32>
      tpu.vector_store %arg4[%swap3A_139, %swap3A_140], %broadcast_in_dim3A_138 {strides = array<i32>} : memref<1x1xf32, #tpu.memory_space<vmem>>, vector<1x1xf32>,
    } else {
    }
    %get3A_129 = arith.constant 0 : index
    %get3A_130 = arith.constant 0 : index
    %get3A_131 = vector.load %arg4[%get3A_129, %get3A_130] : memref<1x1xf32, #tpu.memory_space<vmem>>, vector<1x1xf32>
    %broadcast_in_dim3A_132 = vector.broadcast %reduce_sum3A_125 : f32 to vector<1x1xf32>
    %add3A_133 = arith.addf %get3A_131, %broadcast_in_dim3A_132 : vector<1x1xf32>
    %swap3A_134 = arith.constant 0 : index
    %swap3A_135 = arith.constant 0 : index
    %swap3A_136 = vector.load %arg4[%swap3A_134, %swap3A_135] : memref<1x1xf32, #tpu.memory_space<vmem>>, vector<1x1xf32>
    tpu.vector_store %arg4[%swap3A_134, %swap3A_135], %add3A_133 {strides = array<i32>} : memref<1x1xf32, #tpu.memory_space<vmem>>, vector<1x1xf32>,
    return
  }
  func.func @transform_0(%arg0: i32) -> (i32, i32) {
    %c0_i32 = arith.constant 0 : i32
    %c0_i32_0 = arith.constant 0 : i32
    return %arg0, %c0_i32 : i32, i32
  }
  func.func @transform_1(%arg0: i32) -> (i32, i32) {
    %c0_i32 = arith.constant 0 : i32
    %c0_i32_0 = arith.constant 0 : i32
    %c0_i32_1 = arith.constant 0 : i32
    return %c0_i32, %c0_i32_0 : i32, i32
  }
  func.func @transform_2(%arg0: i32) -> (i32, i32, i32) {
    %c0_i32 = arith.constant 0 : i32
    %c0_i32_0 = arith.constant 0 : i32
    %c0_i32_1 = arith.constant 0 : i32
    return %arg0, %c0_i32, %c0_i32_0 : i32, i32, i32
  }
  func.func @transform_3(%arg0: i32) -> (i32, i32) {
    %c0_i32 = arith.constant 0 : i32
    %c0_i32_0 = arith.constant 0 : i32
    %c0_i32_1 = arith.constant 0 : i32
    return %c0_i32, %c0_i32_0 : i32, i32
  }
  func.func @transform_4(%arg0: i32) -> (i32, i32, i32) {
    %c0_i32 = arith.constant 0 : i32
    %c0_i32_0 = arith.constant 0 : i32
    %c0_i32_1 = arith.constant 0 : i32
    return %arg0, %c0_i32, %c0_i32_0 : i32, i32, i32
  }
}

</mosaic_0001>

<sc_bundles>
// kernel: gather_offload_async_start
scs
__scs_entry_jumppad:
0x0: {  	(pc) =	sbr.rel $0x88, $3  }
0x1: {  	(tag) =	ssettag $0x0;
	lr =	simm.s32 $0x1  }
0x2: {  	[smem:$0x3F9B] =	sst lr;
	_ =	strace $0xD0000000  }
0x3: {  	_ = 	snop  }
0x4: {  	_ = 	snop  }
0x5: {  	_ = 	snop  }
0x6: {  	_ = 	snop  }
0x7: {  	_ = 	snop  }
__scs_overlays_trampoline_lowered:
0x8: {  	[smem:$0x3FAA] =	sst s0  }
0x9: {  	[smem:$0x3FAB] =	sst s1  }
0xa: {  	[smem:$0x3FAC] =	sst s2  }
0xb: {  	[smem:$0x3FAD] =	sst s3  }
0xc: {  	[smem:$0x3FAE] =	sst s4  }
0xd: {  	[smem:$0x3FAF] =	sst s5  }
0xe: {  	[smem:$0x3FB0] =	sst s6  }
0xf: {  	[smem:$0x3FB1] =	sst s7  }
0x10: {  	[smem:$0x3FB2] =	sst s8  }
0x11: {  	[smem:$0x3FB3] =	sst s9;
	s0 =	simm.s32 @!p0 $0x0  }
0x12: {  	s1 =	sld [smem:$0x3F99];
	s0 =	simm.s32 @p0 $0x1  }
0x13: {  	[smem:$0x3FB4] =	sst s0;
	s0 =	simm.s32 @!p1 $0x0  }
0x14: {  	s2 =	sld [smem:$0x3F98];
	s0 =	simm.s32 @p1 $0x1  }
0x15: {  	[smem:$0x3FB5] =	sst s0;
	s0 =	simm.s32 @!p2 $0x0  }
0x16: {  	s3 =	sld [smem:$0x3FDB];
	s0 =	simm.s32 @p2 $0x1  }
0x17: {  	s4 =	simm.s32 $0x1BF5;
	[smem:$0x3FB7] =	sst s0  }
0x18: {  	s0 =	sld [smem:$0x3F9A];
	_ =	swait.ge [sflag:s4], $0x0  }
0x19: {  	s7 =	sld [smem:$0x3F9B]  }
0x1a: {  	s8 =	sadd.s32 $0xFFFFE003, lr  }
0x1b: {  	s9 =	sadd.s32 $0xFFFFFEF7, lr;
	s5 =	simm.s32 $0xFFFFFFFF;
	p2 =	slt.u32 s8, $0xFFFFF086  }
0x1c: {  	p1 =	slt.u32 s9, $0xF7A;
	s5 =	simm.s32 @!p2 $0x0  }
0x1d: {  	s5 =	simm.s32 @p1 $0x1;
	p0 =	seq.s32 s7, s2  }
0x1e: {  	s7 =	smul.u32 @!p0 $0xF7A, s2;
	p2 =	seq.s32 @!p0 s5, $0x0  }
0x1f: {  	s9 =	smul.u32 $0xF7A, s1;
	s8 =	simm.s32 @!p0 $0x1BF5;
	p2 =	por !p2, p0  }
0x20: {  	[sflag:s8] =	ssyncset.s32 @!p0 $0xFFFFF086;
	s6 =	sadd.s32 @!p0 s3, s7;
	s7 =	simm.s32 @!p0 $0x108  }
0x21: {  	s3 =	sadd.s32 s3, s9;
	s6 =	sadd.s32 @!p0 $0x88, s6;
	s7 =	simm.s32 @p2 $0x1082  }
0x22: {  	[simem:s7], [sflag:s8] =	dma.local @!p0 [hbm:s6], $0xF7A  }
0x23: {  	s9 =	sor.u32 $0xD0000000, s2;
	s6 =	simm.s32 $0x108;
	_ =	swait.ge @!p0 [sflag:s8], $0x0  }
0x24: {  	s3 =	sadd.s32 $0x88, s3;
	s6 =	simm.s32 @!p1 $0x1082;
	[sflag:s4] =	ssyncset.s32 $0xFFFFF086  }
0x25: {  	[simem:s6], [sflag:s4] =	dma.local [hbm:s3], $0xF7A  }
0x26: {  	[smem:$0x3F9B] =	sst s1;
	(tag) =	ssettag s2;
	_ =	strace s9  }
0x27: {  	s1 =	sld [smem:$0x3FAB]  }
0x28: {  	s2 =	sld [smem:$0x3FAC]  }
0x29: {  	s4 =	sld [smem:$0x3FAE]  }
0x2a: {  	p0 =	seq.s32 s5, $0x0;
	s5 =	sld [smem:$0x3FAF]  }
0x2b: {  	s6 =	sld [smem:$0x3FB0]  }
0x2c: {  	s7 =	sld [smem:$0x3FB1]  }
0x2d: {  	s3 =	simm.s32 $0x108;
	s8 =	sld [smem:$0x3FB2]  }
0x2e: {  	s3 =	simm.s32 @!p0 $0x1082;
	s9 =	sld [smem:$0x3FB3]  }
0x2f: {  	lr =	sadd.s32 s0, s3;
	s0 =	sld [smem:$0x3FAA]  }
0x30: {  	s3 =	sld [smem:$0x3FAD]  }
0x31: {  	[smem:$0x3FB6] =	sst s10  }
0x32: {  	s10 =	sld [smem:$0x3FB4];
	_ =	sdelay $0x3  }
0x33: {  	p0 =	seq.s32 s10, $0x1;
	s10 =	sld [smem:$0x3FB6];
	_ =	sdelay $0x3  }
0x34: {  	[smem:$0x3FB6] =	sst s10  }
0x35: {  	s10 =	sld [smem:$0x3FB5];
	_ =	sdelay $0x3  }
0x36: {  	p1 =	seq.s32 s10, $0x1;
	s10 =	sld [smem:$0x3FB6];
	_ =	sdelay $0x3  }
0x37: {  	[smem:$0x3FB6] =	sst s10  }
0x38: {  	s10 =	sld [smem:$0x3FB7]  }
0x39: {  	_ = 	snop;
	(pc) =	sbr.ind lr, $3  }
0x3a: {  	_ = 	snop  }
0x3b: {  	_ = 	snop  }
0x3c: {  	p2 =	seq.s32 s10, $0x1;
	s10 =	sld [smem:$0x3FB6]  }
0x3d: {  	_ =	shalt  }
0x3e: {  	_ =	shalt  }
0x3f: {  	_ =	shalt  }
0x40: {  	_ =	shalt  }
0x41: {  	_ =	shalt  }
0x42: {  	_ =	shalt  }
0x43: {  	_ =	shalt  }
0x44: {  	_ =	shalt  }
0x45: {  	_ =	shalt  }
0x46: {  	_ =	shalt  }
0x47: {  	_ =	shalt  }
0x48: {  	_ =	shalt  }
0x49: {  	_ =	shalt  }
0x4a: {  	_ =	shalt  }
0x4b: {  	_ =	shalt  }
0x4c: {  	_ =	shalt  }
0x4d: {  	_ =	shalt  }
0x4e: {  	_ =	shalt  }
0x4f: {  	_ =	shalt  }
0x50: {  	_ =	shalt  }
0x51: {  	_ =	shalt  }
0x52: {  	_ =	shalt  }
0x53: {  	_ =	shalt  }
0x54: {  	_ =	shalt  }
0x55: {  	_ =	shalt  }
0x56: {  	_ =	shalt  }
0x57: {  	_ =	shalt  }
0x58: {  	_ =	shalt  }
0x59: {  	_ =	shalt  }
0x5a: {  	_ =	shalt  }
0x5b: {  	_ =	shalt  }
0x5c: {  	_ =	shalt  }
0x5d: {  	_ =	shalt  }
0x5e: {  	_ =	shalt  }
0x5f: {  	_ =	shalt  }
0x60: {  	_ =	shalt  }
0x61: {  	_ =	shalt  }
0x62: {  	_ =	shalt  }
0x63: {  	_ =	shalt  }
0x64: {  	_ =	shalt  }
0x65: {  	_ =	shalt  }
0x66: {  	_ =	shalt  }
0x67: {  	_ =	shalt  }
0x68: {  	_ =	shalt  }
0x69: {  	_ =	shalt  }
0x6a: {  	_ =	shalt  }
0x6b: {  	_ =	shalt  }
0x6c: {  	_ =	shalt  }
0x6d: {  	_ =	shalt  }
0x6e: {  	_ =	shalt  }
0x6f: {  	_ =	shalt  }
0x70: {  	_ =	shalt  }
0x71: {  	_ =	shalt  }
0x72: {  	_ =	shalt  }
0x73: {  	_ =	shalt  }
0x74: {  	_ =	shalt  }
0x75: {  	_ =	shalt  }
0x76: {  	_ =	shalt  }
0x77: {  	_ =	shalt  }
0x78: {  	_ =	shalt  }
0x79: {  	_ =	shalt  }
0x7a: {  	_ =	shalt  }
0x7b: {  	_ =	shalt  }
0x7c: {  	_ =	shalt  }
0x7d: {  	_ =	shalt  }
0x7e: {  	_ =	shalt  }
0x7f: {  	_ =	shalt  }
0x80: {  	_ =	shalt  }
0x81: {  	_ =	shalt  }
0x82: {  	_ =	shalt  }
0x83: {  	_ =	shalt  }
0x84: {  	_ =	shalt  }
0x85: {  	_ =	shalt  }
0x86: {  	_ =	shalt  }
0x87: {  	_ =	shalt  }
.Lfunc_end0:
.L_simem_size_0:
called_computation_lowered:
.L_overlay_start_0:
0x88: {  	s2 =	sld [smem:$0x3FD9]  }
0x89: {  	s3 =	sld [smem:$0x3FFE];
	_ =	sdelay $0x1  }
0x8a: {  	s1 =	srdreg.scid  }
0x8b: {  	s0 =	sand.u32 $0x1, s1  }
0x8c: {  	s16 =	sshll.u32 s0, $0xA;
	s2 =	sadd.s32 s3, s2  }
0x8d: {  	s2 =	sadd.s32 s2, s16  }
0x8e: {  	[smem:$0x3FC2] =	sst s2  }
0x8f: {  	_ = 	snop  }
0x90: {  	(tm) =	ssettm $0x1  }
0x91: {  	s17 =	sld [smem:$0x3FFB];
	_ =	sdelay $0x3  }
0x92: {  	_ =	strace s17  }
0x93: {  	s2 =	sld [smem:$0x3FFC];
	_ =	sdelay $0x3  }
0x94: {  	_ =	strace s2  }
0x95: {  	s2 =	sld [smem:$0x3FFD];
	_ =	sdelay $0x3  }
0x96: {  	_ =	strace s2  }
0x97: {  	_ =	strace $0x8FFFFFFF  }
0x98: {  	s18 =	sld [smem:$0x3FDB];
	_ =	sdelay $0x1  }
0x99: {  	s19 =	simm.s32 $_scs_section_size  }
0x9a: {  	s4 =	simm.s32 $_size__tile_overlayer_lowered;
	s5 =	simm.s32 $_tile_overlayer_lowered  }
0x9b: {  	s22 =	simm.s32 $0x1BFF;
	s21 =	sshll.u32 s5, $0x1;
	s2 =	sadd.s32 s19, s18  }
0x9c: {  	s6 =	simm.s32 $0x0;
	s20 =	sshll.u32 s4, $0x1;
	s4 =	sadd.s32 s21, s2  }
0x9d: {  	[timem:s6], [sflag:s22] =	dma.local [hbm:s4], s20  }
0x9e: {  	_ =	swait.ge [sflag:s22], s20  }
0x9f: {  	s3 =	ssub.s32 $0x0, s20;
	[sflag:s22] =	ssyncset.done $0x0  }
0xa0: {  	[sflag:s22] =	ssyncadd.s32 s3;
	_ =	sdelay $0x1  }
0xa1: {  	s23 =	simm.s32 $0x1B8B  }
0xa2: {  	_ =	swait.ge [sflag:s23], $0x1  }
0xa3: {  	[sflag:s23] =	ssyncset.done $0x0  }
0xa4: {  	s25 =	simm.s32 $0x1B8E;
	s24 =	sld [smem:$0x3FFE];
	[sflag:s23] =	ssyncadd.s32 $0xFFFFFFFF  }
0xa5: {  	s26 =	simm.s32 $execute0_lowered;
	[smem:$0x3FD2] =	sst s25  }
0xa6: {  	s4 =	sshll.u32 s26, $0x1;
	_ =	strace $0x80000049;
	[dreg:$0x1] =	wrdreg $0xFFFFFFFF  }
0xa7: {  	s28 =	simm.s32 $_size_execute0_lowered;
	s2 =	sadd.s32 s2, s4;
	[dreg:$0x0] =	wrdreg $0x0  }
0xa8: {  	s4 =	sshll.u32 s28, $0x1;
	[dreg:$0x2] =	wrdreg s2  }
0xa9: {  	[dreg:$0x3] =	wrdreg s4  }
0xaa: {  	[dreg:$0x4] =	wrdreg $0xC0  }
0xab: {  	_ =	task [dreg:s6], $0x5FFFF  }
0xac: {  	[dreg:$0x1] =	wrdreg $0xFFFFFFFF  }
0xad: {  	[dreg:$0x0] =	wrdreg $0x60  }
0xae: {  	[dreg:$0x2] =	wrdreg s24  }
0xaf: {  	[dreg:$0x3] =	wrdreg $0x9  }
0xb0: {  	_ =	task.clear_ibuf [dreg:s6], $0x4FFFF;
	_ =	strace $0x90000049  }
0xb1: {  	s29 =	simm.s32 $0x9;
	_ =	strace $0x8000004B  }
0xb2: {  	_ =	swait.ge [sflag:s29], $0x1  }
0xb3: {  	[sflag:s29] =	ssyncadd.s32 $0xFFFFFFFF  }
0xb4: {  	_ =	strace $0x9000004B  }
0xb5: {  	_ =	sfence  }
0xb6: {  	s30 =	sld [smem:$0x0];
	_ =	sdelay $0x2  }
0xb7: {  	s31 =	sshll.u32 s1, $0xD;
	s1 =	sshrl.u32 s1, $0x2  }
0xb8: {  	s3 =	sand.u32 $0x4000, s31;
	s1 =	sadd.s32 s1, s30  }
0xb9: {  	s0 =	sor.u32 s3, s0;
	s1 =	sshll.u32 s1, $0x11  }
0xba: {  	s0 =	sor.u32 s1, s0  }
0xbb: {  	s0 =	sadd.s32 $0x8F2B, s0  }
0xbc: {  	[sflag:s0] =	ssyncadd.remote.s32 $0x1  }
0xbd: {  	_ =	sfence.sel $0xFFFF  }
0xbe: {  	[dreg:$0x0] =	wrdreg $0xFFFFFFFF;
	(pc) =	sbr.abs _section_cstart, $3  }
0xbf: {  	[dreg:$0x1] =	wrdreg $0xFFFFFFFF  }
0xc0: {  	_ =	task.clear_ibuf [dreg:s6], $0x2FFFF;
	_ =	strace $0x9FFFFFFF  }
0xc1: {  	(tm) =	ssettm $0x7FFFFFFF  }
tec
execute0_lowered:
.L_overlay_start_1:
0x0: {  	(tag) =	ssettag $0x1  }
0x1: {  	s0 =	srdreg.scid  }
0x2: {  	s1 =	sshll.u32 s0, $0x4  }
0x3: {  	s0 =	stileid.u32;
	s1 =	sand.u32 $0x10, s1  }
0x4: {  	s2 =	sor.u32 s0, s1  }
0x5: {  	s1 =	smin.u32 s2, $0x2  }
0x6: {  	s1 =	sadd.s32 s2, s1  }
0x7: {  	p0 =	slt.u32 s2, $0x2;
	s2 =	simm.s32 $0x320;
	s1 =	smul.u32 $0x190, s1  }
0x8: {  	s2 =	simm.s32 @!p0 $0x190  }
0x9: {  	s2 =	sadd.s32 s2, s1  }
0xa: {  	s3 =	smin.u32 s2, $0x3520  }
0xb: {  	s7 =	ssub.s32 s3, s1  }
0xc: {  	p0 =	sgt.s32 s7, $0x0  }
0xd: {  	s7 =	simm.s32 @!p0 $0x0  }
0xe: {  	s31 =	sand.u32 $0xFFF0, s7  }
0xf: {  	s2 =	sshrl.u32 s31, $0x4  }
0x10: {  	s2 =	smul.u32 $0xA3E, s2  }
0x11: {  	s4 =	rddreg [dreg:$0x0];
	s6 =	simm.s32 $0x1  }
0x12: {  	s10 =	simm.s32 $0x3;
	s13 =	simm.s32 $0x0;
	s8 =	sshrl.u32 s2, $0x10  }
0x13: {  	s12 =	simm.s32 $0x0;
	s5 =	sadd.s32 $0x49400, s4;
	s9 =	smul.u32 $0x190, s8  }
.Ltmp0:
0x14: {  	s11 =	smov.u32 s1;
	s2 =	rddreg [dreg:$0x1];
	(pc) =	sbr.rel .LBB2_1-.Ltmp0, $4  }
0x15: {  	_ =	strace $0x8000004A;
	p0 =	sne.s32 s7, s9;
	s9 =	simm.s32 $0x1  }
0x16: {  	[sflag:s6] =	ssyncpa.u1 $0x0;
	s7 =	simm.s32 $0x2;
	s9 =	simm.s32 @!p0 $0x0  }
0x17: {  	[sflag:s7] =	ssyncpa.u1 $0x0;
	p0 =	por $0x0, $0x0;
	s8 =	sadd.s32 s8, s9  }
0x18: {  	vm0 =	vmmov $0xff;
	vm1 =	vcmask $0x3F20;
	s9 =	sadd.s32 $0x800, s4;
	[sflag:s10] =	ssyncpa.u1 $0x0;
	s10 =	sadd.s32 $0x1, s8  }
.LBB2_6:
0x19: {  	[hbm:s17] =	stream.linear.scatter [tilespmem:s14], [sflag:$0x3], $0x400, $0x38;
	[tilespmem:$0x19320] =	vst v63  }
.LBB2_7:
0x1a: {  	s13 =	sadd.s32 $0x190, s11  }
0x1b: {  	s15 =	smov.u32 s1;
	p2 =	slt.s32 s13, s3  }
0x1c: {  	s15 =	smov.u32 @p2 s13;
	p2 =	sne.s32 s12, s10  }
.Ltmp1:
0x1d: {  	p1 =	slt.u32 s12, $0x2;
	(pc) =	sbr.rel @!p2 .LBB2_8-.Ltmp1, $4  }
0x1e: {  	s14 =	simm.s32 @!p1 $0x3  }
0x1f: {  	s16 =	sadd.s32 $0x1, s12;
	_ =	swait.ge @!p1 [sflag:s14], $0xC800  }
0x20: {  	p0 =	por !p0, !p0;
	s13 =	smov.u32 s11;
	[sflag:s14] =	ssyncset.done @!p1 $0x0  }
0x21: {  	s12 =	smov.u32 s16;
	s11 =	smov.u32 s15;
	[sflag:s14] =	ssyncadd.s32 @!p1 $0xFFFF3800  }
.LBB2_1:
0x22: {  	p1 =	sge.u32 s12, s8  }
0x23: {  	s14 =	sxor.u32 @!p1 $0xFFFFFFFF, s12  }
0x24: {  	s14 =	sand.u32 @!p1 $0x1, s14  }
0x25: {  	s14 =	smul.u32 @!p1 $0x640, s14  }
0x26: {  	s31 =	sadd.s32 $0xFFFFFFFF, s12;
	s15 =	sshrl.u32 @!p1 s11, $0x3  }
0x27: {  	s16 =	sand.u32 @!p1 $0x7, s11;
	s15 =	sadd.s32 @!p1 s4, s15;
	s14 =	sshrl.u32 @!p1 s14, $0x2  }
0x28: {  	[tilespmem:s14], [sflag:$0x2] =	stream.linear.gather @!p1 [hbm4b:s15+s16], $0x190, $0x38;
	[tilespmem:$0x19320] =	vst v63  }
0x29: {  	p1 =	sge.u32 s31, s8  }
.Ltmp2:
0x2a: {  	_ = 	snop;
	(pc) =	sbr.rel @p1 .LBB2_7-.Ltmp2, $1  }
0x2b: {  	_ =	sdelay $0x3  }
0x2c: {  	s14 =	simm.s32 $0x1  }
0x2d: {  	s14 =	simm.s32 @!p0 $0x0  }
0x2e: {  	s15 =	smul.u32 $0x640, s14  }
0x2f: {  	_ =	swait.ge [sflag:s7], $0x190  }
0x30: {  	[sflag:s7] =	ssyncset.done $0x0;
	s16 =	sshrl.u32 s15, $0x2  }
0x31: {  	[sflag:s7] =	ssyncadd.s32 $0xFFFFFE70;
	s15 =	sadd.s32 $0x0, s16  }
0x32: {  	v0 =	vld.msk [tilespmem:s15+$0x0 ss:$0x1], $0xffff;
	_ =	sdelay $0x4  }
0x33: {  	vm2 =	vgt.s32 v0, $0x0  }
0x34: {  	v0 =	vnsel vm2, $0x0, v0  }
0x35: {  	v0 =	vmin.u32 v0, $0x1FFFF  }
0x36: {  	v0 =	vshll.u32 v0, $0x4  }
0x37: {  	s14 =	smul.u32 $0x32000, s14;
	_ =	sdelay $0x1  }
0x38: {  	s14 =	sshrl.u32 s14, $0x2  }
0x39: {  	s14 =	sor.u32 $0x320, s14  }
0x3a: {  	[tilespmem:s14], [sflag:$0x1] =	stream.indirect_vreg.gather [hbm:s5], $0x80, v0, vm0, $0x38;
	[tilespmem:$0x19320] =	vst v63  }
0x3b: {  	s17 =	sadd.s32 $0x10, s16;
	s15 =	sadd.s32 $0x400, s14  }
0x3c: {  	[tilespmem:s15], [sflag:$0x1] =	stream.indirect_vreg.gather [hbm:s5], $0x80, v0, vm1, $0x38;
	[tilespmem:$0x19320] =	vst v63  }
0x3d: {  	s18 =	simm.s32 $0x80;
	v0 =	vld.msk [tilespmem:s17+$0x0 ss:$0x1], $0xffff;
	s17 =	smov.u32 s14  }
.LBB2_3:
0x3e: {  	p1 =	sne.s32 s18, $0x600;
	_ =	sdelay $0x4  }
0x3f: {  	vm2 =	vgt.s32 v0, $0x0  }
0x40: {  	v0 =	vnsel vm2, $0x0, v0  }
0x41: {  	v0 =	vmin.u32 v0, $0x1FFFF  }
0x42: {  	v0 =	vshll.u32 v0, $0x4;
	_ =	sdelay $0x3  }
.Ltmp3:
0x43: {  	s19 =	sshra.s32 s18, $0x2;
	s17 =	sadd.s32 $0x800, s17;
	(pc) =	sbr.rel @p1 .LBB2_3-.Ltmp3, $4  }
0x44: {  	[tilespmem:s17], [sflag:$0x1] =	stream.indirect_vreg.gather [hbm:s5], $0x80, v0, vm0, $0x38;
	[tilespmem:$0x19320] =	vst v63  }
0x45: {  	s19 =	sadd.s32 s19, s16;
	s20 =	sadd.s32 $0x400, s17  }
0x46: {  	[tilespmem:s20], [sflag:$0x1] =	stream.indirect_vreg.gather [hbm:s5], $0x80, v0, vm1, $0x38;
	[tilespmem:$0x19320] =	vst v63  }
0x47: {  	s18 =	sadd.s32 $0x40, s18;
	v0 =	vld.msk [tilespmem:s19+$0x0 ss:$0x1], $0xffff  }
0x48: {  	_ =	sdelay $0x3  }
0x49: {  	vm2 =	vgt.s32 v0, $0x0  }
0x4a: {  	v0 =	vnsel vm2, $0x0, v0  }
0x4b: {  	v0 =	vmin.u32 v0, $0x1FFFF  }
0x4c: {  	v0 =	vshll.u32 v0, $0x4;
	_ =	sdelay $0x3  }
0x4d: {  	s16 =	sadd.s32 $0x800, s17  }
0x4e: {  	[tilespmem:s16], [sflag:$0x1] =	stream.indirect_vreg.gather [hbm:s5], $0x80, v0, vm0, $0x38;
	[tilespmem:$0x19320] =	vst v63  }
0x4f: {  	s16 =	sadd.s32 $0x400, s16  }
0x50: {  	[tilespmem:s16], [sflag:$0x1] =	stream.indirect_vreg.gather [hbm:s5], $0x80, v0, vm1, $0x38;
	[tilespmem:$0x19320] =	vst v63  }
0x51: {  	s13 =	sshll.u32 s13, $0x4;
	_ =	swait.ge [sflag:s6], $0xC800  }
0x52: {  	s13 =	sadd.s32 s13, s9;
	[sflag:s6] =	ssyncset.done $0x0  }
0x53: {  	s17 =	sadd.s32 $0x0, s13;
	s16 =	simm.s32 $0x80;
	[sflag:s6] =	ssyncadd.s32 $0xFFFF3800  }
.LBB2_5:
0x54: {  	[hbm:s17] =	stream.linear.scatter [tilespmem:s14], [sflag:$0x3], $0x400, $0x38;
	[tilespmem:$0x19320] =	vst v63  }
0x55: {  	s17 =	smov.u32 s16;
	s14 =	smov.u32 s15;
	p1 =	sne.s32 s16, $0x1880  }
.Ltmp4:
0x56: {  	s16 =	sadd.s32 $0x80, s16;
	(pc) =	sbr.rel @p1 .LBB2_5-.Ltmp4, $2  }
0x57: {  	_ =	sdelay $0x2  }
0x58: {  	s15 =	sadd.s32 $0x400, s15;
	s17 =	sadd.s32 s17, s13  }
.Ltmp5:
0x59: {  	_ = 	snop;
	(pc) =	sbr.rel .LBB2_6-.Ltmp5, $1  }
0x5a: {  	_ =	sdelay $0x3  }
.LBB2_8:
0x5b: {  	_ =	sfence.sel $0x180000  }
0x5c: {  	s1 =	simm.s32 $0x2;
	[bflag:$0x0] =	sbarrier.arrive $0xFFFF  }
0x5d: {  	s30 =	simm.s32 $0x3;
	[sflag:s1] =	ssyncpa.u1 $0x1  }
0x5e: {  	s31 =	simm.s32 $0x1;
	[sflag:s30] =	ssyncpa.u1 $0x1  }
0x5f: {  	[sflag:s31] =	ssyncpa.u1 $0x1  }
0x60: {  	p0 =	sne.s32 s0, $0x0;
	_ =	strace $0x9000004A  }
0x61: {  	s0 =	sadd.s32 @!p0 $0x100000, s2;
	[bflag:$0x2] =	sbarrier.arrive $0xFFFF  }
0x62: {  	[sflag:s0] =	ssyncadd.tile.s32 @!p0 $0x1;
	_ =	shalt  }
.Lfunc_end2:
_tile_overlayer_lowered:
.L_overlay_start_2:
0x63: {  	(tag) =	ssettag $0x2  }
0x64: {  	s0 =	rddreg [dreg:$0x0];
	s2 =	stileid.u32  }
0x65: {  	s1 =	rddreg [dreg:$0x1];
	p0 =	sne.s32 s2, $0x0  }
0x66: {  	s3 =	rddreg [dreg:$0x2];
	[bflag:$0x3] =	sbarrier.arrive $0xFFFF;
	s2 =	simm.s32 @!p0 $0x1C01  }
0x67: {  	[timem:s3], [sflag:s2] =	dma.local @!p0 [hbm:s0], s1  }
0x68: {  	s0 =	simm.s32 @!p0 $0x1  }
0x69: {  	_ =	swait.ge @!p0 [sflag:s0], s1  }
0x6a: {  	s1 =	ssub.s32 @!p0 $0x0, s1;
	[sflag:s0] =	ssyncset.done @!p0 $0x0  }
0x6b: {  	[sflag:s0] =	ssyncadd.s32 @!p0 s1  }
0x6c: {  	[bflag:$0x3] =	sbarrier.arrive $0xFFFF  }
0x6d: {  	_ =	shalt  }

// kernel: kernel.6.cloned.1.call-start
scs
__scs_entry_jumppad:
0x0: {  	(pc) =	sbr.rel $0x88, $3  }
0x1: {  	(tag) =	ssettag $0x0;
	lr =	simm.s32 $0x1  }
0x2: {  	[smem:$0x3F9B] =	sst lr;
	_ =	strace $0xD0000000  }
0x3: {  	_ = 	snop  }
0x4: {  	_ = 	snop  }
0x5: {  	_ = 	snop  }
0x6: {  	_ = 	snop  }
0x7: {  	_ = 	snop  }
__scs_overlays_trampoline_lowered:
0x8: {  	[smem:$0x3FAA] =	sst s0  }
0x9: {  	[smem:$0x3FAB] =	sst s1  }
0xa: {  	[smem:$0x3FAC] =	sst s2  }
0xb: {  	[smem:$0x3FAD] =	sst s3  }
0xc: {  	[smem:$0x3FAE] =	sst s4  }
0xd: {  	[smem:$0x3FAF] =	sst s5  }
0xe: {  	[smem:$0x3FB0] =	sst s6  }
0xf: {  	[smem:$0x3FB1] =	sst s7  }
0x10: {  	[smem:$0x3FB2] =	sst s8  }
0x11: {  	[smem:$0x3FB3] =	sst s9;
	s0 =	simm.s32 @!p0 $0x0  }
0x12: {  	s1 =	sld [smem:$0x3F99];
	s0 =	simm.s32 @p0 $0x1  }
0x13: {  	[smem:$0x3FB4] =	sst s0;
	s0 =	simm.s32 @!p1 $0x0  }
0x14: {  	s2 =	sld [smem:$0x3F98];
	s0 =	simm.s32 @p1 $0x1  }
0x15: {  	[smem:$0x3FB5] =	sst s0;
	s0 =	simm.s32 @!p2 $0x0  }
0x16: {  	s3 =	sld [smem:$0x3FDB];
	s0 =	simm.s32 @p2 $0x1  }
0x17: {  	s4 =	simm.s32 $0x1BF5;
	[smem:$0x3FB7] =	sst s0  }
0x18: {  	s0 =	sld [smem:$0x3F9A];
	_ =	swait.ge [sflag:s4], $0x0  }
0x19: {  	s7 =	sld [smem:$0x3F9B]  }
0x1a: {  	s8 =	sadd.s32 $0xFFFFE003, lr  }
0x1b: {  	s9 =	sadd.s32 $0xFFFFFEF7, lr;
	s5 =	simm.s32 $0xFFFFFFFF;
	p2 =	slt.u32 s8, $0xFFFFF086  }
0x1c: {  	p1 =	slt.u32 s9, $0xF7A;
	s5 =	simm.s32 @!p2 $0x0  }
0x1d: {  	s5 =	simm.s32 @p1 $0x1;
	p0 =	seq.s32 s7, s2  }
0x1e: {  	s7 =	smul.u32 @!p0 $0xF7A, s2;
	p2 =	seq.s32 @!p0 s5, $0x0  }
0x1f: {  	s9 =	smul.u32 $0xF7A, s1;
	s8 =	simm.s32 @!p0 $0x1BF5;
	p2 =	por !p2, p0  }
0x20: {  	[sflag:s8] =	ssyncset.s32 @!p0 $0xFFFFF086;
	s6 =	sadd.s32 @!p0 s3, s7;
	s7 =	simm.s32 @!p0 $0x108  }
0x21: {  	s3 =	sadd.s32 s3, s9;
	s6 =	sadd.s32 @!p0 $0x88, s6;
	s7 =	simm.s32 @p2 $0x1082  }
0x22: {  	[simem:s7], [sflag:s8] =	dma.local @!p0 [hbm:s6], $0xF7A  }
0x23: {  	s9 =	sor.u32 $0xD0000000, s2;
	s6 =	simm.s32 $0x108;
	_ =	swait.ge @!p0 [sflag:s8], $0x0  }
0x24: {  	s3 =	sadd.s32 $0x88, s3;
	s6 =	simm.s32 @!p1 $0x1082;
	[sflag:s4] =	ssyncset.s32 $0xFFFFF086  }
0x25: {  	[simem:s6], [sflag:s4] =	dma.local [hbm:s3], $0xF7A  }
0x26: {  	[smem:$0x3F9B] =	sst s1;
	(tag) =	ssettag s2;
	_ =	strace s9  }
0x27: {  	s1 =	sld [smem:$0x3FAB]  }
0x28: {  	s2 =	sld [smem:$0x3FAC]  }
0x29: {  	s4 =	sld [smem:$0x3FAE]  }
0x2a: {  	p0 =	seq.s32 s5, $0x0;
	s5 =	sld [smem:$0x3FAF]  }
0x2b: {  	s6 =	sld [smem:$0x3FB0]  }
0x2c: {  	s7 =	sld [smem:$0x3FB1]  }
0x2d: {  	s3 =	simm.s32 $0x108;
	s8 =	sld [smem:$0x3FB2]  }
0x2e: {  	s3 =	simm.s32 @!p0 $0x1082;
	s9 =	sld [smem:$0x3FB3]  }
0x2f: {  	lr =	sadd.s32 s0, s3;
	s0 =	sld [smem:$0x3FAA]  }
0x30: {  	s3 =	sld [smem:$0x3FAD]  }
0x31: {  	[smem:$0x3FB6] =	sst s10  }
0x32: {  	s10 =	sld [smem:$0x3FB4];
	_ =	sdelay $0x3  }
0x33: {  	p0 =	seq.s32 s10, $0x1;
	s10 =	sld [smem:$0x3FB6];
	_ =	sdelay $0x3  }
0x34: {  	[smem:$0x3FB6] =	sst s10  }
0x35: {  	s10 =	sld [smem:$0x3FB5];
	_ =	sdelay $0x3  }
0x36: {  	p1 =	seq.s32 s10, $0x1;
	s10 =	sld [smem:$0x3FB6];
	_ =	sdelay $0x3  }
0x37: {  	[smem:$0x3FB6] =	sst s10  }
0x38: {  	s10 =	sld [smem:$0x3FB7]  }
0x39: {  	_ = 	snop;
	(pc) =	sbr.ind lr, $3  }
0x3a: {  	_ = 	snop  }
0x3b: {  	_ = 	snop  }
0x3c: {  	p2 =	seq.s32 s10, $0x1;
	s10 =	sld [smem:$0x3FB6]  }
0x3d: {  	_ =	shalt  }
0x3e: {  	_ =	shalt  }
0x3f: {  	_ =	shalt  }
0x40: {  	_ =	shalt  }
0x41: {  	_ =	shalt  }
0x42: {  	_ =	shalt  }
0x43: {  	_ =	shalt  }
0x44: {  	_ =	shalt  }
0x45: {  	_ =	shalt  }
0x46: {  	_ =	shalt  }
0x47: {  	_ =	shalt  }
0x48: {  	_ =	shalt  }
0x49: {  	_ =	shalt  }
0x4a: {  	_ =	shalt  }
0x4b: {  	_ =	shalt  }
0x4c: {  	_ =	shalt  }
0x4d: {  	_ =	shalt  }
0x4e: {  	_ =	shalt  }
0x4f: {  	_ =	shalt  }
0x50: {  	_ =	shalt  }
0x51: {  	_ =	shalt  }
0x52: {  	_ =	shalt  }
0x53: {  	_ =	shalt  }
0x54: {  	_ =	shalt  }
0x55: {  	_ =	shalt  }
0x56: {  	_ =	shalt  }
0x57: {  	_ =	shalt  }
0x58: {  	_ =	shalt  }
0x59: {  	_ =	shalt  }
0x5a: {  	_ =	shalt  }
0x5b: {  	_ =	shalt  }
0x5c: {  	_ =	shalt  }
0x5d: {  	_ =	shalt  }
0x5e: {  	_ =	shalt  }
0x5f: {  	_ =	shalt  }
0x60: {  	_ =	shalt  }
0x61: {  	_ =	shalt  }
0x62: {  	_ =	shalt  }
0x63: {  	_ =	shalt  }
0x64: {  	_ =	shalt  }
0x65: {  	_ =	shalt  }
0x66: {  	_ =	shalt  }
0x67: {  	_ =	shalt  }
0x68: {  	_ =	shalt  }
0x69: {  	_ =	shalt  }
0x6a: {  	_ =	shalt  }
0x6b: {  	_ =	shalt  }
0x6c: {  	_ =	shalt  }
0x6d: {  	_ =	shalt  }
0x6e: {  	_ =	shalt  }
0x6f: {  	_ =	shalt  }
0x70: {  	_ =	shalt  }
0x71: {  	_ =	shalt  }
0x72: {  	_ =	shalt  }
0x73: {  	_ =	shalt  }
0x74: {  	_ =	shalt  }
0x75: {  	_ =	shalt  }
0x76: {  	_ =	shalt  }
0x77: {  	_ =	shalt  }
0x78: {  	_ =	shalt  }
0x79: {  	_ =	shalt  }
0x7a: {  	_ =	shalt  }
0x7b: {  	_ =	shalt  }
0x7c: {  	_ =	shalt  }
0x7d: {  	_ =	shalt  }
0x7e: {  	_ =	shalt  }
0x7f: {  	_ =	shalt  }
0x80: {  	_ =	shalt  }
0x81: {  	_ =	shalt  }
0x82: {  	_ =	shalt  }
0x83: {  	_ =	shalt  }
0x84: {  	_ =	shalt  }
0x85: {  	_ =	shalt  }
0x86: {  	_ =	shalt  }
0x87: {  	_ =	shalt  }
.Lfunc_end0:
.L_simem_size_0:
called_computation.1_lowered:
.L_overlay_start_0:
0x88: {  	s2 =	sld [smem:$0x3FD9]  }
0x89: {  	s3 =	sld [smem:$0x3FFE];
	_ =	sdelay $0x1  }
0x8a: {  	s1 =	srdreg.scid  }
0x8b: {  	s0 =	sand.u32 $0x1, s1  }
0x8c: {  	s14 =	sshll.u32 s0, $0xA;
	s2 =	sadd.s32 s3, s2  }
0x8d: {  	s2 =	sadd.s32 s2, s14  }
0x8e: {  	[smem:$0x3FC2] =	sst s2  }
0x8f: {  	_ = 	snop  }
0x90: {  	s2 =	sld [smem:$0x3FD0];
	_ =	sdelay $0x2  }
0x91: {  	s15 =	simm.s32 $0xA;
	s4 =	simm.s32 $0x10  }
0x92: {  	[smem:s4], [sflag:s15] =	dma.local [hbm:s2], $0x1  }
0x93: {  	_ =	swait.eq [sflag:s15], $0x1  }
0x94: {  	[sflag:s15] =	ssyncset.done $0x0  }
0x95: {  	[sflag:s15] =	ssyncadd.s32 $0xFFFFFFFF  }
0x96: {  	s16 =	sld [smem:$0x11];
	(tm) =	ssettm $0x1  }
0x97: {  	s17 =	sld [smem:$0x3FFB];
	_ =	sdelay $0x3  }
0x98: {  	_ =	strace s17  }
0x99: {  	s3 =	sld [smem:$0x3FFC];
	_ =	sdelay $0x3  }
0x9a: {  	_ =	strace s3  }
0x9b: {  	s3 =	sld [smem:$0x3FFD];
	_ =	sdelay $0x3  }
0x9c: {  	_ =	strace s3  }
0x9d: {  	_ =	strace $0x8FFFFFFF  }
0x9e: {  	s18 =	sld [smem:$0x3FDB];
	_ =	sdelay $0x1  }
0x9f: {  	s19 =	simm.s32 $_scs_section_size  }
0xa0: {  	s5 =	simm.s32 $_size__tile_overlayer_lowered;
	s6 =	simm.s32 $_tile_overlayer_lowered  }
0xa1: {  	s22 =	simm.s32 $0x1BFF;
	s21 =	sshll.u32 s6, $0x1;
	s3 =	sadd.s32 s19, s18  }
0xa2: {  	s7 =	simm.s32 $0x0;
	s20 =	sshll.u32 s5, $0x1;
	s5 =	sadd.s32 s21, s3  }
0xa3: {  	[timem:s7], [sflag:s22] =	dma.local [hbm:s5], s20  }
0xa4: {  	_ =	swait.ge [sflag:s22], s20  }
0xa5: {  	s4 =	ssub.s32 $0x0, s20;
	[sflag:s22] =	ssyncset.done $0x0  }
0xa6: {  	[sflag:s22] =	ssyncadd.s32 s4;
	_ =	sdelay $0x1  }
0xa7: {  	s23 =	simm.s32 $0x1B8B  }
0xa8: {  	_ =	swait.ge [sflag:s23], $0x1  }
0xa9: {  	[sflag:s23] =	ssyncset.done $0x0  }
0xaa: {  	s25 =	simm.s32 $0x1B8E;
	s24 =	sld [smem:$0x3FFE];
	[sflag:s23] =	ssyncadd.s32 $0xFFFFFFFF  }
0xab: {  	s26 =	simm.s32 $execute0_lowered;
	[smem:$0x3FD2] =	sst s25  }
0xac: {  	s5 =	sshll.u32 s26, $0x1;
	_ =	strace $0x80000046;
	[dreg:$0x1] =	wrdreg $0xFFFFFFFF  }
0xad: {  	s28 =	simm.s32 $_size_execute0_lowered;
	s3 =	sadd.s32 s3, s5;
	[dreg:$0x0] =	wrdreg $0x0  }
0xae: {  	s5 =	sshll.u32 s28, $0x1;
	[dreg:$0x2] =	wrdreg s3  }
0xaf: {  	[dreg:$0x3] =	wrdreg s5  }
0xb0: {  	[dreg:$0x4] =	wrdreg $0xC0  }
0xb1: {  	_ =	task [dreg:s7], $0x5FFFF  }
0xb2: {  	[dreg:$0x1] =	wrdreg $0xFFFFFFFF  }
0xb3: {  	[dreg:$0x0] =	wrdreg $0x60  }
0xb4: {  	[dreg:$0x2] =	wrdreg s16  }
0xb5: {  	[dreg:$0x3] =	wrdreg s24  }
0xb6: {  	[dreg:$0x4] =	wrdreg $0x9  }
0xb7: {  	_ =	task.clear_ibuf [dreg:s7], $0x5FFFF;
	_ =	strace $0x90000046  }
0xb8: {  	s29 =	simm.s32 $0x9;
	_ =	strace $0x80000048  }
0xb9: {  	_ =	swait.ge [sflag:s29], $0x1  }
0xba: {  	[sflag:s29] =	ssyncadd.s32 $0xFFFFFFFF  }
0xbb: {  	_ =	strace $0x90000048  }
0xbc: {  	_ =	sfence  }
0xbd: {  	s30 =	sld [smem:$0x0];
	_ =	sdelay $0x2  }
0xbe: {  	s31 =	sshll.u32 s1, $0xD;
	s1 =	sshrl.u32 s1, $0x2  }
0xbf: {  	s3 =	sand.u32 $0x4000, s31;
	s1 =	sadd.s32 s1, s30  }
0xc0: {  	s0 =	sor.u32 s3, s0;
	s1 =	sshll.u32 s1, $0x11  }
0xc1: {  	s0 =	sor.u32 s1, s0  }
0xc2: {  	s0 =	sadd.s32 $0x8F2B, s0  }
0xc3: {  	[sflag:s0] =	ssyncadd.remote.s32 $0x1  }
0xc4: {  	_ =	sfence.sel $0xFFFF  }
0xc5: {  	[dreg:$0x0] =	wrdreg $0xFFFFFFFF;
	(pc) =	sbr.abs _section_cstart, $3  }
0xc6: {  	[dreg:$0x1] =	wrdreg $0xFFFFFFFF  }
0xc7: {  	_ =	task.clear_ibuf [dreg:s7], $0x2FFFF;
	_ =	strace $0x9FFFFFFF  }
0xc8: {  	(tm) =	ssettm $0x7FFFFFFF  }
0xc9: {  	_ =	shalt  }
tec
execute0_lowered:
.L_overlay_start_1:
0x0: {  	(tag) =	ssettag $0x1  }
0x1: {  	s2 =	rddreg [dreg:$0x1]  }
0x2: {  	s3 =	simm.s32 $0x0;
	s0 =	srdreg.scid;
	s1 =	stileid.u32  }
0x3: {  	s11 =	simm.s32 $0x2;
	s12 =	simm.s32 $0x4000;
	s13 =	simm.s32 $0x8000  }
0x4: {  	s14 =	simm.s32 $0x10000;
	s15 =	simm.s32 $0x11080;
	s4 =	sand.u32 $0x1, s0  }
.Ltmp0:
0x5: {  	s16 =	simm.s32 $0x11100;
	s0 =	ssub.s32 $0x2, s4;
	(pc) =	sbr.rel .LBB2_1-.Ltmp0, $4  }
0x6: {  	s17 =	simm.s32 $0x1;
	[smem:$0x7FF] =	sst s3;
	s5 =	sshrl.u32 s0, $0x1  }
0x7: {  	s6 =	sadd.s32 $0x4000, s2;
	s7 =	sadd.s32 $0x48000, s2;
	s0 =	ssub.s32 s0, s5  }
0x8: {  	v0 =	vimm.s32 $0x0;
	v1 =	vimm.f32 $0.0e+00;
	v2 =	vlaneseq.u32;
	s8 =	sadd.s32 $0x48A00, s2;
	s9 =	sshll.u32 s1, $0x1;
	s0 =	smax.u32 s0, $0x1  }
0x9: {  	v3 =	vimm.s32 $0x1;
	v5 =	vimm.s32 $0xFFFFFFFF;
	v4 =	vor.u32 $0x1000, v2;
	s1 =	simm.s32 $0x0;
	_ =	strace $0x80000047;
	[dreg:$0x3] =	wrdreg s0  }
.LBB2_31:
0xa: {  	s1 =	rddreg [dreg:$0x4]  }
0xb: {  	s0 =	rddreg [dreg:$0x3];
	s1 =	sadd.s32 $0x1, s1  }
0xc: {  	p0 =	sne.s32 s1, s0  }
.Ltmp1:
0xd: {  	_ = 	snop;
	(pc) =	sbr.rel @!p0 .LBB2_32-.Ltmp1, $1  }
0xe: {  	_ =	sdelay $0x3  }
.LBB2_1:
.Ltmp2:
0xf: {  	(pc) =	sbr.rel .LBB2_2-.Ltmp2, $2  }
0x10: {  	_ =	sdelay $0x2  }
0x11: {  	[dreg:$0x4] =	wrdreg s1;
	s19 =	simm.s32 $0x0  }
.LBB2_30:
0x12: {  	s19 =	sadd.s32 $0x1, s19  }
0x13: {  	p0 =	sne.s32 s19, $0x5  }
.Ltmp3:
0x14: {  	_ = 	snop;
	(pc) =	sbr.rel @!p0 .LBB2_31-.Ltmp3, $1  }
0x15: {  	_ =	sdelay $0x3  }
.LBB2_2:
0x16: {  	s0 =	sshll.u32 s19, $0x5  }
0x17: {  	s0 =	sor.u32 s9, s0  }
0x18: {  	p0 =	sgt.u32 s0, $0x87  }
.Ltmp4:
0x19: {  	_ = 	snop;
	(pc) =	sbr.rel @p0 .LBB2_30-.Ltmp4, $1  }
0x1a: {  	_ =	sdelay $0x3  }
0x1b: {  	s20 =	sor.u32 s4, s0  }
0x1c: {  	s5 =	sshll.u32 s20, $0xB  }
0x1d: {  	s1 =	rddreg [dreg:$0x0];
	s21 =	sand.u32 $0x3800, s5  }
0x1e: {  	s22 =	sadd.s32 s1, s21  }
0x1f: {  	[tilespmem:s3], [sflag:$0x2] =	stream.linear.gather [hbm4b:s22+s3], $0x4000, $0x38;
	[tilespmem:$0x11180] =	vst v63  }
0x20: {  	_ =	swait.ge [sflag:s11], $0x4000  }
0x21: {  	[sflag:s11] =	ssyncset.done $0x0  }
0x22: {  	s21 =	sadd.s32 s2, s21;
	[sflag:s11] =	ssyncadd.s32 $0xFFFFC000  }
0x23: {  	[tilespmem:s12], [sflag:$0x2] =	stream.linear.gather [hbm4b:s21+s3], $0x4000, $0x38;
	[tilespmem:$0x11180] =	vst v63  }
0x24: {  	_ =	swait.ge [sflag:s11], $0x4000  }
0x25: {  	[sflag:s11] =	ssyncset.done $0x0  }
0x26: {  	s5 =	sadd.s32 s6, s5;
	[sflag:s11] =	ssyncadd.s32 $0xFFFFC000  }
0x27: {  	[tilespmem:s13], [sflag:$0x2] =	stream.linear.gather [hbm4b:s5+s3], $0x4000, $0x38;
	[tilespmem:$0x11180] =	vst v63  }
0x28: {  	_ =	swait.ge [sflag:s11], $0x4000  }
0x29: {  	[sflag:s11] =	ssyncset.done $0x0  }
0x2a: {  	s5 =	simm.s32 $0x10040;
	[sflag:s11] =	ssyncadd.s32 $0xFFFFC000  }
0x2b: {  	[tilespmem:s5+$0xFFFFFFC0] =	vst v0  }
0x2c: {  	[tilespmem:s5+$0x30] =	vst v0  }
0x2d: {  	[tilespmem:s5+$0x20] =	vst v0  }
0x2e: {  	[tilespmem:s5+$0x10] =	vst v0  }
0x2f: {  	[tilespmem:s5+$0x0] =	vst v0  }
0x30: {  	[tilespmem:s5+$0xFFFFFFF0] =	vst v0  }
0x31: {  	s21 =	simm.s32 $0x0;
	[tilespmem:s5+$0xFFFFFFE0] =	vst v0  }
.LBB2_4:
0x32: {  	s21 =	sadd.s32 $0x8, s21;
	[tilespmem:s5+$0xFFFFFFD0] =	vst v0;
	s5 =	sadd.s32 $0x80, s5  }
0x33: {  	[tilespmem:s5+$0xFFFFFFC0] =	vst v0;
	p0 =	slt.u32 s21, $0xF8  }
0x34: {  	[tilespmem:s5+$0x30] =	vst v0  }
.Ltmp5:
0x35: {  	[tilespmem:s5+$0x20] =	vst v0;
	(pc) =	sbr.rel @p0 .LBB2_4-.Ltmp5, $4  }
0x36: {  	[tilespmem:s5+$0x10] =	vst v0  }
0x37: {  	[tilespmem:s5+$0x0] =	vst v0  }
0x38: {  	[tilespmem:s5+$0xFFFFFFF0] =	vst v0  }
0x39: {  	[tilespmem:s5+$0xFFFFFFE0] =	vst v0  }
0x3a: {  	[tilespmem:s5+$0xFFFFFFD0] =	vst v0  }
0x3b: {  	s30 =	simm.s32 $0x20;
	[tilespmem:$0x11000] =	vst v0  }
0x3c: {  	s21 =	simm.s32 $0x4020;
	v7 =	vld [tilespmem:s30+$0x10]  }
0x3d: {  	v8 =	vld [tilespmem:s21+$0x10]  }
0x3e: {  	v9 =	vld [tilespmem:s21+$0xFFFFFFE0]  }
0x3f: {  	v10 =	vld [tilespmem:s30+$0xFFFFFFF0]  }
0x40: {  	v11 =	vld [tilespmem:s21+$0xFFFFFFF0]  }
0x41: {  	s0 =	sshrl.u32 s0, $0x3;
	s22 =	simm.s32 $0x8020;
	v13 =	vld [tilespmem:s21+$0x0]  }
0x42: {  	v6 =	vmov s0;
	v12 =	vld [tilespmem:s22+$0x10]  }
0x43: {  	vm0 =	veq.s32 v7, v6;
	vm1 =	vne.s32 v8, v6;
	v7 =	vld [tilespmem:s30+$0x0]  }
0x44: {  	v8 =	vld [tilespmem:s30+$0xFFFFFFE0];
	vm1 =	vmand vm0, vm1  }
0x45: {  	s31 =	simm.s32 $0x60;
	vm2 =	vne.s32 v11, v6;
	v14 =	vsel vm0, $0x40800000, v1;
	v15 =	vsel vm1, $0x3F800000, v1  }
0x46: {  	vm3 =	vne.s32 v13, v6;
	v13 =	vld [tilespmem:s31+$0x10];
	vm1 =	veq.s32 v10, v6;
	v14 =	vadd.f32 v15, v14  }
0x47: {  	vm0 =	vne.s32 v9, v6;
	v10 =	vld [tilespmem:s22+$0xFFFFFFE0];
	v9 =	vsel vm1, $0x40800000, v1;
	vm1 =	vmand vm1, vm2  }
0x48: {  	v11 =	vadd.f32 v14, v12;
	v12 =	vld [tilespmem:s22+$0xFFFFFFF0];
	v14 =	vsel vm1, $0x3F800000, v1;
	vm1 =	veq.s32 v7, v6  }
0x49: {  	s21 =	simm.s32 $0x4060;
	vm2 =	veq.s32 v8, v6;
	v7 =	vld [tilespmem:s22+$0x0];
	v8 =	vsel vm1, $0x40800000, v1  }
0x4a: {  	vm0 =	vmand vm2, vm0;
	vm1 =	vmand vm1, vm3;
	v9 =	vadd.f32 v14, v9;
	v14 =	vld [tilespmem:s21+$0x10]  }
0x4b: {  	v15 =	vsel vm2, $0x40800000, v1;
	v16 =	vsel vm0, $0x3F800000, v1;
	v17 =	vsel vm1, $0x3F800000, v1  }
0x4c: {  	v15 =	vadd.f32 v16, v15;
	v8 =	vadd.f32 v17, v8;
	v17 =	vld [tilespmem:s21+$0xFFFFFFE0]  }
0x4d: {  	v16 =	vshrl.u32 v11, $0x14;
	v12 =	vadd.f32 v9, v12;
	v9 =	vld [tilespmem:s31+$0xFFFFFFF0]  }
0x4e: {  	vm1 =	veq.s32 v13, v6;
	v16 =	vand.u32 $0xFF0, v16;
	v10 =	vadd.f32 v15, v10  }
0x4f: {  	s22 =	simm.s32 $0x8060;
	v15 =	vor.u32 v2, v16;
	v16 =	vadd.f32 v8, v7;
	v8 =	vld [tilespmem:s21+$0xFFFFFFF0];
	vm2 =	vne.s32 v14, v6  }
0x50: {  	s23 =	simm.s32 $0xC020;
	v19 =	vld [tilespmem:s22+$0x10];
	v7 =	vshrl.u32 v12, $0x14;
	v18 =	vshrl.u32 v10, $0x14;
	vm2 =	vmand vm1, vm2  }
0x51: {  	[tilespmem:s23+$0x10] =	vst v11;
	v14 =	vld [tilespmem:s31+$0x0];
	v11 =	vshrl.u32 v16, $0x14;
	v13 =	vand.u32 $0xFF0, v18;
	vm0 =	vne.s32 v17, v6  }
0x52: {  	v17 =	vld [tilespmem:s21+$0x0];
	v18 =	vsel vm2, $0x3F800000, v1;
	vm3 =	veq.s32 v9, v6;
	v9 =	vsel vm1, $0x40800000, v1  }
0x53: {  	v7 =	vand.u32 $0xFF0, v7;
	v20 =	vor.u32 v2, v13;
	v9 =	vadd.f32 v18, v9;
	v18 =	vld [tilespmem:s31+$0xFFFFFFE0]  }
0x54: {  	[tilespmem:s23+$0xFFFFFFF0] =	vst v12;
	v12 =	vld [tilespmem:s22+$0x0];
	v11 =	vand.u32 $0xFF0, v11;
	v21 =	vor.u32 v2, v7;
	vm1 =	vne.s32 v8, v6  }
0x55: {  	[tilespmem:s23+$0xFFFFFFE0] =	vst v10;
	v7 =	vor.u32 v2, v11;
	v11 =	vld [tilespmem:s22+$0xFFFFFFF0];
	vm1 =	vmand vm3, vm1;
	v9 =	vadd.f32 v9, v19  }
0x56: {  	[tilespmem:v15+s14+$0x0] =	vst.idx.add.s32.msk $0xffff, v3;
	v10 =	vsel vm3, $0x40800000, v1;
	vm2 =	veq.s32 v14, v6;
	v13 =	vsel vm1, $0x3F800000, v1  }
0x57: {  	[tilespmem:s23+$0x0] =	vst v16;
	v8 =	vld [tilespmem:s22+$0xFFFFFFE0];
	v15 =	vsel vm2, $0x40800000, v1;
	vm3 =	vne.s32 v17, v6;
	v14 =	vshrl.u32 v9, $0x14  }
0x58: {  	vm2 =	vmand vm2, vm3;
	[tilespmem:v20+s14+$0x0] =	vst.idx.add.s32.msk $0xffff, v3;
	vm1 =	veq.s32 v18, v6;
	v14 =	vand.u32 $0xFF0, v14  }
0x59: {  	s5 =	simm.s32 $0xA0;
	s0 =	simm.s32 $0x4;
	[tilespmem:v21+s14+$0x0] =	vst.idx.add.s32.msk $0xffff, v3;
	v16 =	vsel vm2, $0x3F800000, v1;
	vm0 =	vmand vm1, vm0;
	v14 =	vor.u32 v2, v14  }
.LBB2_6:
0x5a: {  	v17 =	vld [tilespmem:s5+$0x10];
	v18 =	vsel vm1, $0x40800000, v1;
	v19 =	vsel vm0, $0x3F800000, v1;
	v10 =	vadd.f32 v13, v10;
	s21 =	sadd.s32 $0x40, s21  }
0x5b: {  	s0 =	sadd.s32 $0x4, s0;
	v15 =	vadd.f32 v16, v15;
	v13 =	vld [tilespmem:s21+$0x10];
	v18 =	vadd.f32 v19, v18  }
0x5c: {  	s23 =	sadd.s32 $0x40, s23;
	p0 =	slt.u32 s0, $0x3FC;
	v16 =	vld [tilespmem:s21+$0xFFFFFFE0];
	v10 =	vadd.f32 v10, v11  }
0x5d: {  	v12 =	vadd.f32 v15, v12;
	v11 =	vld [tilespmem:s5+$0xFFFFFFF0];
	v8 =	vadd.f32 v18, v8;
	[tilespmem:s23+$0x10] =	vst v9  }
0x5e: {  	v9 =	vshrl.u32 v10, $0x14;
	[tilespmem:v14+s14+$0x0] =	vst.idx.add.s32.msk $0xffff, v3  }
0x5f: {  	s22 =	sadd.s32 $0x40, s22;
	v15 =	vshrl.u32 v12, $0x14;
	v14 =	vld [tilespmem:s21+$0xFFFFFFF0];
	[tilespmem:s23+$0xFFFFFFE0] =	vst v8;
	v8 =	vshrl.u32 v8, $0x14;
	v9 =	vand.u32 $0xFF0, v9  }
0x60: {  	vm1 =	veq.s32 v17, v6;
	v18 =	vld [tilespmem:s22+$0x10];
	vm2 =	vne.s32 v13, v6;
	v8 =	vand.u32 $0xFF0, v8;
	[tilespmem:s23+$0xFFFFFFF0] =	vst v10  }
0x61: {  	vm0 =	vne.s32 v16, v6;
	v16 =	vld [tilespmem:s5+$0x0];
	vm2 =	vmand vm1, vm2;
	[tilespmem:s23+$0x0] =	vst v12;
	v12 =	vand.u32 $0xFF0, v15  }
0x62: {  	vm3 =	veq.s32 v11, v6;
	v15 =	vld [tilespmem:s21+$0x0];
	v11 =	vsel vm1, $0x40800000, v1;
	v13 =	vsel vm2, $0x3F800000, v1  }
0x63: {  	v19 =	vor.u32 v2, v8;
	v17 =	vld [tilespmem:s5+$0xFFFFFFE0];
	v10 =	vsel vm3, $0x40800000, v1;
	v13 =	vadd.f32 v13, v11  }
0x64: {  	v20 =	vor.u32 v2, v9;
	v8 =	vld [tilespmem:s22+$0xFFFFFFE0];
	vm1 =	vne.s32 v14, v6;
	v14 =	vor.u32 v2, v12  }
.Ltmp6:
0x65: {  	v11 =	vld [tilespmem:s22+$0xFFFFFFF0];
	vm1 =	vmand vm3, vm1;
	v9 =	vadd.f32 v13, v18;
	(pc) =	sbr.rel @p0 .LBB2_6-.Ltmp6, $4  }
0x66: {  	v13 =	vsel vm1, $0x3F800000, v1;
	v12 =	vld [tilespmem:s22+$0x0];
	vm2 =	veq.s32 v16, v6  }
0x67: {  	vm3 =	vne.s32 v15, v6;
	v15 =	vsel vm2, $0x40800000, v1;
	v16 =	vshrl.u32 v9, $0x14;
	[tilespmem:v7+s14+$0x0] =	vst.idx.add.s32.msk $0xffff, v3;
	v7 =	vmovc v14  }
0x68: {  	vm1 =	veq.s32 v17, v6;
	vm2 =	vmand vm2, vm3;
	v14 =	vand.u32 $0xFF0, v16;
	[tilespmem:v19+s14+$0x0] =	vst.idx.add.s32.msk $0xffff, v3  }
0x69: {  	s5 =	sadd.s32 $0x40, s5;
	vm0 =	vmand vm1, vm0;
	v16 =	vsel vm2, $0x3F800000, v1;
	v14 =	vor.u32 v2, v14;
	[tilespmem:v20+s14+$0x0] =	vst.idx.add.s32.msk $0xffff, v3  }
0x6a: {  	v6 =	vsel vm1, $0x40800000, v1;
	v17 =	vsel vm0, $0x3F800000, v1;
	v60 =	vadd.f32 v16, v15  }
0x6b: {  	v6 =	vadd.f32 v17, v6  }
0x6c: {  	v10 =	vadd.f32 v13, v10;
	v61 =	vadd.f32 v60, v12  }
0x6d: {  	v6 =	vadd.f32 v6, v8  }
0x6e: {  	s0 =	sadd.s32 $0x40, s23;
	v8 =	vadd.f32 v10, v11;
	v12 =	vshrl.u32 v61, $0x14  }
0x6f: {  	v62 =	vshrl.u32 v6, $0x14;
	[tilespmem:s0+$0xFFFFFFE0] =	vst v6;
	v6 =	vand.u32 $0xFF0, v12  }
0x70: {  	[tilespmem:v7+s14+$0x0] =	vst.idx.add.s32.msk $0xffff, v3;
	v63 =	vshrl.u32 v8, $0x14;
	v11 =	vand.u32 $0xFF0, v62;
	v6 =	vor.u32 v2, v6  }
0x71: {  	[tilespmem:s0+$0x10] =	vst v9;
	v9 =	vand.u32 $0xFF0, v63;
	v11 =	vor.u32 v2, v11  }
0x72: {  	[tilespmem:v14+s14+$0x0] =	vst.idx.add.s32.msk $0xffff, v3;
	v9 =	vor.u32 v2, v9  }
0x73: {  	[tilespmem:s0+$0x0] =	vst v61  }
0x74: {  	[tilespmem:s0+$0xFFFFFFF0] =	vst v8  }
0x75: {  	[tilespmem:v6+s14+$0x0] =	vst.idx.add.s32.msk $0xffff, v3  }
0x76: {  	[tilespmem:v11+s14+$0x0] =	vst.idx.add.s32.msk $0xffff, v3  }
0x77: {  	s26 =	simm.s32 $0x10FF0;
	[tilespmem:v9+s14+$0x0] =	vst.idx.add.s32.msk $0xffff, v3  }
0x78: {  	v6 =	vld [tilespmem:s26+$0x0]  }
0x79: {  	v7 =	vld [tilespmem:s26+$0xFFFFFFF0];
	_ =	sdelay $0x3  }
0x7a: {  	(xrf0) =	vadd.scan.msk.s32 $0xffff, v6  }
0x7b: {  	(xrf0) =	vadd.scan.msk.s32 $0xffff, v7;
	_ =	sdelay $0x4  }
0x7c: {  	v6, _, _ =	vpop (xrf0)  }
0x7d: {  	(v2sf) =	vpush v6, $0xF;
	v6, _, _ =	vpop (xrf0)  }
0x7e: {  	(v2sf) =	vpush v6, $0xF;
	v6 =	vld [tilespmem:s26+$0xFFFFFFE0];
	_ =	sdelay $0x3  }
0x7f: {  	v7 =	vld [tilespmem:s26+$0xFFFFFFD0]  }
0x80: {  	(xrf0) =	vadd.scan.msk.s32 $0xffff, v6;
	_ =	sdelay $0x2  }
0x81: {  	v8 =	vld [tilespmem:s26+$0xFFFFFFC0]  }
0x82: {  	(xrf0) =	vadd.scan.msk.s32 $0xffff, v7;
	_ =	sdelay $0x1  }
0x83: {  	v6, _, _ =	vpop (xrf0)  }
0x84: {  	v9 =	vld [tilespmem:s26+$0xFFFFFFB0];
	(v2sf) =	vpush v6, $0xF  }
0x85: {  	(xrf0) =	vadd.scan.msk.s32 $0xffff, v8;
	_ =	sdelay $0x1  }
0x86: {  	v8, _, _ =	vpop (xrf0)  }
0x87: {  	v7 =	vld [tilespmem:s26+$0xFFFFFFA0];
	(v2sf) =	vpush v8, $0xF  }
0x88: {  	(xrf0) =	vadd.scan.msk.s32 $0xffff, v9  }
0x89: {  	s22 =	simm.s32 $0xFF;
	p2 =	por $0x1, $0x1  }
.Ltmp7:
0x8a: {  	s5 =	simm.s32 $0x0;
	p0 =	por $0x0, $0x0;
	v8, _, _ =	vpop (xrf0);
	(pc) =	sbr.rel @!p2 .LBB2_9-.Ltmp7, $4  }
0x8b: {  	s23 =	simm.s32 $0x0;
	s28 =	simm.s32 $0xFF;
	v6 =	vld [tilespmem:s26+$0xFFFFFF90];
	s31 =	spop (v2sf);
	(v2sf) =	vpush v8, $0xF  }
0x8c: {  	s25 =	simm.s32 $0xFE;
	s24 =	simm.s32 $0x10F70;
	(xrf0) =	vadd.scan.msk.s32 $0xffff, v7;
	s0 =	sadd.s32 $0x0, s31  }
0x8d: {  	s21 =	simm.s32 $0x0;
	s28 =	smov.u32 @p0 s5;
	p1 =	sgt.s32 s0, $0x63  }
0x8e: {  	v7, _, _ =	vpop (xrf0);
	s26 =	spop (v2sf);
	s21 =	smov.u32 @p1 s28;
	p1 =	por p0, p1  }
.LBB2_8:
0x8f: {  	v8 =	vld [tilespmem:s24+$0x0];
	s0 =	smov.u32 @p1 s5;
	s25 =	smov.u32 @p1 s21;
	(v2sf) =	vpush v7, $0xF  }
0x90: {  	s23 =	sadd.s32 $0x8, s23;
	s5 =	sadd.s32 s26, s0;
	(xrf0) =	vadd.scan.msk.s32 $0xffff, v6  }
0x91: {  	p0 =	slt.u32 s23, $0xF8;
	s26 =	sadd.s32 $0xFFFFFFFE, s22;
	p2 =	sgt.s32 s5, $0x63  }
0x92: {  	s21 =	smov.u32 @p2 s25;
	p1 =	por p1, p2;
	s25 =	spop (v2sf);
	v6, _, _ =	vpop (xrf0)  }
0x93: {  	v7 =	vld [tilespmem:s24+$0xFFFFFFF0];
	s5 =	smov.u32 @p1 s0;
	s26 =	smov.u32 @p1 s21;
	(v2sf) =	vpush v6, $0xF  }
0x94: {  	(xrf0) =	vadd.scan.msk.s32 $0xffff, v8;
	s0 =	sadd.s32 s25, s5  }
0x95: {  	s25 =	sadd.s32 $0xFFFFFFFD, s22;
	p2 =	sgt.s32 s0, $0x63  }
0x96: {  	s21 =	smov.u32 @p2 s26;
	p1 =	por p1, p2;
	s26 =	spop (v2sf);
	v6, _, _ =	vpop (xrf0)  }
0x97: {  	v8 =	vld [tilespmem:s24+$0xFFFFFFE0];
	s0 =	smov.u32 @p1 s5;
	s25 =	smov.u32 @p1 s21;
	(v2sf) =	vpush v6, $0xF  }
0x98: {  	(xrf0) =	vadd.scan.msk.s32 $0xffff, v7;
	s5 =	sadd.s32 s26, s0  }
0x99: {  	s26 =	sadd.s32 $0xFFFFFFFC, s22;
	p2 =	sgt.s32 s5, $0x63  }
0x9a: {  	v6, _, _ =	vpop (xrf0);
	s21 =	smov.u32 @p2 s25;
	p1 =	por p1, p2;
	s25 =	spop (v2sf)  }
0x9b: {  	v7 =	vld [tilespmem:s24+$0xFFFFFFD0];
	(v2sf) =	vpush v6, $0xF;
	s5 =	smov.u32 @p1 s0;
	s26 =	smov.u32 @p1 s21  }
0x9c: {  	(xrf0) =	vadd.scan.msk.s32 $0xffff, v8;
	s0 =	sadd.s32 s25, s5  }
0x9d: {  	s25 =	sadd.s32 $0xFFFFFFFB, s22;
	p2 =	sgt.s32 s0, $0x63  }
0x9e: {  	v6, _, _ =	vpop (xrf0);
	s21 =	smov.u32 @p2 s26;
	p1 =	por p1, p2;
	s26 =	spop (v2sf)  }
0x9f: {  	v8 =	vld [tilespmem:s24+$0xFFFFFFC0];
	(v2sf) =	vpush v6, $0xF;
	s0 =	smov.u32 @p1 s5;
	s25 =	smov.u32 @p1 s21  }
0xa0: {  	(xrf0) =	vadd.scan.msk.s32 $0xffff, v7;
	s5 =	sadd.s32 s26, s0  }
0xa1: {  	s26 =	sadd.s32 $0xFFFFFFFA, s22;
	p2 =	sgt.s32 s5, $0x63  }
0xa2: {  	v6, _, _ =	vpop (xrf0);
	s21 =	smov.u32 @p2 s25;
	p1 =	por p1, p2;
	s25 =	spop (v2sf)  }
0xa3: {  	v7 =	vld [tilespmem:s24+$0xFFFFFFB0];
	(v2sf) =	vpush v6, $0xF;
	s5 =	smov.u32 @p1 s0;
	s26 =	smov.u32 @p1 s21  }
0xa4: {  	(xrf0) =	vadd.scan.msk.s32 $0xffff, v8;
	s0 =	sadd.s32 s25, s5  }
0xa5: {  	s25 =	sadd.s32 $0xFFFFFFF9, s22;
	p2 =	sgt.s32 s0, $0x63  }
0xa6: {  	v6, _, _ =	vpop (xrf0);
	s21 =	smov.u32 @p2 s26;
	p1 =	por p1, p2;
	s26 =	spop (v2sf)  }
0xa7: {  	v8 =	vld [tilespmem:s24+$0xFFFFFFA0];
	(v2sf) =	vpush v6, $0xF;
	s0 =	smov.u32 @p1 s5;
	s25 =	smov.u32 @p1 s21  }
0xa8: {  	(xrf0) =	vadd.scan.msk.s32 $0xffff, v7;
	s5 =	sadd.s32 s26, s0  }
0xa9: {  	s22 =	sadd.s32 $0xFFFFFFF8, s22;
	p2 =	sgt.s32 s5, $0x63  }
0xaa: {  	s28 =	smov.u32 s22;
	s26 =	spop (v2sf)  }
.Ltmp8:
0xab: {  	v7, _, _ =	vpop (xrf0);
	s21 =	smov.u32 @p2 s25;
	p1 =	por p1, p2;
	(pc) =	sbr.rel @p0 .LBB2_8-.Ltmp8, $4  }
0xac: {  	s28 =	smov.u32 @p1 s21;
	v6 =	vld [tilespmem:s24+$0xFFFFFF90];
	(v2sf) =	vpush v7, $0xF;
	s5 =	smov.u32 @p1 s0  }
0xad: {  	s0 =	sadd.s32 s5, s26;
	(xrf0) =	vadd.scan.msk.s32 $0xffff, v8  }
0xae: {  	s25 =	sadd.s32 $0xFFFFFFFF, s22;
	s24 =	sadd.s32 $0xFFFFFF80, s24;
	p2 =	sgt.s32 s0, $0x63  }
0xaf: {  	s21 =	smov.u32 @p2 s28;
	p1 =	por p1, p2;
	s26 =	spop (v2sf);
	v7, _, _ =	vpop (xrf0)  }
.LBB2_9:
0xb0: {  	s0 =	smov.u32 @p1 s5  }
0xb1: {  	(v2sf) =	vpush v7, $0xF;
	s5 =	sadd.s32 s26, s0  }
0xb2: {  	(xrf0) =	vadd.scan.msk.s32 $0xffff, v6;
	p4 =	sgt.s32 s5, $0x63  }
0xb3: {  	p0 =	por p1, p4;
	v6, _, _ =	vpop (xrf0)  }
0xb4: {  	s23 =	spop (v2sf);
	s5 =	smov.u32 @p0 s0;
	(v2sf) =	vpush v6, $0xF  }
0xb5: {  	s0 =	sadd.s32 s23, s5  }
0xb6: {  	p3 =	sgt.s32 s0, $0x63  }
0xb7: {  	p2 =	por p0, p3  }
0xb8: {  	s28 =	spop (v2sf);
	v6, _, _ =	vpop (xrf0);
	s0 =	smov.u32 @p2 s5  }
0xb9: {  	(v2sf) =	vpush v6, $0xF;
	s5 =	sadd.s32 s28, s0  }
0xba: {  	s25 =	smov.u32 @p1 s21;
	p5 =	sgt.s32 s5, $0x63  }
0xbb: {  	s21 =	smov.u32 @p4 s25;
	p1 =	por p2, p5  }
0xbc: {  	s23 =	sadd.s32 $0xFFFFFFFE, s22;
	s24 =	spop (v2sf);
	s5 =	smov.u32 @p1 s0  }
0xbd: {  	s23 =	smov.u32 @p0 s21;
	s0 =	sadd.s32 s24, s5  }
0xbe: {  	s21 =	smov.u32 @p3 s23;
	s24 =	sadd.s32 $0xFFFFFFFD, s22;
	p0 =	sgt.s32 s0, $0x63  }
0xbf: {  	s24 =	smov.u32 @p2 s21;
	p2 =	por p1, p0  }
0xc0: {  	s29 =	spop (v2sf);
	s0 =	smov.u32 @p2 s5  }
0xc1: {  	s21 =	smov.u32 @p5 s24;
	s5 =	sadd.s32 $0xFFFFFFFC, s22;
	s23 =	sadd.s32 s29, s0  }
0xc2: {  	s24 =	sadd.s32 $0xFFFFFFFB, s22;
	s5 =	smov.u32 @p1 s21;
	p1 =	sgt.s32 s23, $0x63  }
0xc3: {  	s21 =	smov.u32 @p0 s5;
	p0 =	por p2, p1;
	s30 =	spop (v2sf)  }
0xc4: {  	s24 =	smov.u32 @p2 s21;
	s23 =	smov.u32 @p0 s0;
	s0 =	simm.s32 $0x10040  }
0xc5: {  	s21 =	smov.u32 @p1 s24;
	s24 =	sadd.s32 $0xFFFFFFFA, s22;
	s5 =	sadd.s32 s30, s23  }
0xc6: {  	[tilespmem:s0+$0xFFFFFFC0] =	vst v0;
	s24 =	smov.u32 @p0 s21;
	p2 =	sgt.s32 s5, $0x63  }
0xc7: {  	[tilespmem:s0+$0x30] =	vst v0;
	p1 =	por p0, p2;
	s21 =	smov.u32 @p2 s24;
	p2 =	por $0x1, $0x1  }
.Ltmp9:
0xc8: {  	[tilespmem:s0+$0x20] =	vst v0;
	s31 =	spop (v2sf);
	s5 =	smov.u32 @p1 s23;
	(pc) =	sbr.rel @!p2 .LBB2_11-.Ltmp9, $4  }
0xc9: {  	[tilespmem:s0+$0x10] =	vst v0;
	s23 =	sadd.s32 s31, s5  }
0xca: {  	s22 =	sadd.s32 $0xFFFFFFF9, s22;
	[tilespmem:s0+$0x0] =	vst v0;
	p0 =	sgt.s32 s23, $0x63  }
0xcb: {  	[tilespmem:s0+$0xFFFFFFF0] =	vst v0;
	s22 =	smov.u32 @p1 s21;
	p1 =	por p1, p0  }
0xcc: {  	[tilespmem:s0+$0xFFFFFFE0] =	vst v0;
	s21 =	smov.u32 @p0 s22;
	s23 =	smov.u32 @p1 s5;
	s5 =	simm.s32 $0x0  }
.LBB2_10:
0xcd: {  	s5 =	sadd.s32 $0x8, s5;
	[tilespmem:s0+$0xFFFFFFD0] =	vst v0;
	s0 =	sadd.s32 $0x80, s0  }
0xce: {  	[tilespmem:s0+$0xFFFFFFC0] =	vst v0;
	p0 =	slt.u32 s5, $0xF8  }
0xcf: {  	[tilespmem:s0+$0x30] =	vst v0  }
.Ltmp10:
0xd0: {  	[tilespmem:s0+$0x20] =	vst v0;
	(pc) =	sbr.rel @p0 .LBB2_10-.Ltmp10, $4  }
0xd1: {  	[tilespmem:s0+$0x10] =	vst v0  }
0xd2: {  	[tilespmem:s0+$0x0] =	vst v0  }
0xd3: {  	[tilespmem:s0+$0xFFFFFFF0] =	vst v0  }
0xd4: {  	[tilespmem:s0+$0xFFFFFFE0] =	vst v0  }
.LBB2_11:
0xd5: {  	[tilespmem:s0+$0xFFFFFFD0] =	vst v0  }
0xd6: {  	s31 =	simm.s32 $0xC020;
	[tilespmem:$0x11000] =	vst v0  }
0xd7: {  	v7 =	vld [tilespmem:s31+$0x0]  }
0xd8: {  	v8 =	vld [tilespmem:s31+$0xFFFFFFF0]  }
0xd9: {  	s5 =	simm.s32 $0xC060;
	v9 =	vld [tilespmem:s31+$0xFFFFFFE0]  }
0xda: {  	v14 =	vld [tilespmem:s5+$0x0];
	_ =	sdelay $0x2  }
0xdb: {  	v6 =	vmov s21;
	v11 =	vld [tilespmem:s31+$0x10];
	v10 =	vshrl.u32 v7, $0x18  }
0xdc: {  	v7 =	vshrl.u32 v7, $0xC;
	v12 =	vshrl.u32 v8, $0x18;
	v8 =	vshrl.u32 v8, $0xC  }
0xdd: {  	v13 =	vshrl.u32 v9, $0xC;
	v9 =	vshrl.u32 v9, $0x18;
	v15 =	vshrl.u32 v14, $0x18  }
0xde: {  	vm1 =	veq.s32 v10, v6;
	v8 =	vand.u32 $0xFF0, v8;
	v7 =	vand.u32 $0xFF0, v7  }
0xdf: {  	vm0 =	veq.s32 v12, v6;
	v10 =	vld [tilespmem:s5+$0xFFFFFFF0];
	v13 =	vand.u32 $0xFF0, v13;
	v8 =	vor.u32 v2, v8  }
0xe0: {  	v8 =	vsel vm0, v8, v4;
	vm0 =	veq.s32 v9, v6;
	v9 =	vshrl.u32 v11, $0xC  }
0xe1: {  	v12 =	vld [tilespmem:s5+$0xFFFFFFE0];
	v7 =	vor.u32 v2, v7;
	v11 =	vshrl.u32 v11, $0x18;
	v9 =	vand.u32 $0xFF0, v9  }
0xe2: {  	v7 =	vsel vm1, v7, v4;
	vm1 =	veq.s32 v11, v6;
	v11 =	vor.u32 v2, v9  }
0xe3: {  	s0 =	simm.s32 $0x4;
	v14 =	vshrl.u32 v14, $0xC;
	v13 =	vor.u32 v2, v13;
	v9 =	vld [tilespmem:s5+$0x10];
	s5 =	simm.s32 $0xC0A0;
	v11 =	vsel vm1, v11, v4  }
.LBB2_12:
0xe4: {  	v16 =	vld [tilespmem:s5+$0x0];
	s0 =	sadd.s32 $0x4, s0;
	v17 =	vshrl.u32 v10, $0x18;
	v18 =	vshrl.u32 v10, $0xC;
	vm1 =	veq.s32 v15, v6  }
0xe5: {  	v14 =	vand.u32 $0xFF0, v14;
	v10 =	vld [tilespmem:s5+$0xFFFFFFF0];
	p0 =	slt.u32 s0, $0x3FC;
	v15 =	vand.u32 $0xFF0, v18;
	v18 =	vsel vm0, v13, v4  }
0xe6: {  	vm0 =	veq.s32 v17, v6;
	v13 =	vshrl.u32 v12, $0xC;
	v15 =	vor.u32 v2, v15;
	[tilespmem:v8+s14+$0x0] =	vst.idx.add.s32.msk $0xffff, v3  }
.Ltmp11:
0xe7: {  	v14 =	vor.u32 v2, v14;
	v12 =	vshrl.u32 v12, $0x18;
	v8 =	vsel vm0, v15, v4;
	[tilespmem:v7+s14+$0x0] =	vst.idx.add.s32.msk $0xffff, v3;
	(pc) =	sbr.rel @p0 .LBB2_12-.Ltmp11, $4  }
0xe8: {  	vm0 =	veq.s32 v12, v6;
	v7 =	vsel vm1, v14, v4;
	v14 =	vshrl.u32 v9, $0xC;
	[tilespmem:v11+s14+$0x0] =	vst.idx.add.s32.msk $0xffff, v3  }
0xe9: {  	v15 =	vshrl.u32 v9, $0x18;
	v11 =	vand.u32 $0xFF0, v13;
	v14 =	vand.u32 $0xFF0, v14;
	v12 =	vld [tilespmem:s5+$0xFFFFFFE0]  }
0xea: {  	vm1 =	veq.s32 v15, v6;
	v13 =	vor.u32 v2, v11;
	v11 =	vor.u32 v2, v14;
	v9 =	vld [tilespmem:s5+$0x10]  }
0xeb: {  	v15 =	vshrl.u32 v16, $0x18;
	v14 =	vshrl.u32 v16, $0xC;
	s5 =	sadd.s32 $0x40, s5;
	v11 =	vsel vm1, v11, v4;
	[tilespmem:v18+s14+$0x0] =	vst.idx.add.s32.msk $0xffff, v3  }
0xec: {  	v16 =	vshrl.u32 v10, $0xC;
	v54 =	vshrl.u32 v10, $0x18  }
0xed: {  	vm1 =	veq.s32 v15, v6;
	v14 =	vand.u32 $0xFF0, v14;
	v13 =	vsel vm0, v13, v4  }
0xee: {  	v55 =	vand.u32 $0xFF0, v16;
	vm13 =	veq.s32 v54, v6;
	v14 =	vor.u32 v2, v14  }
0xef: {  	v56 =	vshrl.u32 v12, $0xC;
	v57 =	vor.u32 v2, v55;
	v58 =	vshrl.u32 v12, $0x18  }
0xf0: {  	[tilespmem:v8+s14+$0x0] =	vst.idx.add.s32.msk $0xffff, v3;
	v8 =	vsel vm1, v14, v4;
	v10 =	vsel vm13, v57, v4;
	v59 =	vshrl.u32 v9, $0xC  }
0xf1: {  	[tilespmem:v7+s14+$0x0] =	vst.idx.add.s32.msk $0xffff, v3;
	v60 =	vshrl.u32 v9, $0x18;
	v7 =	vand.u32 $0xFF0, v56;
	vm15 =	veq.s32 v58, v6  }
0xf2: {  	v61 =	vand.u32 $0xFF0, v59;
	vm14 =	veq.s32 v60, v6;
	v6 =	vor.u32 v2, v7  }
0xf3: {  	v62 =	vor.u32 v2, v61;
	v6 =	vsel vm15, v6, v4  }
0xf4: {  	[tilespmem:v11+s14+$0x0] =	vst.idx.add.s32.msk $0xffff, v3;
	v7 =	vsel vm14, v62, v4  }
0xf5: {  	[tilespmem:v13+s14+$0x0] =	vst.idx.add.s32.msk $0xffff, v3  }
0xf6: {  	[tilespmem:v8+s14+$0x0] =	vst.idx.add.s32.msk $0xffff, v3  }
0xf7: {  	[tilespmem:v10+s14+$0x0] =	vst.idx.add.s32.msk $0xffff, v3  }
0xf8: {  	[tilespmem:v6+s14+$0x0] =	vst.idx.add.s32.msk $0xffff, v3  }
0xf9: {  	s29 =	simm.s32 $0x10FF0;
	[tilespmem:v7+s14+$0x0] =	vst.idx.add.s32.msk $0xffff, v3  }
0xfa: {  	v6 =	vld [tilespmem:s29+$0x0]  }
0xfb: {  	v7 =	vld [tilespmem:s29+$0xFFFFFFF0];
	_ =	sdelay $0x3  }
0xfc: {  	(xrf0) =	vadd.scan.msk.s32 $0xffff, v6  }
0xfd: {  	(xrf0) =	vadd.scan.msk.s32 $0xffff, v7;
	_ =	sdelay $0x4  }
0xfe: {  	v6, _, _ =	vpop (xrf0)  }
0xff: {  	(v2sf) =	vpush v6, $0xF;
	v6, _, _ =	vpop (xrf0)  }
0x100: {  	(v2sf) =	vpush v6, $0xF;
	v6 =	vld [tilespmem:s29+$0xFFFFFFE0];
	_ =	sdelay $0x3  }
0x101: {  	v7 =	vld [tilespmem:s29+$0xFFFFFFD0]  }
0x102: {  	(xrf0) =	vadd.scan.msk.s32 $0xffff, v6;
	_ =	sdelay $0x2  }
0x103: {  	v8 =	vld [tilespmem:s29+$0xFFFFFFC0]  }
0x104: {  	(xrf0) =	vadd.scan.msk.s32 $0xffff, v7;
	_ =	sdelay $0x1  }
0x105: {  	v6, _, _ =	vpop (xrf0)  }
0x106: {  	v63 =	vld [tilespmem:s29+$0xFFFFFFB0];
	(v2sf) =	vpush v6, $0xF  }
0x107: {  	(xrf0) =	vadd.scan.msk.s32 $0xffff, v8;
	_ =	sdelay $0x1  }
0x108: {  	v8, _, _ =	vpop (xrf0)  }
0x109: {  	v7 =	vld [tilespmem:s29+$0xFFFFFFA0];
	(v2sf) =	vpush v8, $0xF  }
0x10a: {  	(xrf0) =	vadd.scan.msk.s32 $0xffff, v63  }
0x10b: {  	s22 =	ssub.s32 $0x64, s23  }
0x10c: {  	s5 =	simm.s32 $0x0;
	p0 =	por $0x0, $0x0;
	s24 =	simm.s32 $0xFF;
	v8, _, _ =	vpop (xrf0)  }
0x10d: {  	s30 =	simm.s32 $0xFF;
	s25 =	simm.s32 $0x0;
	v6 =	vld [tilespmem:s29+$0xFFFFFF90];
	s0 =	spop (v2sf);
	(v2sf) =	vpush v8, $0xF  }
0x10e: {  	s28 =	simm.s32 $0xFE;
	s26 =	simm.s32 $0x10F70;
	(xrf0) =	vadd.scan.msk.s32 $0xffff, v7;
	s0 =	sadd.s32 $0x0, s0  }
0x10f: {  	s23 =	simm.s32 $0x0;
	s30 =	smov.u32 @p0 s5;
	p1 =	sge.s32 s0, s22  }
0x110: {  	v7, _, _ =	vpop (xrf0);
	s29 =	spop (v2sf);
	s23 =	smov.u32 @p1 s30;
	p1 =	por p0, p1  }
.LBB2_14:
0x111: {  	v8 =	vld [tilespmem:s26+$0x0];
	s0 =	smov.u32 @p1 s5;
	s28 =	smov.u32 @p1 s23;
	(v2sf) =	vpush v7, $0xF  }
0x112: {  	s25 =	sadd.s32 $0x8, s25;
	s5 =	sadd.s32 s29, s0;
	(xrf0) =	vadd.scan.msk.s32 $0xffff, v6  }
0x113: {  	p0 =	slt.u32 s25, $0xF8;
	s29 =	sadd.s32 $0xFFFFFFFE, s24;
	p2 =	sge.s32 s5, s22  }
0x114: {  	s23 =	smov.u32 @p2 s28;
	p1 =	por p1, p2;
	s28 =	spop (v2sf);
	v6, _, _ =	vpop (xrf0)  }
0x115: {  	v7 =	vld [tilespmem:s26+$0xFFFFFFF0];
	s5 =	smov.u32 @p1 s0;
	s29 =	smov.u32 @p1 s23;
	(v2sf) =	vpush v6, $0xF  }
0x116: {  	(xrf0) =	vadd.scan.msk.s32 $0xffff, v8;
	s0 =	sadd.s32 s28, s5  }
0x117: {  	s28 =	sadd.s32 $0xFFFFFFFD, s24;
	p2 =	sge.s32 s0, s22  }
0x118: {  	s23 =	smov.u32 @p2 s29;
	p1 =	por p1, p2;
	s29 =	spop (v2sf);
	v6, _, _ =	vpop (xrf0)  }
0x119: {  	v8 =	vld [tilespmem:s26+$0xFFFFFFE0];
	s0 =	smov.u32 @p1 s5;
	s28 =	smov.u32 @p1 s23;
	(v2sf) =	vpush v6, $0xF  }
0x11a: {  	(xrf0) =	vadd.scan.msk.s32 $0xffff, v7;
	s5 =	sadd.s32 s29, s0  }
0x11b: {  	s29 =	sadd.s32 $0xFFFFFFFC, s24;
	p2 =	sge.s32 s5, s22  }
0x11c: {  	v6, _, _ =	vpop (xrf0);
	s23 =	smov.u32 @p2 s28;
	p1 =	por p1, p2;
	s28 =	spop (v2sf)  }
0x11d: {  	v7 =	vld [tilespmem:s26+$0xFFFFFFD0];
	(v2sf) =	vpush v6, $0xF;
	s5 =	smov.u32 @p1 s0;
	s29 =	smov.u32 @p1 s23  }
0x11e: {  	(xrf0) =	vadd.scan.msk.s32 $0xffff, v8;
	s0 =	sadd.s32 s28, s5  }
0x11f: {  	s28 =	sadd.s32 $0xFFFFFFFB, s24;
	p2 =	sge.s32 s0, s22  }
0x120: {  	v6, _, _ =	vpop (xrf0);
	s23 =	smov.u32 @p2 s29;
	p1 =	por p1, p2;
	s29 =	spop (v2sf)  }
0x121: {  	v8 =	vld [tilespmem:s26+$0xFFFFFFC0];
	(v2sf) =	vpush v6, $0xF;
	s0 =	smov.u32 @p1 s5;
	s28 =	smov.u32 @p1 s23  }
0x122: {  	(xrf0) =	vadd.scan.msk.s32 $0xffff, v7;
	s5 =	sadd.s32 s29, s0  }
0x123: {  	s29 =	sadd.s32 $0xFFFFFFFA, s24;
	p2 =	sge.s32 s5, s22  }
0x124: {  	v6, _, _ =	vpop (xrf0);
	s23 =	smov.u32 @p2 s28;
	p1 =	por p1, p2;
	s28 =	spop (v2sf)  }
0x125: {  	v7 =	vld [tilespmem:s26+$0xFFFFFFB0];
	(v2sf) =	vpush v6, $0xF;
	s5 =	smov.u32 @p1 s0;
	s29 =	smov.u32 @p1 s23  }
0x126: {  	(xrf0) =	vadd.scan.msk.s32 $0xffff, v8;
	s0 =	sadd.s32 s28, s5  }
0x127: {  	s28 =	sadd.s32 $0xFFFFFFF9, s24;
	p2 =	sge.s32 s0, s22  }
0x128: {  	v6, _, _ =	vpop (xrf0);
	s23 =	smov.u32 @p2 s29;
	p1 =	por p1, p2;
	s29 =	spop (v2sf)  }
0x129: {  	v8 =	vld [tilespmem:s26+$0xFFFFFFA0];
	(v2sf) =	vpush v6, $0xF;
	s0 =	smov.u32 @p1 s5;
	s28 =	smov.u32 @p1 s23  }
0x12a: {  	(xrf0) =	vadd.scan.msk.s32 $0xffff, v7;
	s5 =	sadd.s32 s29, s0  }
0x12b: {  	s24 =	sadd.s32 $0xFFFFFFF8, s24;
	p2 =	sge.s32 s5, s22  }
0x12c: {  	s30 =	smov.u32 s24;
	s29 =	spop (v2sf)  }
.Ltmp12:
0x12d: {  	v7, _, _ =	vpop (xrf0);
	s23 =	smov.u32 @p2 s28;
	p1 =	por p1, p2;
	(pc) =	sbr.rel @p0 .LBB2_14-.Ltmp12, $4  }
0x12e: {  	s30 =	smov.u32 @p1 s23;
	v6 =	vld [tilespmem:s26+$0xFFFFFF90];
	(v2sf) =	vpush v7, $0xF;
	s5 =	smov.u32 @p1 s0  }
0x12f: {  	s0 =	sadd.s32 s5, s29;
	(xrf0) =	vadd.scan.msk.s32 $0xffff, v8  }
0x130: {  	s28 =	sadd.s32 $0xFFFFFFFF, s24;
	s26 =	sadd.s32 $0xFFFFFF80, s26;
	p2 =	sge.s32 s0, s22  }
0x131: {  	s23 =	smov.u32 @p2 s30;
	p1 =	por p1, p2;
	s29 =	spop (v2sf);
	v7, _, _ =	vpop (xrf0)  }
0x132: {  	s0 =	smov.u32 @p1 s5  }
0x133: {  	(v2sf) =	vpush v7, $0xF;
	s5 =	sadd.s32 s29, s0  }
0x134: {  	(xrf0) =	vadd.scan.msk.s32 $0xffff, v6;
	p4 =	sge.s32 s5, s22  }
0x135: {  	p0 =	por p1, p4  }
0x136: {  	s25 =	spop (v2sf);
	v6, _, _ =	vpop (xrf0);
	s5 =	smov.u32 @p0 s0  }
0x137: {  	(v2sf) =	vpush v6, $0xF;
	s0 =	sadd.s32 s25, s5  }
0x138: {  	p3 =	sge.s32 s0, s22  }
0x139: {  	p2 =	por p0, p3  }
0x13a: {  	s26 =	spop (v2sf);
	v6, _, _ =	vpop (xrf0);
	s0 =	smov.u32 @p2 s5  }
0x13b: {  	(v2sf) =	vpush v6, $0xF;
	s5 =	sadd.s32 s26, s0  }
0x13c: {  	s28 =	smov.u32 @p1 s23;
	p5 =	sge.s32 s5, s22  }
0x13d: {  	s23 =	smov.u32 @p4 s28;
	p1 =	por p2, p5  }
0x13e: {  	s25 =	sadd.s32 $0xFFFFFFFE, s24;
	s26 =	spop (v2sf);
	s5 =	smov.u32 @p1 s0  }
0x13f: {  	s25 =	smov.u32 @p0 s23;
	s0 =	sadd.s32 s26, s5  }
0x140: {  	s23 =	smov.u32 @p3 s25;
	s26 =	sadd.s32 $0xFFFFFFFD, s24;
	p0 =	sge.s32 s0, s22  }
0x141: {  	s26 =	smov.u32 @p2 s23;
	p2 =	por p1, p0  }
0x142: {  	s29 =	spop (v2sf);
	s0 =	smov.u32 @p2 s5  }
0x143: {  	s23 =	smov.u32 @p5 s26;
	s5 =	sadd.s32 $0xFFFFFFFC, s24;
	s25 =	sadd.s32 s29, s0  }
0x144: {  	s5 =	smov.u32 @p1 s23;
	p1 =	sge.s32 s25, s22  }
0x145: {  	s23 =	smov.u32 @p0 s5;
	p0 =	por p2, p1  }
0x146: {  	s30 =	spop (v2sf);
	s25 =	smov.u32 @p0 s0  }
0x147: {  	s26 =	sadd.s32 $0xFFFFFFFB, s24;
	s0 =	simm.s32 $0x10040;
	s5 =	sadd.s32 s30, s25  }
0x148: {  	s26 =	smov.u32 @p2 s23;
	[tilespmem:s0+$0xFFFFFFC0] =	vst v0;
	p2 =	sge.s32 s5, s22  }
0x149: {  	s23 =	smov.u32 @p1 s26;
	[tilespmem:s0+$0x30] =	vst v0;
	p1 =	por p0, p2  }
0x14a: {  	s26 =	sadd.s32 $0xFFFFFFFA, s24;
	[tilespmem:s0+$0x20] =	vst v0;
	s31 =	spop (v2sf);
	s5 =	smov.u32 @p1 s25  }
0x14b: {  	s26 =	smov.u32 @p0 s23;
	[tilespmem:s0+$0x10] =	vst v0;
	s25 =	sadd.s32 s31, s5  }
0x14c: {  	s24 =	sadd.s32 $0xFFFFFFF9, s24;
	[tilespmem:s0+$0x0] =	vst v0;
	s23 =	smov.u32 @p2 s26;
	p0 =	sge.s32 s25, s22  }
0x14d: {  	[tilespmem:s0+$0xFFFFFFF0] =	vst v0;
	s24 =	smov.u32 @p1 s23;
	p1 =	por p1, p0  }
0x14e: {  	[tilespmem:s0+$0xFFFFFFE0] =	vst v0;
	s23 =	smov.u32 @p0 s24;
	s25 =	smov.u32 @p1 s5;
	s5 =	simm.s32 $0x0  }
.LBB2_16:
0x14f: {  	s5 =	sadd.s32 $0x8, s5;
	[tilespmem:s0+$0xFFFFFFD0] =	vst v0;
	s0 =	sadd.s32 $0x80, s0  }
0x150: {  	[tilespmem:s0+$0xFFFFFFC0] =	vst v0;
	p0 =	slt.u32 s5, $0xF8  }
0x151: {  	[tilespmem:s0+$0x30] =	vst v0  }
.Ltmp13:
0x152: {  	[tilespmem:s0+$0x20] =	vst v0;
	(pc) =	sbr.rel @p0 .LBB2_16-.Ltmp13, $4  }
0x153: {  	[tilespmem:s0+$0x10] =	vst v0  }
0x154: {  	[tilespmem:s0+$0x0] =	vst v0  }
0x155: {  	[tilespmem:s0+$0xFFFFFFF0] =	vst v0  }
0x156: {  	[tilespmem:s0+$0xFFFFFFE0] =	vst v0  }
0x157: {  	[tilespmem:s0+$0xFFFFFFD0] =	vst v0  }
0x158: {  	s30 =	simm.s32 $0xC020;
	[tilespmem:$0x11000] =	vst v0  }
0x159: {  	v7 =	vld [tilespmem:s30+$0x0]  }
0x15a: {  	v8 =	vld [tilespmem:s30+$0xFFFFFFF0]  }
0x15b: {  	s31 =	simm.s32 $0xC060;
	v9 =	vld [tilespmem:s30+$0xFFFFFFE0]  }
0x15c: {  	v14 =	vld [tilespmem:s31+$0x0]  }
0x15d: {  	s5 =	sshll.u32 s21, $0x8  }
0x15e: {  	s23 =	sor.u32 s5, s23  }
0x15f: {  	v6 =	vmov s23;
	v11 =	vld [tilespmem:s30+$0x10];
	v10 =	vshrl.u32 v7, $0x10  }
0x160: {  	v7 =	vshrl.u32 v7, $0x4;
	v12 =	vshrl.u32 v8, $0x10;
	v8 =	vshrl.u32 v8, $0x4  }
0x161: {  	v13 =	vshrl.u32 v9, $0x4;
	v9 =	vshrl.u32 v9, $0x10;
	v15 =	vshrl.u32 v14, $0x10  }
0x162: {  	vm1 =	veq.s32 v10, v6;
	v8 =	vand.u32 $0xFF0, v8;
	v7 =	vand.u32 $0xFF0, v7  }
0x163: {  	vm0 =	veq.s32 v12, v6;
	v10 =	vld [tilespmem:s31+$0xFFFFFFF0];
	v13 =	vand.u32 $0xFF0, v13;
	v8 =	vor.u32 v2, v8  }
0x164: {  	v8 =	vsel vm0, v8, v4;
	vm0 =	veq.s32 v9, v6;
	v9 =	vshrl.u32 v11, $0x4  }
0x165: {  	v12 =	vld [tilespmem:s31+$0xFFFFFFE0];
	v7 =	vor.u32 v2, v7;
	v11 =	vshrl.u32 v11, $0x10;
	v9 =	vand.u32 $0xFF0, v9  }
0x166: {  	v7 =	vsel vm1, v7, v4;
	vm1 =	veq.s32 v11, v6;
	v11 =	vor.u32 v2, v9  }
0x167: {  	s0 =	simm.s32 $0x4;
	s5 =	simm.s32 $0xC0A0;
	v14 =	vshrl.u32 v14, $0x4;
	v13 =	vor.u32 v2, v13;
	v9 =	vld [tilespmem:s31+$0x10];
	v11 =	vsel vm1, v11, v4  }
.LBB2_18:
0x168: {  	v16 =	vld [tilespmem:s5+$0x0];
	s0 =	sadd.s32 $0x4, s0;
	v17 =	vshrl.u32 v10, $0x10;
	v18 =	vshrl.u32 v10, $0x4;
	vm1 =	veq.s32 v15, v6  }
0x169: {  	v14 =	vand.u32 $0xFF0, v14;
	v10 =	vld [tilespmem:s5+$0xFFFFFFF0];
	p0 =	slt.u32 s0, $0x3FC;
	v15 =	vand.u32 $0xFF0, v18;
	v18 =	vsel vm0, v13, v4  }
0x16a: {  	vm0 =	veq.s32 v17, v6;
	v13 =	vshrl.u32 v12, $0x4;
	v15 =	vor.u32 v2, v15;
	[tilespmem:v8+s14+$0x0] =	vst.idx.add.s32.msk $0xffff, v3  }
.Ltmp14:
0x16b: {  	v14 =	vor.u32 v2, v14;
	v12 =	vshrl.u32 v12, $0x10;
	v8 =	vsel vm0, v15, v4;
	[tilespmem:v7+s14+$0x0] =	vst.idx.add.s32.msk $0xffff, v3;
	(pc) =	sbr.rel @p0 .LBB2_18-.Ltmp14, $4  }
0x16c: {  	vm0 =	veq.s32 v12, v6;
	v7 =	vsel vm1, v14, v4;
	v14 =	vshrl.u32 v9, $0x4;
	[tilespmem:v11+s14+$0x0] =	vst.idx.add.s32.msk $0xffff, v3  }
0x16d: {  	v15 =	vshrl.u32 v9, $0x10;
	v11 =	vand.u32 $0xFF0, v13;
	v14 =	vand.u32 $0xFF0, v14;
	v12 =	vld [tilespmem:s5+$0xFFFFFFE0]  }
0x16e: {  	vm1 =	veq.s32 v15, v6;
	v13 =	vor.u32 v2, v11;
	v11 =	vor.u32 v2, v14;
	v9 =	vld [tilespmem:s5+$0x10]  }
0x16f: {  	v15 =	vshrl.u32 v16, $0x10;
	v14 =	vshrl.u32 v16, $0x4;
	s5 =	sadd.s32 $0x40, s5;
	v11 =	vsel vm1, v11, v4;
	[tilespmem:v18+s14+$0x0] =	vst.idx.add.s32.msk $0xffff, v3  }
0x170: {  	v16 =	vshrl.u32 v10, $0x4;
	v54 =	vshrl.u32 v10, $0x10  }
0x171: {  	vm1 =	veq.s32 v15, v6;
	v14 =	vand.u32 $0xFF0, v14;
	v13 =	vsel vm0, v13, v4  }
0x172: {  	v55 =	vand.u32 $0xFF0, v16;
	vm13 =	veq.s32 v54, v6;
	v14 =	vor.u32 v2, v14  }
0x173: {  	v56 =	vshrl.u32 v12, $0x4;
	v57 =	vor.u32 v2, v55;
	v58 =	vshrl.u32 v12, $0x10  }
0x174: {  	[tilespmem:v8+s14+$0x0] =	vst.idx.add.s32.msk $0xffff, v3;
	v8 =	vsel vm1, v14, v4;
	v10 =	vsel vm13, v57, v4;
	v59 =	vshrl.u32 v9, $0x4  }
0x175: {  	[tilespmem:v7+s14+$0x0] =	vst.idx.add.s32.msk $0xffff, v3;
	v60 =	vshrl.u32 v9, $0x10;
	v7 =	vand.u32 $0xFF0, v56;
	vm15 =	veq.s32 v58, v6  }
0x176: {  	v61 =	vand.u32 $0xFF0, v59;
	vm14 =	veq.s32 v60, v6;
	v6 =	vor.u32 v2, v7  }
0x177: {  	v62 =	vor.u32 v2, v61;
	v6 =	vsel vm15, v6, v4  }
0x178: {  	[tilespmem:v11+s14+$0x0] =	vst.idx.add.s32.msk $0xffff, v3;
	v7 =	vsel vm14, v62, v4  }
0x179: {  	[tilespmem:v13+s14+$0x0] =	vst.idx.add.s32.msk $0xffff, v3  }
0x17a: {  	[tilespmem:v8+s14+$0x0] =	vst.idx.add.s32.msk $0xffff, v3  }
0x17b: {  	[tilespmem:v10+s14+$0x0] =	vst.idx.add.s32.msk $0xffff, v3  }
0x17c: {  	[tilespmem:v6+s14+$0x0] =	vst.idx.add.s32.msk $0xffff, v3  }
0x17d: {  	s29 =	simm.s32 $0x10FF0;
	[tilespmem:v7+s14+$0x0] =	vst.idx.add.s32.msk $0xffff, v3  }
0x17e: {  	v6 =	vld [tilespmem:s29+$0x0]  }
0x17f: {  	v7 =	vld [tilespmem:s29+$0xFFFFFFF0];
	_ =	sdelay $0x3  }
0x180: {  	(xrf0) =	vadd.scan.msk.s32 $0xffff, v6  }
0x181: {  	(xrf0) =	vadd.scan.msk.s32 $0xffff, v7;
	_ =	sdelay $0x4  }
0x182: {  	v6, _, _ =	vpop (xrf0)  }
0x183: {  	(v2sf) =	vpush v6, $0xF;
	v6, _, _ =	vpop (xrf0)  }
0x184: {  	(v2sf) =	vpush v6, $0xF;
	v6 =	vld [tilespmem:s29+$0xFFFFFFE0];
	_ =	sdelay $0x3  }
0x185: {  	v7 =	vld [tilespmem:s29+$0xFFFFFFD0]  }
0x186: {  	(xrf0) =	vadd.scan.msk.s32 $0xffff, v6;
	_ =	sdelay $0x2  }
0x187: {  	v8 =	vld [tilespmem:s29+$0xFFFFFFC0]  }
0x188: {  	(xrf0) =	vadd.scan.msk.s32 $0xffff, v7;
	_ =	sdelay $0x1  }
0x189: {  	v6, _, _ =	vpop (xrf0)  }
0x18a: {  	v63 =	vld [tilespmem:s29+$0xFFFFFFB0];
	(v2sf) =	vpush v6, $0xF  }
0x18b: {  	(xrf0) =	vadd.scan.msk.s32 $0xffff, v8;
	_ =	sdelay $0x1  }
0x18c: {  	v8, _, _ =	vpop (xrf0)  }
0x18d: {  	v7 =	vld [tilespmem:s29+$0xFFFFFFA0];
	(v2sf) =	vpush v8, $0xF  }
0x18e: {  	(xrf0) =	vadd.scan.msk.s32 $0xffff, v63  }
0x18f: {  	s21 =	ssub.s32 s22, s25  }
0x190: {  	s5 =	simm.s32 $0x0;
	p0 =	por $0x0, $0x0;
	s24 =	simm.s32 $0xFF;
	v8, _, _ =	vpop (xrf0)  }
0x191: {  	s30 =	simm.s32 $0xFF;
	s25 =	simm.s32 $0x0;
	v6 =	vld [tilespmem:s29+$0xFFFFFF90];
	s0 =	spop (v2sf);
	(v2sf) =	vpush v8, $0xF  }
0x192: {  	s28 =	simm.s32 $0xFE;
	s26 =	simm.s32 $0x10F70;
	(xrf0) =	vadd.scan.msk.s32 $0xffff, v7;
	s0 =	sadd.s32 $0x0, s0  }
0x193: {  	s22 =	simm.s32 $0x0;
	s30 =	smov.u32 @p0 s5;
	p1 =	sge.s32 s0, s21  }
0x194: {  	v7, _, _ =	vpop (xrf0);
	s29 =	spop (v2sf);
	s22 =	smov.u32 @p1 s30;
	p1 =	por p0, p1  }
.LBB2_20:
0x195: {  	v8 =	vld [tilespmem:s26+$0x0];
	s0 =	smov.u32 @p1 s5;
	s28 =	smov.u32 @p1 s22;
	(v2sf) =	vpush v7, $0xF  }
0x196: {  	s25 =	sadd.s32 $0x8, s25;
	s5 =	sadd.s32 s29, s0;
	(xrf0) =	vadd.scan.msk.s32 $0xffff, v6  }
0x197: {  	p0 =	slt.u32 s25, $0xF8;
	s29 =	sadd.s32 $0xFFFFFFFE, s24;
	p2 =	sge.s32 s5, s21  }
0x198: {  	s22 =	smov.u32 @p2 s28;
	p1 =	por p1, p2;
	s28 =	spop (v2sf);
	v6, _, _ =	vpop (xrf0)  }
0x199: {  	v7 =	vld [tilespmem:s26+$0xFFFFFFF0];
	s5 =	smov.u32 @p1 s0;
	s29 =	smov.u32 @p1 s22;
	(v2sf) =	vpush v6, $0xF  }
0x19a: {  	(xrf0) =	vadd.scan.msk.s32 $0xffff, v8;
	s0 =	sadd.s32 s28, s5  }
0x19b: {  	s28 =	sadd.s32 $0xFFFFFFFD, s24;
	p2 =	sge.s32 s0, s21  }
0x19c: {  	s22 =	smov.u32 @p2 s29;
	p1 =	por p1, p2;
	s29 =	spop (v2sf);
	v6, _, _ =	vpop (xrf0)  }
0x19d: {  	v8 =	vld [tilespmem:s26+$0xFFFFFFE0];
	s0 =	smov.u32 @p1 s5;
	s28 =	smov.u32 @p1 s22;
	(v2sf) =	vpush v6, $0xF  }
0x19e: {  	(xrf0) =	vadd.scan.msk.s32 $0xffff, v7;
	s5 =	sadd.s32 s29, s0  }
0x19f: {  	s29 =	sadd.s32 $0xFFFFFFFC, s24;
	p2 =	sge.s32 s5, s21  }
0x1a0: {  	v6, _, _ =	vpop (xrf0);
	s22 =	smov.u32 @p2 s28;
	p1 =	por p1, p2;
	s28 =	spop (v2sf)  }
0x1a1: {  	v7 =	vld [tilespmem:s26+$0xFFFFFFD0];
	(v2sf) =	vpush v6, $0xF;
	s5 =	smov.u32 @p1 s0;
	s29 =	smov.u32 @p1 s22  }
0x1a2: {  	(xrf0) =	vadd.scan.msk.s32 $0xffff, v8;
	s0 =	sadd.s32 s28, s5  }
0x1a3: {  	s28 =	sadd.s32 $0xFFFFFFFB, s24;
	p2 =	sge.s32 s0, s21  }
0x1a4: {  	v6, _, _ =	vpop (xrf0);
	s22 =	smov.u32 @p2 s29;
	p1 =	por p1, p2;
	s29 =	spop (v2sf)  }
0x1a5: {  	v8 =	vld [tilespmem:s26+$0xFFFFFFC0];
	(v2sf) =	vpush v6, $0xF;
	s0 =	smov.u32 @p1 s5;
	s28 =	smov.u32 @p1 s22  }
0x1a6: {  	(xrf0) =	vadd.scan.msk.s32 $0xffff, v7;
	s5 =	sadd.s32 s29, s0  }
0x1a7: {  	s29 =	sadd.s32 $0xFFFFFFFA, s24;
	p2 =	sge.s32 s5, s21  }
0x1a8: {  	v6, _, _ =	vpop (xrf0);
	s22 =	smov.u32 @p2 s28;
	p1 =	por p1, p2;
	s28 =	spop (v2sf)  }
0x1a9: {  	v7 =	vld [tilespmem:s26+$0xFFFFFFB0];
	(v2sf) =	vpush v6, $0xF;
	s5 =	smov.u32 @p1 s0;
	s29 =	smov.u32 @p1 s22  }
0x1aa: {  	(xrf0) =	vadd.scan.msk.s32 $0xffff, v8;
	s0 =	sadd.s32 s28, s5  }
0x1ab: {  	s28 =	sadd.s32 $0xFFFFFFF9, s24;
	p2 =	sge.s32 s0, s21  }
0x1ac: {  	v6, _, _ =	vpop (xrf0);
	s22 =	smov.u32 @p2 s29;
	p1 =	por p1, p2;
	s29 =	spop (v2sf)  }
0x1ad: {  	v8 =	vld [tilespmem:s26+$0xFFFFFFA0];
	(v2sf) =	vpush v6, $0xF;
	s0 =	smov.u32 @p1 s5;
	s28 =	smov.u32 @p1 s22  }
0x1ae: {  	(xrf0) =	vadd.scan.msk.s32 $0xffff, v7;
	s5 =	sadd.s32 s29, s0  }
0x1af: {  	s24 =	sadd.s32 $0xFFFFFFF8, s24;
	p2 =	sge.s32 s5, s21  }
0x1b0: {  	s30 =	smov.u32 s24;
	s29 =	spop (v2sf)  }
.Ltmp15:
0x1b1: {  	v7, _, _ =	vpop (xrf0);
	s22 =	smov.u32 @p2 s28;
	p1 =	por p1, p2;
	(pc) =	sbr.rel @p0 .LBB2_20-.Ltmp15, $4  }
0x1b2: {  	s30 =	smov.u32 @p1 s22;
	v6 =	vld [tilespmem:s26+$0xFFFFFF90];
	(v2sf) =	vpush v7, $0xF;
	s5 =	smov.u32 @p1 s0  }
0x1b3: {  	s0 =	sadd.s32 s5, s29;
	(xrf0) =	vadd.scan.msk.s32 $0xffff, v8  }
0x1b4: {  	s28 =	sadd.s32 $0xFFFFFFFF, s24;
	s26 =	sadd.s32 $0xFFFFFF80, s26;
	p2 =	sge.s32 s0, s21  }
0x1b5: {  	s22 =	smov.u32 @p2 s30;
	p1 =	por p1, p2;
	s29 =	spop (v2sf);
	v7, _, _ =	vpop (xrf0)  }
0x1b6: {  	s0 =	smov.u32 @p1 s5  }
0x1b7: {  	(v2sf) =	vpush v7, $0xF;
	s5 =	sadd.s32 s29, s0  }
0x1b8: {  	(xrf0) =	vadd.scan.msk.s32 $0xffff, v6;
	p4 =	sge.s32 s5, s21  }
0x1b9: {  	p0 =	por p1, p4  }
0x1ba: {  	s25 =	spop (v2sf);
	v6, _, _ =	vpop (xrf0);
	s5 =	smov.u32 @p0 s0  }
0x1bb: {  	(v2sf) =	vpush v6, $0xF;
	s0 =	sadd.s32 s25, s5  }
0x1bc: {  	p3 =	sge.s32 s0, s21  }
0x1bd: {  	p2 =	por p0, p3  }
0x1be: {  	s26 =	spop (v2sf);
	v6, _, _ =	vpop (xrf0);
	s0 =	smov.u32 @p2 s5  }
0x1bf: {  	(v2sf) =	vpush v6, $0xF;
	s5 =	sadd.s32 s26, s0  }
0x1c0: {  	s28 =	smov.u32 @p1 s22;
	p5 =	sge.s32 s5, s21  }
0x1c1: {  	s22 =	smov.u32 @p4 s28;
	p1 =	por p2, p5  }
0x1c2: {  	s25 =	sadd.s32 $0xFFFFFFFE, s24;
	s26 =	spop (v2sf);
	s5 =	smov.u32 @p1 s0  }
0x1c3: {  	s25 =	smov.u32 @p0 s22;
	s0 =	sadd.s32 s26, s5  }
0x1c4: {  	s22 =	smov.u32 @p3 s25;
	s26 =	sadd.s32 $0xFFFFFFFD, s24;
	p0 =	sge.s32 s0, s21  }
0x1c5: {  	s26 =	smov.u32 @p2 s22;
	p2 =	por p1, p0  }
0x1c6: {  	s29 =	spop (v2sf);
	s0 =	smov.u32 @p2 s5  }
0x1c7: {  	s22 =	smov.u32 @p5 s26;
	s5 =	sadd.s32 $0xFFFFFFFC, s24;
	s25 =	sadd.s32 s29, s0  }
0x1c8: {  	s5 =	smov.u32 @p1 s22;
	p1 =	sge.s32 s25, s21  }
0x1c9: {  	s22 =	smov.u32 @p0 s5;
	p0 =	por p2, p1  }
0x1ca: {  	s30 =	spop (v2sf);
	s25 =	smov.u32 @p0 s0  }
0x1cb: {  	s26 =	sadd.s32 $0xFFFFFFFB, s24;
	s0 =	simm.s32 $0x10040;
	s5 =	sadd.s32 s30, s25  }
0x1cc: {  	s26 =	smov.u32 @p2 s22;
	[tilespmem:s0+$0xFFFFFFC0] =	vst v0;
	p2 =	sge.s32 s5, s21  }
0x1cd: {  	s22 =	smov.u32 @p1 s26;
	[tilespmem:s0+$0x30] =	vst v0;
	p1 =	por p0, p2  }
0x1ce: {  	s26 =	sadd.s32 $0xFFFFFFFA, s24;
	[tilespmem:s0+$0x20] =	vst v0;
	s31 =	spop (v2sf);
	s5 =	smov.u32 @p1 s25  }
0x1cf: {  	s26 =	smov.u32 @p0 s22;
	[tilespmem:s0+$0x10] =	vst v0;
	s25 =	sadd.s32 s31, s5  }
0x1d0: {  	s24 =	sadd.s32 $0xFFFFFFF9, s24;
	[tilespmem:s0+$0x0] =	vst v0;
	s22 =	smov.u32 @p2 s26;
	p0 =	sge.s32 s25, s21  }
0x1d1: {  	[tilespmem:s0+$0xFFFFFFF0] =	vst v0;
	s24 =	smov.u32 @p1 s22;
	p1 =	por p1, p0  }
0x1d2: {  	[tilespmem:s0+$0xFFFFFFE0] =	vst v0;
	s22 =	smov.u32 @p0 s24;
	s25 =	smov.u32 @p1 s5;
	s5 =	simm.s32 $0x0  }
.LBB2_22:
0x1d3: {  	s5 =	sadd.s32 $0x8, s5;
	[tilespmem:s0+$0xFFFFFFD0] =	vst v0;
	s0 =	sadd.s32 $0x80, s0  }
0x1d4: {  	[tilespmem:s0+$0xFFFFFFC0] =	vst v0;
	p0 =	slt.u32 s5, $0xF8  }
0x1d5: {  	[tilespmem:s0+$0x30] =	vst v0  }
.Ltmp16:
0x1d6: {  	[tilespmem:s0+$0x20] =	vst v0;
	(pc) =	sbr.rel @p0 .LBB2_22-.Ltmp16, $4  }
0x1d7: {  	[tilespmem:s0+$0x10] =	vst v0  }
0x1d8: {  	[tilespmem:s0+$0x0] =	vst v0  }
0x1d9: {  	[tilespmem:s0+$0xFFFFFFF0] =	vst v0  }
0x1da: {  	[tilespmem:s0+$0xFFFFFFE0] =	vst v0  }
0x1db: {  	[tilespmem:s0+$0xFFFFFFD0] =	vst v0  }
0x1dc: {  	s30 =	simm.s32 $0xC020;
	[tilespmem:$0x11000] =	vst v0  }
0x1dd: {  	v7 =	vld [tilespmem:s30+$0x0]  }
0x1de: {  	v8 =	vld [tilespmem:s30+$0xFFFFFFF0]  }
0x1df: {  	s31 =	simm.s32 $0xC060;
	v9 =	vld [tilespmem:s30+$0xFFFFFFE0]  }
0x1e0: {  	v14 =	vld [tilespmem:s31+$0x0]  }
0x1e1: {  	s5 =	sshll.u32 s23, $0x8  }
0x1e2: {  	s22 =	sor.u32 s5, s22  }
0x1e3: {  	v6 =	vmov s22;
	v11 =	vld [tilespmem:s30+$0x10];
	v10 =	vshrl.u32 v7, $0x8  }
0x1e4: {  	v7 =	vshll.u32 v7, $0x4;
	v12 =	vshrl.u32 v8, $0x8;
	v8 =	vshll.u32 v8, $0x4  }
0x1e5: {  	v13 =	vshll.u32 v9, $0x4;
	v9 =	vshrl.u32 v9, $0x8;
	v15 =	vshrl.u32 v14, $0x8  }
0x1e6: {  	vm1 =	veq.s32 v10, v6;
	v8 =	vand.u32 $0xFF0, v8;
	v7 =	vand.u32 $0xFF0, v7  }
0x1e7: {  	vm0 =	veq.s32 v12, v6;
	v10 =	vld [tilespmem:s31+$0xFFFFFFF0];
	v13 =	vand.u32 $0xFF0, v13;
	v8 =	vor.u32 v2, v8  }
0x1e8: {  	v8 =	vsel vm0, v8, v4;
	vm0 =	veq.s32 v9, v6;
	v9 =	vshll.u32 v11, $0x4  }
0x1e9: {  	v12 =	vld [tilespmem:s31+$0xFFFFFFE0];
	v7 =	vor.u32 v2, v7;
	v11 =	vshrl.u32 v11, $0x8;
	v9 =	vand.u32 $0xFF0, v9  }
0x1ea: {  	v7 =	vsel vm1, v7, v4;
	vm1 =	veq.s32 v11, v6;
	v11 =	vor.u32 v2, v9  }
0x1eb: {  	s0 =	simm.s32 $0x4;
	s5 =	simm.s32 $0xC0A0;
	v14 =	vshll.u32 v14, $0x4;
	v13 =	vor.u32 v2, v13;
	v9 =	vld [tilespmem:s31+$0x10];
	v11 =	vsel vm1, v11, v4  }
.LBB2_24:
0x1ec: {  	v16 =	vld [tilespmem:s5+$0x0];
	s0 =	sadd.s32 $0x4, s0;
	v17 =	vshrl.u32 v10, $0x8;
	v18 =	vshll.u32 v10, $0x4;
	vm1 =	veq.s32 v15, v6  }
0x1ed: {  	v14 =	vand.u32 $0xFF0, v14;
	v10 =	vld [tilespmem:s5+$0xFFFFFFF0];
	p0 =	slt.u32 s0, $0x3FC;
	v15 =	vand.u32 $0xFF0, v18;
	v18 =	vsel vm0, v13, v4  }
0x1ee: {  	vm0 =	veq.s32 v17, v6;
	v13 =	vshll.u32 v12, $0x4;
	v15 =	vor.u32 v2, v15;
	[tilespmem:v8+s14+$0x0] =	vst.idx.add.s32.msk $0xffff, v3  }
.Ltmp17:
0x1ef: {  	v14 =	vor.u32 v2, v14;
	v12 =	vshrl.u32 v12, $0x8;
	v8 =	vsel vm0, v15, v4;
	[tilespmem:v7+s14+$0x0] =	vst.idx.add.s32.msk $0xffff, v3;
	(pc) =	sbr.rel @p0 .LBB2_24-.Ltmp17, $4  }
0x1f0: {  	vm0 =	veq.s32 v12, v6;
	v7 =	vsel vm1, v14, v4;
	v14 =	vshll.u32 v9, $0x4;
	[tilespmem:v11+s14+$0x0] =	vst.idx.add.s32.msk $0xffff, v3  }
0x1f1: {  	v15 =	vshrl.u32 v9, $0x8;
	v11 =	vand.u32 $0xFF0, v13;
	v14 =	vand.u32 $0xFF0, v14;
	v12 =	vld [tilespmem:s5+$0xFFFFFFE0]  }
0x1f2: {  	vm1 =	veq.s32 v15, v6;
	v13 =	vor.u32 v2, v11;
	v11 =	vor.u32 v2, v14;
	v9 =	vld [tilespmem:s5+$0x10]  }
0x1f3: {  	v15 =	vshrl.u32 v16, $0x8;
	v14 =	vshll.u32 v16, $0x4;
	s5 =	sadd.s32 $0x40, s5;
	v11 =	vsel vm1, v11, v4;
	[tilespmem:v18+s14+$0x0] =	vst.idx.add.s32.msk $0xffff, v3  }
0x1f4: {  	v16 =	vshll.u32 v10, $0x4;
	v54 =	vshrl.u32 v10, $0x8  }
0x1f5: {  	vm1 =	veq.s32 v15, v6;
	v14 =	vand.u32 $0xFF0, v14;
	v13 =	vsel vm0, v13, v4  }
0x1f6: {  	v55 =	vand.u32 $0xFF0, v16;
	vm13 =	veq.s32 v54, v6;
	v14 =	vor.u32 v2, v14  }
0x1f7: {  	v56 =	vshll.u32 v12, $0x4;
	v57 =	vor.u32 v2, v55;
	v58 =	vshrl.u32 v12, $0x8  }
0x1f8: {  	[tilespmem:v8+s14+$0x0] =	vst.idx.add.s32.msk $0xffff, v3;
	v8 =	vsel vm1, v14, v4;
	v10 =	vsel vm13, v57, v4;
	v59 =	vshll.u32 v9, $0x4  }
0x1f9: {  	[tilespmem:v7+s14+$0x0] =	vst.idx.add.s32.msk $0xffff, v3;
	v60 =	vshrl.u32 v9, $0x8;
	v7 =	vand.u32 $0xFF0, v56;
	vm15 =	veq.s32 v58, v6  }
0x1fa: {  	v61 =	vand.u32 $0xFF0, v59;
	vm14 =	veq.s32 v60, v6;
	v6 =	vor.u32 v2, v7  }
0x1fb: {  	v62 =	vor.u32 v2, v61;
	v6 =	vsel vm15, v6, v4  }
0x1fc: {  	[tilespmem:v11+s14+$0x0] =	vst.idx.add.s32.msk $0xffff, v3;
	v7 =	vsel vm14, v62, v4  }
0x1fd: {  	[tilespmem:v13+s14+$0x0] =	vst.idx.add.s32.msk $0xffff, v3  }
0x1fe: {  	[tilespmem:v8+s14+$0x0] =	vst.idx.add.s32.msk $0xffff, v3  }
0x1ff: {  	[tilespmem:v10+s14+$0x0] =	vst.idx.add.s32.msk $0xffff, v3  }
0x200: {  	[tilespmem:v6+s14+$0x0] =	vst.idx.add.s32.msk $0xffff, v3  }
0x201: {  	s29 =	simm.s32 $0x10FF0;
	[tilespmem:v7+s14+$0x0] =	vst.idx.add.s32.msk $0xffff, v3  }
0x202: {  	v6 =	vld [tilespmem:s29+$0x0]  }
0x203: {  	v7 =	vld [tilespmem:s29+$0xFFFFFFF0];
	_ =	sdelay $0x3  }
0x204: {  	(xrf0) =	vadd.scan.msk.s32 $0xffff, v6  }
0x205: {  	(xrf0) =	vadd.scan.msk.s32 $0xffff, v7;
	_ =	sdelay $0x4  }
0x206: {  	v6, _, _ =	vpop (xrf0)  }
0x207: {  	(v2sf) =	vpush v6, $0xF;
	v6, _, _ =	vpop (xrf0)  }
0x208: {  	(v2sf) =	vpush v6, $0xF;
	v6 =	vld [tilespmem:s29+$0xFFFFFFE0];
	_ =	sdelay $0x3  }
0x209: {  	v7 =	vld [tilespmem:s29+$0xFFFFFFD0]  }
0x20a: {  	(xrf0) =	vadd.scan.msk.s32 $0xffff, v6;
	_ =	sdelay $0x2  }
0x20b: {  	v8 =	vld [tilespmem:s29+$0xFFFFFFC0]  }
0x20c: {  	(xrf0) =	vadd.scan.msk.s32 $0xffff, v7;
	_ =	sdelay $0x1  }
0x20d: {  	v6, _, _ =	vpop (xrf0)  }
0x20e: {  	v63 =	vld [tilespmem:s29+$0xFFFFFFB0];
	(v2sf) =	vpush v6, $0xF  }
0x20f: {  	(xrf0) =	vadd.scan.msk.s32 $0xffff, v8;
	_ =	sdelay $0x1  }
0x210: {  	v8, _, _ =	vpop (xrf0)  }
0x211: {  	v7 =	vld [tilespmem:s29+$0xFFFFFFA0];
	(v2sf) =	vpush v8, $0xF  }
0x212: {  	(xrf0) =	vadd.scan.msk.s32 $0xffff, v63  }
0x213: {  	s21 =	ssub.s32 s21, s25  }
0x214: {  	s5 =	simm.s32 $0x0;
	p0 =	por $0x0, $0x0;
	s23 =	simm.s32 $0xFF;
	v8, _, _ =	vpop (xrf0)  }
0x215: {  	s30 =	simm.s32 $0xFF;
	s25 =	simm.s32 $0x0;
	v6 =	vld [tilespmem:s29+$0xFFFFFF90];
	s0 =	spop (v2sf);
	(v2sf) =	vpush v8, $0xF  }
0x216: {  	s28 =	simm.s32 $0xFE;
	s26 =	simm.s32 $0x10F70;
	(xrf0) =	vadd.scan.msk.s32 $0xffff, v7;
	s0 =	sadd.s32 $0x0, s0  }
0x217: {  	s24 =	simm.s32 $0x0;
	s30 =	smov.u32 @p0 s5;
	p1 =	sge.s32 s0, s21  }
0x218: {  	v7, _, _ =	vpop (xrf0);
	s29 =	spop (v2sf);
	s24 =	smov.u32 @p1 s30;
	p1 =	por p0, p1  }
.LBB2_26:
0x219: {  	v8 =	vld [tilespmem:s26+$0x0];
	s0 =	smov.u32 @p1 s5;
	s28 =	smov.u32 @p1 s24;
	(v2sf) =	vpush v7, $0xF  }
0x21a: {  	s25 =	sadd.s32 $0x8, s25;
	s5 =	sadd.s32 s29, s0;
	(xrf0) =	vadd.scan.msk.s32 $0xffff, v6  }
0x21b: {  	p0 =	slt.u32 s25, $0xF8;
	s29 =	sadd.s32 $0xFFFFFFFE, s23;
	p2 =	sge.s32 s5, s21  }
0x21c: {  	s24 =	smov.u32 @p2 s28;
	p1 =	por p1, p2;
	s28 =	spop (v2sf);
	v6, _, _ =	vpop (xrf0)  }
0x21d: {  	v7 =	vld [tilespmem:s26+$0xFFFFFFF0];
	s5 =	smov.u32 @p1 s0;
	s29 =	smov.u32 @p1 s24;
	(v2sf) =	vpush v6, $0xF  }
0x21e: {  	(xrf0) =	vadd.scan.msk.s32 $0xffff, v8;
	s0 =	sadd.s32 s28, s5  }
0x21f: {  	s28 =	sadd.s32 $0xFFFFFFFD, s23;
	p2 =	sge.s32 s0, s21  }
0x220: {  	s24 =	smov.u32 @p2 s29;
	p1 =	por p1, p2;
	s29 =	spop (v2sf);
	v6, _, _ =	vpop (xrf0)  }
0x221: {  	v8 =	vld [tilespmem:s26+$0xFFFFFFE0];
	s0 =	smov.u32 @p1 s5;
	s28 =	smov.u32 @p1 s24;
	(v2sf) =	vpush v6, $0xF  }
0x222: {  	(xrf0) =	vadd.scan.msk.s32 $0xffff, v7;
	s5 =	sadd.s32 s29, s0  }
0x223: {  	s29 =	sadd.s32 $0xFFFFFFFC, s23;
	p2 =	sge.s32 s5, s21  }
0x224: {  	v6, _, _ =	vpop (xrf0);
	s24 =	smov.u32 @p2 s28;
	p1 =	por p1, p2;
	s28 =	spop (v2sf)  }
0x225: {  	v7 =	vld [tilespmem:s26+$0xFFFFFFD0];
	(v2sf) =	vpush v6, $0xF;
	s5 =	smov.u32 @p1 s0;
	s29 =	smov.u32 @p1 s24  }
0x226: {  	(xrf0) =	vadd.scan.msk.s32 $0xffff, v8;
	s0 =	sadd.s32 s28, s5  }
0x227: {  	s28 =	sadd.s32 $0xFFFFFFFB, s23;
	p2 =	sge.s32 s0, s21  }
0x228: {  	v6, _, _ =	vpop (xrf0);
	s24 =	smov.u32 @p2 s29;
	p1 =	por p1, p2;
	s29 =	spop (v2sf)  }
0x229: {  	v8 =	vld [tilespmem:s26+$0xFFFFFFC0];
	(v2sf) =	vpush v6, $0xF;
	s0 =	smov.u32 @p1 s5;
	s28 =	smov.u32 @p1 s24  }
0x22a: {  	(xrf0) =	vadd.scan.msk.s32 $0xffff, v7;
	s5 =	sadd.s32 s29, s0  }
0x22b: {  	s29 =	sadd.s32 $0xFFFFFFFA, s23;
	p2 =	sge.s32 s5, s21  }
0x22c: {  	v6, _, _ =	vpop (xrf0);
	s24 =	smov.u32 @p2 s28;
	p1 =	por p1, p2;
	s28 =	spop (v2sf)  }
0x22d: {  	v7 =	vld [tilespmem:s26+$0xFFFFFFB0];
	(v2sf) =	vpush v6, $0xF;
	s5 =	smov.u32 @p1 s0;
	s29 =	smov.u32 @p1 s24  }
0x22e: {  	(xrf0) =	vadd.scan.msk.s32 $0xffff, v8;
	s0 =	sadd.s32 s28, s5  }
0x22f: {  	s28 =	sadd.s32 $0xFFFFFFF9, s23;
	p2 =	sge.s32 s0, s21  }
0x230: {  	v6, _, _ =	vpop (xrf0);
	s24 =	smov.u32 @p2 s29;
	p1 =	por p1, p2;
	s29 =	spop (v2sf)  }
0x231: {  	v8 =	vld [tilespmem:s26+$0xFFFFFFA0];
	(v2sf) =	vpush v6, $0xF;
	s0 =	smov.u32 @p1 s5;
	s28 =	smov.u32 @p1 s24  }
0x232: {  	(xrf0) =	vadd.scan.msk.s32 $0xffff, v7;
	s5 =	sadd.s32 s29, s0  }
0x233: {  	s23 =	sadd.s32 $0xFFFFFFF8, s23;
	p2 =	sge.s32 s5, s21  }
0x234: {  	s30 =	smov.u32 s23;
	s29 =	spop (v2sf)  }
.Ltmp18:
0x235: {  	v7, _, _ =	vpop (xrf0);
	s24 =	smov.u32 @p2 s28;
	p1 =	por p1, p2;
	(pc) =	sbr.rel @p0 .LBB2_26-.Ltmp18, $4  }
0x236: {  	s30 =	smov.u32 @p1 s24;
	v6 =	vld [tilespmem:s26+$0xFFFFFF90];
	(v2sf) =	vpush v7, $0xF;
	s5 =	smov.u32 @p1 s0  }
0x237: {  	s0 =	sadd.s32 s5, s29;
	(xrf0) =	vadd.scan.msk.s32 $0xffff, v8  }
0x238: {  	s28 =	sadd.s32 $0xFFFFFFFF, s23;
	s26 =	sadd.s32 $0xFFFFFF80, s26;
	p2 =	sge.s32 s0, s21  }
0x239: {  	s24 =	smov.u32 @p2 s30;
	p1 =	por p1, p2;
	s29 =	spop (v2sf);
	v7, _, _ =	vpop (xrf0)  }
0x23a: {  	s0 =	smov.u32 @p1 s5  }
0x23b: {  	(v2sf) =	vpush v7, $0xF;
	s5 =	sadd.s32 s29, s0  }
0x23c: {  	(xrf0) =	vadd.scan.msk.s32 $0xffff, v6;
	p5 =	sge.s32 s5, s21  }
0x23d: {  	p0 =	por p1, p5  }
0x23e: {  	s25 =	spop (v2sf);
	v6, _, _ =	vpop (xrf0);
	s5 =	smov.u32 @p0 s0  }
0x23f: {  	(v2sf) =	vpush v6, $0xF;
	s0 =	sadd.s32 s25, s5  }
0x240: {  	p3 =	sge.s32 s0, s21  }
0x241: {  	p2 =	por p0, p3  }
0x242: {  	s26 =	spop (v2sf);
	v6, _, _ =	vpop (xrf0);
	s0 =	smov.u32 @p2 s5  }
0x243: {  	[tilespmem:$0x11080] =	vst v5;
	(v2sf) =	vpush v6, $0xF;
	s5 =	sadd.s32 s26, s0  }
0x244: {  	s28 =	smov.u32 @p1 s24;
	[tilespmem:$0x11100] =	vst v0;
	p4 =	sge.s32 s5, s21  }
0x245: {  	[tilespmem:$0x11090] =	vst v5;
	s24 =	smov.u32 @p5 s28;
	p1 =	por p2, p4  }
0x246: {  	[tilespmem:$0x11110] =	vst v0;
	s25 =	sadd.s32 $0xFFFFFFFE, s23;
	s26 =	spop (v2sf);
	s5 =	smov.u32 @p1 s0  }
0x247: {  	[tilespmem:$0x110A0] =	vst v5;
	s25 =	smov.u32 @p0 s24;
	s0 =	sadd.s32 s26, s5  }
0x248: {  	[tilespmem:$0x11120] =	vst v0;
	s24 =	smov.u32 @p3 s25;
	p3 =	sge.s32 s0, s21  }
0x249: {  	[tilespmem:$0x110B0] =	vst v5;
	s26 =	sadd.s32 $0xFFFFFFFD, s23;
	p0 =	por p1, p3  }
0x24a: {  	[tilespmem:$0x11130] =	vst v0;
	s26 =	smov.u32 @p2 s24;
	s30 =	spop (v2sf);
	s0 =	smov.u32 @p0 s5  }
0x24b: {  	[tilespmem:$0x110C0] =	vst v5;
	s24 =	smov.u32 @p4 s26;
	s5 =	sadd.s32 $0xFFFFFFFC, s23;
	s25 =	sadd.s32 s30, s0  }
0x24c: {  	[tilespmem:$0x11140] =	vst v0;
	s5 =	smov.u32 @p1 s24;
	p1 =	sge.s32 s25, s21  }
0x24d: {  	[tilespmem:$0x110D0] =	vst v5;
	s24 =	smov.u32 @p3 s5;
	p2 =	por p0, p1  }
0x24e: {  	[tilespmem:$0x11150] =	vst v0;
	s5 =	sadd.s32 $0xFFFFFFFB, s23;
	s1 =	spop (v2sf);
	s25 =	smov.u32 @p2 s0  }
0x24f: {  	[tilespmem:$0x110E0] =	vst v5;
	s5 =	smov.u32 @p0 s24;
	s0 =	sadd.s32 s1, s25  }
0x250: {  	[tilespmem:$0x11160] =	vst v0;
	s24 =	smov.u32 @p1 s5;
	p1 =	sge.s32 s0, s21  }
0x251: {  	[tilespmem:$0x110F0] =	vst v5;
	s18 =	simm.s32 $0xC020;
	s26 =	sadd.s32 $0xFFFFFFFA, s23;
	p0 =	por p2, p1  }
0x252: {  	[tilespmem:$0x11170] =	vst v0;
	s26 =	smov.u32 @p2 s24;
	s10 =	spop (v2sf);
	s0 =	smov.u32 @p0 s25  }
0x253: {  	v16 =	vld [tilespmem:s18+$0xFFFFFFE0];
	s23 =	sadd.s32 $0xFFFFFFF9, s23;
	s24 =	smov.u32 @p1 s26;
	s5 =	sadd.s32 s10, s0  }
0x254: {  	s23 =	smov.u32 @p0 s24;
	p1 =	sge.s32 s5, s21  }
0x255: {  	s22 =	sshll.u32 s22, $0x8;
	s24 =	smov.u32 @p1 s23  }
0x256: {  	v19 =	vld [tilespmem:s18+$0xFFFFFFF0];
	s22 =	sor.u32 s22, s24  }
0x257: {  	v6 =	vmov s22  }
0x258: {  	vm0 =	veq.s32 v16, v6  }
0x259: {  	v20 =	vld [tilespmem:s18+$0x0];
	v7 =	vsel vm0, $0x1, v0  }
0x25a: {  	(xrf0) =	vadd.scan.msk.s32 $0xffff, v7  }
0x25b: {  	vm4 =	veq.s32 v19, v6  }
0x25c: {  	v12 =	vsel vm4, $0x1, v0  }
0x25d: {  	v11 =	vld [tilespmem:s18+$0x10];
	(xrf0) =	vadd.scan.msk.s32 $0xffff, v12  }
0x25e: {  	vm3 =	veq.s32 v20, v6  }
0x25f: {  	v13 =	vsel vm3, $0x1, v0  }
0x260: {  	(xrf0) =	vadd.scan.msk.s32 $0xffff, v13;
	v9, _, _ =	vpop (xrf0)  }
0x261: {  	(v2sf) =	vpush v9, $0xF  }
0x262: {  	vm2 =	veq.s32 v11, v6  }
0x263: {  	s25 =	simm.s32 $0xC060;
	v14 =	vsel vm2, $0x1, v0;
	v15, _, _ =	vpop (xrf0)  }
0x264: {  	v10 =	vld [tilespmem:s25+$0xFFFFFFE0];
	(xrf0) =	vadd.scan.msk.s32 $0xffff, v14;
	(v2sf) =	vpush v15, $0xF;
	_ =	sdelay $0x1  }
0x265: {  	v17, _, _ =	vpop (xrf0)  }
0x266: {  	(v2sf) =	vpush v17, $0xF  }
0x267: {  	p0 =	por p0, p1  }
0x268: {  	v8 =	vld [tilespmem:s25+$0xFFFFFFF0];
	s5 =	smov.u32 @p0 s0;
	vm1 =	veq.s32 v10, v6  }
0x269: {  	s0 =	ssub.s32 s21, s5;
	v21 =	vsel vm1, $0x1, v0;
	v7 =	vsub.s32 v9, v7;
	v9 =	vld [tilespmem:s25+$0x0];
	v18, _, _ =	vpop (xrf0)  }
0x26a: {  	vm5 =	vlt.s32 v7, s0;
	(xrf0) =	vadd.scan.msk.s32 $0xffff, v21;
	(v2sf) =	vpush v18, $0xF  }
0x26b: {  	vm6 =	vgt.s32 v16, v6;
	vm0 =	vmand vm0, vm5  }
0x26c: {  	vm0 =	vmor vm6, vm0  }
0x26d: {  	vm5 =	veq.s32 v8, v6;
	v22 =	vsel vm0, $0x1, v0  }
0x26e: {  	v7 =	vld [tilespmem:s25+$0x10];
	(xrf0) =	vadd.scan.msk.s32 $0xffff, v22;
	v22 =	vsel vm5, $0x1, v0;
	vm6 =	veq.s32 v9, v6  }
0x26f: {  	(xrf0) =	vadd.scan.msk.s32 $0xffff, v22;
	v23 =	vsel vm6, $0x1, v0;
	s5 =	spop (v2sf)  }
0x270: {  	s21 =	smov.u32 s0;
	v24, _, _ =	vpop (xrf0);
	(xrf0) =	vadd.scan.msk.s32 $0xffff, v23;
	p0 =	slt.s32 s5, s0  }
0x271: {  	s21 =	smov.u32 @p0 s5  }
0x272: {  	(v2sf) =	vpush v24, $0xF;
	s5 =	spop (v2sf);
	s0 =	ssub.s32 s0, s21  }
0x273: {  	vm9 =	vgt.s32 v19, v6;
	vm4 =	vmmov vm4;
	vm7 =	veq.s32 v7, v6;
	p0 =	slt.s32 s5, s0;
	s21 =	smov.u32 s0  }
0x274: {  	v12 =	vsub.s32 v15, v12;
	v13 =	vsub.s32 v17, v13;
	v17 =	vsel vm7, $0x1, v0;
	v15, _, _ =	vpop (xrf0);
	s21 =	smov.u32 @p0 s5  }
0x275: {  	vm3 =	vmmov vm3;
	(v2sf) =	vpush v15, $0xF;
	v25, _, _ =	vpop (xrf0);
	(xrf0) =	vadd.scan.msk.s32 $0xffff, v17;
	vm8 =	vlt.s32 v12, s0;
	s5 =	spop (v2sf);
	s0 =	ssub.s32 s0, s21  }
0x276: {  	vm4 =	vmmov vm4;
	(v2sf) =	vpush v25, $0xF;
	v12 =	vsub.s32 v18, v14;
	v18, _, _ =	vpop (xrf0);
	p0 =	slt.s32 s5, s0;
	s21 =	smov.u32 s0  }
0x277: {  	vm4 =	vmand vm4, vm8;
	vm8 =	vmmov vm2;
	(v2sf) =	vpush v18, $0xF;
	s21 =	smov.u32 @p0 s5  }
0x278: {  	s26 =	simm.s32 $0xC0A0;
	vm10 =	vmor vm9, vm4;
	vm4 =	vgt.s32 v20, v6;
	vm2 =	vlt.s32 v13, s0;
	s0 =	ssub.s32 s0, s21  }
0x279: {  	v14 =	vsel vm10, $0x1, v0;
	v13 =	vld [tilespmem:s26+$0xFFFFFFE0];
	vm2 =	vmand vm3, vm2;
	s5 =	spop (v2sf);
	vm3 =	vlt.s32 v12, s0  }
0x27a: {  	vm2 =	vmor vm4, vm2;
	vm4 =	vgt.s32 v11, v6;
	p0 =	slt.s32 s5, s0;
	s21 =	smov.u32 s0;
	vm3 =	vmand vm8, vm3  }
0x27b: {  	v26, _, _ =	vpop (xrf0);
	(xrf0) =	vadd.scan.msk.s32 $0xffff, v14;
	v14 =	vsel vm2, $0x1, v0;
	s21 =	smov.u32 @p0 s5;
	vm3 =	vmor vm4, vm3  }
0x27c: {  	v15 =	vsub.s32 v24, v21;
	(v2sf) =	vpush v26, $0xF;
	v12 =	vld [tilespmem:s26+$0xFFFFFFF0];
	(xrf0) =	vadd.scan.msk.s32 $0xffff, v14;
	s5 =	ssub.s32 s0, s21;
	v14 =	vsel vm3, $0x1, v0  }
0x27d: {  	vm8 =	vlt.s32 v15, s5;
	(xrf0) =	vadd.scan.msk.s32 $0xffff, v14  }
0x27e: {  	vm9 =	vgt.s32 v10, v6;
	vm4 =	veq.s32 v13, v6;
	vm1 =	vmand vm1, vm8  }
0x27f: {  	vm5 =	vmmov vm5;
	v21 =	vsel vm4, $0x1, v0;
	v15 =	vld [tilespmem:s26+$0x0];
	vm8 =	vmor vm9, vm1  }
0x280: {  	vm5 =	vmmov vm5;
	vm11 =	vmmov vm7;
	(xrf0) =	vadd.scan.msk.s32 $0xffff, v21;
	v24 =	vsel vm8, $0x1, v0  }
0x281: {  	v18 =	vsub.s32 v18, v23;
	s22 =	spop (v2sf);
	v23, _, _ =	vpop (xrf0);
	vm1 =	vmmov vm6;
	vm6 =	veq.s32 v12, v6;
	(xrf0) =	vadd.scan.msk.s32 $0xffff, v24  }
0x282: {  	v22 =	vsub.s32 v25, v22;
	p0 =	slt.s32 s22, s5;
	s23 =	smov.u32 s5;
	v14 =	vld [tilespmem:s26+$0x10];
	(v2sf) =	vpush v23, $0xF;
	v24 =	vsel vm6, $0x1, v0;
	v23, _, _ =	vpop (xrf0)  }
0x283: {  	v17 =	vsub.s32 v26, v17;
	vm2 =	vmmov vm2;
	s23 =	smov.u32 @p0 s22;
	(xrf0) =	vadd.scan.msk.s32 $0xffff, v24;
	(v2sf) =	vpush v23, $0xF;
	v23, _, _ =	vpop (xrf0)  }
0x284: {  	s30 =	spop (v2sf);
	vm9 =	vmmov vm0;
	s5 =	ssub.s32 s5, s23;
	vm7 =	veq.s32 v15, v6;
	(v2sf) =	vpush v23, $0xF  }
0x285: {  	s22 =	spop (v2sf);
	vm0 =	vmmov vm10;
	vm13 =	vlt.s32 v22, s5;
	v25 =	vsel vm7, $0x1, v0  }
0x286: {  	vm10 =	vgt.s32 v8, v6;
	p0 =	slt.s32 s22, s5;
	s23 =	smov.u32 s5;
	vm8 =	vmmov vm8;
	vm5 =	vmand vm5, vm13;
	v26, _, _ =	vpop (xrf0);
	(xrf0) =	vadd.scan.msk.s32 $0xffff, v25  }
0x287: {  	s23 =	smov.u32 @p0 s22;
	vm12 =	veq.s32 v14, v6;
	v27 =	vsub.s32 v26, v21;
	(v2sf) =	vpush v26, $0xF;
	v21, _, _ =	vpop (xrf0)  }
0x288: {  	s26 =	simm.s32 $0xC0E0;
	vm5 =	vmor vm10, vm5;
	s5 =	ssub.s32 s5, s23;
	s22 =	spop (v2sf);
	v26 =	vsel vm12, $0x1, v0;
	(v2sf) =	vpush v21, $0xF  }
0x289: {  	vm13 =	vgt.s32 v9, v6;
	v22 =	vsel vm5, $0x1, v0;
	vm10 =	vlt.s32 v18, s5;
	s23 =	smov.u32 s5;
	v18 =	vld [tilespmem:s26+$0xFFFFFFE0];
	p0 =	slt.s32 s22, s5;
	(xrf0) =	vadd.scan.msk.s32 $0xffff, v26;
	v21, _, _ =	vpop (xrf0)  }
0x28a: {  	s21 =	simm.s32 $0x0;
	vm1 =	vmand vm1, vm10;
	vm10 =	vmmov vm7;
	s23 =	smov.u32 @p0 s22;
	(v2sf) =	vpush v21, $0xF  }
0x28b: {  	vm7 =	vmmov vm3;
	v23 =	vor.u32 s21, v2;
	vm1 =	vmor vm13, vm1;
	s22 =	spop (v2sf);
	s5 =	ssub.s32 s5, s23;
	(xrf0) =	vadd.scan.msk.s32 $0xffff, v22  }
0x28c: {  	[tilespmem:s21+$0x11080] =	vst.msk vm9, v16;
	vm3 =	vlt.s32 v17, s5;
	p0 =	slt.s32 s22, s5;
	s23 =	smov.u32 s5;
	v21 =	vsub.s32 v21, v24;
	v24 =	vsel vm1, $0x1, v0;
	v22, _, _ =	vpop (xrf0)  }
0x28d: {  	vm13 =	vgt.s32 v7, v6;
	v17 =	vld [tilespmem:s26+$0xFFFFFFF0];
	vm3 =	vmand vm11, vm3;
	s23 =	smov.u32 @p0 s22;
	(xrf0) =	vadd.scan.msk.s32 $0xffff, v24;
	(v2sf) =	vpush v22, $0xF  }
0x28e: {  	[tilespmem:s21+$0x11100] =	vst.msk vm9, v23;
	vm9 =	veq.s32 v18, v6;
	vm11 =	vmmov vm12;
	vm3 =	vmor vm13, vm3;
	s10 =	ssub.s32 s5, s23  }
0x28f: {  	s28 =	sadd.s32 $0x0, s30;
	vm13 =	vgt.s32 v13, v6;
	vm12 =	vlt.s32 v27, s10;
	v22 =	vsub.s32 v22, v25;
	v25, _, _ =	vpop (xrf0)  }
0x290: {  	s18 =	simm.s32 $0x10;
	[tilespmem:s28+$0x11080] =	vst.msk vm0, v19;
	v16 =	vsel vm3, $0x1, v0;
	vm4 =	vmand vm4, vm12;
	(v2sf) =	vpush v25, $0xF  }
0x291: {  	s29 =	simm.s32 $0xC120;
	s25 =	simm.s32 $0xC;
	vm6 =	vmmov vm6;
	v24 =	vsel vm9, $0x1, v0;
	(xrf0) =	vadd.scan.msk.s32 $0xffff, v16;
	vm4 =	vmor vm13, vm4;
	v23, _, _ =	vpop (xrf0);
	s1 =	spop (v2sf)  }
0x292: {  	v19 =	vld [tilespmem:s26+$0x0];
	s22 =	simm.s32 $0x20;
	vm13 =	veq.s32 v17, v6;
	(xrf0) =	vadd.scan.msk.s32 $0xffff, v24;
	v27 =	vsel vm4, $0x1, v0;
	(v2sf) =	vpush v23, $0xF;
	s24 =	sadd.s32 s28, s1;
	s30 =	spop (v2sf)  }
0x293: {  	s23 =	simm.s32 $0x30;
	v16 =	vld [tilespmem:s26+$0x10];
	v23 =	vsub.s32 v25, v26;
	v25 =	vor.u32 s18, v2;
	(xrf0) =	vadd.scan.msk.s32 $0xffff, v27;
	[tilespmem:s24+$0x11080] =	vst.msk vm2, v20;
	v26, _, _ =	vpop (xrf0);
	s26 =	sadd.s32 s24, s30;
	s31 =	spop (v2sf)  }
.LBB2_28:
0x294: {  	s25 =	sadd.s32 $0x4, s25;
	v28 =	vsel vm13, $0x1, v0  }
0x295: {  	v27 =	vld [tilespmem:s29+$0x10];
	[tilespmem:s28+$0x11100] =	vst.msk vm0, v25;
	s28 =	sadd.s32 s26, s31;
	s21 =	sadd.s32 $0x40, s21;
	v20 =	vmovc v9;
	v9 =	vmovc v15;
	vm0 =	vmmov vm5;
	vm5 =	vmmov vm6;
	vm6 =	vmmov vm13;
	s30 =	smov.u32 s10  }
0x296: {  	p0 =	slt.u32 s25, $0x3FC;
	(xrf0) =	vadd.scan.msk.s32 $0xffff, v28;
	s0 =	spop (v2sf);
	[tilespmem:s28+$0x11080] =	vst.msk vm8, v10;
	s5 =	sadd.s32 $0x20, s21;
	(v2sf) =	vpush v26, $0xF;
	v10 =	vmovc v13;
	v13 =	vmov v18  }
0x297: {  	v25 =	vor.u32 s23, v2;
	v18 =	vor.u32 s22, v2;
	s23 =	sadd.s32 $0x30, s21;
	vm13 =	veq.s32 v19, v6;
	p1 =	slt.s32 s0, s10;
	s31 =	spop (v2sf);
	v15, _, _ =	vpop (xrf0);
	[tilespmem:s26+$0x11080] =	vst.msk vm7, v11  }
0x298: {  	v29 =	vor.u32 s21, v2;
	v11 =	vmovc v7;
	v7 =	vmovc v14;
	s22 =	smov.u32 s5;
	v26 =	vsel vm13, $0x1, v0;
	s30 =	smov.u32 @p1 s0;
	(v2sf) =	vpush v15, $0xF;
	[tilespmem:s26+$0x11100] =	vst.msk vm7, v25  }
0x299: {  	vm12 =	veq.s32 v16, v6;
	vm7 =	vgt.s32 v12, v6;
	v14, _, _ =	vpop (xrf0);
	(xrf0) =	vadd.scan.msk.s32 $0xffff, v26;
	s0 =	ssub.s32 s10, s30;
	s5 =	spop (v2sf);
	[tilespmem:s24+$0x11100] =	vst.msk vm2, v18  }
0x29a: {  	v24 =	vsub.s32 v14, v24;
	(v2sf) =	vpush v14, $0xF;
	vm2 =	vlt.s32 v21, s0;
	p1 =	slt.s32 s5, s0;
	v14, _, _ =	vpop (xrf0);
	[tilespmem:s28+$0x11100] =	vst.msk vm8, v29;
	s10 =	smov.u32 s0  }
0x29b: {  	v25 =	vsel vm12, $0x1, v0;
	vm2 =	vmand vm5, vm2;
	s10 =	smov.u32 @p1 s5;
	(v2sf) =	vpush v14, $0xF;
	v14 =	vmovc v16;
	v16 =	vmovc v27  }
0x29c: {  	v15 =	vmov v19;
	v18, _, _ =	vpop (xrf0);
	(xrf0) =	vadd.scan.msk.s32 $0xffff, v25;
	vm5 =	vmor vm7, vm2;
	s0 =	ssub.s32 s0, s10;
	s5 =	spop (v2sf);
	vm2 =	vmmov vm1  }
0x29d: {  	(v2sf) =	vpush v18, $0xF;
	v27 =	vsel vm5, $0x1, v0;
	vm1 =	vlt.s32 v22, s0;
	p1 =	slt.s32 s5, s0;
	s10 =	smov.u32 s0  }
0x29e: {  	vm7 =	vgt.s32 v9, v6;
	v21 =	vsub.s32 v18, v28;
	vm1 =	vmand vm10, vm1;
	s10 =	smov.u32 @p1 s5;
	(xrf0) =	vadd.scan.msk.s32 $0xffff, v27  }
0x29f: {  	vm10 =	vmmov vm13;
	v18 =	vld [tilespmem:s29+$0xFFFFFFE0];
	v19, _, _ =	vpop (xrf0);
	vm1 =	vmor vm7, vm1;
	s0 =	ssub.s32 s0, s10;
	s5 =	spop (v2sf);
	vm7 =	vmmov vm3  }
0x2a0: {  	(v2sf) =	vpush v19, $0xF;
	v27 =	vsel vm1, $0x1, v0;
	vm3 =	vlt.s32 v23, s0;
	p1 =	slt.s32 s5, s0;
	s10 =	smov.u32 s0  }
0x2a1: {  	vm8 =	vgt.s32 v7, v6;
	v22 =	vsub.s32 v19, v26;
	vm3 =	vmand vm11, vm3;
	s10 =	smov.u32 @p1 s5;
	(xrf0) =	vadd.scan.msk.s32 $0xffff, v27;
	s5 =	spop (v2sf)  }
0x2a2: {  	vm11 =	vmmov vm12;
	v27 =	vld [tilespmem:s29+$0xFFFFFFF0];
	v23, _, _ =	vpop (xrf0);
	vm3 =	vmor vm8, vm3;
	s10 =	ssub.s32 s0, s10;
	vm8 =	vmmov vm4  }
.Ltmp19:
0x2a3: {  	vm4 =	vlt.s32 v24, s10;
	(v2sf) =	vpush v23, $0xF;
	v19 =	vsel vm3, $0x1, v0;
	(pc) =	sbr.rel @p0 .LBB2_28-.Ltmp19, $4  }
0x2a4: {  	s28 =	sadd.s32 s28, s31;
	vm12 =	vgt.s32 v13, v6;
	vm4 =	vmand vm9, vm4;
	vm9 =	veq.s32 v18, v6;
	v26, _, _ =	vpop (xrf0);
	(xrf0) =	vadd.scan.msk.s32 $0xffff, v19  }
0x2a5: {  	s0 =	sadd.s32 $0x10, s21;
	s24 =	sadd.s32 s28, s5;
	v24 =	vsel vm9, $0x1, v0;
	v19 =	vld [tilespmem:s29+$0x0];
	vm4 =	vmor vm12, vm4;
	(v2sf) =	vpush v26, $0xF;
	[tilespmem:s28+$0x11080] =	vst.msk vm0, v8;
	s5 =	spop (v2sf);
	v8 =	vmovc v12;
	v12 =	vmovc v17  }
0x2a6: {  	v23 =	vsub.s32 v23, v25;
	v25 =	vor.u32 s0, v2;
	(xrf0) =	vadd.scan.msk.s32 $0xffff, v24;
	v28 =	vsel vm4, $0x1, v0;
	s26 =	sadd.s32 s24, s5  }
0x2a7: {  	s29 =	sadd.s32 $0x40, s29;
	vm13 =	veq.s32 v27, v6;
	(xrf0) =	vadd.scan.msk.s32 $0xffff, v28;
	v26, _, _ =	vpop (xrf0);
	[tilespmem:s24+$0x11080] =	vst.msk vm2, v20;
	s31 =	spop (v2sf);
	v17 =	vmov v27  }
0x2a8: {  	v20 =	vsel vm13, $0x1, v0  }
0x2a9: {  	(xrf0) =	vadd.scan.msk.s32 $0xffff, v20  }
0x2aa: {  	vm15 =	veq.s32 v19, v6  }
0x2ab: {  	(v2sf) =	vpush v26, $0xF;
	v43, _, _ =	vpop (xrf0);
	v27 =	vsel vm15, $0x1, v0  }
0x2ac: {  	(v2sf) =	vpush v43, $0xF;
	v44, _, _ =	vpop (xrf0);
	(xrf0) =	vadd.scan.msk.s32 $0xffff, v27  }
0x2ad: {  	(v2sf) =	vpush v44, $0xF  }
0x2ae: {  	v28, _, _ =	vpop (xrf0)  }
0x2af: {  	(v2sf) =	vpush v28, $0xF;
	v45, _, _ =	vpop (xrf0)  }
0x2b0: {  	s0 =	spop (v2sf);
	(v2sf) =	vpush v45, $0xF  }
0x2b1: {  	s5 =	smov.u32 s10;
	p0 =	slt.s32 s0, s10  }
0x2b2: {  	s25 =	spop (v2sf);
	s5 =	smov.u32 @p0 s0;
	v29, _, _ =	vpop (xrf0)  }
0x2b3: {  	s0 =	ssub.s32 s10, s5;
	s5 =	spop (v2sf);
	(v2sf) =	vpush v29, $0xF  }
0x2b4: {  	p0 =	slt.s32 s5, s0;
	s10 =	smov.u32 s0  }
0x2b5: {  	s10 =	smov.u32 @p0 s5  }
0x2b6: {  	s5 =	spop (v2sf);
	s10 =	ssub.s32 s0, s10  }
0x2b7: {  	vm6 =	vmmov vm6;
	vm14 =	veq.s32 v16, v6;
	vm12 =	vlt.s32 v21, s0;
	p0 =	slt.s32 s5, s10;
	s0 =	smov.u32 s10  }
0x2b8: {  	v46 =	vsel vm14, $0x1, v0;
	vm6 =	vmand vm6, vm12;
	vm12 =	vgt.s32 v12, v6;
	s0 =	smov.u32 @p0 s5;
	s5 =	spop (v2sf)  }
0x2b9: {  	v30 =	vimm.s32 $0x0;
	v57 =	vor.u32 s23, v2;
	(xrf0) =	vadd.scan.msk.s32 $0xffff, v46;
	vm6 =	vmor vm12, vm6;
	s29 =	ssub.s32 s10, s0;
	s30 =	spop (v2sf)  }
0x2ba: {  	v30 =	vsel vm6, $0xFFFFFFFF, v30;
	vm12 =	vlt.s32 v22, s10;
	v47 =	vsel vm6, $0x1, v0;
	p0 =	slt.s32 s5, s29;
	s10 =	smov.u32 s29;
	s0 =	spop (v2sf)  }
0x2bb: {  	vm10 =	vmand vm10, vm12;
	vm12 =	vgt.s32 v15, v6;
	vm6 =	vlt.s32 v23, s29;
	s10 =	smov.u32 @p0 s5;
	s5 =	spop (v2sf)  }
0x2bc: {  	vm12 =	vmor vm12, vm10;
	vm10 =	vgt.s32 v14, v6;
	vm6 =	vmand vm11, vm6;
	s10 =	ssub.s32 s29, s10;
	s18 =	spop (v2sf)  }
0x2bd: {  	vm14 =	vmmov vm14;
	(xrf0) =	vadd.scan.msk.s32 $0xffff, v47;
	v49 =	vsel vm12, $0x1, v0;
	vm10 =	vmor vm10, vm6;
	s1 =	smov.u32 s10;
	p0 =	slt.s32 s18, s10  }
0x2be: {  	v48 =	vsub.s32 v44, v24;
	v20 =	vsub.s32 v45, v20;
	(xrf0) =	vadd.scan.msk.s32 $0xffff, v49;
	v50 =	vsel vm10, $0x1, v0;
	s29 =	spop (v2sf);
	s1 =	smov.u32 @p0 s18  }
0x2bf: {  	v52, _, _ =	vpop (xrf0);
	vm6 =	vmmov vm13;
	vm13 =	vmmov vm15;
	vm15 =	vlt.s32 v48, s10;
	(xrf0) =	vadd.scan.msk.s32 $0xffff, v50;
	s1 =	ssub.s32 s10, s1;
	s10 =	spop (v2sf)  }
0x2c0: {  	v51 =	vsub.s32 v29, v27;
	vm9 =	vmand vm9, vm15;
	vm15 =	vgt.s32 v18, v6;
	p0 =	slt.s32 s10, s1;
	s18 =	smov.u32 s1  }
0x2c1: {  	vm6 =	vmmov vm6;
	vm11 =	vmor vm15, vm9;
	vm15 =	vlt.s32 v20, s1;
	s18 =	smov.u32 @p0 s10  }
0x2c2: {  	[tilespmem:$0x1FFF0] =	vst v30;
	(v2sf) =	vpush v52, $0xF;
	vm6 =	vmand vm6, vm15;
	vm15 =	vgt.s32 v17, v6;
	s1 =	ssub.s32 s1, s18;
	s10 =	spop (v2sf)  }
0x2c3: {  	[tilespmem:s28+$0x11100] =	vst.msk vm0, v25;
	v21 =	vsub.s32 v52, v46;
	v53, _, _ =	vpop (xrf0);
	v54 =	vsel vm11, $0x1, v0;
	vm9 =	vmor vm15, vm6;
	p0 =	slt.s32 s10, s1;
	s18 =	smov.u32 s1  }
0x2c4: {  	(xrf0) =	vadd.scan.msk.s32 $0xffff, v54;
	v55, _, _ =	vpop (xrf0);
	(v2sf) =	vpush v53, $0xF;
	vm15 =	vlt.s32 v51, s1;
	v56 =	vsel vm9, $0x1, v0;
	s18 =	smov.u32 @p0 s10  }
0x2c5: {  	v58, _, _ =	vpop (xrf0);
	(v2sf) =	vpush v55, $0xF;
	vm6 =	vmand vm13, vm15;
	vm13 =	vgt.s32 v19, v6;
	(xrf0) =	vadd.scan.msk.s32 $0xffff, v56;
	s1 =	ssub.s32 s1, s18  }
0x2c6: {  	[tilespmem:s26+$0x11080] =	vst.msk vm7, v11;
	(v2sf) =	vpush v58, $0xF;
	vm13 =	vmor vm13, vm6;
	vm15 =	vlt.s32 v21, s1  }
0x2c7: {  	s23 =	sadd.s32 s26, s31;
	[tilespmem:s26+$0x11100] =	vst.msk vm7, v57;
	s26 =	sadd.s32 $0x40, s21;
	vm0 =	vmand vm14, vm15;
	vm14 =	vgt.s32 v16, v6;
	v6 =	vor.u32 s22, v2  }
0x2c8: {  	[tilespmem:s23+$0x11080] =	vst.msk vm8, v10;
	v60 =	vor.u32 s26, v2;
	v59 =	vsel vm13, $0x1, v0  }
0x2c9: {  	[tilespmem:s23+$0x11100] =	vst.msk vm8, v60;
	(xrf0) =	vadd.scan.msk.s32 $0xffff, v59;
	vm0 =	vmor vm14, vm0  }
0x2ca: {  	s1 =	sadd.s32 s23, s25;
	vm15 =	vmmov vm5;
	[tilespmem:s24+$0x11100] =	vst.msk vm2, v6;
	v61 =	vsel vm0, $0x1, v0;
	v6, _, _ =	vpop (xrf0)  }
0x2cb: {  	vm1 =	vmmov vm1;
	s30 =	sadd.s32 s1, s30;
	[tilespmem:s1+$0x11080] =	vst.msk vm15, v8;
	(v2sf) =	vpush v6, $0xF;
	v6, _, _ =	vpop (xrf0);
	(xrf0) =	vadd.scan.msk.s32 $0xffff, v61  }
0x2cc: {  	s28 =	sadd.s32 $0x10, s26;
	vm6 =	vmmov vm3;
	s0 =	sadd.s32 s30, s0;
	[tilespmem:s30+$0x11080] =	vst.msk vm1, v9  }
0x2cd: {  	s18 =	sadd.s32 $0x30, s26;
	[tilespmem:s0+$0x11080] =	vst.msk vm6, v7;
	(v2sf) =	vpush v6, $0xF;
	v6 =	vor.u32 s28, v2  }
0x2ce: {  	vm4 =	vmmov vm4;
	s22 =	sadd.s32 $0x20, s26;
	s31 =	sadd.s32 s0, s5;
	[tilespmem:s1+$0x11100] =	vst.msk vm15, v6;
	v6 =	vor.u32 s18, v2  }
0x2cf: {  	v7 =	vor.u32 s22, v2;
	[tilespmem:s31+$0x11080] =	vst.msk vm4, v13;
	v62, _, _ =	vpop (xrf0)  }
0x2d0: {  	[tilespmem:s30+$0x11100] =	vst.msk vm1, v7;
	(v2sf) =	vpush v62, $0xF  }
0x2d1: {  	[tilespmem:s0+$0x11100] =	vst.msk vm6, v6;
	v6, _, _ =	vpop (xrf0)  }
0x2d2: {  	s23 =	sadd.s32 $0x40, s26;
	s24 =	spop (v2sf);
	(v2sf) =	vpush v6, $0xF;
	v6 =	vld [tilespmem:$0x1FFF0]  }
0x2d3: {  	v63 =	vor.u32 s23, v2;
	s1 =	sadd.s32 s31, s29;
	s0 =	spop (v2sf)  }
0x2d4: {  	vm8 =	vmmov vm12;
	s0 =	sadd.s32 s1, s0;
	s25 =	spop (v2sf);
	[tilespmem:s31+$0x11100] =	vst.msk vm4, v63  }
0x2d5: {  	vm12 =	vmmov vm10;
	s26 =	sadd.s32 s0, s25;
	[tilespmem:s0+$0x11080] =	vst.msk vm8, v15;
	s28 =	spop (v2sf)  }
0x2d6: {  	vm11 =	vmmov vm11;
	s31 =	sadd.s32 $0x20, s23;
	s29 =	sadd.s32 s26, s28;
	[tilespmem:s26+$0x11080] =	vst.msk vm12, v14  }
0x2d7: {  	v7 =	vor.u32 s31, v2;
	[tilespmem:s29+$0x11080] =	vst.msk vm11, v18;
	vm7 =	vnez.u8 v6  }
0x2d8: {  	s10 =	sadd.s32 $0x10, s23;
	[tilespmem:s0+$0x11100] =	vst.msk vm8, v7;
	vm1 =	vmmov vm7  }
0x2d9: {  	s30 =	sadd.s32 $0x30, s23;
	v6 =	vor.u32 s10, v2;
	[tilespmem:s1+$0x11080] =	vst.msk vm1, v12  }
0x2da: {  	s5 =	sadd.s32 $0x40, s23;
	[tilespmem:s1+$0x11100] =	vst.msk vm1, v6;
	v6 =	vor.u32 s30, v2  }
0x2db: {  	s21 =	spop (v2sf);
	[tilespmem:s26+$0x11100] =	vst.msk vm12, v6;
	v6 =	vor.u32 s5, v2  }
0x2dc: {  	vm14 =	vmmov vm9;
	s22 =	spop (v2sf);
	s1 =	sadd.s32 s29, s21;
	[tilespmem:s29+$0x11100] =	vst.msk vm11, v6  }
0x2dd: {  	vm15 =	vmmov vm13;
	s23 =	sadd.s32 $0x10, s5;
	[tilespmem:s1+$0x11080] =	vst.msk vm14, v17;
	s0 =	sadd.s32 s1, s22  }
0x2de: {  	s26 =	sadd.s32 $0x20, s5;
	v6 =	vor.u32 s23, v2;
	[tilespmem:s0+$0x11080] =	vst.msk vm15, v19  }
0x2df: {  	v7 =	vor.u32 s26, v2;
	s24 =	spop (v2sf);
	[tilespmem:s1+$0x11100] =	vst.msk vm14, v6  }
0x2e0: {  	vm0 =	vmmov vm0;
	s25 =	sadd.s32 $0x30, s5;
	s18 =	sadd.s32 s0, s24;
	[tilespmem:s0+$0x11100] =	vst.msk vm15, v7  }
0x2e1: {  	s28 =	sshll.u32 s20, $0x4;
	v6 =	vor.u32 s25, v2;
	[tilespmem:s18+$0x11080] =	vst.msk vm0, v16  }
0x2e2: {  	s30 =	sadd.s32 s7, s28;
	[tilespmem:s18+$0x11100] =	vst.msk vm0, v6;
	s29 =	spop (v2sf)  }
0x2e3: {  	[hbm4b:s30+s3] =	stream.linear.scatter [tilespmem:s15], [sflag:$0x2], $0x80, $0x38;
	[tilespmem:$0x11180] =	vst v63  }
0x2e4: {  	_ =	swait.ge [sflag:s11], $0x80  }
0x2e5: {  	[sflag:s11] =	ssyncset.done $0x0  }
.Ltmp20:
0x2e6: {  	s31 =	sadd.s32 s8, s28;
	[sflag:s11] =	ssyncadd.s32 $0xFFFFFF80;
	(pc) =	sbr.rel .LBB2_30-.Ltmp20, $4  }
0x2e7: {  	[hbm4b:s31+s3] =	stream.linear.scatter [tilespmem:s16], [sflag:$0x1], $0x80, $0x38;
	[tilespmem:$0x11180] =	vst v63  }
0x2e8: {  	_ =	swait.ge [sflag:s17], $0x80  }
0x2e9: {  	[sflag:s17] =	ssyncset.done $0x0  }
0x2ea: {  	[sflag:s17] =	ssyncadd.s32 $0xFFFFFF80  }
.LBB2_32:
0x2eb: {  	_ =	sfence.sel $0x180000  }
0x2ec: {  	[bflag:$0x0] =	sbarrier.arrive $0xFFFF  }
0x2ed: {  	_ =	strace $0x90000047  }
0x2ee: {  	s0 =	stileid.u32;
	[bflag:$0x2] =	sbarrier.arrive $0xFFFF  }
0x2ef: {  	p0 =	sne.s32 s0, $0x0;
	s0 =	rddreg [dreg:$0x2]  }
0x2f0: {  	s0 =	sadd.s32 @!p0 $0x100000, s0  }
0x2f1: {  	[sflag:s0] =	ssyncadd.tile.s32 @!p0 $0x1;
	_ =	shalt  }
.Lfunc_end2:
_tile_overlayer_lowered:
.L_overlay_start_2:
0x2f2: {  	(tag) =	ssettag $0x2  }
0x2f3: {  	s0 =	rddreg [dreg:$0x0];
	s2 =	stileid.u32  }
0x2f4: {  	s1 =	rddreg [dreg:$0x1];
	p0 =	sne.s32 s2, $0x0  }
0x2f5: {  	s3 =	rddreg [dreg:$0x2];
	[bflag:$0x3] =	sbarrier.arrive $0xFFFF;
	s2 =	simm.s32 @!p0 $0x1C01  }
0x2f6: {  	[timem:s3], [sflag:s2] =	dma.local @!p0 [hbm:s0], s1  }
0x2f7: {  	s0 =	simm.s32 @!p0 $0x1  }
0x2f8: {  	_ =	swait.ge @!p0 [sflag:s0], s1  }
0x2f9: {  	s1 =	ssub.s32 @!p0 $0x0, s1;
	[sflag:s0] =	ssyncset.done @!p0 $0x0  }
0x2fa: {  	[sflag:s0] =	ssyncadd.s32 @!p0 s1  }
0x2fb: {  	[bflag:$0x3] =	sbarrier.arrive $0xFFFF  }
0x2fc: {  	_ =	shalt  }

</sc_bundles>
